<compile_context>
chip_gen: v7x
topology: tpu7x:2x2x1
jax: 0.10.2.dev20260603
libtpu: 0.0.44.dev20260713+nightly
codegen_flags: <defaults>
</compile_context>

<pallas_src>
import functools

import jax
import jax.numpy as jnp
from jax import lax
from jax.experimental import pallas as pl
from jax.experimental.pallas import tpu as pltpu
from jax.experimental.pallas import tpu_sc as plsc

N = 10000
E = 320000
D = 128
NUM_LAYERS = 5

NC = 2
NS = 16
NW = NC * NS
EPW = E // NW
CHUNK = 40
NCHUNK = EPW // CHUNK
RR = 4
IR = 8
NPAD = 10240
ROWS_PER_TILE = NPAD // NS


def _sc_segment_sum(h, src, dst, zrows):
    mesh = plsc.VectorSubcoreMesh(core_axis_name="c", subcore_axis_name="s")

    @functools.partial(
        pl.kernel,
        mesh=mesh,
        out_type=jax.ShapeDtypeStruct((NC, NPAD, D), jnp.float32),
        scratch_types=(
            [pltpu.VMEM((CHUNK,), jnp.int32) for _ in range(IR)]
            + [pltpu.VMEM((CHUNK,), jnp.int32) for _ in range(IR)]
            + [pltpu.VMEM((CHUNK, D), jnp.float32) for _ in range(RR)]
            + [pltpu.VMEM_SHARED((NPAD, D), jnp.float32)]
            + [pltpu.SemaphoreType.DMA for _ in range(IR + 2 * RR + 1)]
        ),
    )
    def seg_sum(h_hbm, src_hbm, dst_hbm, z_hbm, out_hbm, *scr):
        sidx = scr[:IR]
        didx = scr[IR:2 * IR]
        rows = scr[2 * IR:2 * IR + RR]
        acc = scr[2 * IR + RR]
        sems = scr[2 * IR + RR + 1:]
        isem = sems[:IR]
        gsem = sems[IR:IR + RR]
        ssem = sems[IR + RR:IR + 2 * RR]
        zsem = sems[IR + 2 * RR]
        cid = lax.axis_index("c")
        sid = lax.axis_index("s")
        wid = cid * NS + sid
        base = wid * EPW

        def fire_idx(c, i):
            off = base + c * CHUNK
            pltpu.async_copy(src_hbm.at[pl.ds(off, CHUNK)], sidx[i], isem[i])
            pltpu.async_copy(dst_hbm.at[pl.ds(off, CHUNK)], didx[i], isem[i])

        def wait_idx(i):
            pltpu.make_async_copy(
                src_hbm.at[pl.ds(base, CHUNK)], sidx[i], isem[i]).wait()
            pltpu.make_async_copy(
                dst_hbm.at[pl.ds(base, CHUNK)], didx[i], isem[i]).wait()

        zcp = pltpu.make_async_copy(
            z_hbm, acc.at[pl.ds(sid * ROWS_PER_TILE, ROWS_PER_TILE)], zsem)
        zcp.start()
        for c in range(3):
            fire_idx(c, c)
        for b in range(2):
            wait_idx(b)
            pltpu.async_copy(h_hbm.at[sidx[b]], rows[b], gsem[b])
        zcp.wait()
        plsc.subcore_barrier()

        def ring(k, carry):
            for u in range(IR):
                j = IR * k + u
                b = u % RR
                b2 = (u + 2) % RR
                i2 = (u + 2) % IR
                i3 = (u + 3) % IR

                @pl.when(j < NCHUNK)
                def _process():
                    pltpu.make_async_copy(
                        h_hbm.at[sidx[u]], rows[b], gsem[b]).wait()
                    pltpu.async_copy(
                        rows[b], acc.at[didx[u]], ssem[b], add=True)

                    @pl.when(j >= 2)
                    def _drain_s():
                        pltpu.make_async_copy(
                            rows[b2], acc.at[didx[i2]], ssem[b2]).wait()

                    @pl.when(j + 2 < NCHUNK)
                    def _fire_g():
                        wait_idx(i2)
                        pltpu.async_copy(
                            h_hbm.at[sidx[i2]], rows[b2], gsem[b2])

                    @pl.when(j + 3 < NCHUNK)
                    def _fire_i():
                        fire_idx(j + 3, i3)
            return carry
        lax.fori_loop(0, (NCHUNK + IR - 1) // IR, ring, 0)

        for c in (NCHUNK - 2, NCHUNK - 1):
            pltpu.make_async_copy(
                rows[c % RR], acc.at[didx[c % IR]], ssem[c % RR]).wait()
        plsc.subcore_barrier()

        pltpu.sync_copy(
            acc.at[pl.ds(sid * ROWS_PER_TILE, ROWS_PER_TILE)],
            out_hbm.at[cid, pl.ds(sid * ROWS_PER_TILE, ROWS_PER_TILE)])

    return seg_sum(h, src, dst, zrows)


def _dense_body(eps_ref, p2_ref, h_ref, w1_ref, b1_ref, g1_ref, be1_ref,
                w2_ref, b2_ref, g2_ref, be2_ref, hout_ref, sum_ref):
    hcur = h_ref[...]
    p2 = p2_ref[:, :N, :]
    pooled = p2[0] + p2[1] + (1.0 + eps_ref[0, 0]) * hcur
    z = jnp.dot(pooled, w1_ref[...], preferred_element_type=jnp.float32)
    z = z + b1_ref[...]
    mu = jnp.mean(z, axis=0, keepdims=True)
    var = jnp.mean((z - mu) ** 2, axis=0, keepdims=True)
    z = g1_ref[...] * (z - mu) * lax.rsqrt(var + 1e-5) + be1_ref[...]
    z = jnp.maximum(z, 0.0)
    z = jnp.dot(z, w2_ref[...], preferred_element_type=jnp.float32)
    z = z + b2_ref[...]
    mu2 = jnp.mean(z, axis=0, keepdims=True)
    var2 = jnp.mean((z - mu2) ** 2, axis=0, keepdims=True)
    z = g2_ref[...] * (z - mu2) * lax.rsqrt(var2 + 1e-5) + be2_ref[...]
    hn = jnp.maximum(z, 0.0)
    hout_ref[...] = hn
    sum_ref[...] = jnp.sum(hn, axis=0, keepdims=True)


def _dense_layer(parts, h, eps11, p):
    return pl.pallas_call(
        _dense_body,
        out_shape=(jax.ShapeDtypeStruct((N, D), jnp.float32),
                   jax.ShapeDtypeStruct((1, D), jnp.float32)),
    )(eps11, parts, h,
      p["W1"], p["b1"].reshape(1, D), p["g1"].reshape(1, D),
      p["be1"].reshape(1, D),
      p["W2"], p["b2"].reshape(1, D), p["g2"].reshape(1, D),
      p["be2"].reshape(1, D))


def _heads_body(x_ref, sums_ref, ws_ref, bs_ref, out_ref):
    acc = jnp.sum(bs_ref[...], axis=0)
    xsum = jnp.sum(x_ref[...], axis=0, keepdims=True)
    for l in range(NUM_LAYERS):
        s = xsum if l == 0 else sums_ref[pl.ds(l - 1, 1), :]
        acc = acc + jnp.dot(s, ws_ref[l],
                            preferred_element_type=jnp.float32)
    out_ref[...] = acc


def _heads(x, sums4, ws, bs):
    return pl.pallas_call(
        _heads_body,
        out_shape=jax.ShapeDtypeStruct((1, D), jnp.float32),
    )(x, sums4, ws, bs)


def kernel(x, edge_index, params):
    src = edge_index[0]
    dst = edge_index[1]
    zrows = jnp.zeros((ROWS_PER_TILE, D), jnp.float32)
    h = x
    sums = []
    for l in range(NUM_LAYERS - 1):
        parts = _sc_segment_sum(h, src, dst, zrows)
        h, s = _dense_layer(parts, h, params["eps"][l].reshape(1, 1),
                            params["layers"][l])
        sums.append(s)
    ws = jnp.stack([params["pred"][l]["W"] for l in range(NUM_LAYERS)])
    bs = jnp.stack([params["pred"][l]["b"].reshape(1, D)
                    for l in range(NUM_LAYERS)])
    sums4 = jnp.concatenate(sums, axis=0)
    return _heads(x, sums4, ws, bs)

# --- scband reference (transcript-rebuilt; emitter-appended) ---
"""Pipeline reference for scband-gin-81844896792887 (READ-ONLY COPY).

The authoritative reference and input builder live on the scoring server;
editing this copy changes nothing except your own understanding.
"""

import jax, jax.numpy as jnp
import numpy as np

N = 10000
E = 320000
IN_DIM = 128
HID = 128
OUT_DIM = 128
NUM_LAYERS = 5  # -> 4 GIN layers, 5 prediction heads


def _bn(h, gamma, beta, eps=1e-5):
    mu = jnp.mean(h, axis=0)
    var = jnp.var(h, axis=0)
    return gamma * (h - mu) / jnp.sqrt(var + eps) + beta


def setup_inputs(seed: int = 0) -> dict:
    key = jax.random.key(seed)
    ks = jax.random.split(key, 64)
    x = jax.random.normal(ks[0], (N, IN_DIM), dtype=jnp.float32)
    edge_index = jax.random.randint(ks[1], (2, E), 0, N, dtype=jnp.int32)
    layers = []
    kidx = 2
    for l in range(NUM_LAYERS - 1):
        in_d = IN_DIM if l == 0 else HID
        layers.append({
            "W1": jax.random.normal(ks[kidx], (in_d, HID), jnp.float32) * 0.05,
            "b1": jnp.zeros((HID,), jnp.float32),
            "g1": jnp.ones((HID,), jnp.float32),
            "be1": jnp.zeros((HID,), jnp.float32),
            "W2": jax.random.normal(ks[kidx + 1], (HID, HID), jnp.float32) * 0.05,
            "b2": jnp.zeros((HID,), jnp.float32),
            "g2": jnp.ones((HID,), jnp.float32),
            "be2": jnp.zeros((HID,), jnp.float32),
        })
        kidx += 2
    pred = []
    for l in range(NUM_LAYERS):
        in_d = IN_DIM if l == 0 else HID
        pred.append({
            "W": jax.random.normal(ks[kidx], (in_d, OUT_DIM), jnp.float32) * 0.05,
            "b": jnp.zeros((OUT_DIM,), jnp.float32),
        })
        kidx += 1
    params = {"eps": jnp.zeros((NUM_LAYERS - 1,), jnp.float32), "layers": layers, "pred": pred}
    return {"x": x, "edge_index": edge_index, "params": params}


def _gin_forward(x, params, edge_index):
    src = edge_index[0]
    dst = edge_index[1]
    h = x
    hidden_rep = [h]
    for l in range(NUM_LAYERS - 1):
        p = params["layers"][l]
        # message: copy_src; reduce: sum  -> scatter-add over destination nodes
        msgs = jnp.take(h, src, axis=0)
        pooled = jax.ops.segment_sum(msgs, dst, num_segments=N)
        # learn_eps: pooled = pooled + (1 + eps[layer]) * h
        pooled = pooled + (1.0 + params["eps"][l]) * h
        # MLP (2 layers): linear -> BN -> relu -> linear
        z = pooled @ p["W1"] + p["b1"]
        z = jax.nn.relu(_bn(z, p["g1"], p["be1"]))
        z = z @ p["W2"] + p["b2"]
        # ApplyNodes: BN -> relu
        h = jax.nn.relu(_bn(z, p["g2"], p["be2"]))
        hidden_rep.append(h)
    score = jnp.zeros((1, OUT_DIM), jnp.float32)
    for l, hh in enumerate(hidden_rep):
        pooled_h = jnp.sum(hh, axis=0, keepdims=True)  # dgl.sum_nodes, single graph
        score = score + (pooled_h @ params["pred"][l]["W"] + params["pred"][l]["b"])
        # dropout omitted (eval mode / deterministic)
    return score


def reference(x, edge_index, params):
    return _gin_forward(x, params, edge_index)

if __name__ == "__main__":
    import jax
    _d = setup_inputs()
    print(jax.jit(kernel)(*tuple(_d.values())))

</pallas_src>

<mosaic_0001>
#map = affine_map<(d0, d1) -> (0, 0)>
#map1 = affine_map<(d0, d1) -> (0)>
#map2 = affine_map<(d0, d1) -> (0, 0, 0)>
module attributes {stable_mosaic.version = 14 : i64} {
  func.func @seg_sum(%arg0: i32, %arg1: i32, %arg2: memref<10000x128xf32, #tpu.memory_space<hbm>>, %arg3: memref<320000xi32, #tpu.memory_space<hbm>>, %arg4: memref<320000xi32, #tpu.memory_space<hbm>>, %arg5: memref<640x128xf32, #tpu.memory_space<hbm>>, %arg6: memref<2x10240x128xf32, #tpu.memory_space<hbm>>, %arg7: memref<40xi32, #tpu.memory_space<vmem>>, %arg8: memref<40xi32, #tpu.memory_space<vmem>>, %arg9: memref<40xi32, #tpu.memory_space<vmem>>, %arg10: memref<40xi32, #tpu.memory_space<vmem>>, %arg11: memref<40xi32, #tpu.memory_space<vmem>>, %arg12: memref<40xi32, #tpu.memory_space<vmem>>, %arg13: memref<40xi32, #tpu.memory_space<vmem>>, %arg14: memref<40xi32, #tpu.memory_space<vmem>>, %arg15: memref<40xi32, #tpu.memory_space<vmem>>, %arg16: memref<40xi32, #tpu.memory_space<vmem>>, %arg17: memref<40xi32, #tpu.memory_space<vmem>>, %arg18: memref<40xi32, #tpu.memory_space<vmem>>, %arg19: memref<40xi32, #tpu.memory_space<vmem>>, %arg20: memref<40xi32, #tpu.memory_space<vmem>>, %arg21: memref<40xi32, #tpu.memory_space<vmem>>, %arg22: memref<40xi32, #tpu.memory_space<vmem>>, %arg23: memref<40x128xf32, #tpu.memory_space<vmem>>, %arg24: memref<40x128xf32, #tpu.memory_space<vmem>>, %arg25: memref<40x128xf32, #tpu.memory_space<vmem>>, %arg26: memref<40x128xf32, #tpu.memory_space<vmem>>, %arg27: memref<10240x128xf32, #tpu.memory_space<vmem_shared>>, %arg28: memref<!tpu.dma_semaphore, #tpu.memory_space<semaphore_mem>>, %arg29: memref<!tpu.dma_semaphore, #tpu.memory_space<semaphore_mem>>, %arg30: memref<!tpu.dma_semaphore, #tpu.memory_space<semaphore_mem>>, %arg31: memref<!tpu.dma_semaphore, #tpu.memory_space<semaphore_mem>>, %arg32: memref<!tpu.dma_semaphore, #tpu.memory_space<semaphore_mem>>, %arg33: memref<!tpu.dma_semaphore, #tpu.memory_space<semaphore_mem>>, %arg34: memref<!tpu.dma_semaphore, #tpu.memory_space<semaphore_mem>>, %arg35: memref<!tpu.dma_semaphore, #tpu.memory_space<semaphore_mem>>, %arg36: memref<!tpu.dma_semaphore, #tpu.memory_space<semaphore_mem>>, %arg37: memref<!tpu.dma_semaphore, #tpu.memory_space<semaphore_mem>>, %arg38: memref<!tpu.dma_semaphore, #tpu.memory_space<semaphore_mem>>, %arg39: memref<!tpu.dma_semaphore, #tpu.memory_space<semaphore_mem>>, %arg40: memref<!tpu.dma_semaphore, #tpu.memory_space<semaphore_mem>>, %arg41: memref<!tpu.dma_semaphore, #tpu.memory_space<semaphore_mem>>, %arg42: memref<!tpu.dma_semaphore, #tpu.memory_space<semaphore_mem>>, %arg43: memref<!tpu.dma_semaphore, #tpu.memory_space<semaphore_mem>>, %arg44: memref<!tpu.dma_semaphore, #tpu.memory_space<semaphore_mem>>) attributes {dimension_semantics = [#tpu.dimension_semantics<core_parallel>, #tpu.dimension_semantics<subcore_parallel>], iteration_bounds = array<i64: 2, 16>, scalar_prefetch = 0 : i64, scratch_operands = 38 : i64, tpu.core_type = #tpu.core_type<sc_vector_subcore>, window_params = [{transform_indices = #map}, {transform_indices = #map1}, {transform_indices = #map1}, {transform_indices = #map}, {transform_indices = #map2}]} {
    %mul3A = arith.constant 16 : i32
    %mul3A_0 = arith.muli %arg0, %mul3A : i32
    %add3A = arith.addi %mul3A_0, %arg1 : i32
    %mul3A_1 = arith.constant 10000 : i32
    %mul3A_2 = arith.muli %add3A, %mul3A_1 : i32
    %mul3A_3 = arith.constant 640 : i32
    %mul3A_4 = arith.muli %arg1, %mul3A_3 : i32
    %dma_start3A = arith.constant 0 : i32
    %dma_start3A_5 = tpu.memref_slice %arg27[%mul3A_4, %dma_start3A] : memref<10240x128xf32, #tpu.memory_space<vmem_shared>> -> memref<640x128xf32, #tpu.memory_space<vmem_shared>>
    tpu.enqueue_dma source(%arg5 : memref<640x128xf32, #tpu.memory_space<hbm>>) target(%dma_start3A_5 : memref<640x128xf32, #tpu.memory_space<vmem_shared>>) target_semaphore(%arg44 : memref<!tpu.dma_semaphore, #tpu.memory_space<semaphore_mem>>)
    %add3A_6 = arith.constant 0 : i32
    %add3A_7 = arith.addi %mul3A_2, %add3A_6 : i32
    %dma_start3A_8 = tpu.memref_slice %arg3[%add3A_7] : memref<320000xi32, #tpu.memory_space<hbm>> -> memref<40xi32, #tpu.memory_space<hbm>>
    %dma_start3A_9 = tpu.memref_slice %arg3[%add3A_7] : memref<320000xi32, #tpu.memory_space<hbm>> -> memref<40xi32, #tpu.memory_space<hbm>>
    tpu.enqueue_dma source(%dma_start3A_9 : memref<40xi32, #tpu.memory_space<hbm>>) target(%arg7 : memref<40xi32, #tpu.memory_space<vmem>>) target_semaphore(%arg28 : memref<!tpu.dma_semaphore, #tpu.memory_space<semaphore_mem>>)
    %dma_start3A_10 = tpu.memref_slice %arg4[%add3A_7] : memref<320000xi32, #tpu.memory_space<hbm>> -> memref<40xi32, #tpu.memory_space<hbm>>
    %dma_start3A_11 = tpu.memref_slice %arg4[%add3A_7] : memref<320000xi32, #tpu.memory_space<hbm>> -> memref<40xi32, #tpu.memory_space<hbm>>
    tpu.enqueue_dma source(%dma_start3A_11 : memref<40xi32, #tpu.memory_space<hbm>>) target(%arg15 : memref<40xi32, #tpu.memory_space<vmem>>) target_semaphore(%arg28 : memref<!tpu.dma_semaphore, #tpu.memory_space<semaphore_mem>>)
    %add3A_12 = arith.constant 40 : i32
    %add3A_13 = arith.addi %mul3A_2, %add3A_12 : i32
    %dma_start3A_14 = tpu.memref_slice %arg3[%add3A_13] : memref<320000xi32, #tpu.memory_space<hbm>> -> memref<40xi32, #tpu.memory_space<hbm>>
    %dma_start3A_15 = tpu.memref_slice %arg3[%add3A_13] : memref<320000xi32, #tpu.memory_space<hbm>> -> memref<40xi32, #tpu.memory_space<hbm>>
    tpu.enqueue_dma source(%dma_start3A_15 : memref<40xi32, #tpu.memory_space<hbm>>) target(%arg8 : memref<40xi32, #tpu.memory_space<vmem>>) target_semaphore(%arg29 : memref<!tpu.dma_semaphore, #tpu.memory_space<semaphore_mem>>)
    %dma_start3A_16 = tpu.memref_slice %arg4[%add3A_13] : memref<320000xi32, #tpu.memory_space<hbm>> -> memref<40xi32, #tpu.memory_space<hbm>>
    %dma_start3A_17 = tpu.memref_slice %arg4[%add3A_13] : memref<320000xi32, #tpu.memory_space<hbm>> -> memref<40xi32, #tpu.memory_space<hbm>>
    tpu.enqueue_dma source(%dma_start3A_17 : memref<40xi32, #tpu.memory_space<hbm>>) target(%arg16 : memref<40xi32, #tpu.memory_space<vmem>>) target_semaphore(%arg29 : memref<!tpu.dma_semaphore, #tpu.memory_space<semaphore_mem>>)
    %add3A_18 = arith.constant 80 : i32
    %add3A_19 = arith.addi %mul3A_2, %add3A_18 : i32
    %dma_start3A_20 = tpu.memref_slice %arg3[%add3A_19] : memref<320000xi32, #tpu.memory_space<hbm>> -> memref<40xi32, #tpu.memory_space<hbm>>
    %dma_start3A_21 = tpu.memref_slice %arg3[%add3A_19] : memref<320000xi32, #tpu.memory_space<hbm>> -> memref<40xi32, #tpu.memory_space<hbm>>
    tpu.enqueue_dma source(%dma_start3A_21 : memref<40xi32, #tpu.memory_space<hbm>>) target(%arg9 : memref<40xi32, #tpu.memory_space<vmem>>) target_semaphore(%arg30 : memref<!tpu.dma_semaphore, #tpu.memory_space<semaphore_mem>>)
    %dma_start3A_22 = tpu.memref_slice %arg4[%add3A_19] : memref<320000xi32, #tpu.memory_space<hbm>> -> memref<40xi32, #tpu.memory_space<hbm>>
    %dma_start3A_23 = tpu.memref_slice %arg4[%add3A_19] : memref<320000xi32, #tpu.memory_space<hbm>> -> memref<40xi32, #tpu.memory_space<hbm>>
    tpu.enqueue_dma source(%dma_start3A_23 : memref<40xi32, #tpu.memory_space<hbm>>) target(%arg17 : memref<40xi32, #tpu.memory_space<vmem>>) target_semaphore(%arg30 : memref<!tpu.dma_semaphore, #tpu.memory_space<semaphore_mem>>)
    %dma_wait3A = tpu.memref_slice %arg3[%mul3A_2] : memref<320000xi32, #tpu.memory_space<hbm>> -> memref<40xi32, #tpu.memory_space<hbm>>
    %dma_wait3A_24 = tpu.memref_slice %arg3[%mul3A_2] : memref<320000xi32, #tpu.memory_space<hbm>> -> memref<40xi32, #tpu.memory_space<hbm>>
    tpu.wait_dma2 semaphore(%arg28 : memref<!tpu.dma_semaphore, #tpu.memory_space<semaphore_mem>>) src(%dma_wait3A_24 : memref<40xi32, #tpu.memory_space<hbm>>) dst(%arg7 : memref<40xi32, #tpu.memory_space<vmem>>)
    %dma_wait3A_25 = tpu.memref_slice %arg4[%mul3A_2] : memref<320000xi32, #tpu.memory_space<hbm>> -> memref<40xi32, #tpu.memory_space<hbm>>
    %dma_wait3A_26 = tpu.memref_slice %arg4[%mul3A_2] : memref<320000xi32, #tpu.memory_space<hbm>> -> memref<40xi32, #tpu.memory_space<hbm>>
    tpu.wait_dma2 semaphore(%arg28 : memref<!tpu.dma_semaphore, #tpu.memory_space<semaphore_mem>>) src(%dma_wait3A_26 : memref<40xi32, #tpu.memory_space<hbm>>) dst(%arg15 : memref<40xi32, #tpu.memory_space<vmem>>)
    %dma_start3A_27 = arith.constant 0 : i32
    %dma_start3A_28 = arith.constant 0 : i32
    %dma_start3A_29 = tpu.memref_slice %arg2[%dma_start3A_27, %dma_start3A_28] : memref<10000x128xf32, #tpu.memory_space<hbm>> -> memref<10000x128xf32, #tpu.memory_space<hbm>>
    tpu.enqueue_indirect_dma source(%dma_start3A_29 : memref<10000x128xf32, #tpu.memory_space<hbm>>) target(%arg23 : memref<40x128xf32, #tpu.memory_space<vmem>>) offsets(%arg7 : memref<40xi32, #tpu.memory_space<vmem>>) semaphore(%arg36 : memref<!tpu.dma_semaphore, #tpu.memory_space<semaphore_mem>>)
    %dma_wait3A_30 = tpu.memref_slice %arg3[%mul3A_2] : memref<320000xi32, #tpu.memory_space<hbm>> -> memref<40xi32, #tpu.memory_space<hbm>>
    %dma_wait3A_31 = tpu.memref_slice %arg3[%mul3A_2] : memref<320000xi32, #tpu.memory_space<hbm>> -> memref<40xi32, #tpu.memory_space<hbm>>
    tpu.wait_dma2 semaphore(%arg29 : memref<!tpu.dma_semaphore, #tpu.memory_space<semaphore_mem>>) src(%dma_wait3A_31 : memref<40xi32, #tpu.memory_space<hbm>>) dst(%arg8 : memref<40xi32, #tpu.memory_space<vmem>>)
    %dma_wait3A_32 = tpu.memref_slice %arg4[%mul3A_2] : memref<320000xi32, #tpu.memory_space<hbm>> -> memref<40xi32, #tpu.memory_space<hbm>>
    %dma_wait3A_33 = tpu.memref_slice %arg4[%mul3A_2] : memref<320000xi32, #tpu.memory_space<hbm>> -> memref<40xi32, #tpu.memory_space<hbm>>
    tpu.wait_dma2 semaphore(%arg29 : memref<!tpu.dma_semaphore, #tpu.memory_space<semaphore_mem>>) src(%dma_wait3A_33 : memref<40xi32, #tpu.memory_space<hbm>>) dst(%arg16 : memref<40xi32, #tpu.memory_space<vmem>>)
    %dma_start3A_34 = arith.constant 0 : i32
    %dma_start3A_35 = arith.constant 0 : i32
    %dma_start3A_36 = tpu.memref_slice %arg2[%dma_start3A_34, %dma_start3A_35] : memref<10000x128xf32, #tpu.memory_space<hbm>> -> memref<10000x128xf32, #tpu.memory_space<hbm>>
    tpu.enqueue_indirect_dma source(%dma_start3A_36 : memref<10000x128xf32, #tpu.memory_space<hbm>>) target(%arg24 : memref<40x128xf32, #tpu.memory_space<vmem>>) offsets(%arg8 : memref<40xi32, #tpu.memory_space<vmem>>) semaphore(%arg37 : memref<!tpu.dma_semaphore, #tpu.memory_space<semaphore_mem>>)
    %dma_wait3A_37 = arith.constant 0 : i32
    %dma_wait3A_38 = tpu.memref_slice %arg27[%mul3A_4, %dma_wait3A_37] : memref<10240x128xf32, #tpu.memory_space<vmem_shared>> -> memref<640x128xf32, #tpu.memory_space<vmem_shared>>
    tpu.wait_dma2 semaphore(%arg44 : memref<!tpu.dma_semaphore, #tpu.memory_space<semaphore_mem>>) src(%arg5 : memref<640x128xf32, #tpu.memory_space<hbm>>) dst(%dma_wait3A_38 : memref<640x128xf32, #tpu.memory_space<vmem_shared>>)
    %barrier3A = arith.constant 0 : index
    tpu.barrier barrier_id(%barrier3A)
    %scan3A = arith.constant 0 : i32
    %scan3A_39 = arith.constant 0 : i32
    %scan3A_40 = arith.constant 32 : i32
    %scan3A_41 = arith.addi %scan3A_39, %scan3A_40 : i32
    %scan3A_42 = arith.constant 1 : i32
    scf.for %scan3A_55 = %scan3A_39 to %scan3A_41 step %scan3A_42  : i32 {
      %mul3A_56 = arith.constant 8 : i32
      %mul3A_57 = arith.muli %mul3A_56, %scan3A_55 : i32
      %add3A_58 = arith.constant 0 : i32
      %add3A_59 = arith.addi %mul3A_57, %add3A_58 : i32
      %lt3A = arith.constant 250 : i32
      %lt3A_60 = arith.cmpi slt, %add3A_59, %lt3A : i32
      %convert_element_type3A = arith.extui %lt3A_60 : i1 to i32
      %cond3A = arith.constant 0 : i32
      %cond3A_61 = arith.cmpi ne, %convert_element_type3A, %cond3A : i32
      scf.if %cond3A_61 {
        %dma_wait3A_125 = arith.constant 0 : i32
        %dma_wait3A_126 = arith.constant 0 : i32
        %dma_wait3A_127 = tpu.memref_slice %arg2[%dma_wait3A_125, %dma_wait3A_126] : memref<10000x128xf32, #tpu.memory_space<hbm>> -> memref<10000x128xf32, #tpu.memory_space<hbm>>
        tpu.wait_indirect_dma semaphore(%arg36 : memref<!tpu.dma_semaphore, #tpu.memory_space<semaphore_mem>>) src(%dma_wait3A_127 : memref<10000x128xf32, #tpu.memory_space<hbm>>) dst(%arg23 : memref<40x128xf32, #tpu.memory_space<vmem>>)
        %dma_start3A_128 = arith.constant 0 : i32
        %dma_start3A_129 = arith.constant 0 : i32
        %dma_start3A_130 = tpu.memref_slice %arg27[%dma_start3A_128, %dma_start3A_129] : memref<10240x128xf32, #tpu.memory_space<vmem_shared>> -> memref<10240x128xf32, #tpu.memory_space<vmem_shared>>
        tpu.enqueue_indirect_dma source(%arg23 : memref<40x128xf32, #tpu.memory_space<vmem>>) target(%dma_start3A_130 : memref<10240x128xf32, #tpu.memory_space<vmem_shared>>) offsets(%arg15 : memref<40xi32, #tpu.memory_space<vmem>>) semaphore(%arg40 : memref<!tpu.dma_semaphore, #tpu.memory_space<semaphore_mem>>) {add = true}
        %ge3A = arith.constant 2 : i32
        %ge3A_131 = arith.cmpi sge, %add3A_59, %ge3A : i32
        %convert_element_type3A_132 = arith.extui %ge3A_131 : i1 to i32
        %cond3A_133 = arith.constant 0 : i32
        %cond3A_134 = arith.cmpi ne, %convert_element_type3A_132, %cond3A_133 : i32
        scf.if %cond3A_134 {
          %dma_wait3A_149 = arith.constant 0 : i32
          %dma_wait3A_150 = arith.constant 0 : i32
          %dma_wait3A_151 = tpu.memref_slice %arg27[%dma_wait3A_149, %dma_wait3A_150] : memref<10240x128xf32, #tpu.memory_space<vmem_shared>> -> memref<10240x128xf32, #tpu.memory_space<vmem_shared>>
          tpu.wait_indirect_dma semaphore(%arg42 : memref<!tpu.dma_semaphore, #tpu.memory_space<semaphore_mem>>) src(%arg25 : memref<40x128xf32, #tpu.memory_space<vmem>>) dst(%dma_wait3A_151 : memref<10240x128xf32, #tpu.memory_space<vmem_shared>>)
        } else {
        }
        %add3A_135 = arith.constant 2 : i32
        %add3A_136 = arith.addi %add3A_59, %add3A_135 : i32
        %lt3A_137 = arith.constant 250 : i32
        %lt3A_138 = arith.cmpi slt, %add3A_136, %lt3A_137 : i32
        %convert_element_type3A_139 = arith.extui %lt3A_138 : i1 to i32
        %cond3A_140 = arith.constant 0 : i32
        %cond3A_141 = arith.cmpi ne, %convert_element_type3A_139, %cond3A_140 : i32
        scf.if %cond3A_141 {
          %dma_wait3A_149 = tpu.memref_slice %arg3[%mul3A_2] : memref<320000xi32, #tpu.memory_space<hbm>> -> memref<40xi32, #tpu.memory_space<hbm>>
          %dma_wait3A_150 = tpu.memref_slice %arg3[%mul3A_2] : memref<320000xi32, #tpu.memory_space<hbm>> -> memref<40xi32, #tpu.memory_space<hbm>>
          tpu.wait_dma2 semaphore(%arg30 : memref<!tpu.dma_semaphore, #tpu.memory_space<semaphore_mem>>) src(%dma_wait3A_150 : memref<40xi32, #tpu.memory_space<hbm>>) dst(%arg9 : memref<40xi32, #tpu.memory_space<vmem>>)
          %dma_wait3A_151 = tpu.memref_slice %arg4[%mul3A_2] : memref<320000xi32, #tpu.memory_space<hbm>> -> memref<40xi32, #tpu.memory_space<hbm>>
          %dma_wait3A_152 = tpu.memref_slice %arg4[%mul3A_2] : memref<320000xi32, #tpu.memory_space<hbm>> -> memref<40xi32, #tpu.memory_space<hbm>>
          tpu.wait_dma2 semaphore(%arg30 : memref<!tpu.dma_semaphore, #tpu.memory_space<semaphore_mem>>) src(%dma_wait3A_152 : memref<40xi32, #tpu.memory_space<hbm>>) dst(%arg17 : memref<40xi32, #tpu.memory_space<vmem>>)
          %dma_start3A_153 = arith.constant 0 : i32
          %dma_start3A_154 = arith.constant 0 : i32
          %dma_start3A_155 = tpu.memref_slice %arg2[%dma_start3A_153, %dma_start3A_154] : memref<10000x128xf32, #tpu.memory_space<hbm>> -> memref<10000x128xf32, #tpu.memory_space<hbm>>
          tpu.enqueue_indirect_dma source(%dma_start3A_155 : memref<10000x128xf32, #tpu.memory_space<hbm>>) target(%arg25 : memref<40x128xf32, #tpu.memory_space<vmem>>) offsets(%arg9 : memref<40xi32, #tpu.memory_space<vmem>>) semaphore(%arg38 : memref<!tpu.dma_semaphore, #tpu.memory_space<semaphore_mem>>)
        } else {
        }
        %add3A_142 = arith.constant 3 : i32
        %add3A_143 = arith.addi %add3A_59, %add3A_142 : i32
        %lt3A_144 = arith.constant 250 : i32
        %lt3A_145 = arith.cmpi slt, %add3A_143, %lt3A_144 : i32
        %convert_element_type3A_146 = arith.extui %lt3A_145 : i1 to i32
        %cond3A_147 = arith.constant 0 : i32
        %cond3A_148 = arith.cmpi ne, %convert_element_type3A_146, %cond3A_147 : i32
        scf.if %cond3A_148 {
          %add3A_149 = arith.constant 3 : i32
          %add3A_150 = arith.addi %add3A_59, %add3A_149 : i32
          %mul3A_151 = arith.constant 40 : i32
          %mul3A_152 = arith.muli %add3A_150, %mul3A_151 : i32
          %add3A_153 = arith.addi %mul3A_2, %mul3A_152 : i32
          %dma_start3A_154 = tpu.memref_slice %arg3[%add3A_153] : memref<320000xi32, #tpu.memory_space<hbm>> -> memref<40xi32, #tpu.memory_space<hbm>>
          %dma_start3A_155 = tpu.memref_slice %arg3[%add3A_153] : memref<320000xi32, #tpu.memory_space<hbm>> -> memref<40xi32, #tpu.memory_space<hbm>>
          tpu.enqueue_dma source(%dma_start3A_155 : memref<40xi32, #tpu.memory_space<hbm>>) target(%arg10 : memref<40xi32, #tpu.memory_space<vmem>>) target_semaphore(%arg31 : memref<!tpu.dma_semaphore, #tpu.memory_space<semaphore_mem>>)
          %dma_start3A_156 = tpu.memref_slice %arg4[%add3A_153] : memref<320000xi32, #tpu.memory_space<hbm>> -> memref<40xi32, #tpu.memory_space<hbm>>
          %dma_start3A_157 = tpu.memref_slice %arg4[%add3A_153] : memref<320000xi32, #tpu.memory_space<hbm>> -> memref<40xi32, #tpu.memory_space<hbm>>
          tpu.enqueue_dma source(%dma_start3A_157 : memref<40xi32, #tpu.memory_space<hbm>>) target(%arg18 : memref<40xi32, #tpu.memory_space<vmem>>) target_semaphore(%arg31 : memref<!tpu.dma_semaphore, #tpu.memory_space<semaphore_mem>>)
        } else {
        }
      } else {
      }
      %mul3A_62 = arith.constant 8 : i32
      %mul3A_63 = arith.muli %mul3A_62, %scan3A_55 : i32
      %add3A_64 = arith.constant 1 : i32
      %add3A_65 = arith.addi %mul3A_63, %add3A_64 : i32
      %lt3A_66 = arith.constant 250 : i32
      %lt3A_67 = arith.cmpi slt, %add3A_65, %lt3A_66 : i32
      %convert_element_type3A_68 = arith.extui %lt3A_67 : i1 to i32
      %cond3A_69 = arith.constant 0 : i32
      %cond3A_70 = arith.cmpi ne, %convert_element_type3A_68, %cond3A_69 : i32
      scf.if %cond3A_70 {
        %dma_wait3A_125 = arith.constant 0 : i32
        %dma_wait3A_126 = arith.constant 0 : i32
        %dma_wait3A_127 = tpu.memref_slice %arg2[%dma_wait3A_125, %dma_wait3A_126] : memref<10000x128xf32, #tpu.memory_space<hbm>> -> memref<10000x128xf32, #tpu.memory_space<hbm>>
        tpu.wait_indirect_dma semaphore(%arg37 : memref<!tpu.dma_semaphore, #tpu.memory_space<semaphore_mem>>) src(%dma_wait3A_127 : memref<10000x128xf32, #tpu.memory_space<hbm>>) dst(%arg24 : memref<40x128xf32, #tpu.memory_space<vmem>>)
        %dma_start3A_128 = arith.constant 0 : i32
        %dma_start3A_129 = arith.constant 0 : i32
        %dma_start3A_130 = tpu.memref_slice %arg27[%dma_start3A_128, %dma_start3A_129] : memref<10240x128xf32, #tpu.memory_space<vmem_shared>> -> memref<10240x128xf32, #tpu.memory_space<vmem_shared>>
        tpu.enqueue_indirect_dma source(%arg24 : memref<40x128xf32, #tpu.memory_space<vmem>>) target(%dma_start3A_130 : memref<10240x128xf32, #tpu.memory_space<vmem_shared>>) offsets(%arg16 : memref<40xi32, #tpu.memory_space<vmem>>) semaphore(%arg41 : memref<!tpu.dma_semaphore, #tpu.memory_space<semaphore_mem>>) {add = true}
        %ge3A = arith.constant 2 : i32
        %ge3A_131 = arith.cmpi sge, %add3A_65, %ge3A : i32
        %convert_element_type3A_132 = arith.extui %ge3A_131 : i1 to i32
        %cond3A_133 = arith.constant 0 : i32
        %cond3A_134 = arith.cmpi ne, %convert_element_type3A_132, %cond3A_133 : i32
        scf.if %cond3A_134 {
          %dma_wait3A_149 = arith.constant 0 : i32
          %dma_wait3A_150 = arith.constant 0 : i32
          %dma_wait3A_151 = tpu.memref_slice %arg27[%dma_wait3A_149, %dma_wait3A_150] : memref<10240x128xf32, #tpu.memory_space<vmem_shared>> -> memref<10240x128xf32, #tpu.memory_space<vmem_shared>>
          tpu.wait_indirect_dma semaphore(%arg43 : memref<!tpu.dma_semaphore, #tpu.memory_space<semaphore_mem>>) src(%arg26 : memref<40x128xf32, #tpu.memory_space<vmem>>) dst(%dma_wait3A_151 : memref<10240x128xf32, #tpu.memory_space<vmem_shared>>)
        } else {
        }
        %add3A_135 = arith.constant 2 : i32
        %add3A_136 = arith.addi %add3A_65, %add3A_135 : i32
        %lt3A_137 = arith.constant 250 : i32
        %lt3A_138 = arith.cmpi slt, %add3A_136, %lt3A_137 : i32
        %convert_element_type3A_139 = arith.extui %lt3A_138 : i1 to i32
        %cond3A_140 = arith.constant 0 : i32
        %cond3A_141 = arith.cmpi ne, %convert_element_type3A_139, %cond3A_140 : i32
        scf.if %cond3A_141 {
          %dma_wait3A_149 = tpu.memref_slice %arg3[%mul3A_2] : memref<320000xi32, #tpu.memory_space<hbm>> -> memref<40xi32, #tpu.memory_space<hbm>>
          %dma_wait3A_150 = tpu.memref_slice %arg3[%mul3A_2] : memref<320000xi32, #tpu.memory_space<hbm>> -> memref<40xi32, #tpu.memory_space<hbm>>
          tpu.wait_dma2 semaphore(%arg31 : memref<!tpu.dma_semaphore, #tpu.memory_space<semaphore_mem>>) src(%dma_wait3A_150 : memref<40xi32, #tpu.memory_space<hbm>>) dst(%arg10 : memref<40xi32, #tpu.memory_space<vmem>>)
          %dma_wait3A_151 = tpu.memref_slice %arg4[%mul3A_2] : memref<320000xi32, #tpu.memory_space<hbm>> -> memref<40xi32, #tpu.memory_space<hbm>>
          %dma_wait3A_152 = tpu.memref_slice %arg4[%mul3A_2] : memref<320000xi32, #tpu.memory_space<hbm>> -> memref<40xi32, #tpu.memory_space<hbm>>
          tpu.wait_dma2 semaphore(%arg31 : memref<!tpu.dma_semaphore, #tpu.memory_space<semaphore_mem>>) src(%dma_wait3A_152 : memref<40xi32, #tpu.memory_space<hbm>>) dst(%arg18 : memref<40xi32, #tpu.memory_space<vmem>>)
          %dma_start3A_153 = arith.constant 0 : i32
          %dma_start3A_154 = arith.constant 0 : i32
          %dma_start3A_155 = tpu.memref_slice %arg2[%dma_start3A_153, %dma_start3A_154] : memref<10000x128xf32, #tpu.memory_space<hbm>> -> memref<10000x128xf32, #tpu.memory_space<hbm>>
          tpu.enqueue_indirect_dma source(%dma_start3A_155 : memref<10000x128xf32, #tpu.memory_space<hbm>>) target(%arg26 : memref<40x128xf32, #tpu.memory_space<vmem>>) offsets(%arg10 : memref<40xi32, #tpu.memory_space<vmem>>) semaphore(%arg39 : memref<!tpu.dma_semaphore, #tpu.memory_space<semaphore_mem>>)
        } else {
        }
        %add3A_142 = arith.constant 3 : i32
        %add3A_143 = arith.addi %add3A_65, %add3A_142 : i32
        %lt3A_144 = arith.constant 250 : i32
        %lt3A_145 = arith.cmpi slt, %add3A_143, %lt3A_144 : i32
        %convert_element_type3A_146 = arith.extui %lt3A_145 : i1 to i32
        %cond3A_147 = arith.constant 0 : i32
        %cond3A_148 = arith.cmpi ne, %convert_element_type3A_146, %cond3A_147 : i32
        scf.if %cond3A_148 {
          %add3A_149 = arith.constant 3 : i32
          %add3A_150 = arith.addi %add3A_65, %add3A_149 : i32
          %mul3A_151 = arith.constant 40 : i32
          %mul3A_152 = arith.muli %add3A_150, %mul3A_151 : i32
          %add3A_153 = arith.addi %mul3A_2, %mul3A_152 : i32
          %dma_start3A_154 = tpu.memref_slice %arg3[%add3A_153] : memref<320000xi32, #tpu.memory_space<hbm>> -> memref<40xi32, #tpu.memory_space<hbm>>
          %dma_start3A_155 = tpu.memref_slice %arg3[%add3A_153] : memref<320000xi32, #tpu.memory_space<hbm>> -> memref<40xi32, #tpu.memory_space<hbm>>
          tpu.enqueue_dma source(%dma_start3A_155 : memref<40xi32, #tpu.memory_space<hbm>>) target(%arg11 : memref<40xi32, #tpu.memory_space<vmem>>) target_semaphore(%arg32 : memref<!tpu.dma_semaphore, #tpu.memory_space<semaphore_mem>>)
          %dma_start3A_156 = tpu.memref_slice %arg4[%add3A_153] : memref<320000xi32, #tpu.memory_space<hbm>> -> memref<40xi32, #tpu.memory_space<hbm>>
          %dma_start3A_157 = tpu.memref_slice %arg4[%add3A_153] : memref<320000xi32, #tpu.memory_space<hbm>> -> memref<40xi32, #tpu.memory_space<hbm>>
          tpu.enqueue_dma source(%dma_start3A_157 : memref<40xi32, #tpu.memory_space<hbm>>) target(%arg19 : memref<40xi32, #tpu.memory_space<vmem>>) target_semaphore(%arg32 : memref<!tpu.dma_semaphore, #tpu.memory_space<semaphore_mem>>)
        } else {
        }
      } else {
      }
      %mul3A_71 = arith.constant 8 : i32
      %mul3A_72 = arith.muli %mul3A_71, %scan3A_55 : i32
      %add3A_73 = arith.constant 2 : i32
      %add3A_74 = arith.addi %mul3A_72, %add3A_73 : i32
      %lt3A_75 = arith.constant 250 : i32
      %lt3A_76 = arith.cmpi slt, %add3A_74, %lt3A_75 : i32
      %convert_element_type3A_77 = arith.extui %lt3A_76 : i1 to i32
      %cond3A_78 = arith.constant 0 : i32
      %cond3A_79 = arith.cmpi ne, %convert_element_type3A_77, %cond3A_78 : i32
      scf.if %cond3A_79 {
        %dma_wait3A_125 = arith.constant 0 : i32
        %dma_wait3A_126 = arith.constant 0 : i32
        %dma_wait3A_127 = tpu.memref_slice %arg2[%dma_wait3A_125, %dma_wait3A_126] : memref<10000x128xf32, #tpu.memory_space<hbm>> -> memref<10000x128xf32, #tpu.memory_space<hbm>>
        tpu.wait_indirect_dma semaphore(%arg38 : memref<!tpu.dma_semaphore, #tpu.memory_space<semaphore_mem>>) src(%dma_wait3A_127 : memref<10000x128xf32, #tpu.memory_space<hbm>>) dst(%arg25 : memref<40x128xf32, #tpu.memory_space<vmem>>)
        %dma_start3A_128 = arith.constant 0 : i32
        %dma_start3A_129 = arith.constant 0 : i32
        %dma_start3A_130 = tpu.memref_slice %arg27[%dma_start3A_128, %dma_start3A_129] : memref<10240x128xf32, #tpu.memory_space<vmem_shared>> -> memref<10240x128xf32, #tpu.memory_space<vmem_shared>>
        tpu.enqueue_indirect_dma source(%arg25 : memref<40x128xf32, #tpu.memory_space<vmem>>) target(%dma_start3A_130 : memref<10240x128xf32, #tpu.memory_space<vmem_shared>>) offsets(%arg17 : memref<40xi32, #tpu.memory_space<vmem>>) semaphore(%arg42 : memref<!tpu.dma_semaphore, #tpu.memory_space<semaphore_mem>>) {add = true}
        %ge3A = arith.constant 2 : i32
        %ge3A_131 = arith.cmpi sge, %add3A_74, %ge3A : i32
        %convert_element_type3A_132 = arith.extui %ge3A_131 : i1 to i32
        %cond3A_133 = arith.constant 0 : i32
        %cond3A_134 = arith.cmpi ne, %convert_element_type3A_132, %cond3A_133 : i32
        scf.if %cond3A_134 {
          %dma_wait3A_149 = arith.constant 0 : i32
          %dma_wait3A_150 = arith.constant 0 : i32
          %dma_wait3A_151 = tpu.memref_slice %arg27[%dma_wait3A_149, %dma_wait3A_150] : memref<10240x128xf32, #tpu.memory_space<vmem_shared>> -> memref<10240x128xf32, #tpu.memory_space<vmem_shared>>
          tpu.wait_indirect_dma semaphore(%arg40 : memref<!tpu.dma_semaphore, #tpu.memory_space<semaphore_mem>>) src(%arg23 : memref<40x128xf32, #tpu.memory_space<vmem>>) dst(%dma_wait3A_151 : memref<10240x128xf32, #tpu.memory_space<vmem_shared>>)
        } else {
        }
        %add3A_135 = arith.constant 2 : i32
        %add3A_136 = arith.addi %add3A_74, %add3A_135 : i32
        %lt3A_137 = arith.constant 250 : i32
        %lt3A_138 = arith.cmpi slt, %add3A_136, %lt3A_137 : i32
        %convert_element_type3A_139 = arith.extui %lt3A_138 : i1 to i32
        %cond3A_140 = arith.constant 0 : i32
        %cond3A_141 = arith.cmpi ne, %convert_element_type3A_139, %cond3A_140 : i32
        scf.if %cond3A_141 {
          %dma_wait3A_149 = tpu.memref_slice %arg3[%mul3A_2] : memref<320000xi32, #tpu.memory_space<hbm>> -> memref<40xi32, #tpu.memory_space<hbm>>
          %dma_wait3A_150 = tpu.memref_slice %arg3[%mul3A_2] : memref<320000xi32, #tpu.memory_space<hbm>> -> memref<40xi32, #tpu.memory_space<hbm>>
          tpu.wait_dma2 semaphore(%arg32 : memref<!tpu.dma_semaphore, #tpu.memory_space<semaphore_mem>>) src(%dma_wait3A_150 : memref<40xi32, #tpu.memory_space<hbm>>) dst(%arg11 : memref<40xi32, #tpu.memory_space<vmem>>)
          %dma_wait3A_151 = tpu.memref_slice %arg4[%mul3A_2] : memref<320000xi32, #tpu.memory_space<hbm>> -> memref<40xi32, #tpu.memory_space<hbm>>
          %dma_wait3A_152 = tpu.memref_slice %arg4[%mul3A_2] : memref<320000xi32, #tpu.memory_space<hbm>> -> memref<40xi32, #tpu.memory_space<hbm>>
          tpu.wait_dma2 semaphore(%arg32 : memref<!tpu.dma_semaphore, #tpu.memory_space<semaphore_mem>>) src(%dma_wait3A_152 : memref<40xi32, #tpu.memory_space<hbm>>) dst(%arg19 : memref<40xi32, #tpu.memory_space<vmem>>)
          %dma_start3A_153 = arith.constant 0 : i32
          %dma_start3A_154 = arith.constant 0 : i32
          %dma_start3A_155 = tpu.memref_slice %arg2[%dma_start3A_153, %dma_start3A_154] : memref<10000x128xf32, #tpu.memory_space<hbm>> -> memref<10000x128xf32, #tpu.memory_space<hbm>>
          tpu.enqueue_indirect_dma source(%dma_start3A_155 : memref<10000x128xf32, #tpu.memory_space<hbm>>) target(%arg23 : memref<40x128xf32, #tpu.memory_space<vmem>>) offsets(%arg11 : memref<40xi32, #tpu.memory_space<vmem>>) semaphore(%arg36 : memref<!tpu.dma_semaphore, #tpu.memory_space<semaphore_mem>>)
        } else {
        }
        %add3A_142 = arith.constant 3 : i32
        %add3A_143 = arith.addi %add3A_74, %add3A_142 : i32
        %lt3A_144 = arith.constant 250 : i32
        %lt3A_145 = arith.cmpi slt, %add3A_143, %lt3A_144 : i32
        %convert_element_type3A_146 = arith.extui %lt3A_145 : i1 to i32
        %cond3A_147 = arith.constant 0 : i32
        %cond3A_148 = arith.cmpi ne, %convert_element_type3A_146, %cond3A_147 : i32
        scf.if %cond3A_148 {
          %add3A_149 = arith.constant 3 : i32
          %add3A_150 = arith.addi %add3A_74, %add3A_149 : i32
          %mul3A_151 = arith.constant 40 : i32
          %mul3A_152 = arith.muli %add3A_150, %mul3A_151 : i32
          %add3A_153 = arith.addi %mul3A_2, %mul3A_152 : i32
          %dma_start3A_154 = tpu.memref_slice %arg3[%add3A_153] : memref<320000xi32, #tpu.memory_space<hbm>> -> memref<40xi32, #tpu.memory_space<hbm>>
          %dma_start3A_155 = tpu.memref_slice %arg3[%add3A_153] : memref<320000xi32, #tpu.memory_space<hbm>> -> memref<40xi32, #tpu.memory_space<hbm>>
          tpu.enqueue_dma source(%dma_start3A_155 : memref<40xi32, #tpu.memory_space<hbm>>) target(%arg12 : memref<40xi32, #tpu.memory_space<vmem>>) target_semaphore(%arg33 : memref<!tpu.dma_semaphore, #tpu.memory_space<semaphore_mem>>)
          %dma_start3A_156 = tpu.memref_slice %arg4[%add3A_153] : memref<320000xi32, #tpu.memory_space<hbm>> -> memref<40xi32, #tpu.memory_space<hbm>>
          %dma_start3A_157 = tpu.memref_slice %arg4[%add3A_153] : memref<320000xi32, #tpu.memory_space<hbm>> -> memref<40xi32, #tpu.memory_space<hbm>>
          tpu.enqueue_dma source(%dma_start3A_157 : memref<40xi32, #tpu.memory_space<hbm>>) target(%arg20 : memref<40xi32, #tpu.memory_space<vmem>>) target_semaphore(%arg33 : memref<!tpu.dma_semaphore, #tpu.memory_space<semaphore_mem>>)
        } else {
        }
      } else {
      }
      %mul3A_80 = arith.constant 8 : i32
      %mul3A_81 = arith.muli %mul3A_80, %scan3A_55 : i32
      %add3A_82 = arith.constant 3 : i32
      %add3A_83 = arith.addi %mul3A_81, %add3A_82 : i32
      %lt3A_84 = arith.constant 250 : i32
      %lt3A_85 = arith.cmpi slt, %add3A_83, %lt3A_84 : i32
      %convert_element_type3A_86 = arith.extui %lt3A_85 : i1 to i32
      %cond3A_87 = arith.constant 0 : i32
      %cond3A_88 = arith.cmpi ne, %convert_element_type3A_86, %cond3A_87 : i32
      scf.if %cond3A_88 {
        %dma_wait3A_125 = arith.constant 0 : i32
        %dma_wait3A_126 = arith.constant 0 : i32
        %dma_wait3A_127 = tpu.memref_slice %arg2[%dma_wait3A_125, %dma_wait3A_126] : memref<10000x128xf32, #tpu.memory_space<hbm>> -> memref<10000x128xf32, #tpu.memory_space<hbm>>
        tpu.wait_indirect_dma semaphore(%arg39 : memref<!tpu.dma_semaphore, #tpu.memory_space<semaphore_mem>>) src(%dma_wait3A_127 : memref<10000x128xf32, #tpu.memory_space<hbm>>) dst(%arg26 : memref<40x128xf32, #tpu.memory_space<vmem>>)
        %dma_start3A_128 = arith.constant 0 : i32
        %dma_start3A_129 = arith.constant 0 : i32
        %dma_start3A_130 = tpu.memref_slice %arg27[%dma_start3A_128, %dma_start3A_129] : memref<10240x128xf32, #tpu.memory_space<vmem_shared>> -> memref<10240x128xf32, #tpu.memory_space<vmem_shared>>
        tpu.enqueue_indirect_dma source(%arg26 : memref<40x128xf32, #tpu.memory_space<vmem>>) target(%dma_start3A_130 : memref<10240x128xf32, #tpu.memory_space<vmem_shared>>) offsets(%arg18 : memref<40xi32, #tpu.memory_space<vmem>>) semaphore(%arg43 : memref<!tpu.dma_semaphore, #tpu.memory_space<semaphore_mem>>) {add = true}
        %ge3A = arith.constant 2 : i32
        %ge3A_131 = arith.cmpi sge, %add3A_83, %ge3A : i32
        %convert_element_type3A_132 = arith.extui %ge3A_131 : i1 to i32
        %cond3A_133 = arith.constant 0 : i32
        %cond3A_134 = arith.cmpi ne, %convert_element_type3A_132, %cond3A_133 : i32
        scf.if %cond3A_134 {
          %dma_wait3A_149 = arith.constant 0 : i32
          %dma_wait3A_150 = arith.constant 0 : i32
          %dma_wait3A_151 = tpu.memref_slice %arg27[%dma_wait3A_149, %dma_wait3A_150] : memref<10240x128xf32, #tpu.memory_space<vmem_shared>> -> memref<10240x128xf32, #tpu.memory_space<vmem_shared>>
          tpu.wait_indirect_dma semaphore(%arg41 : memref<!tpu.dma_semaphore, #tpu.memory_space<semaphore_mem>>) src(%arg24 : memref<40x128xf32, #tpu.memory_space<vmem>>) dst(%dma_wait3A_151 : memref<10240x128xf32, #tpu.memory_space<vmem_shared>>)
        } else {
        }
        %add3A_135 = arith.constant 2 : i32
        %add3A_136 = arith.addi %add3A_83, %add3A_135 : i32
        %lt3A_137 = arith.constant 250 : i32
        %lt3A_138 = arith.cmpi slt, %add3A_136, %lt3A_137 : i32
        %convert_element_type3A_139 = arith.extui %lt3A_138 : i1 to i32
        %cond3A_140 = arith.constant 0 : i32
        %cond3A_141 = arith.cmpi ne, %convert_element_type3A_139, %cond3A_140 : i32
        scf.if %cond3A_141 {
          %dma_wait3A_149 = tpu.memref_slice %arg3[%mul3A_2] : memref<320000xi32, #tpu.memory_space<hbm>> -> memref<40xi32, #tpu.memory_space<hbm>>
          %dma_wait3A_150 = tpu.memref_slice %arg3[%mul3A_2] : memref<320000xi32, #tpu.memory_space<hbm>> -> memref<40xi32, #tpu.memory_space<hbm>>
          tpu.wait_dma2 semaphore(%arg33 : memref<!tpu.dma_semaphore, #tpu.memory_space<semaphore_mem>>) src(%dma_wait3A_150 : memref<40xi32, #tpu.memory_space<hbm>>) dst(%arg12 : memref<40xi32, #tpu.memory_space<vmem>>)
          %dma_wait3A_151 = tpu.memref_slice %arg4[%mul3A_2] : memref<320000xi32, #tpu.memory_space<hbm>> -> memref<40xi32, #tpu.memory_space<hbm>>
          %dma_wait3A_152 = tpu.memref_slice %arg4[%mul3A_2] : memref<320000xi32, #tpu.memory_space<hbm>> -> memref<40xi32, #tpu.memory_space<hbm>>
          tpu.wait_dma2 semaphore(%arg33 : memref<!tpu.dma_semaphore, #tpu.memory_space<semaphore_mem>>) src(%dma_wait3A_152 : memref<40xi32, #tpu.memory_space<hbm>>) dst(%arg20 : memref<40xi32, #tpu.memory_space<vmem>>)
          %dma_start3A_153 = arith.constant 0 : i32
          %dma_start3A_154 = arith.constant 0 : i32
          %dma_start3A_155 = tpu.memref_slice %arg2[%dma_start3A_153, %dma_start3A_154] : memref<10000x128xf32, #tpu.memory_space<hbm>> -> memref<10000x128xf32, #tpu.memory_space<hbm>>
          tpu.enqueue_indirect_dma source(%dma_start3A_155 : memref<10000x128xf32, #tpu.memory_space<hbm>>) target(%arg24 : memref<40x128xf32, #tpu.memory_space<vmem>>) offsets(%arg12 : memref<40xi32, #tpu.memory_space<vmem>>) semaphore(%arg37 : memref<!tpu.dma_semaphore, #tpu.memory_space<semaphore_mem>>)
        } else {
        }
        %add3A_142 = arith.constant 3 : i32
        %add3A_143 = arith.addi %add3A_83, %add3A_142 : i32
        %lt3A_144 = arith.constant 250 : i32
        %lt3A_145 = arith.cmpi slt, %add3A_143, %lt3A_144 : i32
        %convert_element_type3A_146 = arith.extui %lt3A_145 : i1 to i32
        %cond3A_147 = arith.constant 0 : i32
        %cond3A_148 = arith.cmpi ne, %convert_element_type3A_146, %cond3A_147 : i32
        scf.if %cond3A_148 {
          %add3A_149 = arith.constant 3 : i32
          %add3A_150 = arith.addi %add3A_83, %add3A_149 : i32
          %mul3A_151 = arith.constant 40 : i32
          %mul3A_152 = arith.muli %add3A_150, %mul3A_151 : i32
          %add3A_153 = arith.addi %mul3A_2, %mul3A_152 : i32
          %dma_start3A_154 = tpu.memref_slice %arg3[%add3A_153] : memref<320000xi32, #tpu.memory_space<hbm>> -> memref<40xi32, #tpu.memory_space<hbm>>
          %dma_start3A_155 = tpu.memref_slice %arg3[%add3A_153] : memref<320000xi32, #tpu.memory_space<hbm>> -> memref<40xi32, #tpu.memory_space<hbm>>
          tpu.enqueue_dma source(%dma_start3A_155 : memref<40xi32, #tpu.memory_space<hbm>>) target(%arg13 : memref<40xi32, #tpu.memory_space<vmem>>) target_semaphore(%arg34 : memref<!tpu.dma_semaphore, #tpu.memory_space<semaphore_mem>>)
          %dma_start3A_156 = tpu.memref_slice %arg4[%add3A_153] : memref<320000xi32, #tpu.memory_space<hbm>> -> memref<40xi32, #tpu.memory_space<hbm>>
          %dma_start3A_157 = tpu.memref_slice %arg4[%add3A_153] : memref<320000xi32, #tpu.memory_space<hbm>> -> memref<40xi32, #tpu.memory_space<hbm>>
          tpu.enqueue_dma source(%dma_start3A_157 : memref<40xi32, #tpu.memory_space<hbm>>) target(%arg21 : memref<40xi32, #tpu.memory_space<vmem>>) target_semaphore(%arg34 : memref<!tpu.dma_semaphore, #tpu.memory_space<semaphore_mem>>)
        } else {
        }
      } else {
      }
      %mul3A_89 = arith.constant 8 : i32
      %mul3A_90 = arith.muli %mul3A_89, %scan3A_55 : i32
      %add3A_91 = arith.constant 4 : i32
      %add3A_92 = arith.addi %mul3A_90, %add3A_91 : i32
      %lt3A_93 = arith.constant 250 : i32
      %lt3A_94 = arith.cmpi slt, %add3A_92, %lt3A_93 : i32
      %convert_element_type3A_95 = arith.extui %lt3A_94 : i1 to i32
      %cond3A_96 = arith.constant 0 : i32
      %cond3A_97 = arith.cmpi ne, %convert_element_type3A_95, %cond3A_96 : i32
      scf.if %cond3A_97 {
        %dma_wait3A_125 = arith.constant 0 : i32
        %dma_wait3A_126 = arith.constant 0 : i32
        %dma_wait3A_127 = tpu.memref_slice %arg2[%dma_wait3A_125, %dma_wait3A_126] : memref<10000x128xf32, #tpu.memory_space<hbm>> -> memref<10000x128xf32, #tpu.memory_space<hbm>>
        tpu.wait_indirect_dma semaphore(%arg36 : memref<!tpu.dma_semaphore, #tpu.memory_space<semaphore_mem>>) src(%dma_wait3A_127 : memref<10000x128xf32, #tpu.memory_space<hbm>>) dst(%arg23 : memref<40x128xf32, #tpu.memory_space<vmem>>)
        %dma_start3A_128 = arith.constant 0 : i32
        %dma_start3A_129 = arith.constant 0 : i32
        %dma_start3A_130 = tpu.memref_slice %arg27[%dma_start3A_128, %dma_start3A_129] : memref<10240x128xf32, #tpu.memory_space<vmem_shared>> -> memref<10240x128xf32, #tpu.memory_space<vmem_shared>>
        tpu.enqueue_indirect_dma source(%arg23 : memref<40x128xf32, #tpu.memory_space<vmem>>) target(%dma_start3A_130 : memref<10240x128xf32, #tpu.memory_space<vmem_shared>>) offsets(%arg19 : memref<40xi32, #tpu.memory_space<vmem>>) semaphore(%arg40 : memref<!tpu.dma_semaphore, #tpu.memory_space<semaphore_mem>>) {add = true}
        %ge3A = arith.constant 2 : i32
        %ge3A_131 = arith.cmpi sge, %add3A_92, %ge3A : i32
        %convert_element_type3A_132 = arith.extui %ge3A_131 : i1 to i32
        %cond3A_133 = arith.constant 0 : i32
        %cond3A_134 = arith.cmpi ne, %convert_element_type3A_132, %cond3A_133 : i32
        scf.if %cond3A_134 {
          %dma_wait3A_149 = arith.constant 0 : i32
          %dma_wait3A_150 = arith.constant 0 : i32
          %dma_wait3A_151 = tpu.memref_slice %arg27[%dma_wait3A_149, %dma_wait3A_150] : memref<10240x128xf32, #tpu.memory_space<vmem_shared>> -> memref<10240x128xf32, #tpu.memory_space<vmem_shared>>
          tpu.wait_indirect_dma semaphore(%arg42 : memref<!tpu.dma_semaphore, #tpu.memory_space<semaphore_mem>>) src(%arg25 : memref<40x128xf32, #tpu.memory_space<vmem>>) dst(%dma_wait3A_151 : memref<10240x128xf32, #tpu.memory_space<vmem_shared>>)
        } else {
        }
        %add3A_135 = arith.constant 2 : i32
        %add3A_136 = arith.addi %add3A_92, %add3A_135 : i32
        %lt3A_137 = arith.constant 250 : i32
        %lt3A_138 = arith.cmpi slt, %add3A_136, %lt3A_137 : i32
        %convert_element_type3A_139 = arith.extui %lt3A_138 : i1 to i32
        %cond3A_140 = arith.constant 0 : i32
        %cond3A_141 = arith.cmpi ne, %convert_element_type3A_139, %cond3A_140 : i32
        scf.if %cond3A_141 {
          %dma_wait3A_149 = tpu.memref_slice %arg3[%mul3A_2] : memref<320000xi32, #tpu.memory_space<hbm>> -> memref<40xi32, #tpu.memory_space<hbm>>
          %dma_wait3A_150 = tpu.memref_slice %arg3[%mul3A_2] : memref<320000xi32, #tpu.memory_space<hbm>> -> memref<40xi32, #tpu.memory_space<hbm>>
          tpu.wait_dma2 semaphore(%arg34 : memref<!tpu.dma_semaphore, #tpu.memory_space<semaphore_mem>>) src(%dma_wait3A_150 : memref<40xi32, #tpu.memory_space<hbm>>) dst(%arg13 : memref<40xi32, #tpu.memory_space<vmem>>)
          %dma_wait3A_151 = tpu.memref_slice %arg4[%mul3A_2] : memref<320000xi32, #tpu.memory_space<hbm>> -> memref<40xi32, #tpu.memory_space<hbm>>
          %dma_wait3A_152 = tpu.memref_slice %arg4[%mul3A_2] : memref<320000xi32, #tpu.memory_space<hbm>> -> memref<40xi32, #tpu.memory_space<hbm>>
          tpu.wait_dma2 semaphore(%arg34 : memref<!tpu.dma_semaphore, #tpu.memory_space<semaphore_mem>>) src(%dma_wait3A_152 : memref<40xi32, #tpu.memory_space<hbm>>) dst(%arg21 : memref<40xi32, #tpu.memory_space<vmem>>)
          %dma_start3A_153 = arith.constant 0 : i32
          %dma_start3A_154 = arith.constant 0 : i32
          %dma_start3A_155 = tpu.memref_slice %arg2[%dma_start3A_153, %dma_start3A_154] : memref<10000x128xf32, #tpu.memory_space<hbm>> -> memref<10000x128xf32, #tpu.memory_space<hbm>>
          tpu.enqueue_indirect_dma source(%dma_start3A_155 : memref<10000x128xf32, #tpu.memory_space<hbm>>) target(%arg25 : memref<40x128xf32, #tpu.memory_space<vmem>>) offsets(%arg13 : memref<40xi32, #tpu.memory_space<vmem>>) semaphore(%arg38 : memref<!tpu.dma_semaphore, #tpu.memory_space<semaphore_mem>>)
        } else {
        }
        %add3A_142 = arith.constant 3 : i32
        %add3A_143 = arith.addi %add3A_92, %add3A_142 : i32
        %lt3A_144 = arith.constant 250 : i32
        %lt3A_145 = arith.cmpi slt, %add3A_143, %lt3A_144 : i32
        %convert_element_type3A_146 = arith.extui %lt3A_145 : i1 to i32
        %cond3A_147 = arith.constant 0 : i32
        %cond3A_148 = arith.cmpi ne, %convert_element_type3A_146, %cond3A_147 : i32
        scf.if %cond3A_148 {
          %add3A_149 = arith.constant 3 : i32
          %add3A_150 = arith.addi %add3A_92, %add3A_149 : i32
          %mul3A_151 = arith.constant 40 : i32
          %mul3A_152 = arith.muli %add3A_150, %mul3A_151 : i32
          %add3A_153 = arith.addi %mul3A_2, %mul3A_152 : i32
          %dma_start3A_154 = tpu.memref_slice %arg3[%add3A_153] : memref<320000xi32, #tpu.memory_space<hbm>> -> memref<40xi32, #tpu.memory_space<hbm>>
          %dma_start3A_155 = tpu.memref_slice %arg3[%add3A_153] : memref<320000xi32, #tpu.memory_space<hbm>> -> memref<40xi32, #tpu.memory_space<hbm>>
          tpu.enqueue_dma source(%dma_start3A_155 : memref<40xi32, #tpu.memory_space<hbm>>) target(%arg14 : memref<40xi32, #tpu.memory_space<vmem>>) target_semaphore(%arg35 : memref<!tpu.dma_semaphore, #tpu.memory_space<semaphore_mem>>)
          %dma_start3A_156 = tpu.memref_slice %arg4[%add3A_153] : memref<320000xi32, #tpu.memory_space<hbm>> -> memref<40xi32, #tpu.memory_space<hbm>>
          %dma_start3A_157 = tpu.memref_slice %arg4[%add3A_153] : memref<320000xi32, #tpu.memory_space<hbm>> -> memref<40xi32, #tpu.memory_space<hbm>>
          tpu.enqueue_dma source(%dma_start3A_157 : memref<40xi32, #tpu.memory_space<hbm>>) target(%arg22 : memref<40xi32, #tpu.memory_space<vmem>>) target_semaphore(%arg35 : memref<!tpu.dma_semaphore, #tpu.memory_space<semaphore_mem>>)
        } else {
        }
      } else {
      }
      %mul3A_98 = arith.constant 8 : i32
      %mul3A_99 = arith.muli %mul3A_98, %scan3A_55 : i32
      %add3A_100 = arith.constant 5 : i32
      %add3A_101 = arith.addi %mul3A_99, %add3A_100 : i32
      %lt3A_102 = arith.constant 250 : i32
      %lt3A_103 = arith.cmpi slt, %add3A_101, %lt3A_102 : i32
      %convert_element_type3A_104 = arith.extui %lt3A_103 : i1 to i32
      %cond3A_105 = arith.constant 0 : i32
      %cond3A_106 = arith.cmpi ne, %convert_element_type3A_104, %cond3A_105 : i32
      scf.if %cond3A_106 {
        %dma_wait3A_125 = arith.constant 0 : i32
        %dma_wait3A_126 = arith.constant 0 : i32
        %dma_wait3A_127 = tpu.memref_slice %arg2[%dma_wait3A_125, %dma_wait3A_126] : memref<10000x128xf32, #tpu.memory_space<hbm>> -> memref<10000x128xf32, #tpu.memory_space<hbm>>
        tpu.wait_indirect_dma semaphore(%arg37 : memref<!tpu.dma_semaphore, #tpu.memory_space<semaphore_mem>>) src(%dma_wait3A_127 : memref<10000x128xf32, #tpu.memory_space<hbm>>) dst(%arg24 : memref<40x128xf32, #tpu.memory_space<vmem>>)
        %dma_start3A_128 = arith.constant 0 : i32
        %dma_start3A_129 = arith.constant 0 : i32
        %dma_start3A_130 = tpu.memref_slice %arg27[%dma_start3A_128, %dma_start3A_129] : memref<10240x128xf32, #tpu.memory_space<vmem_shared>> -> memref<10240x128xf32, #tpu.memory_space<vmem_shared>>
        tpu.enqueue_indirect_dma source(%arg24 : memref<40x128xf32, #tpu.memory_space<vmem>>) target(%dma_start3A_130 : memref<10240x128xf32, #tpu.memory_space<vmem_shared>>) offsets(%arg20 : memref<40xi32, #tpu.memory_space<vmem>>) semaphore(%arg41 : memref<!tpu.dma_semaphore, #tpu.memory_space<semaphore_mem>>) {add = true}
        %ge3A = arith.constant 2 : i32
        %ge3A_131 = arith.cmpi sge, %add3A_101, %ge3A : i32
        %convert_element_type3A_132 = arith.extui %ge3A_131 : i1 to i32
        %cond3A_133 = arith.constant 0 : i32
        %cond3A_134 = arith.cmpi ne, %convert_element_type3A_132, %cond3A_133 : i32
        scf.if %cond3A_134 {
          %dma_wait3A_149 = arith.constant 0 : i32
          %dma_wait3A_150 = arith.constant 0 : i32
          %dma_wait3A_151 = tpu.memref_slice %arg27[%dma_wait3A_149, %dma_wait3A_150] : memref<10240x128xf32, #tpu.memory_space<vmem_shared>> -> memref<10240x128xf32, #tpu.memory_space<vmem_shared>>
          tpu.wait_indirect_dma semaphore(%arg43 : memref<!tpu.dma_semaphore, #tpu.memory_space<semaphore_mem>>) src(%arg26 : memref<40x128xf32, #tpu.memory_space<vmem>>) dst(%dma_wait3A_151 : memref<10240x128xf32, #tpu.memory_space<vmem_shared>>)
        } else {
        }
        %add3A_135 = arith.constant 2 : i32
        %add3A_136 = arith.addi %add3A_101, %add3A_135 : i32
        %lt3A_137 = arith.constant 250 : i32
        %lt3A_138 = arith.cmpi slt, %add3A_136, %lt3A_137 : i32
        %convert_element_type3A_139 = arith.extui %lt3A_138 : i1 to i32
        %cond3A_140 = arith.constant 0 : i32
        %cond3A_141 = arith.cmpi ne, %convert_element_type3A_139, %cond3A_140 : i32
        scf.if %cond3A_141 {
          %dma_wait3A_149 = tpu.memref_slice %arg3[%mul3A_2] : memref<320000xi32, #tpu.memory_space<hbm>> -> memref<40xi32, #tpu.memory_space<hbm>>
          %dma_wait3A_150 = tpu.memref_slice %arg3[%mul3A_2] : memref<320000xi32, #tpu.memory_space<hbm>> -> memref<40xi32, #tpu.memory_space<hbm>>
          tpu.wait_dma2 semaphore(%arg35 : memref<!tpu.dma_semaphore, #tpu.memory_space<semaphore_mem>>) src(%dma_wait3A_150 : memref<40xi32, #tpu.memory_space<hbm>>) dst(%arg14 : memref<40xi32, #tpu.memory_space<vmem>>)
          %dma_wait3A_151 = tpu.memref_slice %arg4[%mul3A_2] : memref<320000xi32, #tpu.memory_space<hbm>> -> memref<40xi32, #tpu.memory_space<hbm>>
          %dma_wait3A_152 = tpu.memref_slice %arg4[%mul3A_2] : memref<320000xi32, #tpu.memory_space<hbm>> -> memref<40xi32, #tpu.memory_space<hbm>>
          tpu.wait_dma2 semaphore(%arg35 : memref<!tpu.dma_semaphore, #tpu.memory_space<semaphore_mem>>) src(%dma_wait3A_152 : memref<40xi32, #tpu.memory_space<hbm>>) dst(%arg22 : memref<40xi32, #tpu.memory_space<vmem>>)
          %dma_start3A_153 = arith.constant 0 : i32
          %dma_start3A_154 = arith.constant 0 : i32
          %dma_start3A_155 = tpu.memref_slice %arg2[%dma_start3A_153, %dma_start3A_154] : memref<10000x128xf32, #tpu.memory_space<hbm>> -> memref<10000x128xf32, #tpu.memory_space<hbm>>
          tpu.enqueue_indirect_dma source(%dma_start3A_155 : memref<10000x128xf32, #tpu.memory_space<hbm>>) target(%arg26 : memref<40x128xf32, #tpu.memory_space<vmem>>) offsets(%arg14 : memref<40xi32, #tpu.memory_space<vmem>>) semaphore(%arg39 : memref<!tpu.dma_semaphore, #tpu.memory_space<semaphore_mem>>)
        } else {
        }
        %add3A_142 = arith.constant 3 : i32
        %add3A_143 = arith.addi %add3A_101, %add3A_142 : i32
        %lt3A_144 = arith.constant 250 : i32
        %lt3A_145 = arith.cmpi slt, %add3A_143, %lt3A_144 : i32
        %convert_element_type3A_146 = arith.extui %lt3A_145 : i1 to i32
        %cond3A_147 = arith.constant 0 : i32
        %cond3A_148 = arith.cmpi ne, %convert_element_type3A_146, %cond3A_147 : i32
        scf.if %cond3A_148 {
          %add3A_149 = arith.constant 3 : i32
          %add3A_150 = arith.addi %add3A_101, %add3A_149 : i32
          %mul3A_151 = arith.constant 40 : i32
          %mul3A_152 = arith.muli %add3A_150, %mul3A_151 : i32
          %add3A_153 = arith.addi %mul3A_2, %mul3A_152 : i32
          %dma_start3A_154 = tpu.memref_slice %arg3[%add3A_153] : memref<320000xi32, #tpu.memory_space<hbm>> -> memref<40xi32, #tpu.memory_space<hbm>>
          %dma_start3A_155 = tpu.memref_slice %arg3[%add3A_153] : memref<320000xi32, #tpu.memory_space<hbm>> -> memref<40xi32, #tpu.memory_space<hbm>>
          tpu.enqueue_dma source(%dma_start3A_155 : memref<40xi32, #tpu.memory_space<hbm>>) target(%arg7 : memref<40xi32, #tpu.memory_space<vmem>>) target_semaphore(%arg28 : memref<!tpu.dma_semaphore, #tpu.memory_space<semaphore_mem>>)
          %dma_start3A_156 = tpu.memref_slice %arg4[%add3A_153] : memref<320000xi32, #tpu.memory_space<hbm>> -> memref<40xi32, #tpu.memory_space<hbm>>
          %dma_start3A_157 = tpu.memref_slice %arg4[%add3A_153] : memref<320000xi32, #tpu.memory_space<hbm>> -> memref<40xi32, #tpu.memory_space<hbm>>
          tpu.enqueue_dma source(%dma_start3A_157 : memref<40xi32, #tpu.memory_space<hbm>>) target(%arg15 : memref<40xi32, #tpu.memory_space<vmem>>) target_semaphore(%arg28 : memref<!tpu.dma_semaphore, #tpu.memory_space<semaphore_mem>>)
        } else {
        }
      } else {
      }
      %mul3A_107 = arith.constant 8 : i32
      %mul3A_108 = arith.muli %mul3A_107, %scan3A_55 : i32
      %add3A_109 = arith.constant 6 : i32
      %add3A_110 = arith.addi %mul3A_108, %add3A_109 : i32
      %lt3A_111 = arith.constant 250 : i32
      %lt3A_112 = arith.cmpi slt, %add3A_110, %lt3A_111 : i32
      %convert_element_type3A_113 = arith.extui %lt3A_112 : i1 to i32
      %cond3A_114 = arith.constant 0 : i32
      %cond3A_115 = arith.cmpi ne, %convert_element_type3A_113, %cond3A_114 : i32
      scf.if %cond3A_115 {
        %dma_wait3A_125 = arith.constant 0 : i32
        %dma_wait3A_126 = arith.constant 0 : i32
        %dma_wait3A_127 = tpu.memref_slice %arg2[%dma_wait3A_125, %dma_wait3A_126] : memref<10000x128xf32, #tpu.memory_space<hbm>> -> memref<10000x128xf32, #tpu.memory_space<hbm>>
        tpu.wait_indirect_dma semaphore(%arg38 : memref<!tpu.dma_semaphore, #tpu.memory_space<semaphore_mem>>) src(%dma_wait3A_127 : memref<10000x128xf32, #tpu.memory_space<hbm>>) dst(%arg25 : memref<40x128xf32, #tpu.memory_space<vmem>>)
        %dma_start3A_128 = arith.constant 0 : i32
        %dma_start3A_129 = arith.constant 0 : i32
        %dma_start3A_130 = tpu.memref_slice %arg27[%dma_start3A_128, %dma_start3A_129] : memref<10240x128xf32, #tpu.memory_space<vmem_shared>> -> memref<10240x128xf32, #tpu.memory_space<vmem_shared>>
        tpu.enqueue_indirect_dma source(%arg25 : memref<40x128xf32, #tpu.memory_space<vmem>>) target(%dma_start3A_130 : memref<10240x128xf32, #tpu.memory_space<vmem_shared>>) offsets(%arg21 : memref<40xi32, #tpu.memory_space<vmem>>) semaphore(%arg42 : memref<!tpu.dma_semaphore, #tpu.memory_space<semaphore_mem>>) {add = true}
        %ge3A = arith.constant 2 : i32
        %ge3A_131 = arith.cmpi sge, %add3A_110, %ge3A : i32
        %convert_element_type3A_132 = arith.extui %ge3A_131 : i1 to i32
        %cond3A_133 = arith.constant 0 : i32
        %cond3A_134 = arith.cmpi ne, %convert_element_type3A_132, %cond3A_133 : i32
        scf.if %cond3A_134 {
          %dma_wait3A_149 = arith.constant 0 : i32
          %dma_wait3A_150 = arith.constant 0 : i32
          %dma_wait3A_151 = tpu.memref_slice %arg27[%dma_wait3A_149, %dma_wait3A_150] : memref<10240x128xf32, #tpu.memory_space<vmem_shared>> -> memref<10240x128xf32, #tpu.memory_space<vmem_shared>>
          tpu.wait_indirect_dma semaphore(%arg40 : memref<!tpu.dma_semaphore, #tpu.memory_space<semaphore_mem>>) src(%arg23 : memref<40x128xf32, #tpu.memory_space<vmem>>) dst(%dma_wait3A_151 : memref<10240x128xf32, #tpu.memory_space<vmem_shared>>)
        } else {
        }
        %add3A_135 = arith.constant 2 : i32
        %add3A_136 = arith.addi %add3A_110, %add3A_135 : i32
        %lt3A_137 = arith.constant 250 : i32
        %lt3A_138 = arith.cmpi slt, %add3A_136, %lt3A_137 : i32
        %convert_element_type3A_139 = arith.extui %lt3A_138 : i1 to i32
        %cond3A_140 = arith.constant 0 : i32
        %cond3A_141 = arith.cmpi ne, %convert_element_type3A_139, %cond3A_140 : i32
        scf.if %cond3A_141 {
          %dma_wait3A_149 = tpu.memref_slice %arg3[%mul3A_2] : memref<320000xi32, #tpu.memory_space<hbm>> -> memref<40xi32, #tpu.memory_space<hbm>>
          %dma_wait3A_150 = tpu.memref_slice %arg3[%mul3A_2] : memref<320000xi32, #tpu.memory_space<hbm>> -> memref<40xi32, #tpu.memory_space<hbm>>
          tpu.wait_dma2 semaphore(%arg28 : memref<!tpu.dma_semaphore, #tpu.memory_space<semaphore_mem>>) src(%dma_wait3A_150 : memref<40xi32, #tpu.memory_space<hbm>>) dst(%arg7 : memref<40xi32, #tpu.memory_space<vmem>>)
          %dma_wait3A_151 = tpu.memref_slice %arg4[%mul3A_2] : memref<320000xi32, #tpu.memory_space<hbm>> -> memref<40xi32, #tpu.memory_space<hbm>>
          %dma_wait3A_152 = tpu.memref_slice %arg4[%mul3A_2] : memref<320000xi32, #tpu.memory_space<hbm>> -> memref<40xi32, #tpu.memory_space<hbm>>
          tpu.wait_dma2 semaphore(%arg28 : memref<!tpu.dma_semaphore, #tpu.memory_space<semaphore_mem>>) src(%dma_wait3A_152 : memref<40xi32, #tpu.memory_space<hbm>>) dst(%arg15 : memref<40xi32, #tpu.memory_space<vmem>>)
          %dma_start3A_153 = arith.constant 0 : i32
          %dma_start3A_154 = arith.constant 0 : i32
          %dma_start3A_155 = tpu.memref_slice %arg2[%dma_start3A_153, %dma_start3A_154] : memref<10000x128xf32, #tpu.memory_space<hbm>> -> memref<10000x128xf32, #tpu.memory_space<hbm>>
          tpu.enqueue_indirect_dma source(%dma_start3A_155 : memref<10000x128xf32, #tpu.memory_space<hbm>>) target(%arg23 : memref<40x128xf32, #tpu.memory_space<vmem>>) offsets(%arg7 : memref<40xi32, #tpu.memory_space<vmem>>) semaphore(%arg36 : memref<!tpu.dma_semaphore, #tpu.memory_space<semaphore_mem>>)
        } else {
        }
        %add3A_142 = arith.constant 3 : i32
        %add3A_143 = arith.addi %add3A_110, %add3A_142 : i32
        %lt3A_144 = arith.constant 250 : i32
        %lt3A_145 = arith.cmpi slt, %add3A_143, %lt3A_144 : i32
        %convert_element_type3A_146 = arith.extui %lt3A_145 : i1 to i32
        %cond3A_147 = arith.constant 0 : i32
        %cond3A_148 = arith.cmpi ne, %convert_element_type3A_146, %cond3A_147 : i32
        scf.if %cond3A_148 {
          %add3A_149 = arith.constant 3 : i32
          %add3A_150 = arith.addi %add3A_110, %add3A_149 : i32
          %mul3A_151 = arith.constant 40 : i32
          %mul3A_152 = arith.muli %add3A_150, %mul3A_151 : i32
          %add3A_153 = arith.addi %mul3A_2, %mul3A_152 : i32
          %dma_start3A_154 = tpu.memref_slice %arg3[%add3A_153] : memref<320000xi32, #tpu.memory_space<hbm>> -> memref<40xi32, #tpu.memory_space<hbm>>
          %dma_start3A_155 = tpu.memref_slice %arg3[%add3A_153] : memref<320000xi32, #tpu.memory_space<hbm>> -> memref<40xi32, #tpu.memory_space<hbm>>
          tpu.enqueue_dma source(%dma_start3A_155 : memref<40xi32, #tpu.memory_space<hbm>>) target(%arg8 : memref<40xi32, #tpu.memory_space<vmem>>) target_semaphore(%arg29 : memref<!tpu.dma_semaphore, #tpu.memory_space<semaphore_mem>>)
          %dma_start3A_156 = tpu.memref_slice %arg4[%add3A_153] : memref<320000xi32, #tpu.memory_space<hbm>> -> memref<40xi32, #tpu.memory_space<hbm>>
          %dma_start3A_157 = tpu.memref_slice %arg4[%add3A_153] : memref<320000xi32, #tpu.memory_space<hbm>> -> memref<40xi32, #tpu.memory_space<hbm>>
          tpu.enqueue_dma source(%dma_start3A_157 : memref<40xi32, #tpu.memory_space<hbm>>) target(%arg16 : memref<40xi32, #tpu.memory_space<vmem>>) target_semaphore(%arg29 : memref<!tpu.dma_semaphore, #tpu.memory_space<semaphore_mem>>)
        } else {
        }
      } else {
      }
      %mul3A_116 = arith.constant 8 : i32
      %mul3A_117 = arith.muli %mul3A_116, %scan3A_55 : i32
      %add3A_118 = arith.constant 7 : i32
      %add3A_119 = arith.addi %mul3A_117, %add3A_118 : i32
      %lt3A_120 = arith.constant 250 : i32
      %lt3A_121 = arith.cmpi slt, %add3A_119, %lt3A_120 : i32
      %convert_element_type3A_122 = arith.extui %lt3A_121 : i1 to i32
      %cond3A_123 = arith.constant 0 : i32
      %cond3A_124 = arith.cmpi ne, %convert_element_type3A_122, %cond3A_123 : i32
      scf.if %cond3A_124 {
        %dma_wait3A_125 = arith.constant 0 : i32
        %dma_wait3A_126 = arith.constant 0 : i32
        %dma_wait3A_127 = tpu.memref_slice %arg2[%dma_wait3A_125, %dma_wait3A_126] : memref<10000x128xf32, #tpu.memory_space<hbm>> -> memref<10000x128xf32, #tpu.memory_space<hbm>>
        tpu.wait_indirect_dma semaphore(%arg39 : memref<!tpu.dma_semaphore, #tpu.memory_space<semaphore_mem>>) src(%dma_wait3A_127 : memref<10000x128xf32, #tpu.memory_space<hbm>>) dst(%arg26 : memref<40x128xf32, #tpu.memory_space<vmem>>)
        %dma_start3A_128 = arith.constant 0 : i32
        %dma_start3A_129 = arith.constant 0 : i32
        %dma_start3A_130 = tpu.memref_slice %arg27[%dma_start3A_128, %dma_start3A_129] : memref<10240x128xf32, #tpu.memory_space<vmem_shared>> -> memref<10240x128xf32, #tpu.memory_space<vmem_shared>>
        tpu.enqueue_indirect_dma source(%arg26 : memref<40x128xf32, #tpu.memory_space<vmem>>) target(%dma_start3A_130 : memref<10240x128xf32, #tpu.memory_space<vmem_shared>>) offsets(%arg22 : memref<40xi32, #tpu.memory_space<vmem>>) semaphore(%arg43 : memref<!tpu.dma_semaphore, #tpu.memory_space<semaphore_mem>>) {add = true}
        %ge3A = arith.constant 2 : i32
        %ge3A_131 = arith.cmpi sge, %add3A_119, %ge3A : i32
        %convert_element_type3A_132 = arith.extui %ge3A_131 : i1 to i32
        %cond3A_133 = arith.constant 0 : i32
        %cond3A_134 = arith.cmpi ne, %convert_element_type3A_132, %cond3A_133 : i32
        scf.if %cond3A_134 {
          %dma_wait3A_149 = arith.constant 0 : i32
          %dma_wait3A_150 = arith.constant 0 : i32
          %dma_wait3A_151 = tpu.memref_slice %arg27[%dma_wait3A_149, %dma_wait3A_150] : memref<10240x128xf32, #tpu.memory_space<vmem_shared>> -> memref<10240x128xf32, #tpu.memory_space<vmem_shared>>
          tpu.wait_indirect_dma semaphore(%arg41 : memref<!tpu.dma_semaphore, #tpu.memory_space<semaphore_mem>>) src(%arg24 : memref<40x128xf32, #tpu.memory_space<vmem>>) dst(%dma_wait3A_151 : memref<10240x128xf32, #tpu.memory_space<vmem_shared>>)
        } else {
        }
        %add3A_135 = arith.constant 2 : i32
        %add3A_136 = arith.addi %add3A_119, %add3A_135 : i32
        %lt3A_137 = arith.constant 250 : i32
        %lt3A_138 = arith.cmpi slt, %add3A_136, %lt3A_137 : i32
        %convert_element_type3A_139 = arith.extui %lt3A_138 : i1 to i32
        %cond3A_140 = arith.constant 0 : i32
        %cond3A_141 = arith.cmpi ne, %convert_element_type3A_139, %cond3A_140 : i32
        scf.if %cond3A_141 {
          %dma_wait3A_149 = tpu.memref_slice %arg3[%mul3A_2] : memref<320000xi32, #tpu.memory_space<hbm>> -> memref<40xi32, #tpu.memory_space<hbm>>
          %dma_wait3A_150 = tpu.memref_slice %arg3[%mul3A_2] : memref<320000xi32, #tpu.memory_space<hbm>> -> memref<40xi32, #tpu.memory_space<hbm>>
          tpu.wait_dma2 semaphore(%arg29 : memref<!tpu.dma_semaphore, #tpu.memory_space<semaphore_mem>>) src(%dma_wait3A_150 : memref<40xi32, #tpu.memory_space<hbm>>) dst(%arg8 : memref<40xi32, #tpu.memory_space<vmem>>)
          %dma_wait3A_151 = tpu.memref_slice %arg4[%mul3A_2] : memref<320000xi32, #tpu.memory_space<hbm>> -> memref<40xi32, #tpu.memory_space<hbm>>
          %dma_wait3A_152 = tpu.memref_slice %arg4[%mul3A_2] : memref<320000xi32, #tpu.memory_space<hbm>> -> memref<40xi32, #tpu.memory_space<hbm>>
          tpu.wait_dma2 semaphore(%arg29 : memref<!tpu.dma_semaphore, #tpu.memory_space<semaphore_mem>>) src(%dma_wait3A_152 : memref<40xi32, #tpu.memory_space<hbm>>) dst(%arg16 : memref<40xi32, #tpu.memory_space<vmem>>)
          %dma_start3A_153 = arith.constant 0 : i32
          %dma_start3A_154 = arith.constant 0 : i32
          %dma_start3A_155 = tpu.memref_slice %arg2[%dma_start3A_153, %dma_start3A_154] : memref<10000x128xf32, #tpu.memory_space<hbm>> -> memref<10000x128xf32, #tpu.memory_space<hbm>>
          tpu.enqueue_indirect_dma source(%dma_start3A_155 : memref<10000x128xf32, #tpu.memory_space<hbm>>) target(%arg24 : memref<40x128xf32, #tpu.memory_space<vmem>>) offsets(%arg8 : memref<40xi32, #tpu.memory_space<vmem>>) semaphore(%arg37 : memref<!tpu.dma_semaphore, #tpu.memory_space<semaphore_mem>>)
        } else {
        }
        %add3A_142 = arith.constant 3 : i32
        %add3A_143 = arith.addi %add3A_119, %add3A_142 : i32
        %lt3A_144 = arith.constant 250 : i32
        %lt3A_145 = arith.cmpi slt, %add3A_143, %lt3A_144 : i32
        %convert_element_type3A_146 = arith.extui %lt3A_145 : i1 to i32
        %cond3A_147 = arith.constant 0 : i32
        %cond3A_148 = arith.cmpi ne, %convert_element_type3A_146, %cond3A_147 : i32
        scf.if %cond3A_148 {
          %add3A_149 = arith.constant 3 : i32
          %add3A_150 = arith.addi %add3A_119, %add3A_149 : i32
          %mul3A_151 = arith.constant 40 : i32
          %mul3A_152 = arith.muli %add3A_150, %mul3A_151 : i32
          %add3A_153 = arith.addi %mul3A_2, %mul3A_152 : i32
          %dma_start3A_154 = tpu.memref_slice %arg3[%add3A_153] : memref<320000xi32, #tpu.memory_space<hbm>> -> memref<40xi32, #tpu.memory_space<hbm>>
          %dma_start3A_155 = tpu.memref_slice %arg3[%add3A_153] : memref<320000xi32, #tpu.memory_space<hbm>> -> memref<40xi32, #tpu.memory_space<hbm>>
          tpu.enqueue_dma source(%dma_start3A_155 : memref<40xi32, #tpu.memory_space<hbm>>) target(%arg9 : memref<40xi32, #tpu.memory_space<vmem>>) target_semaphore(%arg30 : memref<!tpu.dma_semaphore, #tpu.memory_space<semaphore_mem>>)
          %dma_start3A_156 = tpu.memref_slice %arg4[%add3A_153] : memref<320000xi32, #tpu.memory_space<hbm>> -> memref<40xi32, #tpu.memory_space<hbm>>
          %dma_start3A_157 = tpu.memref_slice %arg4[%add3A_153] : memref<320000xi32, #tpu.memory_space<hbm>> -> memref<40xi32, #tpu.memory_space<hbm>>
          tpu.enqueue_dma source(%dma_start3A_157 : memref<40xi32, #tpu.memory_space<hbm>>) target(%arg17 : memref<40xi32, #tpu.memory_space<vmem>>) target_semaphore(%arg30 : memref<!tpu.dma_semaphore, #tpu.memory_space<semaphore_mem>>)
        } else {
        }
      } else {
      }
    }
    %scan3A_43 = arith.constant 32 : i32
    %dma_wait3A_44 = arith.constant 0 : i32
    %dma_wait3A_45 = arith.constant 0 : i32
    %dma_wait3A_46 = tpu.memref_slice %arg27[%dma_wait3A_44, %dma_wait3A_45] : memref<10240x128xf32, #tpu.memory_space<vmem_shared>> -> memref<10240x128xf32, #tpu.memory_space<vmem_shared>>
    tpu.wait_indirect_dma semaphore(%arg40 : memref<!tpu.dma_semaphore, #tpu.memory_space<semaphore_mem>>) src(%arg23 : memref<40x128xf32, #tpu.memory_space<vmem>>) dst(%dma_wait3A_46 : memref<10240x128xf32, #tpu.memory_space<vmem_shared>>)
    %dma_wait3A_47 = arith.constant 0 : i32
    %dma_wait3A_48 = arith.constant 0 : i32
    %dma_wait3A_49 = tpu.memref_slice %arg27[%dma_wait3A_47, %dma_wait3A_48] : memref<10240x128xf32, #tpu.memory_space<vmem_shared>> -> memref<10240x128xf32, #tpu.memory_space<vmem_shared>>
    tpu.wait_indirect_dma semaphore(%arg41 : memref<!tpu.dma_semaphore, #tpu.memory_space<semaphore_mem>>) src(%arg24 : memref<40x128xf32, #tpu.memory_space<vmem>>) dst(%dma_wait3A_49 : memref<10240x128xf32, #tpu.memory_space<vmem_shared>>)
    %barrier3A_50 = arith.constant 0 : index
    tpu.barrier barrier_id(%barrier3A_50)
    %mul3A_51 = arith.constant 640 : i32
    %mul3A_52 = arith.muli %arg1, %mul3A_51 : i32
    %mul3A_53 = arith.constant 640 : i32
    %mul3A_54 = arith.muli %arg1, %mul3A_53 : i32
    "tpu.region"() ({
      %run_scoped3A = tpu.sem_alloc : memref<!tpu.dma_semaphore, #tpu.memory_space<semaphore_mem>>
      %dma_start3A_55 = arith.constant 0 : i32
      %dma_start3A_56 = tpu.memref_slice %arg6[%arg0, %mul3A_54, %dma_start3A_55] : memref<2x10240x128xf32, #tpu.memory_space<hbm>> -> memref<1x640x128xf32, #tpu.memory_space<hbm>>
      %dma_start3A_57 = tpu.memref_squeeze %dma_start3A_56 : memref<1x640x128xf32, #tpu.memory_space<hbm>> -> memref<640x128xf32, #tpu.memory_space<hbm>>
      %dma_start3A_58 = arith.constant 0 : i32
      %dma_start3A_59 = tpu.memref_slice %arg27[%mul3A_52, %dma_start3A_58] : memref<10240x128xf32, #tpu.memory_space<vmem_shared>> -> memref<640x128xf32, #tpu.memory_space<vmem_shared>>
      tpu.enqueue_dma source(%dma_start3A_59 : memref<640x128xf32, #tpu.memory_space<vmem_shared>>) target(%dma_start3A_57 : memref<640x128xf32, #tpu.memory_space<hbm>>) target_semaphore(%run_scoped3A : memref<!tpu.dma_semaphore, #tpu.memory_space<semaphore_mem>>)
      %dma_wait3A_60 = arith.constant 0 : i32
      %dma_wait3A_61 = tpu.memref_slice %arg6[%arg0, %mul3A_54, %dma_wait3A_60] : memref<2x10240x128xf32, #tpu.memory_space<hbm>> -> memref<1x640x128xf32, #tpu.memory_space<hbm>>
      %dma_wait3A_62 = tpu.memref_squeeze %dma_wait3A_61 : memref<1x640x128xf32, #tpu.memory_space<hbm>> -> memref<640x128xf32, #tpu.memory_space<hbm>>
      %dma_wait3A_63 = arith.constant 0 : i32
      %dma_wait3A_64 = tpu.memref_slice %arg27[%mul3A_52, %dma_wait3A_63] : memref<10240x128xf32, #tpu.memory_space<vmem_shared>> -> memref<640x128xf32, #tpu.memory_space<vmem_shared>>
      tpu.wait_dma2 semaphore(%run_scoped3A : memref<!tpu.dma_semaphore, #tpu.memory_space<semaphore_mem>>) src(%dma_wait3A_64 : memref<640x128xf32, #tpu.memory_space<vmem_shared>>) dst(%dma_wait3A_62 : memref<640x128xf32, #tpu.memory_space<hbm>>)
      tpu.yield
    }) : () -> ()
    return
  }
}

#map = affine_map<(d0, d1) -> (0, 0)>
#map1 = affine_map<(d0, d1) -> (0)>
#map2 = affine_map<(d0, d1) -> (0, 0, 0)>
module attributes {stable_mosaic.version = 14 : i64} {
  func.func @seg_sum(%arg0: i32, %arg1: i32, %arg2: memref<10000x128xf32, #tpu.memory_space<hbm>>, %arg3: memref<320000xi32, #tpu.memory_space<hbm>>, %arg4: memref<320000xi32, #tpu.memory_space<hbm>>, %arg5: memref<640x128xf32, #tpu.memory_space<hbm>>, %arg6: memref<2x10240x128xf32, #tpu.memory_space<hbm>>, %arg7: memref<40xi32, #tpu.memory_space<vmem>>, %arg8: memref<40xi32, #tpu.memory_space<vmem>>, %arg9: memref<40xi32, #tpu.memory_space<vmem>>, %arg10: memref<40xi32, #tpu.memory_space<vmem>>, %arg11: memref<40xi32, #tpu.memory_space<vmem>>, %arg12: memref<40xi32, #tpu.memory_space<vmem>>, %arg13: memref<40xi32, #tpu.memory_space<vmem>>, %arg14: memref<40xi32, #tpu.memory_space<vmem>>, %arg15: memref<40xi32, #tpu.memory_space<vmem>>, %arg16: memref<40xi32, #tpu.memory_space<vmem>>, %arg17: memref<40xi32, #tpu.memory_space<vmem>>, %arg18: memref<40xi32, #tpu.memory_space<vmem>>, %arg19: memref<40xi32, #tpu.memory_space<vmem>>, %arg20: memref<40xi32, #tpu.memory_space<vmem>>, %arg21: memref<40xi32, #tpu.memory_space<vmem>>, %arg22: memref<40xi32, #tpu.memory_space<vmem>>, %arg23: memref<40x128xf32, #tpu.memory_space<vmem>>, %arg24: memref<40x128xf32, #tpu.memory_space<vmem>>, %arg25: memref<40x128xf32, #tpu.memory_space<vmem>>, %arg26: memref<40x128xf32, #tpu.memory_space<vmem>>, %arg27: memref<10240x128xf32, #tpu.memory_space<vmem_shared>>, %arg28: memref<!tpu.dma_semaphore, #tpu.memory_space<semaphore_mem>>, %arg29: memref<!tpu.dma_semaphore, #tpu.memory_space<semaphore_mem>>, %arg30: memref<!tpu.dma_semaphore, #tpu.memory_space<semaphore_mem>>, %arg31: memref<!tpu.dma_semaphore, #tpu.memory_space<semaphore_mem>>, %arg32: memref<!tpu.dma_semaphore, #tpu.memory_space<semaphore_mem>>, %arg33: memref<!tpu.dma_semaphore, #tpu.memory_space<semaphore_mem>>, %arg34: memref<!tpu.dma_semaphore, #tpu.memory_space<semaphore_mem>>, %arg35: memref<!tpu.dma_semaphore, #tpu.memory_space<semaphore_mem>>, %arg36: memref<!tpu.dma_semaphore, #tpu.memory_space<semaphore_mem>>, %arg37: memref<!tpu.dma_semaphore, #tpu.memory_space<semaphore_mem>>, %arg38: memref<!tpu.dma_semaphore, #tpu.memory_space<semaphore_mem>>, %arg39: memref<!tpu.dma_semaphore, #tpu.memory_space<semaphore_mem>>, %arg40: memref<!tpu.dma_semaphore, #tpu.memory_space<semaphore_mem>>, %arg41: memref<!tpu.dma_semaphore, #tpu.memory_space<semaphore_mem>>, %arg42: memref<!tpu.dma_semaphore, #tpu.memory_space<semaphore_mem>>, %arg43: memref<!tpu.dma_semaphore, #tpu.memory_space<semaphore_mem>>, %arg44: memref<!tpu.dma_semaphore, #tpu.memory_space<semaphore_mem>>) attributes {dimension_semantics = [#tpu.dimension_semantics<core_parallel>, #tpu.dimension_semantics<subcore_parallel>], iteration_bounds = array<i64: 2, 16>, scalar_prefetch = 0 : i64, scratch_operands = 38 : i64, tpu.core_type = #tpu.core_type<sc_vector_subcore>, window_params = [{transform_indices = #map}, {transform_indices = #map1}, {transform_indices = #map1}, {transform_indices = #map}, {transform_indices = #map2}]} {
    %mul3A = arith.constant 16 : i32
    %mul3A_0 = arith.muli %arg0, %mul3A : i32
    %add3A = arith.addi %mul3A_0, %arg1 : i32
    %mul3A_1 = arith.constant 10000 : i32
    %mul3A_2 = arith.muli %add3A, %mul3A_1 : i32
    %mul3A_3 = arith.constant 640 : i32
    %mul3A_4 = arith.muli %arg1, %mul3A_3 : i32
    %dma_start3A = arith.constant 0 : i32
    %dma_start3A_5 = tpu.memref_slice %arg27[%mul3A_4, %dma_start3A] : memref<10240x128xf32, #tpu.memory_space<vmem_shared>> -> memref<640x128xf32, #tpu.memory_space<vmem_shared>>
    tpu.enqueue_dma source(%arg5 : memref<640x128xf32, #tpu.memory_space<hbm>>) target(%dma_start3A_5 : memref<640x128xf32, #tpu.memory_space<vmem_shared>>) target_semaphore(%arg44 : memref<!tpu.dma_semaphore, #tpu.memory_space<semaphore_mem>>)
    %add3A_6 = arith.constant 0 : i32
    %add3A_7 = arith.addi %mul3A_2, %add3A_6 : i32
    %dma_start3A_8 = tpu.memref_slice %arg3[%add3A_7] : memref<320000xi32, #tpu.memory_space<hbm>> -> memref<40xi32, #tpu.memory_space<hbm>>
    %dma_start3A_9 = tpu.memref_slice %arg3[%add3A_7] : memref<320000xi32, #tpu.memory_space<hbm>> -> memref<40xi32, #tpu.memory_space<hbm>>
    tpu.enqueue_dma source(%dma_start3A_9 : memref<40xi32, #tpu.memory_space<hbm>>) target(%arg7 : memref<40xi32, #tpu.memory_space<vmem>>) target_semaphore(%arg28 : memref<!tpu.dma_semaphore, #tpu.memory_space<semaphore_mem>>)
    %dma_start3A_10 = tpu.memref_slice %arg4[%add3A_7] : memref<320000xi32, #tpu.memory_space<hbm>> -> memref<40xi32, #tpu.memory_space<hbm>>
    %dma_start3A_11 = tpu.memref_slice %arg4[%add3A_7] : memref<320000xi32, #tpu.memory_space<hbm>> -> memref<40xi32, #tpu.memory_space<hbm>>
    tpu.enqueue_dma source(%dma_start3A_11 : memref<40xi32, #tpu.memory_space<hbm>>) target(%arg15 : memref<40xi32, #tpu.memory_space<vmem>>) target_semaphore(%arg28 : memref<!tpu.dma_semaphore, #tpu.memory_space<semaphore_mem>>)
    %add3A_12 = arith.constant 40 : i32
    %add3A_13 = arith.addi %mul3A_2, %add3A_12 : i32
    %dma_start3A_14 = tpu.memref_slice %arg3[%add3A_13] : memref<320000xi32, #tpu.memory_space<hbm>> -> memref<40xi32, #tpu.memory_space<hbm>>
    %dma_start3A_15 = tpu.memref_slice %arg3[%add3A_13] : memref<320000xi32, #tpu.memory_space<hbm>> -> memref<40xi32, #tpu.memory_space<hbm>>
    tpu.enqueue_dma source(%dma_start3A_15 : memref<40xi32, #tpu.memory_space<hbm>>) target(%arg8 : memref<40xi32, #tpu.memory_space<vmem>>) target_semaphore(%arg29 : memref<!tpu.dma_semaphore, #tpu.memory_space<semaphore_mem>>)
    %dma_start3A_16 = tpu.memref_slice %arg4[%add3A_13] : memref<320000xi32, #tpu.memory_space<hbm>> -> memref<40xi32, #tpu.memory_space<hbm>>
    %dma_start3A_17 = tpu.memref_slice %arg4[%add3A_13] : memref<320000xi32, #tpu.memory_space<hbm>> -> memref<40xi32, #tpu.memory_space<hbm>>
    tpu.enqueue_dma source(%dma_start3A_17 : memref<40xi32, #tpu.memory_space<hbm>>) target(%arg16 : memref<40xi32, #tpu.memory_space<vmem>>) target_semaphore(%arg29 : memref<!tpu.dma_semaphore, #tpu.memory_space<semaphore_mem>>)
    %add3A_18 = arith.constant 80 : i32
    %add3A_19 = arith.addi %mul3A_2, %add3A_18 : i32
    %dma_start3A_20 = tpu.memref_slice %arg3[%add3A_19] : memref<320000xi32, #tpu.memory_space<hbm>> -> memref<40xi32, #tpu.memory_space<hbm>>
    %dma_start3A_21 = tpu.memref_slice %arg3[%add3A_19] : memref<320000xi32, #tpu.memory_space<hbm>> -> memref<40xi32, #tpu.memory_space<hbm>>
    tpu.enqueue_dma source(%dma_start3A_21 : memref<40xi32, #tpu.memory_space<hbm>>) target(%arg9 : memref<40xi32, #tpu.memory_space<vmem>>) target_semaphore(%arg30 : memref<!tpu.dma_semaphore, #tpu.memory_space<semaphore_mem>>)
    %dma_start3A_22 = tpu.memref_slice %arg4[%add3A_19] : memref<320000xi32, #tpu.memory_space<hbm>> -> memref<40xi32, #tpu.memory_space<hbm>>
    %dma_start3A_23 = tpu.memref_slice %arg4[%add3A_19] : memref<320000xi32, #tpu.memory_space<hbm>> -> memref<40xi32, #tpu.memory_space<hbm>>
    tpu.enqueue_dma source(%dma_start3A_23 : memref<40xi32, #tpu.memory_space<hbm>>) target(%arg17 : memref<40xi32, #tpu.memory_space<vmem>>) target_semaphore(%arg30 : memref<!tpu.dma_semaphore, #tpu.memory_space<semaphore_mem>>)
    %dma_wait3A = tpu.memref_slice %arg3[%mul3A_2] : memref<320000xi32, #tpu.memory_space<hbm>> -> memref<40xi32, #tpu.memory_space<hbm>>
    %dma_wait3A_24 = tpu.memref_slice %arg3[%mul3A_2] : memref<320000xi32, #tpu.memory_space<hbm>> -> memref<40xi32, #tpu.memory_space<hbm>>
    tpu.wait_dma2 semaphore(%arg28 : memref<!tpu.dma_semaphore, #tpu.memory_space<semaphore_mem>>) src(%dma_wait3A_24 : memref<40xi32, #tpu.memory_space<hbm>>) dst(%arg7 : memref<40xi32, #tpu.memory_space<vmem>>)
    %dma_wait3A_25 = tpu.memref_slice %arg4[%mul3A_2] : memref<320000xi32, #tpu.memory_space<hbm>> -> memref<40xi32, #tpu.memory_space<hbm>>
    %dma_wait3A_26 = tpu.memref_slice %arg4[%mul3A_2] : memref<320000xi32, #tpu.memory_space<hbm>> -> memref<40xi32, #tpu.memory_space<hbm>>
    tpu.wait_dma2 semaphore(%arg28 : memref<!tpu.dma_semaphore, #tpu.memory_space<semaphore_mem>>) src(%dma_wait3A_26 : memref<40xi32, #tpu.memory_space<hbm>>) dst(%arg15 : memref<40xi32, #tpu.memory_space<vmem>>)
    %dma_start3A_27 = arith.constant 0 : i32
    %dma_start3A_28 = arith.constant 0 : i32
    %dma_start3A_29 = tpu.memref_slice %arg2[%dma_start3A_27, %dma_start3A_28] : memref<10000x128xf32, #tpu.memory_space<hbm>> -> memref<10000x128xf32, #tpu.memory_space<hbm>>
    tpu.enqueue_indirect_dma source(%dma_start3A_29 : memref<10000x128xf32, #tpu.memory_space<hbm>>) target(%arg23 : memref<40x128xf32, #tpu.memory_space<vmem>>) offsets(%arg7 : memref<40xi32, #tpu.memory_space<vmem>>) semaphore(%arg36 : memref<!tpu.dma_semaphore, #tpu.memory_space<semaphore_mem>>)
    %dma_wait3A_30 = tpu.memref_slice %arg3[%mul3A_2] : memref<320000xi32, #tpu.memory_space<hbm>> -> memref<40xi32, #tpu.memory_space<hbm>>
    %dma_wait3A_31 = tpu.memref_slice %arg3[%mul3A_2] : memref<320000xi32, #tpu.memory_space<hbm>> -> memref<40xi32, #tpu.memory_space<hbm>>
    tpu.wait_dma2 semaphore(%arg29 : memref<!tpu.dma_semaphore, #tpu.memory_space<semaphore_mem>>) src(%dma_wait3A_31 : memref<40xi32, #tpu.memory_space<hbm>>) dst(%arg8 : memref<40xi32, #tpu.memory_space<vmem>>)
    %dma_wait3A_32 = tpu.memref_slice %arg4[%mul3A_2] : memref<320000xi32, #tpu.memory_space<hbm>> -> memref<40xi32, #tpu.memory_space<hbm>>
    %dma_wait3A_33 = tpu.memref_slice %arg4[%mul3A_2] : memref<320000xi32, #tpu.memory_space<hbm>> -> memref<40xi32, #tpu.memory_space<hbm>>
    tpu.wait_dma2 semaphore(%arg29 : memref<!tpu.dma_semaphore, #tpu.memory_space<semaphore_mem>>) src(%dma_wait3A_33 : memref<40xi32, #tpu.memory_space<hbm>>) dst(%arg16 : memref<40xi32, #tpu.memory_space<vmem>>)
    %dma_start3A_34 = arith.constant 0 : i32
    %dma_start3A_35 = arith.constant 0 : i32
    %dma_start3A_36 = tpu.memref_slice %arg2[%dma_start3A_34, %dma_start3A_35] : memref<10000x128xf32, #tpu.memory_space<hbm>> -> memref<10000x128xf32, #tpu.memory_space<hbm>>
    tpu.enqueue_indirect_dma source(%dma_start3A_36 : memref<10000x128xf32, #tpu.memory_space<hbm>>) target(%arg24 : memref<40x128xf32, #tpu.memory_space<vmem>>) offsets(%arg8 : memref<40xi32, #tpu.memory_space<vmem>>) semaphore(%arg37 : memref<!tpu.dma_semaphore, #tpu.memory_space<semaphore_mem>>)
    %dma_wait3A_37 = arith.constant 0 : i32
    %dma_wait3A_38 = tpu.memref_slice %arg27[%mul3A_4, %dma_wait3A_37] : memref<10240x128xf32, #tpu.memory_space<vmem_shared>> -> memref<640x128xf32, #tpu.memory_space<vmem_shared>>
    tpu.wait_dma2 semaphore(%arg44 : memref<!tpu.dma_semaphore, #tpu.memory_space<semaphore_mem>>) src(%arg5 : memref<640x128xf32, #tpu.memory_space<hbm>>) dst(%dma_wait3A_38 : memref<640x128xf32, #tpu.memory_space<vmem_shared>>)
    %barrier3A = arith.constant 0 : index
    tpu.barrier barrier_id(%barrier3A)
    %scan3A = arith.constant 0 : i32
    %scan3A_39 = arith.constant 0 : i32
    %scan3A_40 = arith.constant 32 : i32
    %scan3A_41 = arith.addi %scan3A_39, %scan3A_40 : i32
    %scan3A_42 = arith.constant 1 : i32
    scf.for %scan3A_55 = %scan3A_39 to %scan3A_41 step %scan3A_42  : i32 {
      %mul3A_56 = arith.constant 8 : i32
      %mul3A_57 = arith.muli %mul3A_56, %scan3A_55 : i32
      %add3A_58 = arith.constant 0 : i32
      %add3A_59 = arith.addi %mul3A_57, %add3A_58 : i32
      %lt3A = arith.constant 250 : i32
      %lt3A_60 = arith.cmpi slt, %add3A_59, %lt3A : i32
      %convert_element_type3A = arith.extui %lt3A_60 : i1 to i32
      %cond3A = arith.constant 0 : i32
      %cond3A_61 = arith.cmpi ne, %convert_element_type3A, %cond3A : i32
      scf.if %cond3A_61 {
        %dma_wait3A_125 = arith.constant 0 : i32
        %dma_wait3A_126 = arith.constant 0 : i32
        %dma_wait3A_127 = tpu.memref_slice %arg2[%dma_wait3A_125, %dma_wait3A_126] : memref<10000x128xf32, #tpu.memory_space<hbm>> -> memref<10000x128xf32, #tpu.memory_space<hbm>>
        tpu.wait_indirect_dma semaphore(%arg36 : memref<!tpu.dma_semaphore, #tpu.memory_space<semaphore_mem>>) src(%dma_wait3A_127 : memref<10000x128xf32, #tpu.memory_space<hbm>>) dst(%arg23 : memref<40x128xf32, #tpu.memory_space<vmem>>)
        %dma_start3A_128 = arith.constant 0 : i32
        %dma_start3A_129 = arith.constant 0 : i32
        %dma_start3A_130 = tpu.memref_slice %arg27[%dma_start3A_128, %dma_start3A_129] : memref<10240x128xf32, #tpu.memory_space<vmem_shared>> -> memref<10240x128xf32, #tpu.memory_space<vmem_shared>>
        tpu.enqueue_indirect_dma source(%arg23 : memref<40x128xf32, #tpu.memory_space<vmem>>) target(%dma_start3A_130 : memref<10240x128xf32, #tpu.memory_space<vmem_shared>>) offsets(%arg15 : memref<40xi32, #tpu.memory_space<vmem>>) semaphore(%arg40 : memref<!tpu.dma_semaphore, #tpu.memory_space<semaphore_mem>>) {add = true}
        %ge3A = arith.constant 2 : i32
        %ge3A_131 = arith.cmpi sge, %add3A_59, %ge3A : i32
        %convert_element_type3A_132 = arith.extui %ge3A_131 : i1 to i32
        %cond3A_133 = arith.constant 0 : i32
        %cond3A_134 = arith.cmpi ne, %convert_element_type3A_132, %cond3A_133 : i32
        scf.if %cond3A_134 {
          %dma_wait3A_149 = arith.constant 0 : i32
          %dma_wait3A_150 = arith.constant 0 : i32
          %dma_wait3A_151 = tpu.memref_slice %arg27[%dma_wait3A_149, %dma_wait3A_150] : memref<10240x128xf32, #tpu.memory_space<vmem_shared>> -> memref<10240x128xf32, #tpu.memory_space<vmem_shared>>
          tpu.wait_indirect_dma semaphore(%arg42 : memref<!tpu.dma_semaphore, #tpu.memory_space<semaphore_mem>>) src(%arg25 : memref<40x128xf32, #tpu.memory_space<vmem>>) dst(%dma_wait3A_151 : memref<10240x128xf32, #tpu.memory_space<vmem_shared>>)
        } else {
        }
        %add3A_135 = arith.constant 2 : i32
        %add3A_136 = arith.addi %add3A_59, %add3A_135 : i32
        %lt3A_137 = arith.constant 250 : i32
        %lt3A_138 = arith.cmpi slt, %add3A_136, %lt3A_137 : i32
        %convert_element_type3A_139 = arith.extui %lt3A_138 : i1 to i32
        %cond3A_140 = arith.constant 0 : i32
        %cond3A_141 = arith.cmpi ne, %convert_element_type3A_139, %cond3A_140 : i32
        scf.if %cond3A_141 {
          %dma_wait3A_149 = tpu.memref_slice %arg3[%mul3A_2] : memref<320000xi32, #tpu.memory_space<hbm>> -> memref<40xi32, #tpu.memory_space<hbm>>
          %dma_wait3A_150 = tpu.memref_slice %arg3[%mul3A_2] : memref<320000xi32, #tpu.memory_space<hbm>> -> memref<40xi32, #tpu.memory_space<hbm>>
          tpu.wait_dma2 semaphore(%arg30 : memref<!tpu.dma_semaphore, #tpu.memory_space<semaphore_mem>>) src(%dma_wait3A_150 : memref<40xi32, #tpu.memory_space<hbm>>) dst(%arg9 : memref<40xi32, #tpu.memory_space<vmem>>)
          %dma_wait3A_151 = tpu.memref_slice %arg4[%mul3A_2] : memref<320000xi32, #tpu.memory_space<hbm>> -> memref<40xi32, #tpu.memory_space<hbm>>
          %dma_wait3A_152 = tpu.memref_slice %arg4[%mul3A_2] : memref<320000xi32, #tpu.memory_space<hbm>> -> memref<40xi32, #tpu.memory_space<hbm>>
          tpu.wait_dma2 semaphore(%arg30 : memref<!tpu.dma_semaphore, #tpu.memory_space<semaphore_mem>>) src(%dma_wait3A_152 : memref<40xi32, #tpu.memory_space<hbm>>) dst(%arg17 : memref<40xi32, #tpu.memory_space<vmem>>)
          %dma_start3A_153 = arith.constant 0 : i32
          %dma_start3A_154 = arith.constant 0 : i32
          %dma_start3A_155 = tpu.memref_slice %arg2[%dma_start3A_153, %dma_start3A_154] : memref<10000x128xf32, #tpu.memory_space<hbm>> -> memref<10000x128xf32, #tpu.memory_space<hbm>>
          tpu.enqueue_indirect_dma source(%dma_start3A_155 : memref<10000x128xf32, #tpu.memory_space<hbm>>) target(%arg25 : memref<40x128xf32, #tpu.memory_space<vmem>>) offsets(%arg9 : memref<40xi32, #tpu.memory_space<vmem>>) semaphore(%arg38 : memref<!tpu.dma_semaphore, #tpu.memory_space<semaphore_mem>>)
        } else {
        }
        %add3A_142 = arith.constant 3 : i32
        %add3A_143 = arith.addi %add3A_59, %add3A_142 : i32
        %lt3A_144 = arith.constant 250 : i32
        %lt3A_145 = arith.cmpi slt, %add3A_143, %lt3A_144 : i32
        %convert_element_type3A_146 = arith.extui %lt3A_145 : i1 to i32
        %cond3A_147 = arith.constant 0 : i32
        %cond3A_148 = arith.cmpi ne, %convert_element_type3A_146, %cond3A_147 : i32
        scf.if %cond3A_148 {
          %add3A_149 = arith.constant 3 : i32
          %add3A_150 = arith.addi %add3A_59, %add3A_149 : i32
          %mul3A_151 = arith.constant 40 : i32
          %mul3A_152 = arith.muli %add3A_150, %mul3A_151 : i32
          %add3A_153 = arith.addi %mul3A_2, %mul3A_152 : i32
          %dma_start3A_154 = tpu.memref_slice %arg3[%add3A_153] : memref<320000xi32, #tpu.memory_space<hbm>> -> memref<40xi32, #tpu.memory_space<hbm>>
          %dma_start3A_155 = tpu.memref_slice %arg3[%add3A_153] : memref<320000xi32, #tpu.memory_space<hbm>> -> memref<40xi32, #tpu.memory_space<hbm>>
          tpu.enqueue_dma source(%dma_start3A_155 : memref<40xi32, #tpu.memory_space<hbm>>) target(%arg10 : memref<40xi32, #tpu.memory_space<vmem>>) target_semaphore(%arg31 : memref<!tpu.dma_semaphore, #tpu.memory_space<semaphore_mem>>)
          %dma_start3A_156 = tpu.memref_slice %arg4[%add3A_153] : memref<320000xi32, #tpu.memory_space<hbm>> -> memref<40xi32, #tpu.memory_space<hbm>>
          %dma_start3A_157 = tpu.memref_slice %arg4[%add3A_153] : memref<320000xi32, #tpu.memory_space<hbm>> -> memref<40xi32, #tpu.memory_space<hbm>>
          tpu.enqueue_dma source(%dma_start3A_157 : memref<40xi32, #tpu.memory_space<hbm>>) target(%arg18 : memref<40xi32, #tpu.memory_space<vmem>>) target_semaphore(%arg31 : memref<!tpu.dma_semaphore, #tpu.memory_space<semaphore_mem>>)
        } else {
        }
      } else {
      }
      %mul3A_62 = arith.constant 8 : i32
      %mul3A_63 = arith.muli %mul3A_62, %scan3A_55 : i32
      %add3A_64 = arith.constant 1 : i32
      %add3A_65 = arith.addi %mul3A_63, %add3A_64 : i32
      %lt3A_66 = arith.constant 250 : i32
      %lt3A_67 = arith.cmpi slt, %add3A_65, %lt3A_66 : i32
      %convert_element_type3A_68 = arith.extui %lt3A_67 : i1 to i32
      %cond3A_69 = arith.constant 0 : i32
      %cond3A_70 = arith.cmpi ne, %convert_element_type3A_68, %cond3A_69 : i32
      scf.if %cond3A_70 {
        %dma_wait3A_125 = arith.constant 0 : i32
        %dma_wait3A_126 = arith.constant 0 : i32
        %dma_wait3A_127 = tpu.memref_slice %arg2[%dma_wait3A_125, %dma_wait3A_126] : memref<10000x128xf32, #tpu.memory_space<hbm>> -> memref<10000x128xf32, #tpu.memory_space<hbm>>
        tpu.wait_indirect_dma semaphore(%arg37 : memref<!tpu.dma_semaphore, #tpu.memory_space<semaphore_mem>>) src(%dma_wait3A_127 : memref<10000x128xf32, #tpu.memory_space<hbm>>) dst(%arg24 : memref<40x128xf32, #tpu.memory_space<vmem>>)
        %dma_start3A_128 = arith.constant 0 : i32
        %dma_start3A_129 = arith.constant 0 : i32
        %dma_start3A_130 = tpu.memref_slice %arg27[%dma_start3A_128, %dma_start3A_129] : memref<10240x128xf32, #tpu.memory_space<vmem_shared>> -> memref<10240x128xf32, #tpu.memory_space<vmem_shared>>
        tpu.enqueue_indirect_dma source(%arg24 : memref<40x128xf32, #tpu.memory_space<vmem>>) target(%dma_start3A_130 : memref<10240x128xf32, #tpu.memory_space<vmem_shared>>) offsets(%arg16 : memref<40xi32, #tpu.memory_space<vmem>>) semaphore(%arg41 : memref<!tpu.dma_semaphore, #tpu.memory_space<semaphore_mem>>) {add = true}
        %ge3A = arith.constant 2 : i32
        %ge3A_131 = arith.cmpi sge, %add3A_65, %ge3A : i32
        %convert_element_type3A_132 = arith.extui %ge3A_131 : i1 to i32
        %cond3A_133 = arith.constant 0 : i32
        %cond3A_134 = arith.cmpi ne, %convert_element_type3A_132, %cond3A_133 : i32
        scf.if %cond3A_134 {
          %dma_wait3A_149 = arith.constant 0 : i32
          %dma_wait3A_150 = arith.constant 0 : i32
          %dma_wait3A_151 = tpu.memref_slice %arg27[%dma_wait3A_149, %dma_wait3A_150] : memref<10240x128xf32, #tpu.memory_space<vmem_shared>> -> memref<10240x128xf32, #tpu.memory_space<vmem_shared>>
          tpu.wait_indirect_dma semaphore(%arg43 : memref<!tpu.dma_semaphore, #tpu.memory_space<semaphore_mem>>) src(%arg26 : memref<40x128xf32, #tpu.memory_space<vmem>>) dst(%dma_wait3A_151 : memref<10240x128xf32, #tpu.memory_space<vmem_shared>>)
        } else {
        }
        %add3A_135 = arith.constant 2 : i32
        %add3A_136 = arith.addi %add3A_65, %add3A_135 : i32
        %lt3A_137 = arith.constant 250 : i32
        %lt3A_138 = arith.cmpi slt, %add3A_136, %lt3A_137 : i32
        %convert_element_type3A_139 = arith.extui %lt3A_138 : i1 to i32
        %cond3A_140 = arith.constant 0 : i32
        %cond3A_141 = arith.cmpi ne, %convert_element_type3A_139, %cond3A_140 : i32
        scf.if %cond3A_141 {
          %dma_wait3A_149 = tpu.memref_slice %arg3[%mul3A_2] : memref<320000xi32, #tpu.memory_space<hbm>> -> memref<40xi32, #tpu.memory_space<hbm>>
          %dma_wait3A_150 = tpu.memref_slice %arg3[%mul3A_2] : memref<320000xi32, #tpu.memory_space<hbm>> -> memref<40xi32, #tpu.memory_space<hbm>>
          tpu.wait_dma2 semaphore(%arg31 : memref<!tpu.dma_semaphore, #tpu.memory_space<semaphore_mem>>) src(%dma_wait3A_150 : memref<40xi32, #tpu.memory_space<hbm>>) dst(%arg10 : memref<40xi32, #tpu.memory_space<vmem>>)
          %dma_wait3A_151 = tpu.memref_slice %arg4[%mul3A_2] : memref<320000xi32, #tpu.memory_space<hbm>> -> memref<40xi32, #tpu.memory_space<hbm>>
          %dma_wait3A_152 = tpu.memref_slice %arg4[%mul3A_2] : memref<320000xi32, #tpu.memory_space<hbm>> -> memref<40xi32, #tpu.memory_space<hbm>>
          tpu.wait_dma2 semaphore(%arg31 : memref<!tpu.dma_semaphore, #tpu.memory_space<semaphore_mem>>) src(%dma_wait3A_152 : memref<40xi32, #tpu.memory_space<hbm>>) dst(%arg18 : memref<40xi32, #tpu.memory_space<vmem>>)
          %dma_start3A_153 = arith.constant 0 : i32
          %dma_start3A_154 = arith.constant 0 : i32
          %dma_start3A_155 = tpu.memref_slice %arg2[%dma_start3A_153, %dma_start3A_154] : memref<10000x128xf32, #tpu.memory_space<hbm>> -> memref<10000x128xf32, #tpu.memory_space<hbm>>
          tpu.enqueue_indirect_dma source(%dma_start3A_155 : memref<10000x128xf32, #tpu.memory_space<hbm>>) target(%arg26 : memref<40x128xf32, #tpu.memory_space<vmem>>) offsets(%arg10 : memref<40xi32, #tpu.memory_space<vmem>>) semaphore(%arg39 : memref<!tpu.dma_semaphore, #tpu.memory_space<semaphore_mem>>)
        } else {
        }
        %add3A_142 = arith.constant 3 : i32
        %add3A_143 = arith.addi %add3A_65, %add3A_142 : i32
        %lt3A_144 = arith.constant 250 : i32
        %lt3A_145 = arith.cmpi slt, %add3A_143, %lt3A_144 : i32
        %convert_element_type3A_146 = arith.extui %lt3A_145 : i1 to i32
        %cond3A_147 = arith.constant 0 : i32
        %cond3A_148 = arith.cmpi ne, %convert_element_type3A_146, %cond3A_147 : i32
        scf.if %cond3A_148 {
          %add3A_149 = arith.constant 3 : i32
          %add3A_150 = arith.addi %add3A_65, %add3A_149 : i32
          %mul3A_151 = arith.constant 40 : i32
          %mul3A_152 = arith.muli %add3A_150, %mul3A_151 : i32
          %add3A_153 = arith.addi %mul3A_2, %mul3A_152 : i32
          %dma_start3A_154 = tpu.memref_slice %arg3[%add3A_153] : memref<320000xi32, #tpu.memory_space<hbm>> -> memref<40xi32, #tpu.memory_space<hbm>>
          %dma_start3A_155 = tpu.memref_slice %arg3[%add3A_153] : memref<320000xi32, #tpu.memory_space<hbm>> -> memref<40xi32, #tpu.memory_space<hbm>>
          tpu.enqueue_dma source(%dma_start3A_155 : memref<40xi32, #tpu.memory_space<hbm>>) target(%arg11 : memref<40xi32, #tpu.memory_space<vmem>>) target_semaphore(%arg32 : memref<!tpu.dma_semaphore, #tpu.memory_space<semaphore_mem>>)
          %dma_start3A_156 = tpu.memref_slice %arg4[%add3A_153] : memref<320000xi32, #tpu.memory_space<hbm>> -> memref<40xi32, #tpu.memory_space<hbm>>
          %dma_start3A_157 = tpu.memref_slice %arg4[%add3A_153] : memref<320000xi32, #tpu.memory_space<hbm>> -> memref<40xi32, #tpu.memory_space<hbm>>
          tpu.enqueue_dma source(%dma_start3A_157 : memref<40xi32, #tpu.memory_space<hbm>>) target(%arg19 : memref<40xi32, #tpu.memory_space<vmem>>) target_semaphore(%arg32 : memref<!tpu.dma_semaphore, #tpu.memory_space<semaphore_mem>>)
        } else {
        }
      } else {
      }
      %mul3A_71 = arith.constant 8 : i32
      %mul3A_72 = arith.muli %mul3A_71, %scan3A_55 : i32
      %add3A_73 = arith.constant 2 : i32
      %add3A_74 = arith.addi %mul3A_72, %add3A_73 : i32
      %lt3A_75 = arith.constant 250 : i32
      %lt3A_76 = arith.cmpi slt, %add3A_74, %lt3A_75 : i32
      %convert_element_type3A_77 = arith.extui %lt3A_76 : i1 to i32
      %cond3A_78 = arith.constant 0 : i32
      %cond3A_79 = arith.cmpi ne, %convert_element_type3A_77, %cond3A_78 : i32
      scf.if %cond3A_79 {
        %dma_wait3A_125 = arith.constant 0 : i32
        %dma_wait3A_126 = arith.constant 0 : i32
        %dma_wait3A_127 = tpu.memref_slice %arg2[%dma_wait3A_125, %dma_wait3A_126] : memref<10000x128xf32, #tpu.memory_space<hbm>> -> memref<10000x128xf32, #tpu.memory_space<hbm>>
        tpu.wait_indirect_dma semaphore(%arg38 : memref<!tpu.dma_semaphore, #tpu.memory_space<semaphore_mem>>) src(%dma_wait3A_127 : memref<10000x128xf32, #tpu.memory_space<hbm>>) dst(%arg25 : memref<40x128xf32, #tpu.memory_space<vmem>>)
        %dma_start3A_128 = arith.constant 0 : i32
        %dma_start3A_129 = arith.constant 0 : i32
        %dma_start3A_130 = tpu.memref_slice %arg27[%dma_start3A_128, %dma_start3A_129] : memref<10240x128xf32, #tpu.memory_space<vmem_shared>> -> memref<10240x128xf32, #tpu.memory_space<vmem_shared>>
        tpu.enqueue_indirect_dma source(%arg25 : memref<40x128xf32, #tpu.memory_space<vmem>>) target(%dma_start3A_130 : memref<10240x128xf32, #tpu.memory_space<vmem_shared>>) offsets(%arg17 : memref<40xi32, #tpu.memory_space<vmem>>) semaphore(%arg42 : memref<!tpu.dma_semaphore, #tpu.memory_space<semaphore_mem>>) {add = true}
        %ge3A = arith.constant 2 : i32
        %ge3A_131 = arith.cmpi sge, %add3A_74, %ge3A : i32
        %convert_element_type3A_132 = arith.extui %ge3A_131 : i1 to i32
        %cond3A_133 = arith.constant 0 : i32
        %cond3A_134 = arith.cmpi ne, %convert_element_type3A_132, %cond3A_133 : i32
        scf.if %cond3A_134 {
          %dma_wait3A_149 = arith.constant 0 : i32
          %dma_wait3A_150 = arith.constant 0 : i32
          %dma_wait3A_151 = tpu.memref_slice %arg27[%dma_wait3A_149, %dma_wait3A_150] : memref<10240x128xf32, #tpu.memory_space<vmem_shared>> -> memref<10240x128xf32, #tpu.memory_space<vmem_shared>>
          tpu.wait_indirect_dma semaphore(%arg40 : memref<!tpu.dma_semaphore, #tpu.memory_space<semaphore_mem>>) src(%arg23 : memref<40x128xf32, #tpu.memory_space<vmem>>) dst(%dma_wait3A_151 : memref<10240x128xf32, #tpu.memory_space<vmem_shared>>)
        } else {
        }
        %add3A_135 = arith.constant 2 : i32
        %add3A_136 = arith.addi %add3A_74, %add3A_135 : i32
        %lt3A_137 = arith.constant 250 : i32
        %lt3A_138 = arith.cmpi slt, %add3A_136, %lt3A_137 : i32
        %convert_element_type3A_139 = arith.extui %lt3A_138 : i1 to i32
        %cond3A_140 = arith.constant 0 : i32
        %cond3A_141 = arith.cmpi ne, %convert_element_type3A_139, %cond3A_140 : i32
        scf.if %cond3A_141 {
          %dma_wait3A_149 = tpu.memref_slice %arg3[%mul3A_2] : memref<320000xi32, #tpu.memory_space<hbm>> -> memref<40xi32, #tpu.memory_space<hbm>>
          %dma_wait3A_150 = tpu.memref_slice %arg3[%mul3A_2] : memref<320000xi32, #tpu.memory_space<hbm>> -> memref<40xi32, #tpu.memory_space<hbm>>
          tpu.wait_dma2 semaphore(%arg32 : memref<!tpu.dma_semaphore, #tpu.memory_space<semaphore_mem>>) src(%dma_wait3A_150 : memref<40xi32, #tpu.memory_space<hbm>>) dst(%arg11 : memref<40xi32, #tpu.memory_space<vmem>>)
          %dma_wait3A_151 = tpu.memref_slice %arg4[%mul3A_2] : memref<320000xi32, #tpu.memory_space<hbm>> -> memref<40xi32, #tpu.memory_space<hbm>>
          %dma_wait3A_152 = tpu.memref_slice %arg4[%mul3A_2] : memref<320000xi32, #tpu.memory_space<hbm>> -> memref<40xi32, #tpu.memory_space<hbm>>
          tpu.wait_dma2 semaphore(%arg32 : memref<!tpu.dma_semaphore, #tpu.memory_space<semaphore_mem>>) src(%dma_wait3A_152 : memref<40xi32, #tpu.memory_space<hbm>>) dst(%arg19 : memref<40xi32, #tpu.memory_space<vmem>>)
          %dma_start3A_153 = arith.constant 0 : i32
          %dma_start3A_154 = arith.constant 0 : i32
          %dma_start3A_155 = tpu.memref_slice %arg2[%dma_start3A_153, %dma_start3A_154] : memref<10000x128xf32, #tpu.memory_space<hbm>> -> memref<10000x128xf32, #tpu.memory_space<hbm>>
          tpu.enqueue_indirect_dma source(%dma_start3A_155 : memref<10000x128xf32, #tpu.memory_space<hbm>>) target(%arg23 : memref<40x128xf32, #tpu.memory_space<vmem>>) offsets(%arg11 : memref<40xi32, #tpu.memory_space<vmem>>) semaphore(%arg36 : memref<!tpu.dma_semaphore, #tpu.memory_space<semaphore_mem>>)
        } else {
        }
        %add3A_142 = arith.constant 3 : i32
        %add3A_143 = arith.addi %add3A_74, %add3A_142 : i32
        %lt3A_144 = arith.constant 250 : i32
        %lt3A_145 = arith.cmpi slt, %add3A_143, %lt3A_144 : i32
        %convert_element_type3A_146 = arith.extui %lt3A_145 : i1 to i32
        %cond3A_147 = arith.constant 0 : i32
        %cond3A_148 = arith.cmpi ne, %convert_element_type3A_146, %cond3A_147 : i32
        scf.if %cond3A_148 {
          %add3A_149 = arith.constant 3 : i32
          %add3A_150 = arith.addi %add3A_74, %add3A_149 : i32
          %mul3A_151 = arith.constant 40 : i32
          %mul3A_152 = arith.muli %add3A_150, %mul3A_151 : i32
          %add3A_153 = arith.addi %mul3A_2, %mul3A_152 : i32
          %dma_start3A_154 = tpu.memref_slice %arg3[%add3A_153] : memref<320000xi32, #tpu.memory_space<hbm>> -> memref<40xi32, #tpu.memory_space<hbm>>
          %dma_start3A_155 = tpu.memref_slice %arg3[%add3A_153] : memref<320000xi32, #tpu.memory_space<hbm>> -> memref<40xi32, #tpu.memory_space<hbm>>
          tpu.enqueue_dma source(%dma_start3A_155 : memref<40xi32, #tpu.memory_space<hbm>>) target(%arg12 : memref<40xi32, #tpu.memory_space<vmem>>) target_semaphore(%arg33 : memref<!tpu.dma_semaphore, #tpu.memory_space<semaphore_mem>>)
          %dma_start3A_156 = tpu.memref_slice %arg4[%add3A_153] : memref<320000xi32, #tpu.memory_space<hbm>> -> memref<40xi32, #tpu.memory_space<hbm>>
          %dma_start3A_157 = tpu.memref_slice %arg4[%add3A_153] : memref<320000xi32, #tpu.memory_space<hbm>> -> memref<40xi32, #tpu.memory_space<hbm>>
          tpu.enqueue_dma source(%dma_start3A_157 : memref<40xi32, #tpu.memory_space<hbm>>) target(%arg20 : memref<40xi32, #tpu.memory_space<vmem>>) target_semaphore(%arg33 : memref<!tpu.dma_semaphore, #tpu.memory_space<semaphore_mem>>)
        } else {
        }
      } else {
      }
      %mul3A_80 = arith.constant 8 : i32
      %mul3A_81 = arith.muli %mul3A_80, %scan3A_55 : i32
      %add3A_82 = arith.constant 3 : i32
      %add3A_83 = arith.addi %mul3A_81, %add3A_82 : i32
      %lt3A_84 = arith.constant 250 : i32
      %lt3A_85 = arith.cmpi slt, %add3A_83, %lt3A_84 : i32
      %convert_element_type3A_86 = arith.extui %lt3A_85 : i1 to i32
      %cond3A_87 = arith.constant 0 : i32
      %cond3A_88 = arith.cmpi ne, %convert_element_type3A_86, %cond3A_87 : i32
      scf.if %cond3A_88 {
        %dma_wait3A_125 = arith.constant 0 : i32
        %dma_wait3A_126 = arith.constant 0 : i32
        %dma_wait3A_127 = tpu.memref_slice %arg2[%dma_wait3A_125, %dma_wait3A_126] : memref<10000x128xf32, #tpu.memory_space<hbm>> -> memref<10000x128xf32, #tpu.memory_space<hbm>>
        tpu.wait_indirect_dma semaphore(%arg39 : memref<!tpu.dma_semaphore, #tpu.memory_space<semaphore_mem>>) src(%dma_wait3A_127 : memref<10000x128xf32, #tpu.memory_space<hbm>>) dst(%arg26 : memref<40x128xf32, #tpu.memory_space<vmem>>)
        %dma_start3A_128 = arith.constant 0 : i32
        %dma_start3A_129 = arith.constant 0 : i32
        %dma_start3A_130 = tpu.memref_slice %arg27[%dma_start3A_128, %dma_start3A_129] : memref<10240x128xf32, #tpu.memory_space<vmem_shared>> -> memref<10240x128xf32, #tpu.memory_space<vmem_shared>>
        tpu.enqueue_indirect_dma source(%arg26 : memref<40x128xf32, #tpu.memory_space<vmem>>) target(%dma_start3A_130 : memref<10240x128xf32, #tpu.memory_space<vmem_shared>>) offsets(%arg18 : memref<40xi32, #tpu.memory_space<vmem>>) semaphore(%arg43 : memref<!tpu.dma_semaphore, #tpu.memory_space<semaphore_mem>>) {add = true}
        %ge3A = arith.constant 2 : i32
        %ge3A_131 = arith.cmpi sge, %add3A_83, %ge3A : i32
        %convert_element_type3A_132 = arith.extui %ge3A_131 : i1 to i32
        %cond3A_133 = arith.constant 0 : i32
        %cond3A_134 = arith.cmpi ne, %convert_element_type3A_132, %cond3A_133 : i32
        scf.if %cond3A_134 {
          %dma_wait3A_149 = arith.constant 0 : i32
          %dma_wait3A_150 = arith.constant 0 : i32
          %dma_wait3A_151 = tpu.memref_slice %arg27[%dma_wait3A_149, %dma_wait3A_150] : memref<10240x128xf32, #tpu.memory_space<vmem_shared>> -> memref<10240x128xf32, #tpu.memory_space<vmem_shared>>
          tpu.wait_indirect_dma semaphore(%arg41 : memref<!tpu.dma_semaphore, #tpu.memory_space<semaphore_mem>>) src(%arg24 : memref<40x128xf32, #tpu.memory_space<vmem>>) dst(%dma_wait3A_151 : memref<10240x128xf32, #tpu.memory_space<vmem_shared>>)
        } else {
        }
        %add3A_135 = arith.constant 2 : i32
        %add3A_136 = arith.addi %add3A_83, %add3A_135 : i32
        %lt3A_137 = arith.constant 250 : i32
        %lt3A_138 = arith.cmpi slt, %add3A_136, %lt3A_137 : i32
        %convert_element_type3A_139 = arith.extui %lt3A_138 : i1 to i32
        %cond3A_140 = arith.constant 0 : i32
        %cond3A_141 = arith.cmpi ne, %convert_element_type3A_139, %cond3A_140 : i32
        scf.if %cond3A_141 {
          %dma_wait3A_149 = tpu.memref_slice %arg3[%mul3A_2] : memref<320000xi32, #tpu.memory_space<hbm>> -> memref<40xi32, #tpu.memory_space<hbm>>
          %dma_wait3A_150 = tpu.memref_slice %arg3[%mul3A_2] : memref<320000xi32, #tpu.memory_space<hbm>> -> memref<40xi32, #tpu.memory_space<hbm>>
          tpu.wait_dma2 semaphore(%arg33 : memref<!tpu.dma_semaphore, #tpu.memory_space<semaphore_mem>>) src(%dma_wait3A_150 : memref<40xi32, #tpu.memory_space<hbm>>) dst(%arg12 : memref<40xi32, #tpu.memory_space<vmem>>)
          %dma_wait3A_151 = tpu.memref_slice %arg4[%mul3A_2] : memref<320000xi32, #tpu.memory_space<hbm>> -> memref<40xi32, #tpu.memory_space<hbm>>
          %dma_wait3A_152 = tpu.memref_slice %arg4[%mul3A_2] : memref<320000xi32, #tpu.memory_space<hbm>> -> memref<40xi32, #tpu.memory_space<hbm>>
          tpu.wait_dma2 semaphore(%arg33 : memref<!tpu.dma_semaphore, #tpu.memory_space<semaphore_mem>>) src(%dma_wait3A_152 : memref<40xi32, #tpu.memory_space<hbm>>) dst(%arg20 : memref<40xi32, #tpu.memory_space<vmem>>)
          %dma_start3A_153 = arith.constant 0 : i32
          %dma_start3A_154 = arith.constant 0 : i32
          %dma_start3A_155 = tpu.memref_slice %arg2[%dma_start3A_153, %dma_start3A_154] : memref<10000x128xf32, #tpu.memory_space<hbm>> -> memref<10000x128xf32, #tpu.memory_space<hbm>>
          tpu.enqueue_indirect_dma source(%dma_start3A_155 : memref<10000x128xf32, #tpu.memory_space<hbm>>) target(%arg24 : memref<40x128xf32, #tpu.memory_space<vmem>>) offsets(%arg12 : memref<40xi32, #tpu.memory_space<vmem>>) semaphore(%arg37 : memref<!tpu.dma_semaphore, #tpu.memory_space<semaphore_mem>>)
        } else {
        }
        %add3A_142 = arith.constant 3 : i32
        %add3A_143 = arith.addi %add3A_83, %add3A_142 : i32
        %lt3A_144 = arith.constant 250 : i32
        %lt3A_145 = arith.cmpi slt, %add3A_143, %lt3A_144 : i32
        %convert_element_type3A_146 = arith.extui %lt3A_145 : i1 to i32
        %cond3A_147 = arith.constant 0 : i32
        %cond3A_148 = arith.cmpi ne, %convert_element_type3A_146, %cond3A_147 : i32
        scf.if %cond3A_148 {
          %add3A_149 = arith.constant 3 : i32
          %add3A_150 = arith.addi %add3A_83, %add3A_149 : i32
          %mul3A_151 = arith.constant 40 : i32
          %mul3A_152 = arith.muli %add3A_150, %mul3A_151 : i32
          %add3A_153 = arith.addi %mul3A_2, %mul3A_152 : i32
          %dma_start3A_154 = tpu.memref_slice %arg3[%add3A_153] : memref<320000xi32, #tpu.memory_space<hbm>> -> memref<40xi32, #tpu.memory_space<hbm>>
          %dma_start3A_155 = tpu.memref_slice %arg3[%add3A_153] : memref<320000xi32, #tpu.memory_space<hbm>> -> memref<40xi32, #tpu.memory_space<hbm>>
          tpu.enqueue_dma source(%dma_start3A_155 : memref<40xi32, #tpu.memory_space<hbm>>) target(%arg13 : memref<40xi32, #tpu.memory_space<vmem>>) target_semaphore(%arg34 : memref<!tpu.dma_semaphore, #tpu.memory_space<semaphore_mem>>)
          %dma_start3A_156 = tpu.memref_slice %arg4[%add3A_153] : memref<320000xi32, #tpu.memory_space<hbm>> -> memref<40xi32, #tpu.memory_space<hbm>>
          %dma_start3A_157 = tpu.memref_slice %arg4[%add3A_153] : memref<320000xi32, #tpu.memory_space<hbm>> -> memref<40xi32, #tpu.memory_space<hbm>>
          tpu.enqueue_dma source(%dma_start3A_157 : memref<40xi32, #tpu.memory_space<hbm>>) target(%arg21 : memref<40xi32, #tpu.memory_space<vmem>>) target_semaphore(%arg34 : memref<!tpu.dma_semaphore, #tpu.memory_space<semaphore_mem>>)
        } else {
        }
      } else {
      }
      %mul3A_89 = arith.constant 8 : i32
      %mul3A_90 = arith.muli %mul3A_89, %scan3A_55 : i32
      %add3A_91 = arith.constant 4 : i32
      %add3A_92 = arith.addi %mul3A_90, %add3A_91 : i32
      %lt3A_93 = arith.constant 250 : i32
      %lt3A_94 = arith.cmpi slt, %add3A_92, %lt3A_93 : i32
      %convert_element_type3A_95 = arith.extui %lt3A_94 : i1 to i32
      %cond3A_96 = arith.constant 0 : i32
      %cond3A_97 = arith.cmpi ne, %convert_element_type3A_95, %cond3A_96 : i32
      scf.if %cond3A_97 {
        %dma_wait3A_125 = arith.constant 0 : i32
        %dma_wait3A_126 = arith.constant 0 : i32
        %dma_wait3A_127 = tpu.memref_slice %arg2[%dma_wait3A_125, %dma_wait3A_126] : memref<10000x128xf32, #tpu.memory_space<hbm>> -> memref<10000x128xf32, #tpu.memory_space<hbm>>
        tpu.wait_indirect_dma semaphore(%arg36 : memref<!tpu.dma_semaphore, #tpu.memory_space<semaphore_mem>>) src(%dma_wait3A_127 : memref<10000x128xf32, #tpu.memory_space<hbm>>) dst(%arg23 : memref<40x128xf32, #tpu.memory_space<vmem>>)
        %dma_start3A_128 = arith.constant 0 : i32
        %dma_start3A_129 = arith.constant 0 : i32
        %dma_start3A_130 = tpu.memref_slice %arg27[%dma_start3A_128, %dma_start3A_129] : memref<10240x128xf32, #tpu.memory_space<vmem_shared>> -> memref<10240x128xf32, #tpu.memory_space<vmem_shared>>
        tpu.enqueue_indirect_dma source(%arg23 : memref<40x128xf32, #tpu.memory_space<vmem>>) target(%dma_start3A_130 : memref<10240x128xf32, #tpu.memory_space<vmem_shared>>) offsets(%arg19 : memref<40xi32, #tpu.memory_space<vmem>>) semaphore(%arg40 : memref<!tpu.dma_semaphore, #tpu.memory_space<semaphore_mem>>) {add = true}
        %ge3A = arith.constant 2 : i32
        %ge3A_131 = arith.cmpi sge, %add3A_92, %ge3A : i32
        %convert_element_type3A_132 = arith.extui %ge3A_131 : i1 to i32
        %cond3A_133 = arith.constant 0 : i32
        %cond3A_134 = arith.cmpi ne, %convert_element_type3A_132, %cond3A_133 : i32
        scf.if %cond3A_134 {
          %dma_wait3A_149 = arith.constant 0 : i32
          %dma_wait3A_150 = arith.constant 0 : i32
          %dma_wait3A_151 = tpu.memref_slice %arg27[%dma_wait3A_149, %dma_wait3A_150] : memref<10240x128xf32, #tpu.memory_space<vmem_shared>> -> memref<10240x128xf32, #tpu.memory_space<vmem_shared>>
          tpu.wait_indirect_dma semaphore(%arg42 : memref<!tpu.dma_semaphore, #tpu.memory_space<semaphore_mem>>) src(%arg25 : memref<40x128xf32, #tpu.memory_space<vmem>>) dst(%dma_wait3A_151 : memref<10240x128xf32, #tpu.memory_space<vmem_shared>>)
        } else {
        }
        %add3A_135 = arith.constant 2 : i32
        %add3A_136 = arith.addi %add3A_92, %add3A_135 : i32
        %lt3A_137 = arith.constant 250 : i32
        %lt3A_138 = arith.cmpi slt, %add3A_136, %lt3A_137 : i32
        %convert_element_type3A_139 = arith.extui %lt3A_138 : i1 to i32
        %cond3A_140 = arith.constant 0 : i32
        %cond3A_141 = arith.cmpi ne, %convert_element_type3A_139, %cond3A_140 : i32
        scf.if %cond3A_141 {
          %dma_wait3A_149 = tpu.memref_slice %arg3[%mul3A_2] : memref<320000xi32, #tpu.memory_space<hbm>> -> memref<40xi32, #tpu.memory_space<hbm>>
          %dma_wait3A_150 = tpu.memref_slice %arg3[%mul3A_2] : memref<320000xi32, #tpu.memory_space<hbm>> -> memref<40xi32, #tpu.memory_space<hbm>>
          tpu.wait_dma2 semaphore(%arg34 : memref<!tpu.dma_semaphore, #tpu.memory_space<semaphore_mem>>) src(%dma_wait3A_150 : memref<40xi32, #tpu.memory_space<hbm>>) dst(%arg13 : memref<40xi32, #tpu.memory_space<vmem>>)
          %dma_wait3A_151 = tpu.memref_slice %arg4[%mul3A_2] : memref<320000xi32, #tpu.memory_space<hbm>> -> memref<40xi32, #tpu.memory_space<hbm>>
          %dma_wait3A_152 = tpu.memref_slice %arg4[%mul3A_2] : memref<320000xi32, #tpu.memory_space<hbm>> -> memref<40xi32, #tpu.memory_space<hbm>>
          tpu.wait_dma2 semaphore(%arg34 : memref<!tpu.dma_semaphore, #tpu.memory_space<semaphore_mem>>) src(%dma_wait3A_152 : memref<40xi32, #tpu.memory_space<hbm>>) dst(%arg21 : memref<40xi32, #tpu.memory_space<vmem>>)
          %dma_start3A_153 = arith.constant 0 : i32
          %dma_start3A_154 = arith.constant 0 : i32
          %dma_start3A_155 = tpu.memref_slice %arg2[%dma_start3A_153, %dma_start3A_154] : memref<10000x128xf32, #tpu.memory_space<hbm>> -> memref<10000x128xf32, #tpu.memory_space<hbm>>
          tpu.enqueue_indirect_dma source(%dma_start3A_155 : memref<10000x128xf32, #tpu.memory_space<hbm>>) target(%arg25 : memref<40x128xf32, #tpu.memory_space<vmem>>) offsets(%arg13 : memref<40xi32, #tpu.memory_space<vmem>>) semaphore(%arg38 : memref<!tpu.dma_semaphore, #tpu.memory_space<semaphore_mem>>)
        } else {
        }
        %add3A_142 = arith.constant 3 : i32
        %add3A_143 = arith.addi %add3A_92, %add3A_142 : i32
        %lt3A_144 = arith.constant 250 : i32
        %lt3A_145 = arith.cmpi slt, %add3A_143, %lt3A_144 : i32
        %convert_element_type3A_146 = arith.extui %lt3A_145 : i1 to i32
        %cond3A_147 = arith.constant 0 : i32
        %cond3A_148 = arith.cmpi ne, %convert_element_type3A_146, %cond3A_147 : i32
        scf.if %cond3A_148 {
          %add3A_149 = arith.constant 3 : i32
          %add3A_150 = arith.addi %add3A_92, %add3A_149 : i32
          %mul3A_151 = arith.constant 40 : i32
          %mul3A_152 = arith.muli %add3A_150, %mul3A_151 : i32
          %add3A_153 = arith.addi %mul3A_2, %mul3A_152 : i32
          %dma_start3A_154 = tpu.memref_slice %arg3[%add3A_153] : memref<320000xi32, #tpu.memory_space<hbm>> -> memref<40xi32, #tpu.memory_space<hbm>>
          %dma_start3A_155 = tpu.memref_slice %arg3[%add3A_153] : memref<320000xi32, #tpu.memory_space<hbm>> -> memref<40xi32, #tpu.memory_space<hbm>>
          tpu.enqueue_dma source(%dma_start3A_155 : memref<40xi32, #tpu.memory_space<hbm>>) target(%arg14 : memref<40xi32, #tpu.memory_space<vmem>>) target_semaphore(%arg35 : memref<!tpu.dma_semaphore, #tpu.memory_space<semaphore_mem>>)
          %dma_start3A_156 = tpu.memref_slice %arg4[%add3A_153] : memref<320000xi32, #tpu.memory_space<hbm>> -> memref<40xi32, #tpu.memory_space<hbm>>
          %dma_start3A_157 = tpu.memref_slice %arg4[%add3A_153] : memref<320000xi32, #tpu.memory_space<hbm>> -> memref<40xi32, #tpu.memory_space<hbm>>
          tpu.enqueue_dma source(%dma_start3A_157 : memref<40xi32, #tpu.memory_space<hbm>>) target(%arg22 : memref<40xi32, #tpu.memory_space<vmem>>) target_semaphore(%arg35 : memref<!tpu.dma_semaphore, #tpu.memory_space<semaphore_mem>>)
        } else {
        }
      } else {
      }
      %mul3A_98 = arith.constant 8 : i32
      %mul3A_99 = arith.muli %mul3A_98, %scan3A_55 : i32
      %add3A_100 = arith.constant 5 : i32
      %add3A_101 = arith.addi %mul3A_99, %add3A_100 : i32
      %lt3A_102 = arith.constant 250 : i32
      %lt3A_103 = arith.cmpi slt, %add3A_101, %lt3A_102 : i32
      %convert_element_type3A_104 = arith.extui %lt3A_103 : i1 to i32
      %cond3A_105 = arith.constant 0 : i32
      %cond3A_106 = arith.cmpi ne, %convert_element_type3A_104, %cond3A_105 : i32
      scf.if %cond3A_106 {
        %dma_wait3A_125 = arith.constant 0 : i32
        %dma_wait3A_126 = arith.constant 0 : i32
        %dma_wait3A_127 = tpu.memref_slice %arg2[%dma_wait3A_125, %dma_wait3A_126] : memref<10000x128xf32, #tpu.memory_space<hbm>> -> memref<10000x128xf32, #tpu.memory_space<hbm>>
        tpu.wait_indirect_dma semaphore(%arg37 : memref<!tpu.dma_semaphore, #tpu.memory_space<semaphore_mem>>) src(%dma_wait3A_127 : memref<10000x128xf32, #tpu.memory_space<hbm>>) dst(%arg24 : memref<40x128xf32, #tpu.memory_space<vmem>>)
        %dma_start3A_128 = arith.constant 0 : i32
        %dma_start3A_129 = arith.constant 0 : i32
        %dma_start3A_130 = tpu.memref_slice %arg27[%dma_start3A_128, %dma_start3A_129] : memref<10240x128xf32, #tpu.memory_space<vmem_shared>> -> memref<10240x128xf32, #tpu.memory_space<vmem_shared>>
        tpu.enqueue_indirect_dma source(%arg24 : memref<40x128xf32, #tpu.memory_space<vmem>>) target(%dma_start3A_130 : memref<10240x128xf32, #tpu.memory_space<vmem_shared>>) offsets(%arg20 : memref<40xi32, #tpu.memory_space<vmem>>) semaphore(%arg41 : memref<!tpu.dma_semaphore, #tpu.memory_space<semaphore_mem>>) {add = true}
        %ge3A = arith.constant 2 : i32
        %ge3A_131 = arith.cmpi sge, %add3A_101, %ge3A : i32
        %convert_element_type3A_132 = arith.extui %ge3A_131 : i1 to i32
        %cond3A_133 = arith.constant 0 : i32
        %cond3A_134 = arith.cmpi ne, %convert_element_type3A_132, %cond3A_133 : i32
        scf.if %cond3A_134 {
          %dma_wait3A_149 = arith.constant 0 : i32
          %dma_wait3A_150 = arith.constant 0 : i32
          %dma_wait3A_151 = tpu.memref_slice %arg27[%dma_wait3A_149, %dma_wait3A_150] : memref<10240x128xf32, #tpu.memory_space<vmem_shared>> -> memref<10240x128xf32, #tpu.memory_space<vmem_shared>>
          tpu.wait_indirect_dma semaphore(%arg43 : memref<!tpu.dma_semaphore, #tpu.memory_space<semaphore_mem>>) src(%arg26 : memref<40x128xf32, #tpu.memory_space<vmem>>) dst(%dma_wait3A_151 : memref<10240x128xf32, #tpu.memory_space<vmem_shared>>)
        } else {
        }
        %add3A_135 = arith.constant 2 : i32
        %add3A_136 = arith.addi %add3A_101, %add3A_135 : i32
        %lt3A_137 = arith.constant 250 : i32
        %lt3A_138 = arith.cmpi slt, %add3A_136, %lt3A_137 : i32
        %convert_element_type3A_139 = arith.extui %lt3A_138 : i1 to i32
        %cond3A_140 = arith.constant 0 : i32
        %cond3A_141 = arith.cmpi ne, %convert_element_type3A_139, %cond3A_140 : i32
        scf.if %cond3A_141 {
          %dma_wait3A_149 = tpu.memref_slice %arg3[%mul3A_2] : memref<320000xi32, #tpu.memory_space<hbm>> -> memref<40xi32, #tpu.memory_space<hbm>>
          %dma_wait3A_150 = tpu.memref_slice %arg3[%mul3A_2] : memref<320000xi32, #tpu.memory_space<hbm>> -> memref<40xi32, #tpu.memory_space<hbm>>
          tpu.wait_dma2 semaphore(%arg35 : memref<!tpu.dma_semaphore, #tpu.memory_space<semaphore_mem>>) src(%dma_wait3A_150 : memref<40xi32, #tpu.memory_space<hbm>>) dst(%arg14 : memref<40xi32, #tpu.memory_space<vmem>>)
          %dma_wait3A_151 = tpu.memref_slice %arg4[%mul3A_2] : memref<320000xi32, #tpu.memory_space<hbm>> -> memref<40xi32, #tpu.memory_space<hbm>>
          %dma_wait3A_152 = tpu.memref_slice %arg4[%mul3A_2] : memref<320000xi32, #tpu.memory_space<hbm>> -> memref<40xi32, #tpu.memory_space<hbm>>
          tpu.wait_dma2 semaphore(%arg35 : memref<!tpu.dma_semaphore, #tpu.memory_space<semaphore_mem>>) src(%dma_wait3A_152 : memref<40xi32, #tpu.memory_space<hbm>>) dst(%arg22 : memref<40xi32, #tpu.memory_space<vmem>>)
          %dma_start3A_153 = arith.constant 0 : i32
          %dma_start3A_154 = arith.constant 0 : i32
          %dma_start3A_155 = tpu.memref_slice %arg2[%dma_start3A_153, %dma_start3A_154] : memref<10000x128xf32, #tpu.memory_space<hbm>> -> memref<10000x128xf32, #tpu.memory_space<hbm>>
          tpu.enqueue_indirect_dma source(%dma_start3A_155 : memref<10000x128xf32, #tpu.memory_space<hbm>>) target(%arg26 : memref<40x128xf32, #tpu.memory_space<vmem>>) offsets(%arg14 : memref<40xi32, #tpu.memory_space<vmem>>) semaphore(%arg39 : memref<!tpu.dma_semaphore, #tpu.memory_space<semaphore_mem>>)
        } else {
        }
        %add3A_142 = arith.constant 3 : i32
        %add3A_143 = arith.addi %add3A_101, %add3A_142 : i32
        %lt3A_144 = arith.constant 250 : i32
        %lt3A_145 = arith.cmpi slt, %add3A_143, %lt3A_144 : i32
        %convert_element_type3A_146 = arith.extui %lt3A_145 : i1 to i32
        %cond3A_147 = arith.constant 0 : i32
        %cond3A_148 = arith.cmpi ne, %convert_element_type3A_146, %cond3A_147 : i32
        scf.if %cond3A_148 {
          %add3A_149 = arith.constant 3 : i32
          %add3A_150 = arith.addi %add3A_101, %add3A_149 : i32
          %mul3A_151 = arith.constant 40 : i32
          %mul3A_152 = arith.muli %add3A_150, %mul3A_151 : i32
          %add3A_153 = arith.addi %mul3A_2, %mul3A_152 : i32
          %dma_start3A_154 = tpu.memref_slice %arg3[%add3A_153] : memref<320000xi32, #tpu.memory_space<hbm>> -> memref<40xi32, #tpu.memory_space<hbm>>
          %dma_start3A_155 = tpu.memref_slice %arg3[%add3A_153] : memref<320000xi32, #tpu.memory_space<hbm>> -> memref<40xi32, #tpu.memory_space<hbm>>
          tpu.enqueue_dma source(%dma_start3A_155 : memref<40xi32, #tpu.memory_space<hbm>>) target(%arg7 : memref<40xi32, #tpu.memory_space<vmem>>) target_semaphore(%arg28 : memref<!tpu.dma_semaphore, #tpu.memory_space<semaphore_mem>>)
          %dma_start3A_156 = tpu.memref_slice %arg4[%add3A_153] : memref<320000xi32, #tpu.memory_space<hbm>> -> memref<40xi32, #tpu.memory_space<hbm>>
          %dma_start3A_157 = tpu.memref_slice %arg4[%add3A_153] : memref<320000xi32, #tpu.memory_space<hbm>> -> memref<40xi32, #tpu.memory_space<hbm>>
          tpu.enqueue_dma source(%dma_start3A_157 : memref<40xi32, #tpu.memory_space<hbm>>) target(%arg15 : memref<40xi32, #tpu.memory_space<vmem>>) target_semaphore(%arg28 : memref<!tpu.dma_semaphore, #tpu.memory_space<semaphore_mem>>)
        } else {
        }
      } else {
      }
      %mul3A_107 = arith.constant 8 : i32
      %mul3A_108 = arith.muli %mul3A_107, %scan3A_55 : i32
      %add3A_109 = arith.constant 6 : i32
      %add3A_110 = arith.addi %mul3A_108, %add3A_109 : i32
      %lt3A_111 = arith.constant 250 : i32
      %lt3A_112 = arith.cmpi slt, %add3A_110, %lt3A_111 : i32
      %convert_element_type3A_113 = arith.extui %lt3A_112 : i1 to i32
      %cond3A_114 = arith.constant 0 : i32
      %cond3A_115 = arith.cmpi ne, %convert_element_type3A_113, %cond3A_114 : i32
      scf.if %cond3A_115 {
        %dma_wait3A_125 = arith.constant 0 : i32
        %dma_wait3A_126 = arith.constant 0 : i32
        %dma_wait3A_127 = tpu.memref_slice %arg2[%dma_wait3A_125, %dma_wait3A_126] : memref<10000x128xf32, #tpu.memory_space<hbm>> -> memref<10000x128xf32, #tpu.memory_space<hbm>>
        tpu.wait_indirect_dma semaphore(%arg38 : memref<!tpu.dma_semaphore, #tpu.memory_space<semaphore_mem>>) src(%dma_wait3A_127 : memref<10000x128xf32, #tpu.memory_space<hbm>>) dst(%arg25 : memref<40x128xf32, #tpu.memory_space<vmem>>)
        %dma_start3A_128 = arith.constant 0 : i32
        %dma_start3A_129 = arith.constant 0 : i32
        %dma_start3A_130 = tpu.memref_slice %arg27[%dma_start3A_128, %dma_start3A_129] : memref<10240x128xf32, #tpu.memory_space<vmem_shared>> -> memref<10240x128xf32, #tpu.memory_space<vmem_shared>>
        tpu.enqueue_indirect_dma source(%arg25 : memref<40x128xf32, #tpu.memory_space<vmem>>) target(%dma_start3A_130 : memref<10240x128xf32, #tpu.memory_space<vmem_shared>>) offsets(%arg21 : memref<40xi32, #tpu.memory_space<vmem>>) semaphore(%arg42 : memref<!tpu.dma_semaphore, #tpu.memory_space<semaphore_mem>>) {add = true}
        %ge3A = arith.constant 2 : i32
        %ge3A_131 = arith.cmpi sge, %add3A_110, %ge3A : i32
        %convert_element_type3A_132 = arith.extui %ge3A_131 : i1 to i32
        %cond3A_133 = arith.constant 0 : i32
        %cond3A_134 = arith.cmpi ne, %convert_element_type3A_132, %cond3A_133 : i32
        scf.if %cond3A_134 {
          %dma_wait3A_149 = arith.constant 0 : i32
          %dma_wait3A_150 = arith.constant 0 : i32
          %dma_wait3A_151 = tpu.memref_slice %arg27[%dma_wait3A_149, %dma_wait3A_150] : memref<10240x128xf32, #tpu.memory_space<vmem_shared>> -> memref<10240x128xf32, #tpu.memory_space<vmem_shared>>
          tpu.wait_indirect_dma semaphore(%arg40 : memref<!tpu.dma_semaphore, #tpu.memory_space<semaphore_mem>>) src(%arg23 : memref<40x128xf32, #tpu.memory_space<vmem>>) dst(%dma_wait3A_151 : memref<10240x128xf32, #tpu.memory_space<vmem_shared>>)
        } else {
        }
        %add3A_135 = arith.constant 2 : i32
        %add3A_136 = arith.addi %add3A_110, %add3A_135 : i32
        %lt3A_137 = arith.constant 250 : i32
        %lt3A_138 = arith.cmpi slt, %add3A_136, %lt3A_137 : i32
        %convert_element_type3A_139 = arith.extui %lt3A_138 : i1 to i32
        %cond3A_140 = arith.constant 0 : i32
        %cond3A_141 = arith.cmpi ne, %convert_element_type3A_139, %cond3A_140 : i32
        scf.if %cond3A_141 {
          %dma_wait3A_149 = tpu.memref_slice %arg3[%mul3A_2] : memref<320000xi32, #tpu.memory_space<hbm>> -> memref<40xi32, #tpu.memory_space<hbm>>
          %dma_wait3A_150 = tpu.memref_slice %arg3[%mul3A_2] : memref<320000xi32, #tpu.memory_space<hbm>> -> memref<40xi32, #tpu.memory_space<hbm>>
          tpu.wait_dma2 semaphore(%arg28 : memref<!tpu.dma_semaphore, #tpu.memory_space<semaphore_mem>>) src(%dma_wait3A_150 : memref<40xi32, #tpu.memory_space<hbm>>) dst(%arg7 : memref<40xi32, #tpu.memory_space<vmem>>)
          %dma_wait3A_151 = tpu.memref_slice %arg4[%mul3A_2] : memref<320000xi32, #tpu.memory_space<hbm>> -> memref<40xi32, #tpu.memory_space<hbm>>
          %dma_wait3A_152 = tpu.memref_slice %arg4[%mul3A_2] : memref<320000xi32, #tpu.memory_space<hbm>> -> memref<40xi32, #tpu.memory_space<hbm>>
          tpu.wait_dma2 semaphore(%arg28 : memref<!tpu.dma_semaphore, #tpu.memory_space<semaphore_mem>>) src(%dma_wait3A_152 : memref<40xi32, #tpu.memory_space<hbm>>) dst(%arg15 : memref<40xi32, #tpu.memory_space<vmem>>)
          %dma_start3A_153 = arith.constant 0 : i32
          %dma_start3A_154 = arith.constant 0 : i32
          %dma_start3A_155 = tpu.memref_slice %arg2[%dma_start3A_153, %dma_start3A_154] : memref<10000x128xf32, #tpu.memory_space<hbm>> -> memref<10000x128xf32, #tpu.memory_space<hbm>>
          tpu.enqueue_indirect_dma source(%dma_start3A_155 : memref<10000x128xf32, #tpu.memory_space<hbm>>) target(%arg23 : memref<40x128xf32, #tpu.memory_space<vmem>>) offsets(%arg7 : memref<40xi32, #tpu.memory_space<vmem>>) semaphore(%arg36 : memref<!tpu.dma_semaphore, #tpu.memory_space<semaphore_mem>>)
        } else {
        }
        %add3A_142 = arith.constant 3 : i32
        %add3A_143 = arith.addi %add3A_110, %add3A_142 : i32
        %lt3A_144 = arith.constant 250 : i32
        %lt3A_145 = arith.cmpi slt, %add3A_143, %lt3A_144 : i32
        %convert_element_type3A_146 = arith.extui %lt3A_145 : i1 to i32
        %cond3A_147 = arith.constant 0 : i32
        %cond3A_148 = arith.cmpi ne, %convert_element_type3A_146, %cond3A_147 : i32
        scf.if %cond3A_148 {
          %add3A_149 = arith.constant 3 : i32
          %add3A_150 = arith.addi %add3A_110, %add3A_149 : i32
          %mul3A_151 = arith.constant 40 : i32
          %mul3A_152 = arith.muli %add3A_150, %mul3A_151 : i32
          %add3A_153 = arith.addi %mul3A_2, %mul3A_152 : i32
          %dma_start3A_154 = tpu.memref_slice %arg3[%add3A_153] : memref<320000xi32, #tpu.memory_space<hbm>> -> memref<40xi32, #tpu.memory_space<hbm>>
          %dma_start3A_155 = tpu.memref_slice %arg3[%add3A_153] : memref<320000xi32, #tpu.memory_space<hbm>> -> memref<40xi32, #tpu.memory_space<hbm>>
          tpu.enqueue_dma source(%dma_start3A_155 : memref<40xi32, #tpu.memory_space<hbm>>) target(%arg8 : memref<40xi32, #tpu.memory_space<vmem>>) target_semaphore(%arg29 : memref<!tpu.dma_semaphore, #tpu.memory_space<semaphore_mem>>)
          %dma_start3A_156 = tpu.memref_slice %arg4[%add3A_153] : memref<320000xi32, #tpu.memory_space<hbm>> -> memref<40xi32, #tpu.memory_space<hbm>>
          %dma_start3A_157 = tpu.memref_slice %arg4[%add3A_153] : memref<320000xi32, #tpu.memory_space<hbm>> -> memref<40xi32, #tpu.memory_space<hbm>>
          tpu.enqueue_dma source(%dma_start3A_157 : memref<40xi32, #tpu.memory_space<hbm>>) target(%arg16 : memref<40xi32, #tpu.memory_space<vmem>>) target_semaphore(%arg29 : memref<!tpu.dma_semaphore, #tpu.memory_space<semaphore_mem>>)
        } else {
        }
      } else {
      }
      %mul3A_116 = arith.constant 8 : i32
      %mul3A_117 = arith.muli %mul3A_116, %scan3A_55 : i32
      %add3A_118 = arith.constant 7 : i32
      %add3A_119 = arith.addi %mul3A_117, %add3A_118 : i32
      %lt3A_120 = arith.constant 250 : i32
      %lt3A_121 = arith.cmpi slt, %add3A_119, %lt3A_120 : i32
      %convert_element_type3A_122 = arith.extui %lt3A_121 : i1 to i32
      %cond3A_123 = arith.constant 0 : i32
      %cond3A_124 = arith.cmpi ne, %convert_element_type3A_122, %cond3A_123 : i32
      scf.if %cond3A_124 {
        %dma_wait3A_125 = arith.constant 0 : i32
        %dma_wait3A_126 = arith.constant 0 : i32
        %dma_wait3A_127 = tpu.memref_slice %arg2[%dma_wait3A_125, %dma_wait3A_126] : memref<10000x128xf32, #tpu.memory_space<hbm>> -> memref<10000x128xf32, #tpu.memory_space<hbm>>
        tpu.wait_indirect_dma semaphore(%arg39 : memref<!tpu.dma_semaphore, #tpu.memory_space<semaphore_mem>>) src(%dma_wait3A_127 : memref<10000x128xf32, #tpu.memory_space<hbm>>) dst(%arg26 : memref<40x128xf32, #tpu.memory_space<vmem>>)
        %dma_start3A_128 = arith.constant 0 : i32
        %dma_start3A_129 = arith.constant 0 : i32
        %dma_start3A_130 = tpu.memref_slice %arg27[%dma_start3A_128, %dma_start3A_129] : memref<10240x128xf32, #tpu.memory_space<vmem_shared>> -> memref<10240x128xf32, #tpu.memory_space<vmem_shared>>
        tpu.enqueue_indirect_dma source(%arg26 : memref<40x128xf32, #tpu.memory_space<vmem>>) target(%dma_start3A_130 : memref<10240x128xf32, #tpu.memory_space<vmem_shared>>) offsets(%arg22 : memref<40xi32, #tpu.memory_space<vmem>>) semaphore(%arg43 : memref<!tpu.dma_semaphore, #tpu.memory_space<semaphore_mem>>) {add = true}
        %ge3A = arith.constant 2 : i32
        %ge3A_131 = arith.cmpi sge, %add3A_119, %ge3A : i32
        %convert_element_type3A_132 = arith.extui %ge3A_131 : i1 to i32
        %cond3A_133 = arith.constant 0 : i32
        %cond3A_134 = arith.cmpi ne, %convert_element_type3A_132, %cond3A_133 : i32
        scf.if %cond3A_134 {
          %dma_wait3A_149 = arith.constant 0 : i32
          %dma_wait3A_150 = arith.constant 0 : i32
          %dma_wait3A_151 = tpu.memref_slice %arg27[%dma_wait3A_149, %dma_wait3A_150] : memref<10240x128xf32, #tpu.memory_space<vmem_shared>> -> memref<10240x128xf32, #tpu.memory_space<vmem_shared>>
          tpu.wait_indirect_dma semaphore(%arg41 : memref<!tpu.dma_semaphore, #tpu.memory_space<semaphore_mem>>) src(%arg24 : memref<40x128xf32, #tpu.memory_space<vmem>>) dst(%dma_wait3A_151 : memref<10240x128xf32, #tpu.memory_space<vmem_shared>>)
        } else {
        }
        %add3A_135 = arith.constant 2 : i32
        %add3A_136 = arith.addi %add3A_119, %add3A_135 : i32
        %lt3A_137 = arith.constant 250 : i32
        %lt3A_138 = arith.cmpi slt, %add3A_136, %lt3A_137 : i32
        %convert_element_type3A_139 = arith.extui %lt3A_138 : i1 to i32
        %cond3A_140 = arith.constant 0 : i32
        %cond3A_141 = arith.cmpi ne, %convert_element_type3A_139, %cond3A_140 : i32
        scf.if %cond3A_141 {
          %dma_wait3A_149 = tpu.memref_slice %arg3[%mul3A_2] : memref<320000xi32, #tpu.memory_space<hbm>> -> memref<40xi32, #tpu.memory_space<hbm>>
          %dma_wait3A_150 = tpu.memref_slice %arg3[%mul3A_2] : memref<320000xi32, #tpu.memory_space<hbm>> -> memref<40xi32, #tpu.memory_space<hbm>>
          tpu.wait_dma2 semaphore(%arg29 : memref<!tpu.dma_semaphore, #tpu.memory_space<semaphore_mem>>) src(%dma_wait3A_150 : memref<40xi32, #tpu.memory_space<hbm>>) dst(%arg8 : memref<40xi32, #tpu.memory_space<vmem>>)
          %dma_wait3A_151 = tpu.memref_slice %arg4[%mul3A_2] : memref<320000xi32, #tpu.memory_space<hbm>> -> memref<40xi32, #tpu.memory_space<hbm>>
          %dma_wait3A_152 = tpu.memref_slice %arg4[%mul3A_2] : memref<320000xi32, #tpu.memory_space<hbm>> -> memref<40xi32, #tpu.memory_space<hbm>>
          tpu.wait_dma2 semaphore(%arg29 : memref<!tpu.dma_semaphore, #tpu.memory_space<semaphore_mem>>) src(%dma_wait3A_152 : memref<40xi32, #tpu.memory_space<hbm>>) dst(%arg16 : memref<40xi32, #tpu.memory_space<vmem>>)
          %dma_start3A_153 = arith.constant 0 : i32
          %dma_start3A_154 = arith.constant 0 : i32
          %dma_start3A_155 = tpu.memref_slice %arg2[%dma_start3A_153, %dma_start3A_154] : memref<10000x128xf32, #tpu.memory_space<hbm>> -> memref<10000x128xf32, #tpu.memory_space<hbm>>
          tpu.enqueue_indirect_dma source(%dma_start3A_155 : memref<10000x128xf32, #tpu.memory_space<hbm>>) target(%arg24 : memref<40x128xf32, #tpu.memory_space<vmem>>) offsets(%arg8 : memref<40xi32, #tpu.memory_space<vmem>>) semaphore(%arg37 : memref<!tpu.dma_semaphore, #tpu.memory_space<semaphore_mem>>)
        } else {
        }
        %add3A_142 = arith.constant 3 : i32
        %add3A_143 = arith.addi %add3A_119, %add3A_142 : i32
        %lt3A_144 = arith.constant 250 : i32
        %lt3A_145 = arith.cmpi slt, %add3A_143, %lt3A_144 : i32
        %convert_element_type3A_146 = arith.extui %lt3A_145 : i1 to i32
        %cond3A_147 = arith.constant 0 : i32
        %cond3A_148 = arith.cmpi ne, %convert_element_type3A_146, %cond3A_147 : i32
        scf.if %cond3A_148 {
          %add3A_149 = arith.constant 3 : i32
          %add3A_150 = arith.addi %add3A_119, %add3A_149 : i32
          %mul3A_151 = arith.constant 40 : i32
          %mul3A_152 = arith.muli %add3A_150, %mul3A_151 : i32
          %add3A_153 = arith.addi %mul3A_2, %mul3A_152 : i32
          %dma_start3A_154 = tpu.memref_slice %arg3[%add3A_153] : memref<320000xi32, #tpu.memory_space<hbm>> -> memref<40xi32, #tpu.memory_space<hbm>>
          %dma_start3A_155 = tpu.memref_slice %arg3[%add3A_153] : memref<320000xi32, #tpu.memory_space<hbm>> -> memref<40xi32, #tpu.memory_space<hbm>>
          tpu.enqueue_dma source(%dma_start3A_155 : memref<40xi32, #tpu.memory_space<hbm>>) target(%arg9 : memref<40xi32, #tpu.memory_space<vmem>>) target_semaphore(%arg30 : memref<!tpu.dma_semaphore, #tpu.memory_space<semaphore_mem>>)
          %dma_start3A_156 = tpu.memref_slice %arg4[%add3A_153] : memref<320000xi32, #tpu.memory_space<hbm>> -> memref<40xi32, #tpu.memory_space<hbm>>
          %dma_start3A_157 = tpu.memref_slice %arg4[%add3A_153] : memref<320000xi32, #tpu.memory_space<hbm>> -> memref<40xi32, #tpu.memory_space<hbm>>
          tpu.enqueue_dma source(%dma_start3A_157 : memref<40xi32, #tpu.memory_space<hbm>>) target(%arg17 : memref<40xi32, #tpu.memory_space<vmem>>) target_semaphore(%arg30 : memref<!tpu.dma_semaphore, #tpu.memory_space<semaphore_mem>>)
        } else {
        }
      } else {
      }
    }
    %scan3A_43 = arith.constant 32 : i32
    %dma_wait3A_44 = arith.constant 0 : i32
    %dma_wait3A_45 = arith.constant 0 : i32
    %dma_wait3A_46 = tpu.memref_slice %arg27[%dma_wait3A_44, %dma_wait3A_45] : memref<10240x128xf32, #tpu.memory_space<vmem_shared>> -> memref<10240x128xf32, #tpu.memory_space<vmem_shared>>
    tpu.wait_indirect_dma semaphore(%arg40 : memref<!tpu.dma_semaphore, #tpu.memory_space<semaphore_mem>>) src(%arg23 : memref<40x128xf32, #tpu.memory_space<vmem>>) dst(%dma_wait3A_46 : memref<10240x128xf32, #tpu.memory_space<vmem_shared>>)
    %dma_wait3A_47 = arith.constant 0 : i32
    %dma_wait3A_48 = arith.constant 0 : i32
    %dma_wait3A_49 = tpu.memref_slice %arg27[%dma_wait3A_47, %dma_wait3A_48] : memref<10240x128xf32, #tpu.memory_space<vmem_shared>> -> memref<10240x128xf32, #tpu.memory_space<vmem_shared>>
    tpu.wait_indirect_dma semaphore(%arg41 : memref<!tpu.dma_semaphore, #tpu.memory_space<semaphore_mem>>) src(%arg24 : memref<40x128xf32, #tpu.memory_space<vmem>>) dst(%dma_wait3A_49 : memref<10240x128xf32, #tpu.memory_space<vmem_shared>>)
    %barrier3A_50 = arith.constant 0 : index
    tpu.barrier barrier_id(%barrier3A_50)
    %mul3A_51 = arith.constant 640 : i32
    %mul3A_52 = arith.muli %arg1, %mul3A_51 : i32
    %mul3A_53 = arith.constant 640 : i32
    %mul3A_54 = arith.muli %arg1, %mul3A_53 : i32
    "tpu.region"() ({
      %run_scoped3A = tpu.sem_alloc : memref<!tpu.dma_semaphore, #tpu.memory_space<semaphore_mem>>
      %dma_start3A_55 = arith.constant 0 : i32
      %dma_start3A_56 = tpu.memref_slice %arg6[%arg0, %mul3A_54, %dma_start3A_55] : memref<2x10240x128xf32, #tpu.memory_space<hbm>> -> memref<1x640x128xf32, #tpu.memory_space<hbm>>
      %dma_start3A_57 = tpu.memref_squeeze %dma_start3A_56 : memref<1x640x128xf32, #tpu.memory_space<hbm>> -> memref<640x128xf32, #tpu.memory_space<hbm>>
      %dma_start3A_58 = arith.constant 0 : i32
      %dma_start3A_59 = tpu.memref_slice %arg27[%mul3A_52, %dma_start3A_58] : memref<10240x128xf32, #tpu.memory_space<vmem_shared>> -> memref<640x128xf32, #tpu.memory_space<vmem_shared>>
      tpu.enqueue_dma source(%dma_start3A_59 : memref<640x128xf32, #tpu.memory_space<vmem_shared>>) target(%dma_start3A_57 : memref<640x128xf32, #tpu.memory_space<hbm>>) target_semaphore(%run_scoped3A : memref<!tpu.dma_semaphore, #tpu.memory_space<semaphore_mem>>)
      %dma_wait3A_60 = arith.constant 0 : i32
      %dma_wait3A_61 = tpu.memref_slice %arg6[%arg0, %mul3A_54, %dma_wait3A_60] : memref<2x10240x128xf32, #tpu.memory_space<hbm>> -> memref<1x640x128xf32, #tpu.memory_space<hbm>>
      %dma_wait3A_62 = tpu.memref_squeeze %dma_wait3A_61 : memref<1x640x128xf32, #tpu.memory_space<hbm>> -> memref<640x128xf32, #tpu.memory_space<hbm>>
      %dma_wait3A_63 = arith.constant 0 : i32
      %dma_wait3A_64 = tpu.memref_slice %arg27[%mul3A_52, %dma_wait3A_63] : memref<10240x128xf32, #tpu.memory_space<vmem_shared>> -> memref<640x128xf32, #tpu.memory_space<vmem_shared>>
      tpu.wait_dma2 semaphore(%run_scoped3A : memref<!tpu.dma_semaphore, #tpu.memory_space<semaphore_mem>>) src(%dma_wait3A_64 : memref<640x128xf32, #tpu.memory_space<vmem_shared>>) dst(%dma_wait3A_62 : memref<640x128xf32, #tpu.memory_space<hbm>>)
      tpu.yield
    }) : () -> ()
    return
  }
}

#map = affine_map<(d0, d1) -> (0, 0)>
#map1 = affine_map<(d0, d1) -> (0)>
#map2 = affine_map<(d0, d1) -> (0, 0, 0)>
module attributes {stable_mosaic.version = 14 : i64} {
  func.func @seg_sum(%arg0: i32, %arg1: i32, %arg2: memref<10000x128xf32, #tpu.memory_space<hbm>>, %arg3: memref<320000xi32, #tpu.memory_space<hbm>>, %arg4: memref<320000xi32, #tpu.memory_space<hbm>>, %arg5: memref<640x128xf32, #tpu.memory_space<hbm>>, %arg6: memref<2x10240x128xf32, #tpu.memory_space<hbm>>, %arg7: memref<40xi32, #tpu.memory_space<vmem>>, %arg8: memref<40xi32, #tpu.memory_space<vmem>>, %arg9: memref<40xi32, #tpu.memory_space<vmem>>, %arg10: memref<40xi32, #tpu.memory_space<vmem>>, %arg11: memref<40xi32, #tpu.memory_space<vmem>>, %arg12: memref<40xi32, #tpu.memory_space<vmem>>, %arg13: memref<40xi32, #tpu.memory_space<vmem>>, %arg14: memref<40xi32, #tpu.memory_space<vmem>>, %arg15: memref<40xi32, #tpu.memory_space<vmem>>, %arg16: memref<40xi32, #tpu.memory_space<vmem>>, %arg17: memref<40xi32, #tpu.memory_space<vmem>>, %arg18: memref<40xi32, #tpu.memory_space<vmem>>, %arg19: memref<40xi32, #tpu.memory_space<vmem>>, %arg20: memref<40xi32, #tpu.memory_space<vmem>>, %arg21: memref<40xi32, #tpu.memory_space<vmem>>, %arg22: memref<40xi32, #tpu.memory_space<vmem>>, %arg23: memref<40x128xf32, #tpu.memory_space<vmem>>, %arg24: memref<40x128xf32, #tpu.memory_space<vmem>>, %arg25: memref<40x128xf32, #tpu.memory_space<vmem>>, %arg26: memref<40x128xf32, #tpu.memory_space<vmem>>, %arg27: memref<10240x128xf32, #tpu.memory_space<vmem_shared>>, %arg28: memref<!tpu.dma_semaphore, #tpu.memory_space<semaphore_mem>>, %arg29: memref<!tpu.dma_semaphore, #tpu.memory_space<semaphore_mem>>, %arg30: memref<!tpu.dma_semaphore, #tpu.memory_space<semaphore_mem>>, %arg31: memref<!tpu.dma_semaphore, #tpu.memory_space<semaphore_mem>>, %arg32: memref<!tpu.dma_semaphore, #tpu.memory_space<semaphore_mem>>, %arg33: memref<!tpu.dma_semaphore, #tpu.memory_space<semaphore_mem>>, %arg34: memref<!tpu.dma_semaphore, #tpu.memory_space<semaphore_mem>>, %arg35: memref<!tpu.dma_semaphore, #tpu.memory_space<semaphore_mem>>, %arg36: memref<!tpu.dma_semaphore, #tpu.memory_space<semaphore_mem>>, %arg37: memref<!tpu.dma_semaphore, #tpu.memory_space<semaphore_mem>>, %arg38: memref<!tpu.dma_semaphore, #tpu.memory_space<semaphore_mem>>, %arg39: memref<!tpu.dma_semaphore, #tpu.memory_space<semaphore_mem>>, %arg40: memref<!tpu.dma_semaphore, #tpu.memory_space<semaphore_mem>>, %arg41: memref<!tpu.dma_semaphore, #tpu.memory_space<semaphore_mem>>, %arg42: memref<!tpu.dma_semaphore, #tpu.memory_space<semaphore_mem>>, %arg43: memref<!tpu.dma_semaphore, #tpu.memory_space<semaphore_mem>>, %arg44: memref<!tpu.dma_semaphore, #tpu.memory_space<semaphore_mem>>) attributes {dimension_semantics = [#tpu.dimension_semantics<core_parallel>, #tpu.dimension_semantics<subcore_parallel>], iteration_bounds = array<i64: 2, 16>, scalar_prefetch = 0 : i64, scratch_operands = 38 : i64, tpu.core_type = #tpu.core_type<sc_vector_subcore>, window_params = [{transform_indices = #map}, {transform_indices = #map1}, {transform_indices = #map1}, {transform_indices = #map}, {transform_indices = #map2}]} {
    %mul3A = arith.constant 16 : i32
    %mul3A_0 = arith.muli %arg0, %mul3A : i32
    %add3A = arith.addi %mul3A_0, %arg1 : i32
    %mul3A_1 = arith.constant 10000 : i32
    %mul3A_2 = arith.muli %add3A, %mul3A_1 : i32
    %mul3A_3 = arith.constant 640 : i32
    %mul3A_4 = arith.muli %arg1, %mul3A_3 : i32
    %dma_start3A = arith.constant 0 : i32
    %dma_start3A_5 = tpu.memref_slice %arg27[%mul3A_4, %dma_start3A] : memref<10240x128xf32, #tpu.memory_space<vmem_shared>> -> memref<640x128xf32, #tpu.memory_space<vmem_shared>>
    tpu.enqueue_dma source(%arg5 : memref<640x128xf32, #tpu.memory_space<hbm>>) target(%dma_start3A_5 : memref<640x128xf32, #tpu.memory_space<vmem_shared>>) target_semaphore(%arg44 : memref<!tpu.dma_semaphore, #tpu.memory_space<semaphore_mem>>)
    %add3A_6 = arith.constant 0 : i32
    %add3A_7 = arith.addi %mul3A_2, %add3A_6 : i32
    %dma_start3A_8 = tpu.memref_slice %arg3[%add3A_7] : memref<320000xi32, #tpu.memory_space<hbm>> -> memref<40xi32, #tpu.memory_space<hbm>>
    %dma_start3A_9 = tpu.memref_slice %arg3[%add3A_7] : memref<320000xi32, #tpu.memory_space<hbm>> -> memref<40xi32, #tpu.memory_space<hbm>>
    tpu.enqueue_dma source(%dma_start3A_9 : memref<40xi32, #tpu.memory_space<hbm>>) target(%arg7 : memref<40xi32, #tpu.memory_space<vmem>>) target_semaphore(%arg28 : memref<!tpu.dma_semaphore, #tpu.memory_space<semaphore_mem>>)
    %dma_start3A_10 = tpu.memref_slice %arg4[%add3A_7] : memref<320000xi32, #tpu.memory_space<hbm>> -> memref<40xi32, #tpu.memory_space<hbm>>
    %dma_start3A_11 = tpu.memref_slice %arg4[%add3A_7] : memref<320000xi32, #tpu.memory_space<hbm>> -> memref<40xi32, #tpu.memory_space<hbm>>
    tpu.enqueue_dma source(%dma_start3A_11 : memref<40xi32, #tpu.memory_space<hbm>>) target(%arg15 : memref<40xi32, #tpu.memory_space<vmem>>) target_semaphore(%arg28 : memref<!tpu.dma_semaphore, #tpu.memory_space<semaphore_mem>>)
    %add3A_12 = arith.constant 40 : i32
    %add3A_13 = arith.addi %mul3A_2, %add3A_12 : i32
    %dma_start3A_14 = tpu.memref_slice %arg3[%add3A_13] : memref<320000xi32, #tpu.memory_space<hbm>> -> memref<40xi32, #tpu.memory_space<hbm>>
    %dma_start3A_15 = tpu.memref_slice %arg3[%add3A_13] : memref<320000xi32, #tpu.memory_space<hbm>> -> memref<40xi32, #tpu.memory_space<hbm>>
    tpu.enqueue_dma source(%dma_start3A_15 : memref<40xi32, #tpu.memory_space<hbm>>) target(%arg8 : memref<40xi32, #tpu.memory_space<vmem>>) target_semaphore(%arg29 : memref<!tpu.dma_semaphore, #tpu.memory_space<semaphore_mem>>)
    %dma_start3A_16 = tpu.memref_slice %arg4[%add3A_13] : memref<320000xi32, #tpu.memory_space<hbm>> -> memref<40xi32, #tpu.memory_space<hbm>>
    %dma_start3A_17 = tpu.memref_slice %arg4[%add3A_13] : memref<320000xi32, #tpu.memory_space<hbm>> -> memref<40xi32, #tpu.memory_space<hbm>>
    tpu.enqueue_dma source(%dma_start3A_17 : memref<40xi32, #tpu.memory_space<hbm>>) target(%arg16 : memref<40xi32, #tpu.memory_space<vmem>>) target_semaphore(%arg29 : memref<!tpu.dma_semaphore, #tpu.memory_space<semaphore_mem>>)
    %add3A_18 = arith.constant 80 : i32
    %add3A_19 = arith.addi %mul3A_2, %add3A_18 : i32
    %dma_start3A_20 = tpu.memref_slice %arg3[%add3A_19] : memref<320000xi32, #tpu.memory_space<hbm>> -> memref<40xi32, #tpu.memory_space<hbm>>
    %dma_start3A_21 = tpu.memref_slice %arg3[%add3A_19] : memref<320000xi32, #tpu.memory_space<hbm>> -> memref<40xi32, #tpu.memory_space<hbm>>
    tpu.enqueue_dma source(%dma_start3A_21 : memref<40xi32, #tpu.memory_space<hbm>>) target(%arg9 : memref<40xi32, #tpu.memory_space<vmem>>) target_semaphore(%arg30 : memref<!tpu.dma_semaphore, #tpu.memory_space<semaphore_mem>>)
    %dma_start3A_22 = tpu.memref_slice %arg4[%add3A_19] : memref<320000xi32, #tpu.memory_space<hbm>> -> memref<40xi32, #tpu.memory_space<hbm>>
    %dma_start3A_23 = tpu.memref_slice %arg4[%add3A_19] : memref<320000xi32, #tpu.memory_space<hbm>> -> memref<40xi32, #tpu.memory_space<hbm>>
    tpu.enqueue_dma source(%dma_start3A_23 : memref<40xi32, #tpu.memory_space<hbm>>) target(%arg17 : memref<40xi32, #tpu.memory_space<vmem>>) target_semaphore(%arg30 : memref<!tpu.dma_semaphore, #tpu.memory_space<semaphore_mem>>)
    %dma_wait3A = tpu.memref_slice %arg3[%mul3A_2] : memref<320000xi32, #tpu.memory_space<hbm>> -> memref<40xi32, #tpu.memory_space<hbm>>
    %dma_wait3A_24 = tpu.memref_slice %arg3[%mul3A_2] : memref<320000xi32, #tpu.memory_space<hbm>> -> memref<40xi32, #tpu.memory_space<hbm>>
    tpu.wait_dma2 semaphore(%arg28 : memref<!tpu.dma_semaphore, #tpu.memory_space<semaphore_mem>>) src(%dma_wait3A_24 : memref<40xi32, #tpu.memory_space<hbm>>) dst(%arg7 : memref<40xi32, #tpu.memory_space<vmem>>)
    %dma_wait3A_25 = tpu.memref_slice %arg4[%mul3A_2] : memref<320000xi32, #tpu.memory_space<hbm>> -> memref<40xi32, #tpu.memory_space<hbm>>
    %dma_wait3A_26 = tpu.memref_slice %arg4[%mul3A_2] : memref<320000xi32, #tpu.memory_space<hbm>> -> memref<40xi32, #tpu.memory_space<hbm>>
    tpu.wait_dma2 semaphore(%arg28 : memref<!tpu.dma_semaphore, #tpu.memory_space<semaphore_mem>>) src(%dma_wait3A_26 : memref<40xi32, #tpu.memory_space<hbm>>) dst(%arg15 : memref<40xi32, #tpu.memory_space<vmem>>)
    %dma_start3A_27 = arith.constant 0 : i32
    %dma_start3A_28 = arith.constant 0 : i32
    %dma_start3A_29 = tpu.memref_slice %arg2[%dma_start3A_27, %dma_start3A_28] : memref<10000x128xf32, #tpu.memory_space<hbm>> -> memref<10000x128xf32, #tpu.memory_space<hbm>>
    tpu.enqueue_indirect_dma source(%dma_start3A_29 : memref<10000x128xf32, #tpu.memory_space<hbm>>) target(%arg23 : memref<40x128xf32, #tpu.memory_space<vmem>>) offsets(%arg7 : memref<40xi32, #tpu.memory_space<vmem>>) semaphore(%arg36 : memref<!tpu.dma_semaphore, #tpu.memory_space<semaphore_mem>>)
    %dma_wait3A_30 = tpu.memref_slice %arg3[%mul3A_2] : memref<320000xi32, #tpu.memory_space<hbm>> -> memref<40xi32, #tpu.memory_space<hbm>>
    %dma_wait3A_31 = tpu.memref_slice %arg3[%mul3A_2] : memref<320000xi32, #tpu.memory_space<hbm>> -> memref<40xi32, #tpu.memory_space<hbm>>
    tpu.wait_dma2 semaphore(%arg29 : memref<!tpu.dma_semaphore, #tpu.memory_space<semaphore_mem>>) src(%dma_wait3A_31 : memref<40xi32, #tpu.memory_space<hbm>>) dst(%arg8 : memref<40xi32, #tpu.memory_space<vmem>>)
    %dma_wait3A_32 = tpu.memref_slice %arg4[%mul3A_2] : memref<320000xi32, #tpu.memory_space<hbm>> -> memref<40xi32, #tpu.memory_space<hbm>>
    %dma_wait3A_33 = tpu.memref_slice %arg4[%mul3A_2] : memref<320000xi32, #tpu.memory_space<hbm>> -> memref<40xi32, #tpu.memory_space<hbm>>
    tpu.wait_dma2 semaphore(%arg29 : memref<!tpu.dma_semaphore, #tpu.memory_space<semaphore_mem>>) src(%dma_wait3A_33 : memref<40xi32, #tpu.memory_space<hbm>>) dst(%arg16 : memref<40xi32, #tpu.memory_space<vmem>>)
    %dma_start3A_34 = arith.constant 0 : i32
    %dma_start3A_35 = arith.constant 0 : i32
    %dma_start3A_36 = tpu.memref_slice %arg2[%dma_start3A_34, %dma_start3A_35] : memref<10000x128xf32, #tpu.memory_space<hbm>> -> memref<10000x128xf32, #tpu.memory_space<hbm>>
    tpu.enqueue_indirect_dma source(%dma_start3A_36 : memref<10000x128xf32, #tpu.memory_space<hbm>>) target(%arg24 : memref<40x128xf32, #tpu.memory_space<vmem>>) offsets(%arg8 : memref<40xi32, #tpu.memory_space<vmem>>) semaphore(%arg37 : memref<!tpu.dma_semaphore, #tpu.memory_space<semaphore_mem>>)
    %dma_wait3A_37 = arith.constant 0 : i32
    %dma_wait3A_38 = tpu.memref_slice %arg27[%mul3A_4, %dma_wait3A_37] : memref<10240x128xf32, #tpu.memory_space<vmem_shared>> -> memref<640x128xf32, #tpu.memory_space<vmem_shared>>
    tpu.wait_dma2 semaphore(%arg44 : memref<!tpu.dma_semaphore, #tpu.memory_space<semaphore_mem>>) src(%arg5 : memref<640x128xf32, #tpu.memory_space<hbm>>) dst(%dma_wait3A_38 : memref<640x128xf32, #tpu.memory_space<vmem_shared>>)
    %barrier3A = arith.constant 0 : index
    tpu.barrier barrier_id(%barrier3A)
    %scan3A = arith.constant 0 : i32
    %scan3A_39 = arith.constant 0 : i32
    %scan3A_40 = arith.constant 32 : i32
    %scan3A_41 = arith.addi %scan3A_39, %scan3A_40 : i32
    %scan3A_42 = arith.constant 1 : i32
    scf.for %scan3A_55 = %scan3A_39 to %scan3A_41 step %scan3A_42  : i32 {
      %mul3A_56 = arith.constant 8 : i32
      %mul3A_57 = arith.muli %mul3A_56, %scan3A_55 : i32
      %add3A_58 = arith.constant 0 : i32
      %add3A_59 = arith.addi %mul3A_57, %add3A_58 : i32
      %lt3A = arith.constant 250 : i32
      %lt3A_60 = arith.cmpi slt, %add3A_59, %lt3A : i32
      %convert_element_type3A = arith.extui %lt3A_60 : i1 to i32
      %cond3A = arith.constant 0 : i32
      %cond3A_61 = arith.cmpi ne, %convert_element_type3A, %cond3A : i32
      scf.if %cond3A_61 {
        %dma_wait3A_125 = arith.constant 0 : i32
        %dma_wait3A_126 = arith.constant 0 : i32
        %dma_wait3A_127 = tpu.memref_slice %arg2[%dma_wait3A_125, %dma_wait3A_126] : memref<10000x128xf32, #tpu.memory_space<hbm>> -> memref<10000x128xf32, #tpu.memory_space<hbm>>
        tpu.wait_indirect_dma semaphore(%arg36 : memref<!tpu.dma_semaphore, #tpu.memory_space<semaphore_mem>>) src(%dma_wait3A_127 : memref<10000x128xf32, #tpu.memory_space<hbm>>) dst(%arg23 : memref<40x128xf32, #tpu.memory_space<vmem>>)
        %dma_start3A_128 = arith.constant 0 : i32
        %dma_start3A_129 = arith.constant 0 : i32
        %dma_start3A_130 = tpu.memref_slice %arg27[%dma_start3A_128, %dma_start3A_129] : memref<10240x128xf32, #tpu.memory_space<vmem_shared>> -> memref<10240x128xf32, #tpu.memory_space<vmem_shared>>
        tpu.enqueue_indirect_dma source(%arg23 : memref<40x128xf32, #tpu.memory_space<vmem>>) target(%dma_start3A_130 : memref<10240x128xf32, #tpu.memory_space<vmem_shared>>) offsets(%arg15 : memref<40xi32, #tpu.memory_space<vmem>>) semaphore(%arg40 : memref<!tpu.dma_semaphore, #tpu.memory_space<semaphore_mem>>) {add = true}
        %ge3A = arith.constant 2 : i32
        %ge3A_131 = arith.cmpi sge, %add3A_59, %ge3A : i32
        %convert_element_type3A_132 = arith.extui %ge3A_131 : i1 to i32
        %cond3A_133 = arith.constant 0 : i32
        %cond3A_134 = arith.cmpi ne, %convert_element_type3A_132, %cond3A_133 : i32
        scf.if %cond3A_134 {
          %dma_wait3A_149 = arith.constant 0 : i32
          %dma_wait3A_150 = arith.constant 0 : i32
          %dma_wait3A_151 = tpu.memref_slice %arg27[%dma_wait3A_149, %dma_wait3A_150] : memref<10240x128xf32, #tpu.memory_space<vmem_shared>> -> memref<10240x128xf32, #tpu.memory_space<vmem_shared>>
          tpu.wait_indirect_dma semaphore(%arg42 : memref<!tpu.dma_semaphore, #tpu.memory_space<semaphore_mem>>) src(%arg25 : memref<40x128xf32, #tpu.memory_space<vmem>>) dst(%dma_wait3A_151 : memref<10240x128xf32, #tpu.memory_space<vmem_shared>>)
        } else {
        }
        %add3A_135 = arith.constant 2 : i32
        %add3A_136 = arith.addi %add3A_59, %add3A_135 : i32
        %lt3A_137 = arith.constant 250 : i32
        %lt3A_138 = arith.cmpi slt, %add3A_136, %lt3A_137 : i32
        %convert_element_type3A_139 = arith.extui %lt3A_138 : i1 to i32
        %cond3A_140 = arith.constant 0 : i32
        %cond3A_141 = arith.cmpi ne, %convert_element_type3A_139, %cond3A_140 : i32
        scf.if %cond3A_141 {
          %dma_wait3A_149 = tpu.memref_slice %arg3[%mul3A_2] : memref<320000xi32, #tpu.memory_space<hbm>> -> memref<40xi32, #tpu.memory_space<hbm>>
          %dma_wait3A_150 = tpu.memref_slice %arg3[%mul3A_2] : memref<320000xi32, #tpu.memory_space<hbm>> -> memref<40xi32, #tpu.memory_space<hbm>>
          tpu.wait_dma2 semaphore(%arg30 : memref<!tpu.dma_semaphore, #tpu.memory_space<semaphore_mem>>) src(%dma_wait3A_150 : memref<40xi32, #tpu.memory_space<hbm>>) dst(%arg9 : memref<40xi32, #tpu.memory_space<vmem>>)
          %dma_wait3A_151 = tpu.memref_slice %arg4[%mul3A_2] : memref<320000xi32, #tpu.memory_space<hbm>> -> memref<40xi32, #tpu.memory_space<hbm>>
          %dma_wait3A_152 = tpu.memref_slice %arg4[%mul3A_2] : memref<320000xi32, #tpu.memory_space<hbm>> -> memref<40xi32, #tpu.memory_space<hbm>>
          tpu.wait_dma2 semaphore(%arg30 : memref<!tpu.dma_semaphore, #tpu.memory_space<semaphore_mem>>) src(%dma_wait3A_152 : memref<40xi32, #tpu.memory_space<hbm>>) dst(%arg17 : memref<40xi32, #tpu.memory_space<vmem>>)
          %dma_start3A_153 = arith.constant 0 : i32
          %dma_start3A_154 = arith.constant 0 : i32
          %dma_start3A_155 = tpu.memref_slice %arg2[%dma_start3A_153, %dma_start3A_154] : memref<10000x128xf32, #tpu.memory_space<hbm>> -> memref<10000x128xf32, #tpu.memory_space<hbm>>
          tpu.enqueue_indirect_dma source(%dma_start3A_155 : memref<10000x128xf32, #tpu.memory_space<hbm>>) target(%arg25 : memref<40x128xf32, #tpu.memory_space<vmem>>) offsets(%arg9 : memref<40xi32, #tpu.memory_space<vmem>>) semaphore(%arg38 : memref<!tpu.dma_semaphore, #tpu.memory_space<semaphore_mem>>)
        } else {
        }
        %add3A_142 = arith.constant 3 : i32
        %add3A_143 = arith.addi %add3A_59, %add3A_142 : i32
        %lt3A_144 = arith.constant 250 : i32
        %lt3A_145 = arith.cmpi slt, %add3A_143, %lt3A_144 : i32
        %convert_element_type3A_146 = arith.extui %lt3A_145 : i1 to i32
        %cond3A_147 = arith.constant 0 : i32
        %cond3A_148 = arith.cmpi ne, %convert_element_type3A_146, %cond3A_147 : i32
        scf.if %cond3A_148 {
          %add3A_149 = arith.constant 3 : i32
          %add3A_150 = arith.addi %add3A_59, %add3A_149 : i32
          %mul3A_151 = arith.constant 40 : i32
          %mul3A_152 = arith.muli %add3A_150, %mul3A_151 : i32
          %add3A_153 = arith.addi %mul3A_2, %mul3A_152 : i32
          %dma_start3A_154 = tpu.memref_slice %arg3[%add3A_153] : memref<320000xi32, #tpu.memory_space<hbm>> -> memref<40xi32, #tpu.memory_space<hbm>>
          %dma_start3A_155 = tpu.memref_slice %arg3[%add3A_153] : memref<320000xi32, #tpu.memory_space<hbm>> -> memref<40xi32, #tpu.memory_space<hbm>>
          tpu.enqueue_dma source(%dma_start3A_155 : memref<40xi32, #tpu.memory_space<hbm>>) target(%arg10 : memref<40xi32, #tpu.memory_space<vmem>>) target_semaphore(%arg31 : memref<!tpu.dma_semaphore, #tpu.memory_space<semaphore_mem>>)
          %dma_start3A_156 = tpu.memref_slice %arg4[%add3A_153] : memref<320000xi32, #tpu.memory_space<hbm>> -> memref<40xi32, #tpu.memory_space<hbm>>
          %dma_start3A_157 = tpu.memref_slice %arg4[%add3A_153] : memref<320000xi32, #tpu.memory_space<hbm>> -> memref<40xi32, #tpu.memory_space<hbm>>
          tpu.enqueue_dma source(%dma_start3A_157 : memref<40xi32, #tpu.memory_space<hbm>>) target(%arg18 : memref<40xi32, #tpu.memory_space<vmem>>) target_semaphore(%arg31 : memref<!tpu.dma_semaphore, #tpu.memory_space<semaphore_mem>>)
        } else {
        }
      } else {
      }
      %mul3A_62 = arith.constant 8 : i32
      %mul3A_63 = arith.muli %mul3A_62, %scan3A_55 : i32
      %add3A_64 = arith.constant 1 : i32
      %add3A_65 = arith.addi %mul3A_63, %add3A_64 : i32
      %lt3A_66 = arith.constant 250 : i32
      %lt3A_67 = arith.cmpi slt, %add3A_65, %lt3A_66 : i32
      %convert_element_type3A_68 = arith.extui %lt3A_67 : i1 to i32
      %cond3A_69 = arith.constant 0 : i32
      %cond3A_70 = arith.cmpi ne, %convert_element_type3A_68, %cond3A_69 : i32
      scf.if %cond3A_70 {
        %dma_wait3A_125 = arith.constant 0 : i32
        %dma_wait3A_126 = arith.constant 0 : i32
        %dma_wait3A_127 = tpu.memref_slice %arg2[%dma_wait3A_125, %dma_wait3A_126] : memref<10000x128xf32, #tpu.memory_space<hbm>> -> memref<10000x128xf32, #tpu.memory_space<hbm>>
        tpu.wait_indirect_dma semaphore(%arg37 : memref<!tpu.dma_semaphore, #tpu.memory_space<semaphore_mem>>) src(%dma_wait3A_127 : memref<10000x128xf32, #tpu.memory_space<hbm>>) dst(%arg24 : memref<40x128xf32, #tpu.memory_space<vmem>>)
        %dma_start3A_128 = arith.constant 0 : i32
        %dma_start3A_129 = arith.constant 0 : i32
        %dma_start3A_130 = tpu.memref_slice %arg27[%dma_start3A_128, %dma_start3A_129] : memref<10240x128xf32, #tpu.memory_space<vmem_shared>> -> memref<10240x128xf32, #tpu.memory_space<vmem_shared>>
        tpu.enqueue_indirect_dma source(%arg24 : memref<40x128xf32, #tpu.memory_space<vmem>>) target(%dma_start3A_130 : memref<10240x128xf32, #tpu.memory_space<vmem_shared>>) offsets(%arg16 : memref<40xi32, #tpu.memory_space<vmem>>) semaphore(%arg41 : memref<!tpu.dma_semaphore, #tpu.memory_space<semaphore_mem>>) {add = true}
        %ge3A = arith.constant 2 : i32
        %ge3A_131 = arith.cmpi sge, %add3A_65, %ge3A : i32
        %convert_element_type3A_132 = arith.extui %ge3A_131 : i1 to i32
        %cond3A_133 = arith.constant 0 : i32
        %cond3A_134 = arith.cmpi ne, %convert_element_type3A_132, %cond3A_133 : i32
        scf.if %cond3A_134 {
          %dma_wait3A_149 = arith.constant 0 : i32
          %dma_wait3A_150 = arith.constant 0 : i32
          %dma_wait3A_151 = tpu.memref_slice %arg27[%dma_wait3A_149, %dma_wait3A_150] : memref<10240x128xf32, #tpu.memory_space<vmem_shared>> -> memref<10240x128xf32, #tpu.memory_space<vmem_shared>>
          tpu.wait_indirect_dma semaphore(%arg43 : memref<!tpu.dma_semaphore, #tpu.memory_space<semaphore_mem>>) src(%arg26 : memref<40x128xf32, #tpu.memory_space<vmem>>) dst(%dma_wait3A_151 : memref<10240x128xf32, #tpu.memory_space<vmem_shared>>)
        } else {
        }
        %add3A_135 = arith.constant 2 : i32
        %add3A_136 = arith.addi %add3A_65, %add3A_135 : i32
        %lt3A_137 = arith.constant 250 : i32
        %lt3A_138 = arith.cmpi slt, %add3A_136, %lt3A_137 : i32
        %convert_element_type3A_139 = arith.extui %lt3A_138 : i1 to i32
        %cond3A_140 = arith.constant 0 : i32
        %cond3A_141 = arith.cmpi ne, %convert_element_type3A_139, %cond3A_140 : i32
        scf.if %cond3A_141 {
          %dma_wait3A_149 = tpu.memref_slice %arg3[%mul3A_2] : memref<320000xi32, #tpu.memory_space<hbm>> -> memref<40xi32, #tpu.memory_space<hbm>>
          %dma_wait3A_150 = tpu.memref_slice %arg3[%mul3A_2] : memref<320000xi32, #tpu.memory_space<hbm>> -> memref<40xi32, #tpu.memory_space<hbm>>
          tpu.wait_dma2 semaphore(%arg31 : memref<!tpu.dma_semaphore, #tpu.memory_space<semaphore_mem>>) src(%dma_wait3A_150 : memref<40xi32, #tpu.memory_space<hbm>>) dst(%arg10 : memref<40xi32, #tpu.memory_space<vmem>>)
          %dma_wait3A_151 = tpu.memref_slice %arg4[%mul3A_2] : memref<320000xi32, #tpu.memory_space<hbm>> -> memref<40xi32, #tpu.memory_space<hbm>>
          %dma_wait3A_152 = tpu.memref_slice %arg4[%mul3A_2] : memref<320000xi32, #tpu.memory_space<hbm>> -> memref<40xi32, #tpu.memory_space<hbm>>
          tpu.wait_dma2 semaphore(%arg31 : memref<!tpu.dma_semaphore, #tpu.memory_space<semaphore_mem>>) src(%dma_wait3A_152 : memref<40xi32, #tpu.memory_space<hbm>>) dst(%arg18 : memref<40xi32, #tpu.memory_space<vmem>>)
          %dma_start3A_153 = arith.constant 0 : i32
          %dma_start3A_154 = arith.constant 0 : i32
          %dma_start3A_155 = tpu.memref_slice %arg2[%dma_start3A_153, %dma_start3A_154] : memref<10000x128xf32, #tpu.memory_space<hbm>> -> memref<10000x128xf32, #tpu.memory_space<hbm>>
          tpu.enqueue_indirect_dma source(%dma_start3A_155 : memref<10000x128xf32, #tpu.memory_space<hbm>>) target(%arg26 : memref<40x128xf32, #tpu.memory_space<vmem>>) offsets(%arg10 : memref<40xi32, #tpu.memory_space<vmem>>) semaphore(%arg39 : memref<!tpu.dma_semaphore, #tpu.memory_space<semaphore_mem>>)
        } else {
        }
        %add3A_142 = arith.constant 3 : i32
        %add3A_143 = arith.addi %add3A_65, %add3A_142 : i32
        %lt3A_144 = arith.constant 250 : i32
        %lt3A_145 = arith.cmpi slt, %add3A_143, %lt3A_144 : i32
        %convert_element_type3A_146 = arith.extui %lt3A_145 : i1 to i32
        %cond3A_147 = arith.constant 0 : i32
        %cond3A_148 = arith.cmpi ne, %convert_element_type3A_146, %cond3A_147 : i32
        scf.if %cond3A_148 {
          %add3A_149 = arith.constant 3 : i32
          %add3A_150 = arith.addi %add3A_65, %add3A_149 : i32
          %mul3A_151 = arith.constant 40 : i32
          %mul3A_152 = arith.muli %add3A_150, %mul3A_151 : i32
          %add3A_153 = arith.addi %mul3A_2, %mul3A_152 : i32
          %dma_start3A_154 = tpu.memref_slice %arg3[%add3A_153] : memref<320000xi32, #tpu.memory_space<hbm>> -> memref<40xi32, #tpu.memory_space<hbm>>
          %dma_start3A_155 = tpu.memref_slice %arg3[%add3A_153] : memref<320000xi32, #tpu.memory_space<hbm>> -> memref<40xi32, #tpu.memory_space<hbm>>
          tpu.enqueue_dma source(%dma_start3A_155 : memref<40xi32, #tpu.memory_space<hbm>>) target(%arg11 : memref<40xi32, #tpu.memory_space<vmem>>) target_semaphore(%arg32 : memref<!tpu.dma_semaphore, #tpu.memory_space<semaphore_mem>>)
          %dma_start3A_156 = tpu.memref_slice %arg4[%add3A_153] : memref<320000xi32, #tpu.memory_space<hbm>> -> memref<40xi32, #tpu.memory_space<hbm>>
          %dma_start3A_157 = tpu.memref_slice %arg4[%add3A_153] : memref<320000xi32, #tpu.memory_space<hbm>> -> memref<40xi32, #tpu.memory_space<hbm>>
          tpu.enqueue_dma source(%dma_start3A_157 : memref<40xi32, #tpu.memory_space<hbm>>) target(%arg19 : memref<40xi32, #tpu.memory_space<vmem>>) target_semaphore(%arg32 : memref<!tpu.dma_semaphore, #tpu.memory_space<semaphore_mem>>)
        } else {
        }
      } else {
      }
      %mul3A_71 = arith.constant 8 : i32
      %mul3A_72 = arith.muli %mul3A_71, %scan3A_55 : i32
      %add3A_73 = arith.constant 2 : i32
      %add3A_74 = arith.addi %mul3A_72, %add3A_73 : i32
      %lt3A_75 = arith.constant 250 : i32
      %lt3A_76 = arith.cmpi slt, %add3A_74, %lt3A_75 : i32
      %convert_element_type3A_77 = arith.extui %lt3A_76 : i1 to i32
      %cond3A_78 = arith.constant 0 : i32
      %cond3A_79 = arith.cmpi ne, %convert_element_type3A_77, %cond3A_78 : i32
      scf.if %cond3A_79 {
        %dma_wait3A_125 = arith.constant 0 : i32
        %dma_wait3A_126 = arith.constant 0 : i32
        %dma_wait3A_127 = tpu.memref_slice %arg2[%dma_wait3A_125, %dma_wait3A_126] : memref<10000x128xf32, #tpu.memory_space<hbm>> -> memref<10000x128xf32, #tpu.memory_space<hbm>>
        tpu.wait_indirect_dma semaphore(%arg38 : memref<!tpu.dma_semaphore, #tpu.memory_space<semaphore_mem>>) src(%dma_wait3A_127 : memref<10000x128xf32, #tpu.memory_space<hbm>>) dst(%arg25 : memref<40x128xf32, #tpu.memory_space<vmem>>)
        %dma_start3A_128 = arith.constant 0 : i32
        %dma_start3A_129 = arith.constant 0 : i32
        %dma_start3A_130 = tpu.memref_slice %arg27[%dma_start3A_128, %dma_start3A_129] : memref<10240x128xf32, #tpu.memory_space<vmem_shared>> -> memref<10240x128xf32, #tpu.memory_space<vmem_shared>>
        tpu.enqueue_indirect_dma source(%arg25 : memref<40x128xf32, #tpu.memory_space<vmem>>) target(%dma_start3A_130 : memref<10240x128xf32, #tpu.memory_space<vmem_shared>>) offsets(%arg17 : memref<40xi32, #tpu.memory_space<vmem>>) semaphore(%arg42 : memref<!tpu.dma_semaphore, #tpu.memory_space<semaphore_mem>>) {add = true}
        %ge3A = arith.constant 2 : i32
        %ge3A_131 = arith.cmpi sge, %add3A_74, %ge3A : i32
        %convert_element_type3A_132 = arith.extui %ge3A_131 : i1 to i32
        %cond3A_133 = arith.constant 0 : i32
        %cond3A_134 = arith.cmpi ne, %convert_element_type3A_132, %cond3A_133 : i32
        scf.if %cond3A_134 {
          %dma_wait3A_149 = arith.constant 0 : i32
          %dma_wait3A_150 = arith.constant 0 : i32
          %dma_wait3A_151 = tpu.memref_slice %arg27[%dma_wait3A_149, %dma_wait3A_150] : memref<10240x128xf32, #tpu.memory_space<vmem_shared>> -> memref<10240x128xf32, #tpu.memory_space<vmem_shared>>
          tpu.wait_indirect_dma semaphore(%arg40 : memref<!tpu.dma_semaphore, #tpu.memory_space<semaphore_mem>>) src(%arg23 : memref<40x128xf32, #tpu.memory_space<vmem>>) dst(%dma_wait3A_151 : memref<10240x128xf32, #tpu.memory_space<vmem_shared>>)
        } else {
        }
        %add3A_135 = arith.constant 2 : i32
        %add3A_136 = arith.addi %add3A_74, %add3A_135 : i32
        %lt3A_137 = arith.constant 250 : i32
        %lt3A_138 = arith.cmpi slt, %add3A_136, %lt3A_137 : i32
        %convert_element_type3A_139 = arith.extui %lt3A_138 : i1 to i32
        %cond3A_140 = arith.constant 0 : i32
        %cond3A_141 = arith.cmpi ne, %convert_element_type3A_139, %cond3A_140 : i32
        scf.if %cond3A_141 {
          %dma_wait3A_149 = tpu.memref_slice %arg3[%mul3A_2] : memref<320000xi32, #tpu.memory_space<hbm>> -> memref<40xi32, #tpu.memory_space<hbm>>
          %dma_wait3A_150 = tpu.memref_slice %arg3[%mul3A_2] : memref<320000xi32, #tpu.memory_space<hbm>> -> memref<40xi32, #tpu.memory_space<hbm>>
          tpu.wait_dma2 semaphore(%arg32 : memref<!tpu.dma_semaphore, #tpu.memory_space<semaphore_mem>>) src(%dma_wait3A_150 : memref<40xi32, #tpu.memory_space<hbm>>) dst(%arg11 : memref<40xi32, #tpu.memory_space<vmem>>)
          %dma_wait3A_151 = tpu.memref_slice %arg4[%mul3A_2] : memref<320000xi32, #tpu.memory_space<hbm>> -> memref<40xi32, #tpu.memory_space<hbm>>
          %dma_wait3A_152 = tpu.memref_slice %arg4[%mul3A_2] : memref<320000xi32, #tpu.memory_space<hbm>> -> memref<40xi32, #tpu.memory_space<hbm>>
          tpu.wait_dma2 semaphore(%arg32 : memref<!tpu.dma_semaphore, #tpu.memory_space<semaphore_mem>>) src(%dma_wait3A_152 : memref<40xi32, #tpu.memory_space<hbm>>) dst(%arg19 : memref<40xi32, #tpu.memory_space<vmem>>)
          %dma_start3A_153 = arith.constant 0 : i32
          %dma_start3A_154 = arith.constant 0 : i32
          %dma_start3A_155 = tpu.memref_slice %arg2[%dma_start3A_153, %dma_start3A_154] : memref<10000x128xf32, #tpu.memory_space<hbm>> -> memref<10000x128xf32, #tpu.memory_space<hbm>>
          tpu.enqueue_indirect_dma source(%dma_start3A_155 : memref<10000x128xf32, #tpu.memory_space<hbm>>) target(%arg23 : memref<40x128xf32, #tpu.memory_space<vmem>>) offsets(%arg11 : memref<40xi32, #tpu.memory_space<vmem>>) semaphore(%arg36 : memref<!tpu.dma_semaphore, #tpu.memory_space<semaphore_mem>>)
        } else {
        }
        %add3A_142 = arith.constant 3 : i32
        %add3A_143 = arith.addi %add3A_74, %add3A_142 : i32
        %lt3A_144 = arith.constant 250 : i32
        %lt3A_145 = arith.cmpi slt, %add3A_143, %lt3A_144 : i32
        %convert_element_type3A_146 = arith.extui %lt3A_145 : i1 to i32
        %cond3A_147 = arith.constant 0 : i32
        %cond3A_148 = arith.cmpi ne, %convert_element_type3A_146, %cond3A_147 : i32
        scf.if %cond3A_148 {
          %add3A_149 = arith.constant 3 : i32
          %add3A_150 = arith.addi %add3A_74, %add3A_149 : i32
          %mul3A_151 = arith.constant 40 : i32
          %mul3A_152 = arith.muli %add3A_150, %mul3A_151 : i32
          %add3A_153 = arith.addi %mul3A_2, %mul3A_152 : i32
          %dma_start3A_154 = tpu.memref_slice %arg3[%add3A_153] : memref<320000xi32, #tpu.memory_space<hbm>> -> memref<40xi32, #tpu.memory_space<hbm>>
          %dma_start3A_155 = tpu.memref_slice %arg3[%add3A_153] : memref<320000xi32, #tpu.memory_space<hbm>> -> memref<40xi32, #tpu.memory_space<hbm>>
          tpu.enqueue_dma source(%dma_start3A_155 : memref<40xi32, #tpu.memory_space<hbm>>) target(%arg12 : memref<40xi32, #tpu.memory_space<vmem>>) target_semaphore(%arg33 : memref<!tpu.dma_semaphore, #tpu.memory_space<semaphore_mem>>)
          %dma_start3A_156 = tpu.memref_slice %arg4[%add3A_153] : memref<320000xi32, #tpu.memory_space<hbm>> -> memref<40xi32, #tpu.memory_space<hbm>>
          %dma_start3A_157 = tpu.memref_slice %arg4[%add3A_153] : memref<320000xi32, #tpu.memory_space<hbm>> -> memref<40xi32, #tpu.memory_space<hbm>>
          tpu.enqueue_dma source(%dma_start3A_157 : memref<40xi32, #tpu.memory_space<hbm>>) target(%arg20 : memref<40xi32, #tpu.memory_space<vmem>>) target_semaphore(%arg33 : memref<!tpu.dma_semaphore, #tpu.memory_space<semaphore_mem>>)
        } else {
        }
      } else {
      }
      %mul3A_80 = arith.constant 8 : i32
      %mul3A_81 = arith.muli %mul3A_80, %scan3A_55 : i32
      %add3A_82 = arith.constant 3 : i32
      %add3A_83 = arith.addi %mul3A_81, %add3A_82 : i32
      %lt3A_84 = arith.constant 250 : i32
      %lt3A_85 = arith.cmpi slt, %add3A_83, %lt3A_84 : i32
      %convert_element_type3A_86 = arith.extui %lt3A_85 : i1 to i32
      %cond3A_87 = arith.constant 0 : i32
      %cond3A_88 = arith.cmpi ne, %convert_element_type3A_86, %cond3A_87 : i32
      scf.if %cond3A_88 {
        %dma_wait3A_125 = arith.constant 0 : i32
        %dma_wait3A_126 = arith.constant 0 : i32
        %dma_wait3A_127 = tpu.memref_slice %arg2[%dma_wait3A_125, %dma_wait3A_126] : memref<10000x128xf32, #tpu.memory_space<hbm>> -> memref<10000x128xf32, #tpu.memory_space<hbm>>
        tpu.wait_indirect_dma semaphore(%arg39 : memref<!tpu.dma_semaphore, #tpu.memory_space<semaphore_mem>>) src(%dma_wait3A_127 : memref<10000x128xf32, #tpu.memory_space<hbm>>) dst(%arg26 : memref<40x128xf32, #tpu.memory_space<vmem>>)
        %dma_start3A_128 = arith.constant 0 : i32
        %dma_start3A_129 = arith.constant 0 : i32
        %dma_start3A_130 = tpu.memref_slice %arg27[%dma_start3A_128, %dma_start3A_129] : memref<10240x128xf32, #tpu.memory_space<vmem_shared>> -> memref<10240x128xf32, #tpu.memory_space<vmem_shared>>
        tpu.enqueue_indirect_dma source(%arg26 : memref<40x128xf32, #tpu.memory_space<vmem>>) target(%dma_start3A_130 : memref<10240x128xf32, #tpu.memory_space<vmem_shared>>) offsets(%arg18 : memref<40xi32, #tpu.memory_space<vmem>>) semaphore(%arg43 : memref<!tpu.dma_semaphore, #tpu.memory_space<semaphore_mem>>) {add = true}
        %ge3A = arith.constant 2 : i32
        %ge3A_131 = arith.cmpi sge, %add3A_83, %ge3A : i32
        %convert_element_type3A_132 = arith.extui %ge3A_131 : i1 to i32
        %cond3A_133 = arith.constant 0 : i32
        %cond3A_134 = arith.cmpi ne, %convert_element_type3A_132, %cond3A_133 : i32
        scf.if %cond3A_134 {
          %dma_wait3A_149 = arith.constant 0 : i32
          %dma_wait3A_150 = arith.constant 0 : i32
          %dma_wait3A_151 = tpu.memref_slice %arg27[%dma_wait3A_149, %dma_wait3A_150] : memref<10240x128xf32, #tpu.memory_space<vmem_shared>> -> memref<10240x128xf32, #tpu.memory_space<vmem_shared>>
          tpu.wait_indirect_dma semaphore(%arg41 : memref<!tpu.dma_semaphore, #tpu.memory_space<semaphore_mem>>) src(%arg24 : memref<40x128xf32, #tpu.memory_space<vmem>>) dst(%dma_wait3A_151 : memref<10240x128xf32, #tpu.memory_space<vmem_shared>>)
        } else {
        }
        %add3A_135 = arith.constant 2 : i32
        %add3A_136 = arith.addi %add3A_83, %add3A_135 : i32
        %lt3A_137 = arith.constant 250 : i32
        %lt3A_138 = arith.cmpi slt, %add3A_136, %lt3A_137 : i32
        %convert_element_type3A_139 = arith.extui %lt3A_138 : i1 to i32
        %cond3A_140 = arith.constant 0 : i32
        %cond3A_141 = arith.cmpi ne, %convert_element_type3A_139, %cond3A_140 : i32
        scf.if %cond3A_141 {
          %dma_wait3A_149 = tpu.memref_slice %arg3[%mul3A_2] : memref<320000xi32, #tpu.memory_space<hbm>> -> memref<40xi32, #tpu.memory_space<hbm>>
          %dma_wait3A_150 = tpu.memref_slice %arg3[%mul3A_2] : memref<320000xi32, #tpu.memory_space<hbm>> -> memref<40xi32, #tpu.memory_space<hbm>>
          tpu.wait_dma2 semaphore(%arg33 : memref<!tpu.dma_semaphore, #tpu.memory_space<semaphore_mem>>) src(%dma_wait3A_150 : memref<40xi32, #tpu.memory_space<hbm>>) dst(%arg12 : memref<40xi32, #tpu.memory_space<vmem>>)
          %dma_wait3A_151 = tpu.memref_slice %arg4[%mul3A_2] : memref<320000xi32, #tpu.memory_space<hbm>> -> memref<40xi32, #tpu.memory_space<hbm>>
          %dma_wait3A_152 = tpu.memref_slice %arg4[%mul3A_2] : memref<320000xi32, #tpu.memory_space<hbm>> -> memref<40xi32, #tpu.memory_space<hbm>>
          tpu.wait_dma2 semaphore(%arg33 : memref<!tpu.dma_semaphore, #tpu.memory_space<semaphore_mem>>) src(%dma_wait3A_152 : memref<40xi32, #tpu.memory_space<hbm>>) dst(%arg20 : memref<40xi32, #tpu.memory_space<vmem>>)
          %dma_start3A_153 = arith.constant 0 : i32
          %dma_start3A_154 = arith.constant 0 : i32
          %dma_start3A_155 = tpu.memref_slice %arg2[%dma_start3A_153, %dma_start3A_154] : memref<10000x128xf32, #tpu.memory_space<hbm>> -> memref<10000x128xf32, #tpu.memory_space<hbm>>
          tpu.enqueue_indirect_dma source(%dma_start3A_155 : memref<10000x128xf32, #tpu.memory_space<hbm>>) target(%arg24 : memref<40x128xf32, #tpu.memory_space<vmem>>) offsets(%arg12 : memref<40xi32, #tpu.memory_space<vmem>>) semaphore(%arg37 : memref<!tpu.dma_semaphore, #tpu.memory_space<semaphore_mem>>)
        } else {
        }
        %add3A_142 = arith.constant 3 : i32
        %add3A_143 = arith.addi %add3A_83, %add3A_142 : i32
        %lt3A_144 = arith.constant 250 : i32
        %lt3A_145 = arith.cmpi slt, %add3A_143, %lt3A_144 : i32
        %convert_element_type3A_146 = arith.extui %lt3A_145 : i1 to i32
        %cond3A_147 = arith.constant 0 : i32
        %cond3A_148 = arith.cmpi ne, %convert_element_type3A_146, %cond3A_147 : i32
        scf.if %cond3A_148 {
          %add3A_149 = arith.constant 3 : i32
          %add3A_150 = arith.addi %add3A_83, %add3A_149 : i32
          %mul3A_151 = arith.constant 40 : i32
          %mul3A_152 = arith.muli %add3A_150, %mul3A_151 : i32
          %add3A_153 = arith.addi %mul3A_2, %mul3A_152 : i32
          %dma_start3A_154 = tpu.memref_slice %arg3[%add3A_153] : memref<320000xi32, #tpu.memory_space<hbm>> -> memref<40xi32, #tpu.memory_space<hbm>>
          %dma_start3A_155 = tpu.memref_slice %arg3[%add3A_153] : memref<320000xi32, #tpu.memory_space<hbm>> -> memref<40xi32, #tpu.memory_space<hbm>>
          tpu.enqueue_dma source(%dma_start3A_155 : memref<40xi32, #tpu.memory_space<hbm>>) target(%arg13 : memref<40xi32, #tpu.memory_space<vmem>>) target_semaphore(%arg34 : memref<!tpu.dma_semaphore, #tpu.memory_space<semaphore_mem>>)
          %dma_start3A_156 = tpu.memref_slice %arg4[%add3A_153] : memref<320000xi32, #tpu.memory_space<hbm>> -> memref<40xi32, #tpu.memory_space<hbm>>
          %dma_start3A_157 = tpu.memref_slice %arg4[%add3A_153] : memref<320000xi32, #tpu.memory_space<hbm>> -> memref<40xi32, #tpu.memory_space<hbm>>
          tpu.enqueue_dma source(%dma_start3A_157 : memref<40xi32, #tpu.memory_space<hbm>>) target(%arg21 : memref<40xi32, #tpu.memory_space<vmem>>) target_semaphore(%arg34 : memref<!tpu.dma_semaphore, #tpu.memory_space<semaphore_mem>>)
        } else {
        }
      } else {
      }
      %mul3A_89 = arith.constant 8 : i32
      %mul3A_90 = arith.muli %mul3A_89, %scan3A_55 : i32
      %add3A_91 = arith.constant 4 : i32
      %add3A_92 = arith.addi %mul3A_90, %add3A_91 : i32
      %lt3A_93 = arith.constant 250 : i32
      %lt3A_94 = arith.cmpi slt, %add3A_92, %lt3A_93 : i32
      %convert_element_type3A_95 = arith.extui %lt3A_94 : i1 to i32
      %cond3A_96 = arith.constant 0 : i32
      %cond3A_97 = arith.cmpi ne, %convert_element_type3A_95, %cond3A_96 : i32
      scf.if %cond3A_97 {
        %dma_wait3A_125 = arith.constant 0 : i32
        %dma_wait3A_126 = arith.constant 0 : i32
        %dma_wait3A_127 = tpu.memref_slice %arg2[%dma_wait3A_125, %dma_wait3A_126] : memref<10000x128xf32, #tpu.memory_space<hbm>> -> memref<10000x128xf32, #tpu.memory_space<hbm>>
        tpu.wait_indirect_dma semaphore(%arg36 : memref<!tpu.dma_semaphore, #tpu.memory_space<semaphore_mem>>) src(%dma_wait3A_127 : memref<10000x128xf32, #tpu.memory_space<hbm>>) dst(%arg23 : memref<40x128xf32, #tpu.memory_space<vmem>>)
        %dma_start3A_128 = arith.constant 0 : i32
        %dma_start3A_129 = arith.constant 0 : i32
        %dma_start3A_130 = tpu.memref_slice %arg27[%dma_start3A_128, %dma_start3A_129] : memref<10240x128xf32, #tpu.memory_space<vmem_shared>> -> memref<10240x128xf32, #tpu.memory_space<vmem_shared>>
        tpu.enqueue_indirect_dma source(%arg23 : memref<40x128xf32, #tpu.memory_space<vmem>>) target(%dma_start3A_130 : memref<10240x128xf32, #tpu.memory_space<vmem_shared>>) offsets(%arg19 : memref<40xi32, #tpu.memory_space<vmem>>) semaphore(%arg40 : memref<!tpu.dma_semaphore, #tpu.memory_space<semaphore_mem>>) {add = true}
        %ge3A = arith.constant 2 : i32
        %ge3A_131 = arith.cmpi sge, %add3A_92, %ge3A : i32
        %convert_element_type3A_132 = arith.extui %ge3A_131 : i1 to i32
        %cond3A_133 = arith.constant 0 : i32
        %cond3A_134 = arith.cmpi ne, %convert_element_type3A_132, %cond3A_133 : i32
        scf.if %cond3A_134 {
          %dma_wait3A_149 = arith.constant 0 : i32
          %dma_wait3A_150 = arith.constant 0 : i32
          %dma_wait3A_151 = tpu.memref_slice %arg27[%dma_wait3A_149, %dma_wait3A_150] : memref<10240x128xf32, #tpu.memory_space<vmem_shared>> -> memref<10240x128xf32, #tpu.memory_space<vmem_shared>>
          tpu.wait_indirect_dma semaphore(%arg42 : memref<!tpu.dma_semaphore, #tpu.memory_space<semaphore_mem>>) src(%arg25 : memref<40x128xf32, #tpu.memory_space<vmem>>) dst(%dma_wait3A_151 : memref<10240x128xf32, #tpu.memory_space<vmem_shared>>)
        } else {
        }
        %add3A_135 = arith.constant 2 : i32
        %add3A_136 = arith.addi %add3A_92, %add3A_135 : i32
        %lt3A_137 = arith.constant 250 : i32
        %lt3A_138 = arith.cmpi slt, %add3A_136, %lt3A_137 : i32
        %convert_element_type3A_139 = arith.extui %lt3A_138 : i1 to i32
        %cond3A_140 = arith.constant 0 : i32
        %cond3A_141 = arith.cmpi ne, %convert_element_type3A_139, %cond3A_140 : i32
        scf.if %cond3A_141 {
          %dma_wait3A_149 = tpu.memref_slice %arg3[%mul3A_2] : memref<320000xi32, #tpu.memory_space<hbm>> -> memref<40xi32, #tpu.memory_space<hbm>>
          %dma_wait3A_150 = tpu.memref_slice %arg3[%mul3A_2] : memref<320000xi32, #tpu.memory_space<hbm>> -> memref<40xi32, #tpu.memory_space<hbm>>
          tpu.wait_dma2 semaphore(%arg34 : memref<!tpu.dma_semaphore, #tpu.memory_space<semaphore_mem>>) src(%dma_wait3A_150 : memref<40xi32, #tpu.memory_space<hbm>>) dst(%arg13 : memref<40xi32, #tpu.memory_space<vmem>>)
          %dma_wait3A_151 = tpu.memref_slice %arg4[%mul3A_2] : memref<320000xi32, #tpu.memory_space<hbm>> -> memref<40xi32, #tpu.memory_space<hbm>>
          %dma_wait3A_152 = tpu.memref_slice %arg4[%mul3A_2] : memref<320000xi32, #tpu.memory_space<hbm>> -> memref<40xi32, #tpu.memory_space<hbm>>
          tpu.wait_dma2 semaphore(%arg34 : memref<!tpu.dma_semaphore, #tpu.memory_space<semaphore_mem>>) src(%dma_wait3A_152 : memref<40xi32, #tpu.memory_space<hbm>>) dst(%arg21 : memref<40xi32, #tpu.memory_space<vmem>>)
          %dma_start3A_153 = arith.constant 0 : i32
          %dma_start3A_154 = arith.constant 0 : i32
          %dma_start3A_155 = tpu.memref_slice %arg2[%dma_start3A_153, %dma_start3A_154] : memref<10000x128xf32, #tpu.memory_space<hbm>> -> memref<10000x128xf32, #tpu.memory_space<hbm>>
          tpu.enqueue_indirect_dma source(%dma_start3A_155 : memref<10000x128xf32, #tpu.memory_space<hbm>>) target(%arg25 : memref<40x128xf32, #tpu.memory_space<vmem>>) offsets(%arg13 : memref<40xi32, #tpu.memory_space<vmem>>) semaphore(%arg38 : memref<!tpu.dma_semaphore, #tpu.memory_space<semaphore_mem>>)
        } else {
        }
        %add3A_142 = arith.constant 3 : i32
        %add3A_143 = arith.addi %add3A_92, %add3A_142 : i32
        %lt3A_144 = arith.constant 250 : i32
        %lt3A_145 = arith.cmpi slt, %add3A_143, %lt3A_144 : i32
        %convert_element_type3A_146 = arith.extui %lt3A_145 : i1 to i32
        %cond3A_147 = arith.constant 0 : i32
        %cond3A_148 = arith.cmpi ne, %convert_element_type3A_146, %cond3A_147 : i32
        scf.if %cond3A_148 {
          %add3A_149 = arith.constant 3 : i32
          %add3A_150 = arith.addi %add3A_92, %add3A_149 : i32
          %mul3A_151 = arith.constant 40 : i32
          %mul3A_152 = arith.muli %add3A_150, %mul3A_151 : i32
          %add3A_153 = arith.addi %mul3A_2, %mul3A_152 : i32
          %dma_start3A_154 = tpu.memref_slice %arg3[%add3A_153] : memref<320000xi32, #tpu.memory_space<hbm>> -> memref<40xi32, #tpu.memory_space<hbm>>
          %dma_start3A_155 = tpu.memref_slice %arg3[%add3A_153] : memref<320000xi32, #tpu.memory_space<hbm>> -> memref<40xi32, #tpu.memory_space<hbm>>
          tpu.enqueue_dma source(%dma_start3A_155 : memref<40xi32, #tpu.memory_space<hbm>>) target(%arg14 : memref<40xi32, #tpu.memory_space<vmem>>) target_semaphore(%arg35 : memref<!tpu.dma_semaphore, #tpu.memory_space<semaphore_mem>>)
          %dma_start3A_156 = tpu.memref_slice %arg4[%add3A_153] : memref<320000xi32, #tpu.memory_space<hbm>> -> memref<40xi32, #tpu.memory_space<hbm>>
          %dma_start3A_157 = tpu.memref_slice %arg4[%add3A_153] : memref<320000xi32, #tpu.memory_space<hbm>> -> memref<40xi32, #tpu.memory_space<hbm>>
          tpu.enqueue_dma source(%dma_start3A_157 : memref<40xi32, #tpu.memory_space<hbm>>) target(%arg22 : memref<40xi32, #tpu.memory_space<vmem>>) target_semaphore(%arg35 : memref<!tpu.dma_semaphore, #tpu.memory_space<semaphore_mem>>)
        } else {
        }
      } else {
      }
      %mul3A_98 = arith.constant 8 : i32
      %mul3A_99 = arith.muli %mul3A_98, %scan3A_55 : i32
      %add3A_100 = arith.constant 5 : i32
      %add3A_101 = arith.addi %mul3A_99, %add3A_100 : i32
      %lt3A_102 = arith.constant 250 : i32
      %lt3A_103 = arith.cmpi slt, %add3A_101, %lt3A_102 : i32
      %convert_element_type3A_104 = arith.extui %lt3A_103 : i1 to i32
      %cond3A_105 = arith.constant 0 : i32
      %cond3A_106 = arith.cmpi ne, %convert_element_type3A_104, %cond3A_105 : i32
      scf.if %cond3A_106 {
        %dma_wait3A_125 = arith.constant 0 : i32
        %dma_wait3A_126 = arith.constant 0 : i32
        %dma_wait3A_127 = tpu.memref_slice %arg2[%dma_wait3A_125, %dma_wait3A_126] : memref<10000x128xf32, #tpu.memory_space<hbm>> -> memref<10000x128xf32, #tpu.memory_space<hbm>>
        tpu.wait_indirect_dma semaphore(%arg37 : memref<!tpu.dma_semaphore, #tpu.memory_space<semaphore_mem>>) src(%dma_wait3A_127 : memref<10000x128xf32, #tpu.memory_space<hbm>>) dst(%arg24 : memref<40x128xf32, #tpu.memory_space<vmem>>)
        %dma_start3A_128 = arith.constant 0 : i32
        %dma_start3A_129 = arith.constant 0 : i32
        %dma_start3A_130 = tpu.memref_slice %arg27[%dma_start3A_128, %dma_start3A_129] : memref<10240x128xf32, #tpu.memory_space<vmem_shared>> -> memref<10240x128xf32, #tpu.memory_space<vmem_shared>>
        tpu.enqueue_indirect_dma source(%arg24 : memref<40x128xf32, #tpu.memory_space<vmem>>) target(%dma_start3A_130 : memref<10240x128xf32, #tpu.memory_space<vmem_shared>>) offsets(%arg20 : memref<40xi32, #tpu.memory_space<vmem>>) semaphore(%arg41 : memref<!tpu.dma_semaphore, #tpu.memory_space<semaphore_mem>>) {add = true}
        %ge3A = arith.constant 2 : i32
        %ge3A_131 = arith.cmpi sge, %add3A_101, %ge3A : i32
        %convert_element_type3A_132 = arith.extui %ge3A_131 : i1 to i32
        %cond3A_133 = arith.constant 0 : i32
        %cond3A_134 = arith.cmpi ne, %convert_element_type3A_132, %cond3A_133 : i32
        scf.if %cond3A_134 {
          %dma_wait3A_149 = arith.constant 0 : i32
          %dma_wait3A_150 = arith.constant 0 : i32
          %dma_wait3A_151 = tpu.memref_slice %arg27[%dma_wait3A_149, %dma_wait3A_150] : memref<10240x128xf32, #tpu.memory_space<vmem_shared>> -> memref<10240x128xf32, #tpu.memory_space<vmem_shared>>
          tpu.wait_indirect_dma semaphore(%arg43 : memref<!tpu.dma_semaphore, #tpu.memory_space<semaphore_mem>>) src(%arg26 : memref<40x128xf32, #tpu.memory_space<vmem>>) dst(%dma_wait3A_151 : memref<10240x128xf32, #tpu.memory_space<vmem_shared>>)
        } else {
        }
        %add3A_135 = arith.constant 2 : i32
        %add3A_136 = arith.addi %add3A_101, %add3A_135 : i32
        %lt3A_137 = arith.constant 250 : i32
        %lt3A_138 = arith.cmpi slt, %add3A_136, %lt3A_137 : i32
        %convert_element_type3A_139 = arith.extui %lt3A_138 : i1 to i32
        %cond3A_140 = arith.constant 0 : i32
        %cond3A_141 = arith.cmpi ne, %convert_element_type3A_139, %cond3A_140 : i32
        scf.if %cond3A_141 {
          %dma_wait3A_149 = tpu.memref_slice %arg3[%mul3A_2] : memref<320000xi32, #tpu.memory_space<hbm>> -> memref<40xi32, #tpu.memory_space<hbm>>
          %dma_wait3A_150 = tpu.memref_slice %arg3[%mul3A_2] : memref<320000xi32, #tpu.memory_space<hbm>> -> memref<40xi32, #tpu.memory_space<hbm>>
          tpu.wait_dma2 semaphore(%arg35 : memref<!tpu.dma_semaphore, #tpu.memory_space<semaphore_mem>>) src(%dma_wait3A_150 : memref<40xi32, #tpu.memory_space<hbm>>) dst(%arg14 : memref<40xi32, #tpu.memory_space<vmem>>)
          %dma_wait3A_151 = tpu.memref_slice %arg4[%mul3A_2] : memref<320000xi32, #tpu.memory_space<hbm>> -> memref<40xi32, #tpu.memory_space<hbm>>
          %dma_wait3A_152 = tpu.memref_slice %arg4[%mul3A_2] : memref<320000xi32, #tpu.memory_space<hbm>> -> memref<40xi32, #tpu.memory_space<hbm>>
          tpu.wait_dma2 semaphore(%arg35 : memref<!tpu.dma_semaphore, #tpu.memory_space<semaphore_mem>>) src(%dma_wait3A_152 : memref<40xi32, #tpu.memory_space<hbm>>) dst(%arg22 : memref<40xi32, #tpu.memory_space<vmem>>)
          %dma_start3A_153 = arith.constant 0 : i32
          %dma_start3A_154 = arith.constant 0 : i32
          %dma_start3A_155 = tpu.memref_slice %arg2[%dma_start3A_153, %dma_start3A_154] : memref<10000x128xf32, #tpu.memory_space<hbm>> -> memref<10000x128xf32, #tpu.memory_space<hbm>>
          tpu.enqueue_indirect_dma source(%dma_start3A_155 : memref<10000x128xf32, #tpu.memory_space<hbm>>) target(%arg26 : memref<40x128xf32, #tpu.memory_space<vmem>>) offsets(%arg14 : memref<40xi32, #tpu.memory_space<vmem>>) semaphore(%arg39 : memref<!tpu.dma_semaphore, #tpu.memory_space<semaphore_mem>>)
        } else {
        }
        %add3A_142 = arith.constant 3 : i32
        %add3A_143 = arith.addi %add3A_101, %add3A_142 : i32
        %lt3A_144 = arith.constant 250 : i32
        %lt3A_145 = arith.cmpi slt, %add3A_143, %lt3A_144 : i32
        %convert_element_type3A_146 = arith.extui %lt3A_145 : i1 to i32
        %cond3A_147 = arith.constant 0 : i32
        %cond3A_148 = arith.cmpi ne, %convert_element_type3A_146, %cond3A_147 : i32
        scf.if %cond3A_148 {
          %add3A_149 = arith.constant 3 : i32
          %add3A_150 = arith.addi %add3A_101, %add3A_149 : i32
          %mul3A_151 = arith.constant 40 : i32
          %mul3A_152 = arith.muli %add3A_150, %mul3A_151 : i32
          %add3A_153 = arith.addi %mul3A_2, %mul3A_152 : i32
          %dma_start3A_154 = tpu.memref_slice %arg3[%add3A_153] : memref<320000xi32, #tpu.memory_space<hbm>> -> memref<40xi32, #tpu.memory_space<hbm>>
          %dma_start3A_155 = tpu.memref_slice %arg3[%add3A_153] : memref<320000xi32, #tpu.memory_space<hbm>> -> memref<40xi32, #tpu.memory_space<hbm>>
          tpu.enqueue_dma source(%dma_start3A_155 : memref<40xi32, #tpu.memory_space<hbm>>) target(%arg7 : memref<40xi32, #tpu.memory_space<vmem>>) target_semaphore(%arg28 : memref<!tpu.dma_semaphore, #tpu.memory_space<semaphore_mem>>)
          %dma_start3A_156 = tpu.memref_slice %arg4[%add3A_153] : memref<320000xi32, #tpu.memory_space<hbm>> -> memref<40xi32, #tpu.memory_space<hbm>>
          %dma_start3A_157 = tpu.memref_slice %arg4[%add3A_153] : memref<320000xi32, #tpu.memory_space<hbm>> -> memref<40xi32, #tpu.memory_space<hbm>>
          tpu.enqueue_dma source(%dma_start3A_157 : memref<40xi32, #tpu.memory_space<hbm>>) target(%arg15 : memref<40xi32, #tpu.memory_space<vmem>>) target_semaphore(%arg28 : memref<!tpu.dma_semaphore, #tpu.memory_space<semaphore_mem>>)
        } else {
        }
      } else {
      }
      %mul3A_107 = arith.constant 8 : i32
      %mul3A_108 = arith.muli %mul3A_107, %scan3A_55 : i32
      %add3A_109 = arith.constant 6 : i32
      %add3A_110 = arith.addi %mul3A_108, %add3A_109 : i32
      %lt3A_111 = arith.constant 250 : i32
      %lt3A_112 = arith.cmpi slt, %add3A_110, %lt3A_111 : i32
      %convert_element_type3A_113 = arith.extui %lt3A_112 : i1 to i32
      %cond3A_114 = arith.constant 0 : i32
      %cond3A_115 = arith.cmpi ne, %convert_element_type3A_113, %cond3A_114 : i32
      scf.if %cond3A_115 {
        %dma_wait3A_125 = arith.constant 0 : i32
        %dma_wait3A_126 = arith.constant 0 : i32
        %dma_wait3A_127 = tpu.memref_slice %arg2[%dma_wait3A_125, %dma_wait3A_126] : memref<10000x128xf32, #tpu.memory_space<hbm>> -> memref<10000x128xf32, #tpu.memory_space<hbm>>
        tpu.wait_indirect_dma semaphore(%arg38 : memref<!tpu.dma_semaphore, #tpu.memory_space<semaphore_mem>>) src(%dma_wait3A_127 : memref<10000x128xf32, #tpu.memory_space<hbm>>) dst(%arg25 : memref<40x128xf32, #tpu.memory_space<vmem>>)
        %dma_start3A_128 = arith.constant 0 : i32
        %dma_start3A_129 = arith.constant 0 : i32
        %dma_start3A_130 = tpu.memref_slice %arg27[%dma_start3A_128, %dma_start3A_129] : memref<10240x128xf32, #tpu.memory_space<vmem_shared>> -> memref<10240x128xf32, #tpu.memory_space<vmem_shared>>
        tpu.enqueue_indirect_dma source(%arg25 : memref<40x128xf32, #tpu.memory_space<vmem>>) target(%dma_start3A_130 : memref<10240x128xf32, #tpu.memory_space<vmem_shared>>) offsets(%arg21 : memref<40xi32, #tpu.memory_space<vmem>>) semaphore(%arg42 : memref<!tpu.dma_semaphore, #tpu.memory_space<semaphore_mem>>) {add = true}
        %ge3A = arith.constant 2 : i32
        %ge3A_131 = arith.cmpi sge, %add3A_110, %ge3A : i32
        %convert_element_type3A_132 = arith.extui %ge3A_131 : i1 to i32
        %cond3A_133 = arith.constant 0 : i32
        %cond3A_134 = arith.cmpi ne, %convert_element_type3A_132, %cond3A_133 : i32
        scf.if %cond3A_134 {
          %dma_wait3A_149 = arith.constant 0 : i32
          %dma_wait3A_150 = arith.constant 0 : i32
          %dma_wait3A_151 = tpu.memref_slice %arg27[%dma_wait3A_149, %dma_wait3A_150] : memref<10240x128xf32, #tpu.memory_space<vmem_shared>> -> memref<10240x128xf32, #tpu.memory_space<vmem_shared>>
          tpu.wait_indirect_dma semaphore(%arg40 : memref<!tpu.dma_semaphore, #tpu.memory_space<semaphore_mem>>) src(%arg23 : memref<40x128xf32, #tpu.memory_space<vmem>>) dst(%dma_wait3A_151 : memref<10240x128xf32, #tpu.memory_space<vmem_shared>>)
        } else {
        }
        %add3A_135 = arith.constant 2 : i32
        %add3A_136 = arith.addi %add3A_110, %add3A_135 : i32
        %lt3A_137 = arith.constant 250 : i32
        %lt3A_138 = arith.cmpi slt, %add3A_136, %lt3A_137 : i32
        %convert_element_type3A_139 = arith.extui %lt3A_138 : i1 to i32
        %cond3A_140 = arith.constant 0 : i32
        %cond3A_141 = arith.cmpi ne, %convert_element_type3A_139, %cond3A_140 : i32
        scf.if %cond3A_141 {
          %dma_wait3A_149 = tpu.memref_slice %arg3[%mul3A_2] : memref<320000xi32, #tpu.memory_space<hbm>> -> memref<40xi32, #tpu.memory_space<hbm>>
          %dma_wait3A_150 = tpu.memref_slice %arg3[%mul3A_2] : memref<320000xi32, #tpu.memory_space<hbm>> -> memref<40xi32, #tpu.memory_space<hbm>>
          tpu.wait_dma2 semaphore(%arg28 : memref<!tpu.dma_semaphore, #tpu.memory_space<semaphore_mem>>) src(%dma_wait3A_150 : memref<40xi32, #tpu.memory_space<hbm>>) dst(%arg7 : memref<40xi32, #tpu.memory_space<vmem>>)
          %dma_wait3A_151 = tpu.memref_slice %arg4[%mul3A_2] : memref<320000xi32, #tpu.memory_space<hbm>> -> memref<40xi32, #tpu.memory_space<hbm>>
          %dma_wait3A_152 = tpu.memref_slice %arg4[%mul3A_2] : memref<320000xi32, #tpu.memory_space<hbm>> -> memref<40xi32, #tpu.memory_space<hbm>>
          tpu.wait_dma2 semaphore(%arg28 : memref<!tpu.dma_semaphore, #tpu.memory_space<semaphore_mem>>) src(%dma_wait3A_152 : memref<40xi32, #tpu.memory_space<hbm>>) dst(%arg15 : memref<40xi32, #tpu.memory_space<vmem>>)
          %dma_start3A_153 = arith.constant 0 : i32
          %dma_start3A_154 = arith.constant 0 : i32
          %dma_start3A_155 = tpu.memref_slice %arg2[%dma_start3A_153, %dma_start3A_154] : memref<10000x128xf32, #tpu.memory_space<hbm>> -> memref<10000x128xf32, #tpu.memory_space<hbm>>
          tpu.enqueue_indirect_dma source(%dma_start3A_155 : memref<10000x128xf32, #tpu.memory_space<hbm>>) target(%arg23 : memref<40x128xf32, #tpu.memory_space<vmem>>) offsets(%arg7 : memref<40xi32, #tpu.memory_space<vmem>>) semaphore(%arg36 : memref<!tpu.dma_semaphore, #tpu.memory_space<semaphore_mem>>)
        } else {
        }
        %add3A_142 = arith.constant 3 : i32
        %add3A_143 = arith.addi %add3A_110, %add3A_142 : i32
        %lt3A_144 = arith.constant 250 : i32
        %lt3A_145 = arith.cmpi slt, %add3A_143, %lt3A_144 : i32
        %convert_element_type3A_146 = arith.extui %lt3A_145 : i1 to i32
        %cond3A_147 = arith.constant 0 : i32
        %cond3A_148 = arith.cmpi ne, %convert_element_type3A_146, %cond3A_147 : i32
        scf.if %cond3A_148 {
          %add3A_149 = arith.constant 3 : i32
          %add3A_150 = arith.addi %add3A_110, %add3A_149 : i32
          %mul3A_151 = arith.constant 40 : i32
          %mul3A_152 = arith.muli %add3A_150, %mul3A_151 : i32
          %add3A_153 = arith.addi %mul3A_2, %mul3A_152 : i32
          %dma_start3A_154 = tpu.memref_slice %arg3[%add3A_153] : memref<320000xi32, #tpu.memory_space<hbm>> -> memref<40xi32, #tpu.memory_space<hbm>>
          %dma_start3A_155 = tpu.memref_slice %arg3[%add3A_153] : memref<320000xi32, #tpu.memory_space<hbm>> -> memref<40xi32, #tpu.memory_space<hbm>>
          tpu.enqueue_dma source(%dma_start3A_155 : memref<40xi32, #tpu.memory_space<hbm>>) target(%arg8 : memref<40xi32, #tpu.memory_space<vmem>>) target_semaphore(%arg29 : memref<!tpu.dma_semaphore, #tpu.memory_space<semaphore_mem>>)
          %dma_start3A_156 = tpu.memref_slice %arg4[%add3A_153] : memref<320000xi32, #tpu.memory_space<hbm>> -> memref<40xi32, #tpu.memory_space<hbm>>
          %dma_start3A_157 = tpu.memref_slice %arg4[%add3A_153] : memref<320000xi32, #tpu.memory_space<hbm>> -> memref<40xi32, #tpu.memory_space<hbm>>
          tpu.enqueue_dma source(%dma_start3A_157 : memref<40xi32, #tpu.memory_space<hbm>>) target(%arg16 : memref<40xi32, #tpu.memory_space<vmem>>) target_semaphore(%arg29 : memref<!tpu.dma_semaphore, #tpu.memory_space<semaphore_mem>>)
        } else {
        }
      } else {
      }
      %mul3A_116 = arith.constant 8 : i32
      %mul3A_117 = arith.muli %mul3A_116, %scan3A_55 : i32
      %add3A_118 = arith.constant 7 : i32
      %add3A_119 = arith.addi %mul3A_117, %add3A_118 : i32
      %lt3A_120 = arith.constant 250 : i32
      %lt3A_121 = arith.cmpi slt, %add3A_119, %lt3A_120 : i32
      %convert_element_type3A_122 = arith.extui %lt3A_121 : i1 to i32
      %cond3A_123 = arith.constant 0 : i32
      %cond3A_124 = arith.cmpi ne, %convert_element_type3A_122, %cond3A_123 : i32
      scf.if %cond3A_124 {
        %dma_wait3A_125 = arith.constant 0 : i32
        %dma_wait3A_126 = arith.constant 0 : i32
        %dma_wait3A_127 = tpu.memref_slice %arg2[%dma_wait3A_125, %dma_wait3A_126] : memref<10000x128xf32, #tpu.memory_space<hbm>> -> memref<10000x128xf32, #tpu.memory_space<hbm>>
        tpu.wait_indirect_dma semaphore(%arg39 : memref<!tpu.dma_semaphore, #tpu.memory_space<semaphore_mem>>) src(%dma_wait3A_127 : memref<10000x128xf32, #tpu.memory_space<hbm>>) dst(%arg26 : memref<40x128xf32, #tpu.memory_space<vmem>>)
        %dma_start3A_128 = arith.constant 0 : i32
        %dma_start3A_129 = arith.constant 0 : i32
        %dma_start3A_130 = tpu.memref_slice %arg27[%dma_start3A_128, %dma_start3A_129] : memref<10240x128xf32, #tpu.memory_space<vmem_shared>> -> memref<10240x128xf32, #tpu.memory_space<vmem_shared>>
        tpu.enqueue_indirect_dma source(%arg26 : memref<40x128xf32, #tpu.memory_space<vmem>>) target(%dma_start3A_130 : memref<10240x128xf32, #tpu.memory_space<vmem_shared>>) offsets(%arg22 : memref<40xi32, #tpu.memory_space<vmem>>) semaphore(%arg43 : memref<!tpu.dma_semaphore, #tpu.memory_space<semaphore_mem>>) {add = true}
        %ge3A = arith.constant 2 : i32
        %ge3A_131 = arith.cmpi sge, %add3A_119, %ge3A : i32
        %convert_element_type3A_132 = arith.extui %ge3A_131 : i1 to i32
        %cond3A_133 = arith.constant 0 : i32
        %cond3A_134 = arith.cmpi ne, %convert_element_type3A_132, %cond3A_133 : i32
        scf.if %cond3A_134 {
          %dma_wait3A_149 = arith.constant 0 : i32
          %dma_wait3A_150 = arith.constant 0 : i32
          %dma_wait3A_151 = tpu.memref_slice %arg27[%dma_wait3A_149, %dma_wait3A_150] : memref<10240x128xf32, #tpu.memory_space<vmem_shared>> -> memref<10240x128xf32, #tpu.memory_space<vmem_shared>>
          tpu.wait_indirect_dma semaphore(%arg41 : memref<!tpu.dma_semaphore, #tpu.memory_space<semaphore_mem>>) src(%arg24 : memref<40x128xf32, #tpu.memory_space<vmem>>) dst(%dma_wait3A_151 : memref<10240x128xf32, #tpu.memory_space<vmem_shared>>)
        } else {
        }
        %add3A_135 = arith.constant 2 : i32
        %add3A_136 = arith.addi %add3A_119, %add3A_135 : i32
        %lt3A_137 = arith.constant 250 : i32
        %lt3A_138 = arith.cmpi slt, %add3A_136, %lt3A_137 : i32
        %convert_element_type3A_139 = arith.extui %lt3A_138 : i1 to i32
        %cond3A_140 = arith.constant 0 : i32
        %cond3A_141 = arith.cmpi ne, %convert_element_type3A_139, %cond3A_140 : i32
        scf.if %cond3A_141 {
          %dma_wait3A_149 = tpu.memref_slice %arg3[%mul3A_2] : memref<320000xi32, #tpu.memory_space<hbm>> -> memref<40xi32, #tpu.memory_space<hbm>>
          %dma_wait3A_150 = tpu.memref_slice %arg3[%mul3A_2] : memref<320000xi32, #tpu.memory_space<hbm>> -> memref<40xi32, #tpu.memory_space<hbm>>
          tpu.wait_dma2 semaphore(%arg29 : memref<!tpu.dma_semaphore, #tpu.memory_space<semaphore_mem>>) src(%dma_wait3A_150 : memref<40xi32, #tpu.memory_space<hbm>>) dst(%arg8 : memref<40xi32, #tpu.memory_space<vmem>>)
          %dma_wait3A_151 = tpu.memref_slice %arg4[%mul3A_2] : memref<320000xi32, #tpu.memory_space<hbm>> -> memref<40xi32, #tpu.memory_space<hbm>>
          %dma_wait3A_152 = tpu.memref_slice %arg4[%mul3A_2] : memref<320000xi32, #tpu.memory_space<hbm>> -> memref<40xi32, #tpu.memory_space<hbm>>
          tpu.wait_dma2 semaphore(%arg29 : memref<!tpu.dma_semaphore, #tpu.memory_space<semaphore_mem>>) src(%dma_wait3A_152 : memref<40xi32, #tpu.memory_space<hbm>>) dst(%arg16 : memref<40xi32, #tpu.memory_space<vmem>>)
          %dma_start3A_153 = arith.constant 0 : i32
          %dma_start3A_154 = arith.constant 0 : i32
          %dma_start3A_155 = tpu.memref_slice %arg2[%dma_start3A_153, %dma_start3A_154] : memref<10000x128xf32, #tpu.memory_space<hbm>> -> memref<10000x128xf32, #tpu.memory_space<hbm>>
          tpu.enqueue_indirect_dma source(%dma_start3A_155 : memref<10000x128xf32, #tpu.memory_space<hbm>>) target(%arg24 : memref<40x128xf32, #tpu.memory_space<vmem>>) offsets(%arg8 : memref<40xi32, #tpu.memory_space<vmem>>) semaphore(%arg37 : memref<!tpu.dma_semaphore, #tpu.memory_space<semaphore_mem>>)
        } else {
        }
        %add3A_142 = arith.constant 3 : i32
        %add3A_143 = arith.addi %add3A_119, %add3A_142 : i32
        %lt3A_144 = arith.constant 250 : i32
        %lt3A_145 = arith.cmpi slt, %add3A_143, %lt3A_144 : i32
        %convert_element_type3A_146 = arith.extui %lt3A_145 : i1 to i32
        %cond3A_147 = arith.constant 0 : i32
        %cond3A_148 = arith.cmpi ne, %convert_element_type3A_146, %cond3A_147 : i32
        scf.if %cond3A_148 {
          %add3A_149 = arith.constant 3 : i32
          %add3A_150 = arith.addi %add3A_119, %add3A_149 : i32
          %mul3A_151 = arith.constant 40 : i32
          %mul3A_152 = arith.muli %add3A_150, %mul3A_151 : i32
          %add3A_153 = arith.addi %mul3A_2, %mul3A_152 : i32
          %dma_start3A_154 = tpu.memref_slice %arg3[%add3A_153] : memref<320000xi32, #tpu.memory_space<hbm>> -> memref<40xi32, #tpu.memory_space<hbm>>
          %dma_start3A_155 = tpu.memref_slice %arg3[%add3A_153] : memref<320000xi32, #tpu.memory_space<hbm>> -> memref<40xi32, #tpu.memory_space<hbm>>
          tpu.enqueue_dma source(%dma_start3A_155 : memref<40xi32, #tpu.memory_space<hbm>>) target(%arg9 : memref<40xi32, #tpu.memory_space<vmem>>) target_semaphore(%arg30 : memref<!tpu.dma_semaphore, #tpu.memory_space<semaphore_mem>>)
          %dma_start3A_156 = tpu.memref_slice %arg4[%add3A_153] : memref<320000xi32, #tpu.memory_space<hbm>> -> memref<40xi32, #tpu.memory_space<hbm>>
          %dma_start3A_157 = tpu.memref_slice %arg4[%add3A_153] : memref<320000xi32, #tpu.memory_space<hbm>> -> memref<40xi32, #tpu.memory_space<hbm>>
          tpu.enqueue_dma source(%dma_start3A_157 : memref<40xi32, #tpu.memory_space<hbm>>) target(%arg17 : memref<40xi32, #tpu.memory_space<vmem>>) target_semaphore(%arg30 : memref<!tpu.dma_semaphore, #tpu.memory_space<semaphore_mem>>)
        } else {
        }
      } else {
      }
    }
    %scan3A_43 = arith.constant 32 : i32
    %dma_wait3A_44 = arith.constant 0 : i32
    %dma_wait3A_45 = arith.constant 0 : i32
    %dma_wait3A_46 = tpu.memref_slice %arg27[%dma_wait3A_44, %dma_wait3A_45] : memref<10240x128xf32, #tpu.memory_space<vmem_shared>> -> memref<10240x128xf32, #tpu.memory_space<vmem_shared>>
    tpu.wait_indirect_dma semaphore(%arg40 : memref<!tpu.dma_semaphore, #tpu.memory_space<semaphore_mem>>) src(%arg23 : memref<40x128xf32, #tpu.memory_space<vmem>>) dst(%dma_wait3A_46 : memref<10240x128xf32, #tpu.memory_space<vmem_shared>>)
    %dma_wait3A_47 = arith.constant 0 : i32
    %dma_wait3A_48 = arith.constant 0 : i32
    %dma_wait3A_49 = tpu.memref_slice %arg27[%dma_wait3A_47, %dma_wait3A_48] : memref<10240x128xf32, #tpu.memory_space<vmem_shared>> -> memref<10240x128xf32, #tpu.memory_space<vmem_shared>>
    tpu.wait_indirect_dma semaphore(%arg41 : memref<!tpu.dma_semaphore, #tpu.memory_space<semaphore_mem>>) src(%arg24 : memref<40x128xf32, #tpu.memory_space<vmem>>) dst(%dma_wait3A_49 : memref<10240x128xf32, #tpu.memory_space<vmem_shared>>)
    %barrier3A_50 = arith.constant 0 : index
    tpu.barrier barrier_id(%barrier3A_50)
    %mul3A_51 = arith.constant 640 : i32
    %mul3A_52 = arith.muli %arg1, %mul3A_51 : i32
    %mul3A_53 = arith.constant 640 : i32
    %mul3A_54 = arith.muli %arg1, %mul3A_53 : i32
    "tpu.region"() ({
      %run_scoped3A = tpu.sem_alloc : memref<!tpu.dma_semaphore, #tpu.memory_space<semaphore_mem>>
      %dma_start3A_55 = arith.constant 0 : i32
      %dma_start3A_56 = tpu.memref_slice %arg6[%arg0, %mul3A_54, %dma_start3A_55] : memref<2x10240x128xf32, #tpu.memory_space<hbm>> -> memref<1x640x128xf32, #tpu.memory_space<hbm>>
      %dma_start3A_57 = tpu.memref_squeeze %dma_start3A_56 : memref<1x640x128xf32, #tpu.memory_space<hbm>> -> memref<640x128xf32, #tpu.memory_space<hbm>>
      %dma_start3A_58 = arith.constant 0 : i32
      %dma_start3A_59 = tpu.memref_slice %arg27[%mul3A_52, %dma_start3A_58] : memref<10240x128xf32, #tpu.memory_space<vmem_shared>> -> memref<640x128xf32, #tpu.memory_space<vmem_shared>>
      tpu.enqueue_dma source(%dma_start3A_59 : memref<640x128xf32, #tpu.memory_space<vmem_shared>>) target(%dma_start3A_57 : memref<640x128xf32, #tpu.memory_space<hbm>>) target_semaphore(%run_scoped3A : memref<!tpu.dma_semaphore, #tpu.memory_space<semaphore_mem>>)
      %dma_wait3A_60 = arith.constant 0 : i32
      %dma_wait3A_61 = tpu.memref_slice %arg6[%arg0, %mul3A_54, %dma_wait3A_60] : memref<2x10240x128xf32, #tpu.memory_space<hbm>> -> memref<1x640x128xf32, #tpu.memory_space<hbm>>
      %dma_wait3A_62 = tpu.memref_squeeze %dma_wait3A_61 : memref<1x640x128xf32, #tpu.memory_space<hbm>> -> memref<640x128xf32, #tpu.memory_space<hbm>>
      %dma_wait3A_63 = arith.constant 0 : i32
      %dma_wait3A_64 = tpu.memref_slice %arg27[%mul3A_52, %dma_wait3A_63] : memref<10240x128xf32, #tpu.memory_space<vmem_shared>> -> memref<640x128xf32, #tpu.memory_space<vmem_shared>>
      tpu.wait_dma2 semaphore(%run_scoped3A : memref<!tpu.dma_semaphore, #tpu.memory_space<semaphore_mem>>) src(%dma_wait3A_64 : memref<640x128xf32, #tpu.memory_space<vmem_shared>>) dst(%dma_wait3A_62 : memref<640x128xf32, #tpu.memory_space<hbm>>)
      tpu.yield
    }) : () -> ()
    return
  }
}

#map = affine_map<(d0, d1) -> (0, 0)>
#map1 = affine_map<(d0, d1) -> (0)>
#map2 = affine_map<(d0, d1) -> (0, 0, 0)>
module attributes {stable_mosaic.version = 14 : i64} {
  func.func @seg_sum(%arg0: i32, %arg1: i32, %arg2: memref<10000x128xf32, #tpu.memory_space<hbm>>, %arg3: memref<320000xi32, #tpu.memory_space<hbm>>, %arg4: memref<320000xi32, #tpu.memory_space<hbm>>, %arg5: memref<640x128xf32, #tpu.memory_space<hbm>>, %arg6: memref<2x10240x128xf32, #tpu.memory_space<hbm>>, %arg7: memref<40xi32, #tpu.memory_space<vmem>>, %arg8: memref<40xi32, #tpu.memory_space<vmem>>, %arg9: memref<40xi32, #tpu.memory_space<vmem>>, %arg10: memref<40xi32, #tpu.memory_space<vmem>>, %arg11: memref<40xi32, #tpu.memory_space<vmem>>, %arg12: memref<40xi32, #tpu.memory_space<vmem>>, %arg13: memref<40xi32, #tpu.memory_space<vmem>>, %arg14: memref<40xi32, #tpu.memory_space<vmem>>, %arg15: memref<40xi32, #tpu.memory_space<vmem>>, %arg16: memref<40xi32, #tpu.memory_space<vmem>>, %arg17: memref<40xi32, #tpu.memory_space<vmem>>, %arg18: memref<40xi32, #tpu.memory_space<vmem>>, %arg19: memref<40xi32, #tpu.memory_space<vmem>>, %arg20: memref<40xi32, #tpu.memory_space<vmem>>, %arg21: memref<40xi32, #tpu.memory_space<vmem>>, %arg22: memref<40xi32, #tpu.memory_space<vmem>>, %arg23: memref<40x128xf32, #tpu.memory_space<vmem>>, %arg24: memref<40x128xf32, #tpu.memory_space<vmem>>, %arg25: memref<40x128xf32, #tpu.memory_space<vmem>>, %arg26: memref<40x128xf32, #tpu.memory_space<vmem>>, %arg27: memref<10240x128xf32, #tpu.memory_space<vmem_shared>>, %arg28: memref<!tpu.dma_semaphore, #tpu.memory_space<semaphore_mem>>, %arg29: memref<!tpu.dma_semaphore, #tpu.memory_space<semaphore_mem>>, %arg30: memref<!tpu.dma_semaphore, #tpu.memory_space<semaphore_mem>>, %arg31: memref<!tpu.dma_semaphore, #tpu.memory_space<semaphore_mem>>, %arg32: memref<!tpu.dma_semaphore, #tpu.memory_space<semaphore_mem>>, %arg33: memref<!tpu.dma_semaphore, #tpu.memory_space<semaphore_mem>>, %arg34: memref<!tpu.dma_semaphore, #tpu.memory_space<semaphore_mem>>, %arg35: memref<!tpu.dma_semaphore, #tpu.memory_space<semaphore_mem>>, %arg36: memref<!tpu.dma_semaphore, #tpu.memory_space<semaphore_mem>>, %arg37: memref<!tpu.dma_semaphore, #tpu.memory_space<semaphore_mem>>, %arg38: memref<!tpu.dma_semaphore, #tpu.memory_space<semaphore_mem>>, %arg39: memref<!tpu.dma_semaphore, #tpu.memory_space<semaphore_mem>>, %arg40: memref<!tpu.dma_semaphore, #tpu.memory_space<semaphore_mem>>, %arg41: memref<!tpu.dma_semaphore, #tpu.memory_space<semaphore_mem>>, %arg42: memref<!tpu.dma_semaphore, #tpu.memory_space<semaphore_mem>>, %arg43: memref<!tpu.dma_semaphore, #tpu.memory_space<semaphore_mem>>, %arg44: memref<!tpu.dma_semaphore, #tpu.memory_space<semaphore_mem>>) attributes {dimension_semantics = [#tpu.dimension_semantics<core_parallel>, #tpu.dimension_semantics<subcore_parallel>], iteration_bounds = array<i64: 2, 16>, scalar_prefetch = 0 : i64, scratch_operands = 38 : i64, tpu.core_type = #tpu.core_type<sc_vector_subcore>, window_params = [{transform_indices = #map}, {transform_indices = #map1}, {transform_indices = #map1}, {transform_indices = #map}, {transform_indices = #map2}]} {
    %mul3A = arith.constant 16 : i32
    %mul3A_0 = arith.muli %arg0, %mul3A : i32
    %add3A = arith.addi %mul3A_0, %arg1 : i32
    %mul3A_1 = arith.constant 10000 : i32
    %mul3A_2 = arith.muli %add3A, %mul3A_1 : i32
    %mul3A_3 = arith.constant 640 : i32
    %mul3A_4 = arith.muli %arg1, %mul3A_3 : i32
    %dma_start3A = arith.constant 0 : i32
    %dma_start3A_5 = tpu.memref_slice %arg27[%mul3A_4, %dma_start3A] : memref<10240x128xf32, #tpu.memory_space<vmem_shared>> -> memref<640x128xf32, #tpu.memory_space<vmem_shared>>
    tpu.enqueue_dma source(%arg5 : memref<640x128xf32, #tpu.memory_space<hbm>>) target(%dma_start3A_5 : memref<640x128xf32, #tpu.memory_space<vmem_shared>>) target_semaphore(%arg44 : memref<!tpu.dma_semaphore, #tpu.memory_space<semaphore_mem>>)
    %add3A_6 = arith.constant 0 : i32
    %add3A_7 = arith.addi %mul3A_2, %add3A_6 : i32
    %dma_start3A_8 = tpu.memref_slice %arg3[%add3A_7] : memref<320000xi32, #tpu.memory_space<hbm>> -> memref<40xi32, #tpu.memory_space<hbm>>
    %dma_start3A_9 = tpu.memref_slice %arg3[%add3A_7] : memref<320000xi32, #tpu.memory_space<hbm>> -> memref<40xi32, #tpu.memory_space<hbm>>
    tpu.enqueue_dma source(%dma_start3A_9 : memref<40xi32, #tpu.memory_space<hbm>>) target(%arg7 : memref<40xi32, #tpu.memory_space<vmem>>) target_semaphore(%arg28 : memref<!tpu.dma_semaphore, #tpu.memory_space<semaphore_mem>>)
    %dma_start3A_10 = tpu.memref_slice %arg4[%add3A_7] : memref<320000xi32, #tpu.memory_space<hbm>> -> memref<40xi32, #tpu.memory_space<hbm>>
    %dma_start3A_11 = tpu.memref_slice %arg4[%add3A_7] : memref<320000xi32, #tpu.memory_space<hbm>> -> memref<40xi32, #tpu.memory_space<hbm>>
    tpu.enqueue_dma source(%dma_start3A_11 : memref<40xi32, #tpu.memory_space<hbm>>) target(%arg15 : memref<40xi32, #tpu.memory_space<vmem>>) target_semaphore(%arg28 : memref<!tpu.dma_semaphore, #tpu.memory_space<semaphore_mem>>)
    %add3A_12 = arith.constant 40 : i32
    %add3A_13 = arith.addi %mul3A_2, %add3A_12 : i32
    %dma_start3A_14 = tpu.memref_slice %arg3[%add3A_13] : memref<320000xi32, #tpu.memory_space<hbm>> -> memref<40xi32, #tpu.memory_space<hbm>>
    %dma_start3A_15 = tpu.memref_slice %arg3[%add3A_13] : memref<320000xi32, #tpu.memory_space<hbm>> -> memref<40xi32, #tpu.memory_space<hbm>>
    tpu.enqueue_dma source(%dma_start3A_15 : memref<40xi32, #tpu.memory_space<hbm>>) target(%arg8 : memref<40xi32, #tpu.memory_space<vmem>>) target_semaphore(%arg29 : memref<!tpu.dma_semaphore, #tpu.memory_space<semaphore_mem>>)
    %dma_start3A_16 = tpu.memref_slice %arg4[%add3A_13] : memref<320000xi32, #tpu.memory_space<hbm>> -> memref<40xi32, #tpu.memory_space<hbm>>
    %dma_start3A_17 = tpu.memref_slice %arg4[%add3A_13] : memref<320000xi32, #tpu.memory_space<hbm>> -> memref<40xi32, #tpu.memory_space<hbm>>
    tpu.enqueue_dma source(%dma_start3A_17 : memref<40xi32, #tpu.memory_space<hbm>>) target(%arg16 : memref<40xi32, #tpu.memory_space<vmem>>) target_semaphore(%arg29 : memref<!tpu.dma_semaphore, #tpu.memory_space<semaphore_mem>>)
    %add3A_18 = arith.constant 80 : i32
    %add3A_19 = arith.addi %mul3A_2, %add3A_18 : i32
    %dma_start3A_20 = tpu.memref_slice %arg3[%add3A_19] : memref<320000xi32, #tpu.memory_space<hbm>> -> memref<40xi32, #tpu.memory_space<hbm>>
    %dma_start3A_21 = tpu.memref_slice %arg3[%add3A_19] : memref<320000xi32, #tpu.memory_space<hbm>> -> memref<40xi32, #tpu.memory_space<hbm>>
    tpu.enqueue_dma source(%dma_start3A_21 : memref<40xi32, #tpu.memory_space<hbm>>) target(%arg9 : memref<40xi32, #tpu.memory_space<vmem>>) target_semaphore(%arg30 : memref<!tpu.dma_semaphore, #tpu.memory_space<semaphore_mem>>)
    %dma_start3A_22 = tpu.memref_slice %arg4[%add3A_19] : memref<320000xi32, #tpu.memory_space<hbm>> -> memref<40xi32, #tpu.memory_space<hbm>>
    %dma_start3A_23 = tpu.memref_slice %arg4[%add3A_19] : memref<320000xi32, #tpu.memory_space<hbm>> -> memref<40xi32, #tpu.memory_space<hbm>>
    tpu.enqueue_dma source(%dma_start3A_23 : memref<40xi32, #tpu.memory_space<hbm>>) target(%arg17 : memref<40xi32, #tpu.memory_space<vmem>>) target_semaphore(%arg30 : memref<!tpu.dma_semaphore, #tpu.memory_space<semaphore_mem>>)
    %dma_wait3A = tpu.memref_slice %arg3[%mul3A_2] : memref<320000xi32, #tpu.memory_space<hbm>> -> memref<40xi32, #tpu.memory_space<hbm>>
    %dma_wait3A_24 = tpu.memref_slice %arg3[%mul3A_2] : memref<320000xi32, #tpu.memory_space<hbm>> -> memref<40xi32, #tpu.memory_space<hbm>>
    tpu.wait_dma2 semaphore(%arg28 : memref<!tpu.dma_semaphore, #tpu.memory_space<semaphore_mem>>) src(%dma_wait3A_24 : memref<40xi32, #tpu.memory_space<hbm>>) dst(%arg7 : memref<40xi32, #tpu.memory_space<vmem>>)
    %dma_wait3A_25 = tpu.memref_slice %arg4[%mul3A_2] : memref<320000xi32, #tpu.memory_space<hbm>> -> memref<40xi32, #tpu.memory_space<hbm>>
    %dma_wait3A_26 = tpu.memref_slice %arg4[%mul3A_2] : memref<320000xi32, #tpu.memory_space<hbm>> -> memref<40xi32, #tpu.memory_space<hbm>>
    tpu.wait_dma2 semaphore(%arg28 : memref<!tpu.dma_semaphore, #tpu.memory_space<semaphore_mem>>) src(%dma_wait3A_26 : memref<40xi32, #tpu.memory_space<hbm>>) dst(%arg15 : memref<40xi32, #tpu.memory_space<vmem>>)
    %dma_start3A_27 = arith.constant 0 : i32
    %dma_start3A_28 = arith.constant 0 : i32
    %dma_start3A_29 = tpu.memref_slice %arg2[%dma_start3A_27, %dma_start3A_28] : memref<10000x128xf32, #tpu.memory_space<hbm>> -> memref<10000x128xf32, #tpu.memory_space<hbm>>
    tpu.enqueue_indirect_dma source(%dma_start3A_29 : memref<10000x128xf32, #tpu.memory_space<hbm>>) target(%arg23 : memref<40x128xf32, #tpu.memory_space<vmem>>) offsets(%arg7 : memref<40xi32, #tpu.memory_space<vmem>>) semaphore(%arg36 : memref<!tpu.dma_semaphore, #tpu.memory_space<semaphore_mem>>)
    %dma_wait3A_30 = tpu.memref_slice %arg3[%mul3A_2] : memref<320000xi32, #tpu.memory_space<hbm>> -> memref<40xi32, #tpu.memory_space<hbm>>
    %dma_wait3A_31 = tpu.memref_slice %arg3[%mul3A_2] : memref<320000xi32, #tpu.memory_space<hbm>> -> memref<40xi32, #tpu.memory_space<hbm>>
    tpu.wait_dma2 semaphore(%arg29 : memref<!tpu.dma_semaphore, #tpu.memory_space<semaphore_mem>>) src(%dma_wait3A_31 : memref<40xi32, #tpu.memory_space<hbm>>) dst(%arg8 : memref<40xi32, #tpu.memory_space<vmem>>)
    %dma_wait3A_32 = tpu.memref_slice %arg4[%mul3A_2] : memref<320000xi32, #tpu.memory_space<hbm>> -> memref<40xi32, #tpu.memory_space<hbm>>
    %dma_wait3A_33 = tpu.memref_slice %arg4[%mul3A_2] : memref<320000xi32, #tpu.memory_space<hbm>> -> memref<40xi32, #tpu.memory_space<hbm>>
    tpu.wait_dma2 semaphore(%arg29 : memref<!tpu.dma_semaphore, #tpu.memory_space<semaphore_mem>>) src(%dma_wait3A_33 : memref<40xi32, #tpu.memory_space<hbm>>) dst(%arg16 : memref<40xi32, #tpu.memory_space<vmem>>)
    %dma_start3A_34 = arith.constant 0 : i32
    %dma_start3A_35 = arith.constant 0 : i32
    %dma_start3A_36 = tpu.memref_slice %arg2[%dma_start3A_34, %dma_start3A_35] : memref<10000x128xf32, #tpu.memory_space<hbm>> -> memref<10000x128xf32, #tpu.memory_space<hbm>>
    tpu.enqueue_indirect_dma source(%dma_start3A_36 : memref<10000x128xf32, #tpu.memory_space<hbm>>) target(%arg24 : memref<40x128xf32, #tpu.memory_space<vmem>>) offsets(%arg8 : memref<40xi32, #tpu.memory_space<vmem>>) semaphore(%arg37 : memref<!tpu.dma_semaphore, #tpu.memory_space<semaphore_mem>>)
    %dma_wait3A_37 = arith.constant 0 : i32
    %dma_wait3A_38 = tpu.memref_slice %arg27[%mul3A_4, %dma_wait3A_37] : memref<10240x128xf32, #tpu.memory_space<vmem_shared>> -> memref<640x128xf32, #tpu.memory_space<vmem_shared>>
    tpu.wait_dma2 semaphore(%arg44 : memref<!tpu.dma_semaphore, #tpu.memory_space<semaphore_mem>>) src(%arg5 : memref<640x128xf32, #tpu.memory_space<hbm>>) dst(%dma_wait3A_38 : memref<640x128xf32, #tpu.memory_space<vmem_shared>>)
    %barrier3A = arith.constant 0 : index
    tpu.barrier barrier_id(%barrier3A)
    %scan3A = arith.constant 0 : i32
    %scan3A_39 = arith.constant 0 : i32
    %scan3A_40 = arith.constant 32 : i32
    %scan3A_41 = arith.addi %scan3A_39, %scan3A_40 : i32
    %scan3A_42 = arith.constant 1 : i32
    scf.for %scan3A_55 = %scan3A_39 to %scan3A_41 step %scan3A_42  : i32 {
      %mul3A_56 = arith.constant 8 : i32
      %mul3A_57 = arith.muli %mul3A_56, %scan3A_55 : i32
      %add3A_58 = arith.constant 0 : i32
      %add3A_59 = arith.addi %mul3A_57, %add3A_58 : i32
      %lt3A = arith.constant 250 : i32
      %lt3A_60 = arith.cmpi slt, %add3A_59, %lt3A : i32
      %convert_element_type3A = arith.extui %lt3A_60 : i1 to i32
      %cond3A = arith.constant 0 : i32
      %cond3A_61 = arith.cmpi ne, %convert_element_type3A, %cond3A : i32
      scf.if %cond3A_61 {
        %dma_wait3A_125 = arith.constant 0 : i32
        %dma_wait3A_126 = arith.constant 0 : i32
        %dma_wait3A_127 = tpu.memref_slice %arg2[%dma_wait3A_125, %dma_wait3A_126] : memref<10000x128xf32, #tpu.memory_space<hbm>> -> memref<10000x128xf32, #tpu.memory_space<hbm>>
        tpu.wait_indirect_dma semaphore(%arg36 : memref<!tpu.dma_semaphore, #tpu.memory_space<semaphore_mem>>) src(%dma_wait3A_127 : memref<10000x128xf32, #tpu.memory_space<hbm>>) dst(%arg23 : memref<40x128xf32, #tpu.memory_space<vmem>>)
        %dma_start3A_128 = arith.constant 0 : i32
        %dma_start3A_129 = arith.constant 0 : i32
        %dma_start3A_130 = tpu.memref_slice %arg27[%dma_start3A_128, %dma_start3A_129] : memref<10240x128xf32, #tpu.memory_space<vmem_shared>> -> memref<10240x128xf32, #tpu.memory_space<vmem_shared>>
        tpu.enqueue_indirect_dma source(%arg23 : memref<40x128xf32, #tpu.memory_space<vmem>>) target(%dma_start3A_130 : memref<10240x128xf32, #tpu.memory_space<vmem_shared>>) offsets(%arg15 : memref<40xi32, #tpu.memory_space<vmem>>) semaphore(%arg40 : memref<!tpu.dma_semaphore, #tpu.memory_space<semaphore_mem>>) {add = true}
        %ge3A = arith.constant 2 : i32
        %ge3A_131 = arith.cmpi sge, %add3A_59, %ge3A : i32
        %convert_element_type3A_132 = arith.extui %ge3A_131 : i1 to i32
        %cond3A_133 = arith.constant 0 : i32
        %cond3A_134 = arith.cmpi ne, %convert_element_type3A_132, %cond3A_133 : i32
        scf.if %cond3A_134 {
          %dma_wait3A_149 = arith.constant 0 : i32
          %dma_wait3A_150 = arith.constant 0 : i32
          %dma_wait3A_151 = tpu.memref_slice %arg27[%dma_wait3A_149, %dma_wait3A_150] : memref<10240x128xf32, #tpu.memory_space<vmem_shared>> -> memref<10240x128xf32, #tpu.memory_space<vmem_shared>>
          tpu.wait_indirect_dma semaphore(%arg42 : memref<!tpu.dma_semaphore, #tpu.memory_space<semaphore_mem>>) src(%arg25 : memref<40x128xf32, #tpu.memory_space<vmem>>) dst(%dma_wait3A_151 : memref<10240x128xf32, #tpu.memory_space<vmem_shared>>)
        } else {
        }
        %add3A_135 = arith.constant 2 : i32
        %add3A_136 = arith.addi %add3A_59, %add3A_135 : i32
        %lt3A_137 = arith.constant 250 : i32
        %lt3A_138 = arith.cmpi slt, %add3A_136, %lt3A_137 : i32
        %convert_element_type3A_139 = arith.extui %lt3A_138 : i1 to i32
        %cond3A_140 = arith.constant 0 : i32
        %cond3A_141 = arith.cmpi ne, %convert_element_type3A_139, %cond3A_140 : i32
        scf.if %cond3A_141 {
          %dma_wait3A_149 = tpu.memref_slice %arg3[%mul3A_2] : memref<320000xi32, #tpu.memory_space<hbm>> -> memref<40xi32, #tpu.memory_space<hbm>>
          %dma_wait3A_150 = tpu.memref_slice %arg3[%mul3A_2] : memref<320000xi32, #tpu.memory_space<hbm>> -> memref<40xi32, #tpu.memory_space<hbm>>
          tpu.wait_dma2 semaphore(%arg30 : memref<!tpu.dma_semaphore, #tpu.memory_space<semaphore_mem>>) src(%dma_wait3A_150 : memref<40xi32, #tpu.memory_space<hbm>>) dst(%arg9 : memref<40xi32, #tpu.memory_space<vmem>>)
          %dma_wait3A_151 = tpu.memref_slice %arg4[%mul3A_2] : memref<320000xi32, #tpu.memory_space<hbm>> -> memref<40xi32, #tpu.memory_space<hbm>>
          %dma_wait3A_152 = tpu.memref_slice %arg4[%mul3A_2] : memref<320000xi32, #tpu.memory_space<hbm>> -> memref<40xi32, #tpu.memory_space<hbm>>
          tpu.wait_dma2 semaphore(%arg30 : memref<!tpu.dma_semaphore, #tpu.memory_space<semaphore_mem>>) src(%dma_wait3A_152 : memref<40xi32, #tpu.memory_space<hbm>>) dst(%arg17 : memref<40xi32, #tpu.memory_space<vmem>>)
          %dma_start3A_153 = arith.constant 0 : i32
          %dma_start3A_154 = arith.constant 0 : i32
          %dma_start3A_155 = tpu.memref_slice %arg2[%dma_start3A_153, %dma_start3A_154] : memref<10000x128xf32, #tpu.memory_space<hbm>> -> memref<10000x128xf32, #tpu.memory_space<hbm>>
          tpu.enqueue_indirect_dma source(%dma_start3A_155 : memref<10000x128xf32, #tpu.memory_space<hbm>>) target(%arg25 : memref<40x128xf32, #tpu.memory_space<vmem>>) offsets(%arg9 : memref<40xi32, #tpu.memory_space<vmem>>) semaphore(%arg38 : memref<!tpu.dma_semaphore, #tpu.memory_space<semaphore_mem>>)
        } else {
        }
        %add3A_142 = arith.constant 3 : i32
        %add3A_143 = arith.addi %add3A_59, %add3A_142 : i32
        %lt3A_144 = arith.constant 250 : i32
        %lt3A_145 = arith.cmpi slt, %add3A_143, %lt3A_144 : i32
        %convert_element_type3A_146 = arith.extui %lt3A_145 : i1 to i32
        %cond3A_147 = arith.constant 0 : i32
        %cond3A_148 = arith.cmpi ne, %convert_element_type3A_146, %cond3A_147 : i32
        scf.if %cond3A_148 {
          %add3A_149 = arith.constant 3 : i32
          %add3A_150 = arith.addi %add3A_59, %add3A_149 : i32
          %mul3A_151 = arith.constant 40 : i32
          %mul3A_152 = arith.muli %add3A_150, %mul3A_151 : i32
          %add3A_153 = arith.addi %mul3A_2, %mul3A_152 : i32
          %dma_start3A_154 = tpu.memref_slice %arg3[%add3A_153] : memref<320000xi32, #tpu.memory_space<hbm>> -> memref<40xi32, #tpu.memory_space<hbm>>
          %dma_start3A_155 = tpu.memref_slice %arg3[%add3A_153] : memref<320000xi32, #tpu.memory_space<hbm>> -> memref<40xi32, #tpu.memory_space<hbm>>
          tpu.enqueue_dma source(%dma_start3A_155 : memref<40xi32, #tpu.memory_space<hbm>>) target(%arg10 : memref<40xi32, #tpu.memory_space<vmem>>) target_semaphore(%arg31 : memref<!tpu.dma_semaphore, #tpu.memory_space<semaphore_mem>>)
          %dma_start3A_156 = tpu.memref_slice %arg4[%add3A_153] : memref<320000xi32, #tpu.memory_space<hbm>> -> memref<40xi32, #tpu.memory_space<hbm>>
          %dma_start3A_157 = tpu.memref_slice %arg4[%add3A_153] : memref<320000xi32, #tpu.memory_space<hbm>> -> memref<40xi32, #tpu.memory_space<hbm>>
          tpu.enqueue_dma source(%dma_start3A_157 : memref<40xi32, #tpu.memory_space<hbm>>) target(%arg18 : memref<40xi32, #tpu.memory_space<vmem>>) target_semaphore(%arg31 : memref<!tpu.dma_semaphore, #tpu.memory_space<semaphore_mem>>)
        } else {
        }
      } else {
      }
      %mul3A_62 = arith.constant 8 : i32
      %mul3A_63 = arith.muli %mul3A_62, %scan3A_55 : i32
      %add3A_64 = arith.constant 1 : i32
      %add3A_65 = arith.addi %mul3A_63, %add3A_64 : i32
      %lt3A_66 = arith.constant 250 : i32
      %lt3A_67 = arith.cmpi slt, %add3A_65, %lt3A_66 : i32
      %convert_element_type3A_68 = arith.extui %lt3A_67 : i1 to i32
      %cond3A_69 = arith.constant 0 : i32
      %cond3A_70 = arith.cmpi ne, %convert_element_type3A_68, %cond3A_69 : i32
      scf.if %cond3A_70 {
        %dma_wait3A_125 = arith.constant 0 : i32
        %dma_wait3A_126 = arith.constant 0 : i32
        %dma_wait3A_127 = tpu.memref_slice %arg2[%dma_wait3A_125, %dma_wait3A_126] : memref<10000x128xf32, #tpu.memory_space<hbm>> -> memref<10000x128xf32, #tpu.memory_space<hbm>>
        tpu.wait_indirect_dma semaphore(%arg37 : memref<!tpu.dma_semaphore, #tpu.memory_space<semaphore_mem>>) src(%dma_wait3A_127 : memref<10000x128xf32, #tpu.memory_space<hbm>>) dst(%arg24 : memref<40x128xf32, #tpu.memory_space<vmem>>)
        %dma_start3A_128 = arith.constant 0 : i32
        %dma_start3A_129 = arith.constant 0 : i32
        %dma_start3A_130 = tpu.memref_slice %arg27[%dma_start3A_128, %dma_start3A_129] : memref<10240x128xf32, #tpu.memory_space<vmem_shared>> -> memref<10240x128xf32, #tpu.memory_space<vmem_shared>>
        tpu.enqueue_indirect_dma source(%arg24 : memref<40x128xf32, #tpu.memory_space<vmem>>) target(%dma_start3A_130 : memref<10240x128xf32, #tpu.memory_space<vmem_shared>>) offsets(%arg16 : memref<40xi32, #tpu.memory_space<vmem>>) semaphore(%arg41 : memref<!tpu.dma_semaphore, #tpu.memory_space<semaphore_mem>>) {add = true}
        %ge3A = arith.constant 2 : i32
        %ge3A_131 = arith.cmpi sge, %add3A_65, %ge3A : i32
        %convert_element_type3A_132 = arith.extui %ge3A_131 : i1 to i32
        %cond3A_133 = arith.constant 0 : i32
        %cond3A_134 = arith.cmpi ne, %convert_element_type3A_132, %cond3A_133 : i32
        scf.if %cond3A_134 {
          %dma_wait3A_149 = arith.constant 0 : i32
          %dma_wait3A_150 = arith.constant 0 : i32
          %dma_wait3A_151 = tpu.memref_slice %arg27[%dma_wait3A_149, %dma_wait3A_150] : memref<10240x128xf32, #tpu.memory_space<vmem_shared>> -> memref<10240x128xf32, #tpu.memory_space<vmem_shared>>
          tpu.wait_indirect_dma semaphore(%arg43 : memref<!tpu.dma_semaphore, #tpu.memory_space<semaphore_mem>>) src(%arg26 : memref<40x128xf32, #tpu.memory_space<vmem>>) dst(%dma_wait3A_151 : memref<10240x128xf32, #tpu.memory_space<vmem_shared>>)
        } else {
        }
        %add3A_135 = arith.constant 2 : i32
        %add3A_136 = arith.addi %add3A_65, %add3A_135 : i32
        %lt3A_137 = arith.constant 250 : i32
        %lt3A_138 = arith.cmpi slt, %add3A_136, %lt3A_137 : i32
        %convert_element_type3A_139 = arith.extui %lt3A_138 : i1 to i32
        %cond3A_140 = arith.constant 0 : i32
        %cond3A_141 = arith.cmpi ne, %convert_element_type3A_139, %cond3A_140 : i32
        scf.if %cond3A_141 {
          %dma_wait3A_149 = tpu.memref_slice %arg3[%mul3A_2] : memref<320000xi32, #tpu.memory_space<hbm>> -> memref<40xi32, #tpu.memory_space<hbm>>
          %dma_wait3A_150 = tpu.memref_slice %arg3[%mul3A_2] : memref<320000xi32, #tpu.memory_space<hbm>> -> memref<40xi32, #tpu.memory_space<hbm>>
          tpu.wait_dma2 semaphore(%arg31 : memref<!tpu.dma_semaphore, #tpu.memory_space<semaphore_mem>>) src(%dma_wait3A_150 : memref<40xi32, #tpu.memory_space<hbm>>) dst(%arg10 : memref<40xi32, #tpu.memory_space<vmem>>)
          %dma_wait3A_151 = tpu.memref_slice %arg4[%mul3A_2] : memref<320000xi32, #tpu.memory_space<hbm>> -> memref<40xi32, #tpu.memory_space<hbm>>
          %dma_wait3A_152 = tpu.memref_slice %arg4[%mul3A_2] : memref<320000xi32, #tpu.memory_space<hbm>> -> memref<40xi32, #tpu.memory_space<hbm>>
          tpu.wait_dma2 semaphore(%arg31 : memref<!tpu.dma_semaphore, #tpu.memory_space<semaphore_mem>>) src(%dma_wait3A_152 : memref<40xi32, #tpu.memory_space<hbm>>) dst(%arg18 : memref<40xi32, #tpu.memory_space<vmem>>)
          %dma_start3A_153 = arith.constant 0 : i32
          %dma_start3A_154 = arith.constant 0 : i32
          %dma_start3A_155 = tpu.memref_slice %arg2[%dma_start3A_153, %dma_start3A_154] : memref<10000x128xf32, #tpu.memory_space<hbm>> -> memref<10000x128xf32, #tpu.memory_space<hbm>>
          tpu.enqueue_indirect_dma source(%dma_start3A_155 : memref<10000x128xf32, #tpu.memory_space<hbm>>) target(%arg26 : memref<40x128xf32, #tpu.memory_space<vmem>>) offsets(%arg10 : memref<40xi32, #tpu.memory_space<vmem>>) semaphore(%arg39 : memref<!tpu.dma_semaphore, #tpu.memory_space<semaphore_mem>>)
        } else {
        }
        %add3A_142 = arith.constant 3 : i32
        %add3A_143 = arith.addi %add3A_65, %add3A_142 : i32
        %lt3A_144 = arith.constant 250 : i32
        %lt3A_145 = arith.cmpi slt, %add3A_143, %lt3A_144 : i32
        %convert_element_type3A_146 = arith.extui %lt3A_145 : i1 to i32
        %cond3A_147 = arith.constant 0 : i32
        %cond3A_148 = arith.cmpi ne, %convert_element_type3A_146, %cond3A_147 : i32
        scf.if %cond3A_148 {
          %add3A_149 = arith.constant 3 : i32
          %add3A_150 = arith.addi %add3A_65, %add3A_149 : i32
          %mul3A_151 = arith.constant 40 : i32
          %mul3A_152 = arith.muli %add3A_150, %mul3A_151 : i32
          %add3A_153 = arith.addi %mul3A_2, %mul3A_152 : i32
          %dma_start3A_154 = tpu.memref_slice %arg3[%add3A_153] : memref<320000xi32, #tpu.memory_space<hbm>> -> memref<40xi32, #tpu.memory_space<hbm>>
          %dma_start3A_155 = tpu.memref_slice %arg3[%add3A_153] : memref<320000xi32, #tpu.memory_space<hbm>> -> memref<40xi32, #tpu.memory_space<hbm>>
          tpu.enqueue_dma source(%dma_start3A_155 : memref<40xi32, #tpu.memory_space<hbm>>) target(%arg11 : memref<40xi32, #tpu.memory_space<vmem>>) target_semaphore(%arg32 : memref<!tpu.dma_semaphore, #tpu.memory_space<semaphore_mem>>)
          %dma_start3A_156 = tpu.memref_slice %arg4[%add3A_153] : memref<320000xi32, #tpu.memory_space<hbm>> -> memref<40xi32, #tpu.memory_space<hbm>>
          %dma_start3A_157 = tpu.memref_slice %arg4[%add3A_153] : memref<320000xi32, #tpu.memory_space<hbm>> -> memref<40xi32, #tpu.memory_space<hbm>>
          tpu.enqueue_dma source(%dma_start3A_157 : memref<40xi32, #tpu.memory_space<hbm>>) target(%arg19 : memref<40xi32, #tpu.memory_space<vmem>>) target_semaphore(%arg32 : memref<!tpu.dma_semaphore, #tpu.memory_space<semaphore_mem>>)
        } else {
        }
      } else {
      }
      %mul3A_71 = arith.constant 8 : i32
      %mul3A_72 = arith.muli %mul3A_71, %scan3A_55 : i32
      %add3A_73 = arith.constant 2 : i32
      %add3A_74 = arith.addi %mul3A_72, %add3A_73 : i32
      %lt3A_75 = arith.constant 250 : i32
      %lt3A_76 = arith.cmpi slt, %add3A_74, %lt3A_75 : i32
      %convert_element_type3A_77 = arith.extui %lt3A_76 : i1 to i32
      %cond3A_78 = arith.constant 0 : i32
      %cond3A_79 = arith.cmpi ne, %convert_element_type3A_77, %cond3A_78 : i32
      scf.if %cond3A_79 {
        %dma_wait3A_125 = arith.constant 0 : i32
        %dma_wait3A_126 = arith.constant 0 : i32
        %dma_wait3A_127 = tpu.memref_slice %arg2[%dma_wait3A_125, %dma_wait3A_126] : memref<10000x128xf32, #tpu.memory_space<hbm>> -> memref<10000x128xf32, #tpu.memory_space<hbm>>
        tpu.wait_indirect_dma semaphore(%arg38 : memref<!tpu.dma_semaphore, #tpu.memory_space<semaphore_mem>>) src(%dma_wait3A_127 : memref<10000x128xf32, #tpu.memory_space<hbm>>) dst(%arg25 : memref<40x128xf32, #tpu.memory_space<vmem>>)
        %dma_start3A_128 = arith.constant 0 : i32
        %dma_start3A_129 = arith.constant 0 : i32
        %dma_start3A_130 = tpu.memref_slice %arg27[%dma_start3A_128, %dma_start3A_129] : memref<10240x128xf32, #tpu.memory_space<vmem_shared>> -> memref<10240x128xf32, #tpu.memory_space<vmem_shared>>
        tpu.enqueue_indirect_dma source(%arg25 : memref<40x128xf32, #tpu.memory_space<vmem>>) target(%dma_start3A_130 : memref<10240x128xf32, #tpu.memory_space<vmem_shared>>) offsets(%arg17 : memref<40xi32, #tpu.memory_space<vmem>>) semaphore(%arg42 : memref<!tpu.dma_semaphore, #tpu.memory_space<semaphore_mem>>) {add = true}
        %ge3A = arith.constant 2 : i32
        %ge3A_131 = arith.cmpi sge, %add3A_74, %ge3A : i32
        %convert_element_type3A_132 = arith.extui %ge3A_131 : i1 to i32
        %cond3A_133 = arith.constant 0 : i32
        %cond3A_134 = arith.cmpi ne, %convert_element_type3A_132, %cond3A_133 : i32
        scf.if %cond3A_134 {
          %dma_wait3A_149 = arith.constant 0 : i32
          %dma_wait3A_150 = arith.constant 0 : i32
          %dma_wait3A_151 = tpu.memref_slice %arg27[%dma_wait3A_149, %dma_wait3A_150] : memref<10240x128xf32, #tpu.memory_space<vmem_shared>> -> memref<10240x128xf32, #tpu.memory_space<vmem_shared>>
          tpu.wait_indirect_dma semaphore(%arg40 : memref<!tpu.dma_semaphore, #tpu.memory_space<semaphore_mem>>) src(%arg23 : memref<40x128xf32, #tpu.memory_space<vmem>>) dst(%dma_wait3A_151 : memref<10240x128xf32, #tpu.memory_space<vmem_shared>>)
        } else {
        }
        %add3A_135 = arith.constant 2 : i32
        %add3A_136 = arith.addi %add3A_74, %add3A_135 : i32
        %lt3A_137 = arith.constant 250 : i32
        %lt3A_138 = arith.cmpi slt, %add3A_136, %lt3A_137 : i32
        %convert_element_type3A_139 = arith.extui %lt3A_138 : i1 to i32
        %cond3A_140 = arith.constant 0 : i32
        %cond3A_141 = arith.cmpi ne, %convert_element_type3A_139, %cond3A_140 : i32
        scf.if %cond3A_141 {
          %dma_wait3A_149 = tpu.memref_slice %arg3[%mul3A_2] : memref<320000xi32, #tpu.memory_space<hbm>> -> memref<40xi32, #tpu.memory_space<hbm>>
          %dma_wait3A_150 = tpu.memref_slice %arg3[%mul3A_2] : memref<320000xi32, #tpu.memory_space<hbm>> -> memref<40xi32, #tpu.memory_space<hbm>>
          tpu.wait_dma2 semaphore(%arg32 : memref<!tpu.dma_semaphore, #tpu.memory_space<semaphore_mem>>) src(%dma_wait3A_150 : memref<40xi32, #tpu.memory_space<hbm>>) dst(%arg11 : memref<40xi32, #tpu.memory_space<vmem>>)
          %dma_wait3A_151 = tpu.memref_slice %arg4[%mul3A_2] : memref<320000xi32, #tpu.memory_space<hbm>> -> memref<40xi32, #tpu.memory_space<hbm>>
          %dma_wait3A_152 = tpu.memref_slice %arg4[%mul3A_2] : memref<320000xi32, #tpu.memory_space<hbm>> -> memref<40xi32, #tpu.memory_space<hbm>>
          tpu.wait_dma2 semaphore(%arg32 : memref<!tpu.dma_semaphore, #tpu.memory_space<semaphore_mem>>) src(%dma_wait3A_152 : memref<40xi32, #tpu.memory_space<hbm>>) dst(%arg19 : memref<40xi32, #tpu.memory_space<vmem>>)
          %dma_start3A_153 = arith.constant 0 : i32
          %dma_start3A_154 = arith.constant 0 : i32
          %dma_start3A_155 = tpu.memref_slice %arg2[%dma_start3A_153, %dma_start3A_154] : memref<10000x128xf32, #tpu.memory_space<hbm>> -> memref<10000x128xf32, #tpu.memory_space<hbm>>
          tpu.enqueue_indirect_dma source(%dma_start3A_155 : memref<10000x128xf32, #tpu.memory_space<hbm>>) target(%arg23 : memref<40x128xf32, #tpu.memory_space<vmem>>) offsets(%arg11 : memref<40xi32, #tpu.memory_space<vmem>>) semaphore(%arg36 : memref<!tpu.dma_semaphore, #tpu.memory_space<semaphore_mem>>)
        } else {
        }
        %add3A_142 = arith.constant 3 : i32
        %add3A_143 = arith.addi %add3A_74, %add3A_142 : i32
        %lt3A_144 = arith.constant 250 : i32
        %lt3A_145 = arith.cmpi slt, %add3A_143, %lt3A_144 : i32
        %convert_element_type3A_146 = arith.extui %lt3A_145 : i1 to i32
        %cond3A_147 = arith.constant 0 : i32
        %cond3A_148 = arith.cmpi ne, %convert_element_type3A_146, %cond3A_147 : i32
        scf.if %cond3A_148 {
          %add3A_149 = arith.constant 3 : i32
          %add3A_150 = arith.addi %add3A_74, %add3A_149 : i32
          %mul3A_151 = arith.constant 40 : i32
          %mul3A_152 = arith.muli %add3A_150, %mul3A_151 : i32
          %add3A_153 = arith.addi %mul3A_2, %mul3A_152 : i32
          %dma_start3A_154 = tpu.memref_slice %arg3[%add3A_153] : memref<320000xi32, #tpu.memory_space<hbm>> -> memref<40xi32, #tpu.memory_space<hbm>>
          %dma_start3A_155 = tpu.memref_slice %arg3[%add3A_153] : memref<320000xi32, #tpu.memory_space<hbm>> -> memref<40xi32, #tpu.memory_space<hbm>>
          tpu.enqueue_dma source(%dma_start3A_155 : memref<40xi32, #tpu.memory_space<hbm>>) target(%arg12 : memref<40xi32, #tpu.memory_space<vmem>>) target_semaphore(%arg33 : memref<!tpu.dma_semaphore, #tpu.memory_space<semaphore_mem>>)
          %dma_start3A_156 = tpu.memref_slice %arg4[%add3A_153] : memref<320000xi32, #tpu.memory_space<hbm>> -> memref<40xi32, #tpu.memory_space<hbm>>
          %dma_start3A_157 = tpu.memref_slice %arg4[%add3A_153] : memref<320000xi32, #tpu.memory_space<hbm>> -> memref<40xi32, #tpu.memory_space<hbm>>
          tpu.enqueue_dma source(%dma_start3A_157 : memref<40xi32, #tpu.memory_space<hbm>>) target(%arg20 : memref<40xi32, #tpu.memory_space<vmem>>) target_semaphore(%arg33 : memref<!tpu.dma_semaphore, #tpu.memory_space<semaphore_mem>>)
        } else {
        }
      } else {
      }
      %mul3A_80 = arith.constant 8 : i32
      %mul3A_81 = arith.muli %mul3A_80, %scan3A_55 : i32
      %add3A_82 = arith.constant 3 : i32
      %add3A_83 = arith.addi %mul3A_81, %add3A_82 : i32
      %lt3A_84 = arith.constant 250 : i32
      %lt3A_85 = arith.cmpi slt, %add3A_83, %lt3A_84 : i32
      %convert_element_type3A_86 = arith.extui %lt3A_85 : i1 to i32
      %cond3A_87 = arith.constant 0 : i32
      %cond3A_88 = arith.cmpi ne, %convert_element_type3A_86, %cond3A_87 : i32
      scf.if %cond3A_88 {
        %dma_wait3A_125 = arith.constant 0 : i32
        %dma_wait3A_126 = arith.constant 0 : i32
        %dma_wait3A_127 = tpu.memref_slice %arg2[%dma_wait3A_125, %dma_wait3A_126] : memref<10000x128xf32, #tpu.memory_space<hbm>> -> memref<10000x128xf32, #tpu.memory_space<hbm>>
        tpu.wait_indirect_dma semaphore(%arg39 : memref<!tpu.dma_semaphore, #tpu.memory_space<semaphore_mem>>) src(%dma_wait3A_127 : memref<10000x128xf32, #tpu.memory_space<hbm>>) dst(%arg26 : memref<40x128xf32, #tpu.memory_space<vmem>>)
        %dma_start3A_128 = arith.constant 0 : i32
        %dma_start3A_129 = arith.constant 0 : i32
        %dma_start3A_130 = tpu.memref_slice %arg27[%dma_start3A_128, %dma_start3A_129] : memref<10240x128xf32, #tpu.memory_space<vmem_shared>> -> memref<10240x128xf32, #tpu.memory_space<vmem_shared>>
        tpu.enqueue_indirect_dma source(%arg26 : memref<40x128xf32, #tpu.memory_space<vmem>>) target(%dma_start3A_130 : memref<10240x128xf32, #tpu.memory_space<vmem_shared>>) offsets(%arg18 : memref<40xi32, #tpu.memory_space<vmem>>) semaphore(%arg43 : memref<!tpu.dma_semaphore, #tpu.memory_space<semaphore_mem>>) {add = true}
        %ge3A = arith.constant 2 : i32
        %ge3A_131 = arith.cmpi sge, %add3A_83, %ge3A : i32
        %convert_element_type3A_132 = arith.extui %ge3A_131 : i1 to i32
        %cond3A_133 = arith.constant 0 : i32
        %cond3A_134 = arith.cmpi ne, %convert_element_type3A_132, %cond3A_133 : i32
        scf.if %cond3A_134 {
          %dma_wait3A_149 = arith.constant 0 : i32
          %dma_wait3A_150 = arith.constant 0 : i32
          %dma_wait3A_151 = tpu.memref_slice %arg27[%dma_wait3A_149, %dma_wait3A_150] : memref<10240x128xf32, #tpu.memory_space<vmem_shared>> -> memref<10240x128xf32, #tpu.memory_space<vmem_shared>>
          tpu.wait_indirect_dma semaphore(%arg41 : memref<!tpu.dma_semaphore, #tpu.memory_space<semaphore_mem>>) src(%arg24 : memref<40x128xf32, #tpu.memory_space<vmem>>) dst(%dma_wait3A_151 : memref<10240x128xf32, #tpu.memory_space<vmem_shared>>)
        } else {
        }
        %add3A_135 = arith.constant 2 : i32
        %add3A_136 = arith.addi %add3A_83, %add3A_135 : i32
        %lt3A_137 = arith.constant 250 : i32
        %lt3A_138 = arith.cmpi slt, %add3A_136, %lt3A_137 : i32
        %convert_element_type3A_139 = arith.extui %lt3A_138 : i1 to i32
        %cond3A_140 = arith.constant 0 : i32
        %cond3A_141 = arith.cmpi ne, %convert_element_type3A_139, %cond3A_140 : i32
        scf.if %cond3A_141 {
          %dma_wait3A_149 = tpu.memref_slice %arg3[%mul3A_2] : memref<320000xi32, #tpu.memory_space<hbm>> -> memref<40xi32, #tpu.memory_space<hbm>>
          %dma_wait3A_150 = tpu.memref_slice %arg3[%mul3A_2] : memref<320000xi32, #tpu.memory_space<hbm>> -> memref<40xi32, #tpu.memory_space<hbm>>
          tpu.wait_dma2 semaphore(%arg33 : memref<!tpu.dma_semaphore, #tpu.memory_space<semaphore_mem>>) src(%dma_wait3A_150 : memref<40xi32, #tpu.memory_space<hbm>>) dst(%arg12 : memref<40xi32, #tpu.memory_space<vmem>>)
          %dma_wait3A_151 = tpu.memref_slice %arg4[%mul3A_2] : memref<320000xi32, #tpu.memory_space<hbm>> -> memref<40xi32, #tpu.memory_space<hbm>>
          %dma_wait3A_152 = tpu.memref_slice %arg4[%mul3A_2] : memref<320000xi32, #tpu.memory_space<hbm>> -> memref<40xi32, #tpu.memory_space<hbm>>
          tpu.wait_dma2 semaphore(%arg33 : memref<!tpu.dma_semaphore, #tpu.memory_space<semaphore_mem>>) src(%dma_wait3A_152 : memref<40xi32, #tpu.memory_space<hbm>>) dst(%arg20 : memref<40xi32, #tpu.memory_space<vmem>>)
          %dma_start3A_153 = arith.constant 0 : i32
          %dma_start3A_154 = arith.constant 0 : i32
          %dma_start3A_155 = tpu.memref_slice %arg2[%dma_start3A_153, %dma_start3A_154] : memref<10000x128xf32, #tpu.memory_space<hbm>> -> memref<10000x128xf32, #tpu.memory_space<hbm>>
          tpu.enqueue_indirect_dma source(%dma_start3A_155 : memref<10000x128xf32, #tpu.memory_space<hbm>>) target(%arg24 : memref<40x128xf32, #tpu.memory_space<vmem>>) offsets(%arg12 : memref<40xi32, #tpu.memory_space<vmem>>) semaphore(%arg37 : memref<!tpu.dma_semaphore, #tpu.memory_space<semaphore_mem>>)
        } else {
        }
        %add3A_142 = arith.constant 3 : i32
        %add3A_143 = arith.addi %add3A_83, %add3A_142 : i32
        %lt3A_144 = arith.constant 250 : i32
        %lt3A_145 = arith.cmpi slt, %add3A_143, %lt3A_144 : i32
        %convert_element_type3A_146 = arith.extui %lt3A_145 : i1 to i32
        %cond3A_147 = arith.constant 0 : i32
        %cond3A_148 = arith.cmpi ne, %convert_element_type3A_146, %cond3A_147 : i32
        scf.if %cond3A_148 {
          %add3A_149 = arith.constant 3 : i32
          %add3A_150 = arith.addi %add3A_83, %add3A_149 : i32
          %mul3A_151 = arith.constant 40 : i32
          %mul3A_152 = arith.muli %add3A_150, %mul3A_151 : i32
          %add3A_153 = arith.addi %mul3A_2, %mul3A_152 : i32
          %dma_start3A_154 = tpu.memref_slice %arg3[%add3A_153] : memref<320000xi32, #tpu.memory_space<hbm>> -> memref<40xi32, #tpu.memory_space<hbm>>
          %dma_start3A_155 = tpu.memref_slice %arg3[%add3A_153] : memref<320000xi32, #tpu.memory_space<hbm>> -> memref<40xi32, #tpu.memory_space<hbm>>
          tpu.enqueue_dma source(%dma_start3A_155 : memref<40xi32, #tpu.memory_space<hbm>>) target(%arg13 : memref<40xi32, #tpu.memory_space<vmem>>) target_semaphore(%arg34 : memref<!tpu.dma_semaphore, #tpu.memory_space<semaphore_mem>>)
          %dma_start3A_156 = tpu.memref_slice %arg4[%add3A_153] : memref<320000xi32, #tpu.memory_space<hbm>> -> memref<40xi32, #tpu.memory_space<hbm>>
          %dma_start3A_157 = tpu.memref_slice %arg4[%add3A_153] : memref<320000xi32, #tpu.memory_space<hbm>> -> memref<40xi32, #tpu.memory_space<hbm>>
          tpu.enqueue_dma source(%dma_start3A_157 : memref<40xi32, #tpu.memory_space<hbm>>) target(%arg21 : memref<40xi32, #tpu.memory_space<vmem>>) target_semaphore(%arg34 : memref<!tpu.dma_semaphore, #tpu.memory_space<semaphore_mem>>)
        } else {
        }
      } else {
      }
      %mul3A_89 = arith.constant 8 : i32
      %mul3A_90 = arith.muli %mul3A_89, %scan3A_55 : i32
      %add3A_91 = arith.constant 4 : i32
      %add3A_92 = arith.addi %mul3A_90, %add3A_91 : i32
      %lt3A_93 = arith.constant 250 : i32
      %lt3A_94 = arith.cmpi slt, %add3A_92, %lt3A_93 : i32
      %convert_element_type3A_95 = arith.extui %lt3A_94 : i1 to i32
      %cond3A_96 = arith.constant 0 : i32
      %cond3A_97 = arith.cmpi ne, %convert_element_type3A_95, %cond3A_96 : i32
      scf.if %cond3A_97 {
        %dma_wait3A_125 = arith.constant 0 : i32
        %dma_wait3A_126 = arith.constant 0 : i32
        %dma_wait3A_127 = tpu.memref_slice %arg2[%dma_wait3A_125, %dma_wait3A_126] : memref<10000x128xf32, #tpu.memory_space<hbm>> -> memref<10000x128xf32, #tpu.memory_space<hbm>>
        tpu.wait_indirect_dma semaphore(%arg36 : memref<!tpu.dma_semaphore, #tpu.memory_space<semaphore_mem>>) src(%dma_wait3A_127 : memref<10000x128xf32, #tpu.memory_space<hbm>>) dst(%arg23 : memref<40x128xf32, #tpu.memory_space<vmem>>)
        %dma_start3A_128 = arith.constant 0 : i32
        %dma_start3A_129 = arith.constant 0 : i32
        %dma_start3A_130 = tpu.memref_slice %arg27[%dma_start3A_128, %dma_start3A_129] : memref<10240x128xf32, #tpu.memory_space<vmem_shared>> -> memref<10240x128xf32, #tpu.memory_space<vmem_shared>>
        tpu.enqueue_indirect_dma source(%arg23 : memref<40x128xf32, #tpu.memory_space<vmem>>) target(%dma_start3A_130 : memref<10240x128xf32, #tpu.memory_space<vmem_shared>>) offsets(%arg19 : memref<40xi32, #tpu.memory_space<vmem>>) semaphore(%arg40 : memref<!tpu.dma_semaphore, #tpu.memory_space<semaphore_mem>>) {add = true}
        %ge3A = arith.constant 2 : i32
        %ge3A_131 = arith.cmpi sge, %add3A_92, %ge3A : i32
        %convert_element_type3A_132 = arith.extui %ge3A_131 : i1 to i32
        %cond3A_133 = arith.constant 0 : i32
        %cond3A_134 = arith.cmpi ne, %convert_element_type3A_132, %cond3A_133 : i32
        scf.if %cond3A_134 {
          %dma_wait3A_149 = arith.constant 0 : i32
          %dma_wait3A_150 = arith.constant 0 : i32
          %dma_wait3A_151 = tpu.memref_slice %arg27[%dma_wait3A_149, %dma_wait3A_150] : memref<10240x128xf32, #tpu.memory_space<vmem_shared>> -> memref<10240x128xf32, #tpu.memory_space<vmem_shared>>
          tpu.wait_indirect_dma semaphore(%arg42 : memref<!tpu.dma_semaphore, #tpu.memory_space<semaphore_mem>>) src(%arg25 : memref<40x128xf32, #tpu.memory_space<vmem>>) dst(%dma_wait3A_151 : memref<10240x128xf32, #tpu.memory_space<vmem_shared>>)
        } else {
        }
        %add3A_135 = arith.constant 2 : i32
        %add3A_136 = arith.addi %add3A_92, %add3A_135 : i32
        %lt3A_137 = arith.constant 250 : i32
        %lt3A_138 = arith.cmpi slt, %add3A_136, %lt3A_137 : i32
        %convert_element_type3A_139 = arith.extui %lt3A_138 : i1 to i32
        %cond3A_140 = arith.constant 0 : i32
        %cond3A_141 = arith.cmpi ne, %convert_element_type3A_139, %cond3A_140 : i32
        scf.if %cond3A_141 {
          %dma_wait3A_149 = tpu.memref_slice %arg3[%mul3A_2] : memref<320000xi32, #tpu.memory_space<hbm>> -> memref<40xi32, #tpu.memory_space<hbm>>
          %dma_wait3A_150 = tpu.memref_slice %arg3[%mul3A_2] : memref<320000xi32, #tpu.memory_space<hbm>> -> memref<40xi32, #tpu.memory_space<hbm>>
          tpu.wait_dma2 semaphore(%arg34 : memref<!tpu.dma_semaphore, #tpu.memory_space<semaphore_mem>>) src(%dma_wait3A_150 : memref<40xi32, #tpu.memory_space<hbm>>) dst(%arg13 : memref<40xi32, #tpu.memory_space<vmem>>)
          %dma_wait3A_151 = tpu.memref_slice %arg4[%mul3A_2] : memref<320000xi32, #tpu.memory_space<hbm>> -> memref<40xi32, #tpu.memory_space<hbm>>
          %dma_wait3A_152 = tpu.memref_slice %arg4[%mul3A_2] : memref<320000xi32, #tpu.memory_space<hbm>> -> memref<40xi32, #tpu.memory_space<hbm>>
          tpu.wait_dma2 semaphore(%arg34 : memref<!tpu.dma_semaphore, #tpu.memory_space<semaphore_mem>>) src(%dma_wait3A_152 : memref<40xi32, #tpu.memory_space<hbm>>) dst(%arg21 : memref<40xi32, #tpu.memory_space<vmem>>)
          %dma_start3A_153 = arith.constant 0 : i32
          %dma_start3A_154 = arith.constant 0 : i32
          %dma_start3A_155 = tpu.memref_slice %arg2[%dma_start3A_153, %dma_start3A_154] : memref<10000x128xf32, #tpu.memory_space<hbm>> -> memref<10000x128xf32, #tpu.memory_space<hbm>>
          tpu.enqueue_indirect_dma source(%dma_start3A_155 : memref<10000x128xf32, #tpu.memory_space<hbm>>) target(%arg25 : memref<40x128xf32, #tpu.memory_space<vmem>>) offsets(%arg13 : memref<40xi32, #tpu.memory_space<vmem>>) semaphore(%arg38 : memref<!tpu.dma_semaphore, #tpu.memory_space<semaphore_mem>>)
        } else {
        }
        %add3A_142 = arith.constant 3 : i32
        %add3A_143 = arith.addi %add3A_92, %add3A_142 : i32
        %lt3A_144 = arith.constant 250 : i32
        %lt3A_145 = arith.cmpi slt, %add3A_143, %lt3A_144 : i32
        %convert_element_type3A_146 = arith.extui %lt3A_145 : i1 to i32
        %cond3A_147 = arith.constant 0 : i32
        %cond3A_148 = arith.cmpi ne, %convert_element_type3A_146, %cond3A_147 : i32
        scf.if %cond3A_148 {
          %add3A_149 = arith.constant 3 : i32
          %add3A_150 = arith.addi %add3A_92, %add3A_149 : i32
          %mul3A_151 = arith.constant 40 : i32
          %mul3A_152 = arith.muli %add3A_150, %mul3A_151 : i32
          %add3A_153 = arith.addi %mul3A_2, %mul3A_152 : i32
          %dma_start3A_154 = tpu.memref_slice %arg3[%add3A_153] : memref<320000xi32, #tpu.memory_space<hbm>> -> memref<40xi32, #tpu.memory_space<hbm>>
          %dma_start3A_155 = tpu.memref_slice %arg3[%add3A_153] : memref<320000xi32, #tpu.memory_space<hbm>> -> memref<40xi32, #tpu.memory_space<hbm>>
          tpu.enqueue_dma source(%dma_start3A_155 : memref<40xi32, #tpu.memory_space<hbm>>) target(%arg14 : memref<40xi32, #tpu.memory_space<vmem>>) target_semaphore(%arg35 : memref<!tpu.dma_semaphore, #tpu.memory_space<semaphore_mem>>)
          %dma_start3A_156 = tpu.memref_slice %arg4[%add3A_153] : memref<320000xi32, #tpu.memory_space<hbm>> -> memref<40xi32, #tpu.memory_space<hbm>>
          %dma_start3A_157 = tpu.memref_slice %arg4[%add3A_153] : memref<320000xi32, #tpu.memory_space<hbm>> -> memref<40xi32, #tpu.memory_space<hbm>>
          tpu.enqueue_dma source(%dma_start3A_157 : memref<40xi32, #tpu.memory_space<hbm>>) target(%arg22 : memref<40xi32, #tpu.memory_space<vmem>>) target_semaphore(%arg35 : memref<!tpu.dma_semaphore, #tpu.memory_space<semaphore_mem>>)
        } else {
        }
      } else {
      }
      %mul3A_98 = arith.constant 8 : i32
      %mul3A_99 = arith.muli %mul3A_98, %scan3A_55 : i32
      %add3A_100 = arith.constant 5 : i32
      %add3A_101 = arith.addi %mul3A_99, %add3A_100 : i32
      %lt3A_102 = arith.constant 250 : i32
      %lt3A_103 = arith.cmpi slt, %add3A_101, %lt3A_102 : i32
      %convert_element_type3A_104 = arith.extui %lt3A_103 : i1 to i32
      %cond3A_105 = arith.constant 0 : i32
      %cond3A_106 = arith.cmpi ne, %convert_element_type3A_104, %cond3A_105 : i32
      scf.if %cond3A_106 {
        %dma_wait3A_125 = arith.constant 0 : i32
        %dma_wait3A_126 = arith.constant 0 : i32
        %dma_wait3A_127 = tpu.memref_slice %arg2[%dma_wait3A_125, %dma_wait3A_126] : memref<10000x128xf32, #tpu.memory_space<hbm>> -> memref<10000x128xf32, #tpu.memory_space<hbm>>
        tpu.wait_indirect_dma semaphore(%arg37 : memref<!tpu.dma_semaphore, #tpu.memory_space<semaphore_mem>>) src(%dma_wait3A_127 : memref<10000x128xf32, #tpu.memory_space<hbm>>) dst(%arg24 : memref<40x128xf32, #tpu.memory_space<vmem>>)
        %dma_start3A_128 = arith.constant 0 : i32
        %dma_start3A_129 = arith.constant 0 : i32
        %dma_start3A_130 = tpu.memref_slice %arg27[%dma_start3A_128, %dma_start3A_129] : memref<10240x128xf32, #tpu.memory_space<vmem_shared>> -> memref<10240x128xf32, #tpu.memory_space<vmem_shared>>
        tpu.enqueue_indirect_dma source(%arg24 : memref<40x128xf32, #tpu.memory_space<vmem>>) target(%dma_start3A_130 : memref<10240x128xf32, #tpu.memory_space<vmem_shared>>) offsets(%arg20 : memref<40xi32, #tpu.memory_space<vmem>>) semaphore(%arg41 : memref<!tpu.dma_semaphore, #tpu.memory_space<semaphore_mem>>) {add = true}
        %ge3A = arith.constant 2 : i32
        %ge3A_131 = arith.cmpi sge, %add3A_101, %ge3A : i32
        %convert_element_type3A_132 = arith.extui %ge3A_131 : i1 to i32
        %cond3A_133 = arith.constant 0 : i32
        %cond3A_134 = arith.cmpi ne, %convert_element_type3A_132, %cond3A_133 : i32
        scf.if %cond3A_134 {
          %dma_wait3A_149 = arith.constant 0 : i32
          %dma_wait3A_150 = arith.constant 0 : i32
          %dma_wait3A_151 = tpu.memref_slice %arg27[%dma_wait3A_149, %dma_wait3A_150] : memref<10240x128xf32, #tpu.memory_space<vmem_shared>> -> memref<10240x128xf32, #tpu.memory_space<vmem_shared>>
          tpu.wait_indirect_dma semaphore(%arg43 : memref<!tpu.dma_semaphore, #tpu.memory_space<semaphore_mem>>) src(%arg26 : memref<40x128xf32, #tpu.memory_space<vmem>>) dst(%dma_wait3A_151 : memref<10240x128xf32, #tpu.memory_space<vmem_shared>>)
        } else {
        }
        %add3A_135 = arith.constant 2 : i32
        %add3A_136 = arith.addi %add3A_101, %add3A_135 : i32
        %lt3A_137 = arith.constant 250 : i32
        %lt3A_138 = arith.cmpi slt, %add3A_136, %lt3A_137 : i32
        %convert_element_type3A_139 = arith.extui %lt3A_138 : i1 to i32
        %cond3A_140 = arith.constant 0 : i32
        %cond3A_141 = arith.cmpi ne, %convert_element_type3A_139, %cond3A_140 : i32
        scf.if %cond3A_141 {
          %dma_wait3A_149 = tpu.memref_slice %arg3[%mul3A_2] : memref<320000xi32, #tpu.memory_space<hbm>> -> memref<40xi32, #tpu.memory_space<hbm>>
          %dma_wait3A_150 = tpu.memref_slice %arg3[%mul3A_2] : memref<320000xi32, #tpu.memory_space<hbm>> -> memref<40xi32, #tpu.memory_space<hbm>>
          tpu.wait_dma2 semaphore(%arg35 : memref<!tpu.dma_semaphore, #tpu.memory_space<semaphore_mem>>) src(%dma_wait3A_150 : memref<40xi32, #tpu.memory_space<hbm>>) dst(%arg14 : memref<40xi32, #tpu.memory_space<vmem>>)
          %dma_wait3A_151 = tpu.memref_slice %arg4[%mul3A_2] : memref<320000xi32, #tpu.memory_space<hbm>> -> memref<40xi32, #tpu.memory_space<hbm>>
          %dma_wait3A_152 = tpu.memref_slice %arg4[%mul3A_2] : memref<320000xi32, #tpu.memory_space<hbm>> -> memref<40xi32, #tpu.memory_space<hbm>>
          tpu.wait_dma2 semaphore(%arg35 : memref<!tpu.dma_semaphore, #tpu.memory_space<semaphore_mem>>) src(%dma_wait3A_152 : memref<40xi32, #tpu.memory_space<hbm>>) dst(%arg22 : memref<40xi32, #tpu.memory_space<vmem>>)
          %dma_start3A_153 = arith.constant 0 : i32
          %dma_start3A_154 = arith.constant 0 : i32
          %dma_start3A_155 = tpu.memref_slice %arg2[%dma_start3A_153, %dma_start3A_154] : memref<10000x128xf32, #tpu.memory_space<hbm>> -> memref<10000x128xf32, #tpu.memory_space<hbm>>
          tpu.enqueue_indirect_dma source(%dma_start3A_155 : memref<10000x128xf32, #tpu.memory_space<hbm>>) target(%arg26 : memref<40x128xf32, #tpu.memory_space<vmem>>) offsets(%arg14 : memref<40xi32, #tpu.memory_space<vmem>>) semaphore(%arg39 : memref<!tpu.dma_semaphore, #tpu.memory_space<semaphore_mem>>)
        } else {
        }
        %add3A_142 = arith.constant 3 : i32
        %add3A_143 = arith.addi %add3A_101, %add3A_142 : i32
        %lt3A_144 = arith.constant 250 : i32
        %lt3A_145 = arith.cmpi slt, %add3A_143, %lt3A_144 : i32
        %convert_element_type3A_146 = arith.extui %lt3A_145 : i1 to i32
        %cond3A_147 = arith.constant 0 : i32
        %cond3A_148 = arith.cmpi ne, %convert_element_type3A_146, %cond3A_147 : i32
        scf.if %cond3A_148 {
          %add3A_149 = arith.constant 3 : i32
          %add3A_150 = arith.addi %add3A_101, %add3A_149 : i32
          %mul3A_151 = arith.constant 40 : i32
          %mul3A_152 = arith.muli %add3A_150, %mul3A_151 : i32
          %add3A_153 = arith.addi %mul3A_2, %mul3A_152 : i32
          %dma_start3A_154 = tpu.memref_slice %arg3[%add3A_153] : memref<320000xi32, #tpu.memory_space<hbm>> -> memref<40xi32, #tpu.memory_space<hbm>>
          %dma_start3A_155 = tpu.memref_slice %arg3[%add3A_153] : memref<320000xi32, #tpu.memory_space<hbm>> -> memref<40xi32, #tpu.memory_space<hbm>>
          tpu.enqueue_dma source(%dma_start3A_155 : memref<40xi32, #tpu.memory_space<hbm>>) target(%arg7 : memref<40xi32, #tpu.memory_space<vmem>>) target_semaphore(%arg28 : memref<!tpu.dma_semaphore, #tpu.memory_space<semaphore_mem>>)
          %dma_start3A_156 = tpu.memref_slice %arg4[%add3A_153] : memref<320000xi32, #tpu.memory_space<hbm>> -> memref<40xi32, #tpu.memory_space<hbm>>
          %dma_start3A_157 = tpu.memref_slice %arg4[%add3A_153] : memref<320000xi32, #tpu.memory_space<hbm>> -> memref<40xi32, #tpu.memory_space<hbm>>
          tpu.enqueue_dma source(%dma_start3A_157 : memref<40xi32, #tpu.memory_space<hbm>>) target(%arg15 : memref<40xi32, #tpu.memory_space<vmem>>) target_semaphore(%arg28 : memref<!tpu.dma_semaphore, #tpu.memory_space<semaphore_mem>>)
        } else {
        }
      } else {
      }
      %mul3A_107 = arith.constant 8 : i32
      %mul3A_108 = arith.muli %mul3A_107, %scan3A_55 : i32
      %add3A_109 = arith.constant 6 : i32
      %add3A_110 = arith.addi %mul3A_108, %add3A_109 : i32
      %lt3A_111 = arith.constant 250 : i32
      %lt3A_112 = arith.cmpi slt, %add3A_110, %lt3A_111 : i32
      %convert_element_type3A_113 = arith.extui %lt3A_112 : i1 to i32
      %cond3A_114 = arith.constant 0 : i32
      %cond3A_115 = arith.cmpi ne, %convert_element_type3A_113, %cond3A_114 : i32
      scf.if %cond3A_115 {
        %dma_wait3A_125 = arith.constant 0 : i32
        %dma_wait3A_126 = arith.constant 0 : i32
        %dma_wait3A_127 = tpu.memref_slice %arg2[%dma_wait3A_125, %dma_wait3A_126] : memref<10000x128xf32, #tpu.memory_space<hbm>> -> memref<10000x128xf32, #tpu.memory_space<hbm>>
        tpu.wait_indirect_dma semaphore(%arg38 : memref<!tpu.dma_semaphore, #tpu.memory_space<semaphore_mem>>) src(%dma_wait3A_127 : memref<10000x128xf32, #tpu.memory_space<hbm>>) dst(%arg25 : memref<40x128xf32, #tpu.memory_space<vmem>>)
        %dma_start3A_128 = arith.constant 0 : i32
        %dma_start3A_129 = arith.constant 0 : i32
        %dma_start3A_130 = tpu.memref_slice %arg27[%dma_start3A_128, %dma_start3A_129] : memref<10240x128xf32, #tpu.memory_space<vmem_shared>> -> memref<10240x128xf32, #tpu.memory_space<vmem_shared>>
        tpu.enqueue_indirect_dma source(%arg25 : memref<40x128xf32, #tpu.memory_space<vmem>>) target(%dma_start3A_130 : memref<10240x128xf32, #tpu.memory_space<vmem_shared>>) offsets(%arg21 : memref<40xi32, #tpu.memory_space<vmem>>) semaphore(%arg42 : memref<!tpu.dma_semaphore, #tpu.memory_space<semaphore_mem>>) {add = true}
        %ge3A = arith.constant 2 : i32
        %ge3A_131 = arith.cmpi sge, %add3A_110, %ge3A : i32
        %convert_element_type3A_132 = arith.extui %ge3A_131 : i1 to i32
        %cond3A_133 = arith.constant 0 : i32
        %cond3A_134 = arith.cmpi ne, %convert_element_type3A_132, %cond3A_133 : i32
        scf.if %cond3A_134 {
          %dma_wait3A_149 = arith.constant 0 : i32
          %dma_wait3A_150 = arith.constant 0 : i32
          %dma_wait3A_151 = tpu.memref_slice %arg27[%dma_wait3A_149, %dma_wait3A_150] : memref<10240x128xf32, #tpu.memory_space<vmem_shared>> -> memref<10240x128xf32, #tpu.memory_space<vmem_shared>>
          tpu.wait_indirect_dma semaphore(%arg40 : memref<!tpu.dma_semaphore, #tpu.memory_space<semaphore_mem>>) src(%arg23 : memref<40x128xf32, #tpu.memory_space<vmem>>) dst(%dma_wait3A_151 : memref<10240x128xf32, #tpu.memory_space<vmem_shared>>)
        } else {
        }
        %add3A_135 = arith.constant 2 : i32
        %add3A_136 = arith.addi %add3A_110, %add3A_135 : i32
        %lt3A_137 = arith.constant 250 : i32
        %lt3A_138 = arith.cmpi slt, %add3A_136, %lt3A_137 : i32
        %convert_element_type3A_139 = arith.extui %lt3A_138 : i1 to i32
        %cond3A_140 = arith.constant 0 : i32
        %cond3A_141 = arith.cmpi ne, %convert_element_type3A_139, %cond3A_140 : i32
        scf.if %cond3A_141 {
          %dma_wait3A_149 = tpu.memref_slice %arg3[%mul3A_2] : memref<320000xi32, #tpu.memory_space<hbm>> -> memref<40xi32, #tpu.memory_space<hbm>>
          %dma_wait3A_150 = tpu.memref_slice %arg3[%mul3A_2] : memref<320000xi32, #tpu.memory_space<hbm>> -> memref<40xi32, #tpu.memory_space<hbm>>
          tpu.wait_dma2 semaphore(%arg28 : memref<!tpu.dma_semaphore, #tpu.memory_space<semaphore_mem>>) src(%dma_wait3A_150 : memref<40xi32, #tpu.memory_space<hbm>>) dst(%arg7 : memref<40xi32, #tpu.memory_space<vmem>>)
          %dma_wait3A_151 = tpu.memref_slice %arg4[%mul3A_2] : memref<320000xi32, #tpu.memory_space<hbm>> -> memref<40xi32, #tpu.memory_space<hbm>>
          %dma_wait3A_152 = tpu.memref_slice %arg4[%mul3A_2] : memref<320000xi32, #tpu.memory_space<hbm>> -> memref<40xi32, #tpu.memory_space<hbm>>
          tpu.wait_dma2 semaphore(%arg28 : memref<!tpu.dma_semaphore, #tpu.memory_space<semaphore_mem>>) src(%dma_wait3A_152 : memref<40xi32, #tpu.memory_space<hbm>>) dst(%arg15 : memref<40xi32, #tpu.memory_space<vmem>>)
          %dma_start3A_153 = arith.constant 0 : i32
          %dma_start3A_154 = arith.constant 0 : i32
          %dma_start3A_155 = tpu.memref_slice %arg2[%dma_start3A_153, %dma_start3A_154] : memref<10000x128xf32, #tpu.memory_space<hbm>> -> memref<10000x128xf32, #tpu.memory_space<hbm>>
          tpu.enqueue_indirect_dma source(%dma_start3A_155 : memref<10000x128xf32, #tpu.memory_space<hbm>>) target(%arg23 : memref<40x128xf32, #tpu.memory_space<vmem>>) offsets(%arg7 : memref<40xi32, #tpu.memory_space<vmem>>) semaphore(%arg36 : memref<!tpu.dma_semaphore, #tpu.memory_space<semaphore_mem>>)
        } else {
        }
        %add3A_142 = arith.constant 3 : i32
        %add3A_143 = arith.addi %add3A_110, %add3A_142 : i32
        %lt3A_144 = arith.constant 250 : i32
        %lt3A_145 = arith.cmpi slt, %add3A_143, %lt3A_144 : i32
        %convert_element_type3A_146 = arith.extui %lt3A_145 : i1 to i32
        %cond3A_147 = arith.constant 0 : i32
        %cond3A_148 = arith.cmpi ne, %convert_element_type3A_146, %cond3A_147 : i32
        scf.if %cond3A_148 {
          %add3A_149 = arith.constant 3 : i32
          %add3A_150 = arith.addi %add3A_110, %add3A_149 : i32
          %mul3A_151 = arith.constant 40 : i32
          %mul3A_152 = arith.muli %add3A_150, %mul3A_151 : i32
          %add3A_153 = arith.addi %mul3A_2, %mul3A_152 : i32
          %dma_start3A_154 = tpu.memref_slice %arg3[%add3A_153] : memref<320000xi32, #tpu.memory_space<hbm>> -> memref<40xi32, #tpu.memory_space<hbm>>
          %dma_start3A_155 = tpu.memref_slice %arg3[%add3A_153] : memref<320000xi32, #tpu.memory_space<hbm>> -> memref<40xi32, #tpu.memory_space<hbm>>
          tpu.enqueue_dma source(%dma_start3A_155 : memref<40xi32, #tpu.memory_space<hbm>>) target(%arg8 : memref<40xi32, #tpu.memory_space<vmem>>) target_semaphore(%arg29 : memref<!tpu.dma_semaphore, #tpu.memory_space<semaphore_mem>>)
          %dma_start3A_156 = tpu.memref_slice %arg4[%add3A_153] : memref<320000xi32, #tpu.memory_space<hbm>> -> memref<40xi32, #tpu.memory_space<hbm>>
          %dma_start3A_157 = tpu.memref_slice %arg4[%add3A_153] : memref<320000xi32, #tpu.memory_space<hbm>> -> memref<40xi32, #tpu.memory_space<hbm>>
          tpu.enqueue_dma source(%dma_start3A_157 : memref<40xi32, #tpu.memory_space<hbm>>) target(%arg16 : memref<40xi32, #tpu.memory_space<vmem>>) target_semaphore(%arg29 : memref<!tpu.dma_semaphore, #tpu.memory_space<semaphore_mem>>)
        } else {
        }
      } else {
      }
      %mul3A_116 = arith.constant 8 : i32
      %mul3A_117 = arith.muli %mul3A_116, %scan3A_55 : i32
      %add3A_118 = arith.constant 7 : i32
      %add3A_119 = arith.addi %mul3A_117, %add3A_118 : i32
      %lt3A_120 = arith.constant 250 : i32
      %lt3A_121 = arith.cmpi slt, %add3A_119, %lt3A_120 : i32
      %convert_element_type3A_122 = arith.extui %lt3A_121 : i1 to i32
      %cond3A_123 = arith.constant 0 : i32
      %cond3A_124 = arith.cmpi ne, %convert_element_type3A_122, %cond3A_123 : i32
      scf.if %cond3A_124 {
        %dma_wait3A_125 = arith.constant 0 : i32
        %dma_wait3A_126 = arith.constant 0 : i32
        %dma_wait3A_127 = tpu.memref_slice %arg2[%dma_wait3A_125, %dma_wait3A_126] : memref<10000x128xf32, #tpu.memory_space<hbm>> -> memref<10000x128xf32, #tpu.memory_space<hbm>>
        tpu.wait_indirect_dma semaphore(%arg39 : memref<!tpu.dma_semaphore, #tpu.memory_space<semaphore_mem>>) src(%dma_wait3A_127 : memref<10000x128xf32, #tpu.memory_space<hbm>>) dst(%arg26 : memref<40x128xf32, #tpu.memory_space<vmem>>)
        %dma_start3A_128 = arith.constant 0 : i32
        %dma_start3A_129 = arith.constant 0 : i32
        %dma_start3A_130 = tpu.memref_slice %arg27[%dma_start3A_128, %dma_start3A_129] : memref<10240x128xf32, #tpu.memory_space<vmem_shared>> -> memref<10240x128xf32, #tpu.memory_space<vmem_shared>>
        tpu.enqueue_indirect_dma source(%arg26 : memref<40x128xf32, #tpu.memory_space<vmem>>) target(%dma_start3A_130 : memref<10240x128xf32, #tpu.memory_space<vmem_shared>>) offsets(%arg22 : memref<40xi32, #tpu.memory_space<vmem>>) semaphore(%arg43 : memref<!tpu.dma_semaphore, #tpu.memory_space<semaphore_mem>>) {add = true}
        %ge3A = arith.constant 2 : i32
        %ge3A_131 = arith.cmpi sge, %add3A_119, %ge3A : i32
        %convert_element_type3A_132 = arith.extui %ge3A_131 : i1 to i32
        %cond3A_133 = arith.constant 0 : i32
        %cond3A_134 = arith.cmpi ne, %convert_element_type3A_132, %cond3A_133 : i32
        scf.if %cond3A_134 {
          %dma_wait3A_149 = arith.constant 0 : i32
          %dma_wait3A_150 = arith.constant 0 : i32
          %dma_wait3A_151 = tpu.memref_slice %arg27[%dma_wait3A_149, %dma_wait3A_150] : memref<10240x128xf32, #tpu.memory_space<vmem_shared>> -> memref<10240x128xf32, #tpu.memory_space<vmem_shared>>
          tpu.wait_indirect_dma semaphore(%arg41 : memref<!tpu.dma_semaphore, #tpu.memory_space<semaphore_mem>>) src(%arg24 : memref<40x128xf32, #tpu.memory_space<vmem>>) dst(%dma_wait3A_151 : memref<10240x128xf32, #tpu.memory_space<vmem_shared>>)
        } else {
        }
        %add3A_135 = arith.constant 2 : i32
        %add3A_136 = arith.addi %add3A_119, %add3A_135 : i32
        %lt3A_137 = arith.constant 250 : i32
        %lt3A_138 = arith.cmpi slt, %add3A_136, %lt3A_137 : i32
        %convert_element_type3A_139 = arith.extui %lt3A_138 : i1 to i32
        %cond3A_140 = arith.constant 0 : i32
        %cond3A_141 = arith.cmpi ne, %convert_element_type3A_139, %cond3A_140 : i32
        scf.if %cond3A_141 {
          %dma_wait3A_149 = tpu.memref_slice %arg3[%mul3A_2] : memref<320000xi32, #tpu.memory_space<hbm>> -> memref<40xi32, #tpu.memory_space<hbm>>
          %dma_wait3A_150 = tpu.memref_slice %arg3[%mul3A_2] : memref<320000xi32, #tpu.memory_space<hbm>> -> memref<40xi32, #tpu.memory_space<hbm>>
          tpu.wait_dma2 semaphore(%arg29 : memref<!tpu.dma_semaphore, #tpu.memory_space<semaphore_mem>>) src(%dma_wait3A_150 : memref<40xi32, #tpu.memory_space<hbm>>) dst(%arg8 : memref<40xi32, #tpu.memory_space<vmem>>)
          %dma_wait3A_151 = tpu.memref_slice %arg4[%mul3A_2] : memref<320000xi32, #tpu.memory_space<hbm>> -> memref<40xi32, #tpu.memory_space<hbm>>
          %dma_wait3A_152 = tpu.memref_slice %arg4[%mul3A_2] : memref<320000xi32, #tpu.memory_space<hbm>> -> memref<40xi32, #tpu.memory_space<hbm>>
          tpu.wait_dma2 semaphore(%arg29 : memref<!tpu.dma_semaphore, #tpu.memory_space<semaphore_mem>>) src(%dma_wait3A_152 : memref<40xi32, #tpu.memory_space<hbm>>) dst(%arg16 : memref<40xi32, #tpu.memory_space<vmem>>)
          %dma_start3A_153 = arith.constant 0 : i32
          %dma_start3A_154 = arith.constant 0 : i32
          %dma_start3A_155 = tpu.memref_slice %arg2[%dma_start3A_153, %dma_start3A_154] : memref<10000x128xf32, #tpu.memory_space<hbm>> -> memref<10000x128xf32, #tpu.memory_space<hbm>>
          tpu.enqueue_indirect_dma source(%dma_start3A_155 : memref<10000x128xf32, #tpu.memory_space<hbm>>) target(%arg24 : memref<40x128xf32, #tpu.memory_space<vmem>>) offsets(%arg8 : memref<40xi32, #tpu.memory_space<vmem>>) semaphore(%arg37 : memref<!tpu.dma_semaphore, #tpu.memory_space<semaphore_mem>>)
        } else {
        }
        %add3A_142 = arith.constant 3 : i32
        %add3A_143 = arith.addi %add3A_119, %add3A_142 : i32
        %lt3A_144 = arith.constant 250 : i32
        %lt3A_145 = arith.cmpi slt, %add3A_143, %lt3A_144 : i32
        %convert_element_type3A_146 = arith.extui %lt3A_145 : i1 to i32
        %cond3A_147 = arith.constant 0 : i32
        %cond3A_148 = arith.cmpi ne, %convert_element_type3A_146, %cond3A_147 : i32
        scf.if %cond3A_148 {
          %add3A_149 = arith.constant 3 : i32
          %add3A_150 = arith.addi %add3A_119, %add3A_149 : i32
          %mul3A_151 = arith.constant 40 : i32
          %mul3A_152 = arith.muli %add3A_150, %mul3A_151 : i32
          %add3A_153 = arith.addi %mul3A_2, %mul3A_152 : i32
          %dma_start3A_154 = tpu.memref_slice %arg3[%add3A_153] : memref<320000xi32, #tpu.memory_space<hbm>> -> memref<40xi32, #tpu.memory_space<hbm>>
          %dma_start3A_155 = tpu.memref_slice %arg3[%add3A_153] : memref<320000xi32, #tpu.memory_space<hbm>> -> memref<40xi32, #tpu.memory_space<hbm>>
          tpu.enqueue_dma source(%dma_start3A_155 : memref<40xi32, #tpu.memory_space<hbm>>) target(%arg9 : memref<40xi32, #tpu.memory_space<vmem>>) target_semaphore(%arg30 : memref<!tpu.dma_semaphore, #tpu.memory_space<semaphore_mem>>)
          %dma_start3A_156 = tpu.memref_slice %arg4[%add3A_153] : memref<320000xi32, #tpu.memory_space<hbm>> -> memref<40xi32, #tpu.memory_space<hbm>>
          %dma_start3A_157 = tpu.memref_slice %arg4[%add3A_153] : memref<320000xi32, #tpu.memory_space<hbm>> -> memref<40xi32, #tpu.memory_space<hbm>>
          tpu.enqueue_dma source(%dma_start3A_157 : memref<40xi32, #tpu.memory_space<hbm>>) target(%arg17 : memref<40xi32, #tpu.memory_space<vmem>>) target_semaphore(%arg30 : memref<!tpu.dma_semaphore, #tpu.memory_space<semaphore_mem>>)
        } else {
        }
      } else {
      }
    }
    %scan3A_43 = arith.constant 32 : i32
    %dma_wait3A_44 = arith.constant 0 : i32
    %dma_wait3A_45 = arith.constant 0 : i32
    %dma_wait3A_46 = tpu.memref_slice %arg27[%dma_wait3A_44, %dma_wait3A_45] : memref<10240x128xf32, #tpu.memory_space<vmem_shared>> -> memref<10240x128xf32, #tpu.memory_space<vmem_shared>>
    tpu.wait_indirect_dma semaphore(%arg40 : memref<!tpu.dma_semaphore, #tpu.memory_space<semaphore_mem>>) src(%arg23 : memref<40x128xf32, #tpu.memory_space<vmem>>) dst(%dma_wait3A_46 : memref<10240x128xf32, #tpu.memory_space<vmem_shared>>)
    %dma_wait3A_47 = arith.constant 0 : i32
    %dma_wait3A_48 = arith.constant 0 : i32
    %dma_wait3A_49 = tpu.memref_slice %arg27[%dma_wait3A_47, %dma_wait3A_48] : memref<10240x128xf32, #tpu.memory_space<vmem_shared>> -> memref<10240x128xf32, #tpu.memory_space<vmem_shared>>
    tpu.wait_indirect_dma semaphore(%arg41 : memref<!tpu.dma_semaphore, #tpu.memory_space<semaphore_mem>>) src(%arg24 : memref<40x128xf32, #tpu.memory_space<vmem>>) dst(%dma_wait3A_49 : memref<10240x128xf32, #tpu.memory_space<vmem_shared>>)
    %barrier3A_50 = arith.constant 0 : index
    tpu.barrier barrier_id(%barrier3A_50)
    %mul3A_51 = arith.constant 640 : i32
    %mul3A_52 = arith.muli %arg1, %mul3A_51 : i32
    %mul3A_53 = arith.constant 640 : i32
    %mul3A_54 = arith.muli %arg1, %mul3A_53 : i32
    "tpu.region"() ({
      %run_scoped3A = tpu.sem_alloc : memref<!tpu.dma_semaphore, #tpu.memory_space<semaphore_mem>>
      %dma_start3A_55 = arith.constant 0 : i32
      %dma_start3A_56 = tpu.memref_slice %arg6[%arg0, %mul3A_54, %dma_start3A_55] : memref<2x10240x128xf32, #tpu.memory_space<hbm>> -> memref<1x640x128xf32, #tpu.memory_space<hbm>>
      %dma_start3A_57 = tpu.memref_squeeze %dma_start3A_56 : memref<1x640x128xf32, #tpu.memory_space<hbm>> -> memref<640x128xf32, #tpu.memory_space<hbm>>
      %dma_start3A_58 = arith.constant 0 : i32
      %dma_start3A_59 = tpu.memref_slice %arg27[%mul3A_52, %dma_start3A_58] : memref<10240x128xf32, #tpu.memory_space<vmem_shared>> -> memref<640x128xf32, #tpu.memory_space<vmem_shared>>
      tpu.enqueue_dma source(%dma_start3A_59 : memref<640x128xf32, #tpu.memory_space<vmem_shared>>) target(%dma_start3A_57 : memref<640x128xf32, #tpu.memory_space<hbm>>) target_semaphore(%run_scoped3A : memref<!tpu.dma_semaphore, #tpu.memory_space<semaphore_mem>>)
      %dma_wait3A_60 = arith.constant 0 : i32
      %dma_wait3A_61 = tpu.memref_slice %arg6[%arg0, %mul3A_54, %dma_wait3A_60] : memref<2x10240x128xf32, #tpu.memory_space<hbm>> -> memref<1x640x128xf32, #tpu.memory_space<hbm>>
      %dma_wait3A_62 = tpu.memref_squeeze %dma_wait3A_61 : memref<1x640x128xf32, #tpu.memory_space<hbm>> -> memref<640x128xf32, #tpu.memory_space<hbm>>
      %dma_wait3A_63 = arith.constant 0 : i32
      %dma_wait3A_64 = tpu.memref_slice %arg27[%mul3A_52, %dma_wait3A_63] : memref<10240x128xf32, #tpu.memory_space<vmem_shared>> -> memref<640x128xf32, #tpu.memory_space<vmem_shared>>
      tpu.wait_dma2 semaphore(%run_scoped3A : memref<!tpu.dma_semaphore, #tpu.memory_space<semaphore_mem>>) src(%dma_wait3A_64 : memref<640x128xf32, #tpu.memory_space<vmem_shared>>) dst(%dma_wait3A_62 : memref<640x128xf32, #tpu.memory_space<hbm>>)
      tpu.yield
    }) : () -> ()
    return
  }
}

module attributes {stable_mosaic.version = 14 : i64} {
  func.func @_dense_body(%arg0: memref<1x1xf32, #tpu.memory_space<vmem>>, %arg1: memref<2x10240x128xf32, #tpu.memory_space<vmem>>, %arg2: memref<10000x128xf32, #tpu.memory_space<vmem>>, %arg3: memref<128x128xf32, #tpu.memory_space<vmem>>, %arg4: memref<1x128xf32, #tpu.memory_space<vmem>>, %arg5: memref<1x128xf32, #tpu.memory_space<vmem>>, %arg6: memref<1x128xf32, #tpu.memory_space<vmem>>, %arg7: memref<128x128xf32, #tpu.memory_space<vmem>>, %arg8: memref<1x128xf32, #tpu.memory_space<vmem>>, %arg9: memref<1x128xf32, #tpu.memory_space<vmem>>, %arg10: memref<1x128xf32, #tpu.memory_space<vmem>>, %arg11: memref<10000x128xf32, #tpu.memory_space<vmem>>, %arg12: memref<1x128xf32, #tpu.memory_space<vmem>>) attributes {dimension_semantics = [], scalar_prefetch = 0 : i64, scratch_operands = 0 : i64, tpu.core_type = #tpu.core_type<tc>} {
    %get3A = arith.constant 0 : index
    %get3A_0 = arith.constant 0 : index
    %get3A_1 = vector.load %arg2[%get3A, %get3A_0] : memref<10000x128xf32, #tpu.memory_space<vmem>>, vector<10000x128xf32>
    %get3A_2 = arith.constant 0 : index
    %get3A_3 = arith.constant 0 : index
    %get3A_4 = arith.constant 0 : index
    %get3A_5 = vector.load %arg1[%get3A_2, %get3A_3, %get3A_4] : memref<2x10240x128xf32, #tpu.memory_space<vmem>>, vector<2x10000x128xf32>
    %slice3A = vector.extract_strided_slice %get3A_5 {offsets = [0, 0, 0], sizes = [1, 10000, 128], strides = [1, 1, 1]} : vector<2x10000x128xf32> to vector<1x10000x128xf32>
    %squeeze3A = vector.shape_cast %slice3A : vector<1x10000x128xf32> to vector<10000x128xf32>
    %slice3A_6 = vector.extract_strided_slice %get3A_5 {offsets = [1, 0, 0], sizes = [1, 10000, 128], strides = [1, 1, 1]} : vector<2x10000x128xf32> to vector<1x10000x128xf32>
    %squeeze3A_7 = vector.shape_cast %slice3A_6 : vector<1x10000x128xf32> to vector<10000x128xf32>
    %add3A = arith.addf %squeeze3A, %squeeze3A_7 : vector<10000x128xf32>
    %get3A_8 = arith.constant 0 : index
    %get3A_9 = arith.constant 0 : index
    %get3A_10 = vector.load %arg0[%get3A_8, %get3A_9] : memref<1x1xf32, #tpu.memory_space<vmem>>, vector<1x1xf32>
    %get3A_11 = vector.extract %get3A_10[0, 0] : f32 from vector<1x1xf32>
    %add3A_12 = arith.constant 1.000000e+00 : f32
    %add3A_13 = arith.addf %add3A_12, %get3A_11 : f32
    %mul3A = vector.broadcast %add3A_13 : f32 to vector<10000x128xf32>
    %mul3A_14 = arith.mulf %mul3A, %get3A_1 : vector<10000x128xf32>
    %add3A_15 = arith.addf %add3A, %mul3A_14 : vector<10000x128xf32>
    %get3A_16 = arith.constant 0 : index
    %get3A_17 = arith.constant 0 : index
    %get3A_18 = vector.load %arg3[%get3A_16, %get3A_17] : memref<128x128xf32, #tpu.memory_space<vmem>>, vector<128x128xf32>
    %dot_general3A = arith.constant dense<0.000000e+00> : vector<10000x128xf32>
    %dot_general3A_19 = tpu.matmul %add3A_15, %get3A_18, %dot_general3A {dimension_numbers = #tpu.dot_dimension_numbers<[1], [0], [0], [1], [0, 0, 1, 1], [], []>, transpose_lhs_hint = false} : vector<10000x128xf32>, vector<128x128xf32>, vector<10000x128xf32> -> vector<10000x128xf32>
    %get3A_20 = arith.constant 0 : index
    %get3A_21 = arith.constant 0 : index
    %get3A_22 = vector.load %arg4[%get3A_20, %get3A_21] : memref<1x128xf32, #tpu.memory_space<vmem>>, vector<1x128xf32>
    %add3A_23 = vector.broadcast %get3A_22 : vector<1x128xf32> to vector<10000x128xf32>
    %add3A_24 = arith.addf %dot_general3A_19, %add3A_23 : vector<10000x128xf32>
    %reduce_sum3A = arith.constant dense<0.000000e+00> : vector<128xf32>
    %reduce_sum3A_25 = vector.multi_reduction <add>, %add3A_24, %reduce_sum3A [0] : vector<10000x128xf32> to vector<128xf32>
    %broadcast_in_dim3A = vector.shape_cast %reduce_sum3A_25 : vector<128xf32> to vector<1x128xf32>
    %div3A = arith.constant 1.000000e+04 : f32
    %div3A_26 = vector.broadcast %div3A : f32 to vector<1x128xf32>
    %div3A_27 = arith.divf %broadcast_in_dim3A, %div3A_26 : vector<1x128xf32>
    %sub3A = vector.broadcast %div3A_27 : vector<1x128xf32> to vector<10000x128xf32>
    %sub3A_28 = arith.subf %add3A_24, %sub3A : vector<10000x128xf32>
    %integer_pow3A = arith.mulf %sub3A_28, %sub3A_28 : vector<10000x128xf32>
    %reduce_sum3A_29 = arith.constant dense<0.000000e+00> : vector<128xf32>
    %reduce_sum3A_30 = vector.multi_reduction <add>, %integer_pow3A, %reduce_sum3A_29 [0] : vector<10000x128xf32> to vector<128xf32>
    %broadcast_in_dim3A_31 = vector.shape_cast %reduce_sum3A_30 : vector<128xf32> to vector<1x128xf32>
    %div3A_32 = arith.constant 1.000000e+04 : f32
    %div3A_33 = vector.broadcast %div3A_32 : f32 to vector<1x128xf32>
    %div3A_34 = arith.divf %broadcast_in_dim3A_31, %div3A_33 : vector<1x128xf32>
    %get3A_35 = arith.constant 0 : index
    %get3A_36 = arith.constant 0 : index
    %get3A_37 = vector.load %arg5[%get3A_35, %get3A_36] : memref<1x128xf32, #tpu.memory_space<vmem>>, vector<1x128xf32>
    %sub3A_38 = vector.broadcast %div3A_27 : vector<1x128xf32> to vector<10000x128xf32>
    %sub3A_39 = arith.subf %add3A_24, %sub3A_38 : vector<10000x128xf32>
    %mul3A_40 = vector.broadcast %get3A_37 : vector<1x128xf32> to vector<10000x128xf32>
    %mul3A_41 = arith.mulf %mul3A_40, %sub3A_39 : vector<10000x128xf32>
    %add3A_42 = arith.constant 9.99999974E-6 : f32
    %add3A_43 = vector.broadcast %add3A_42 : f32 to vector<1x128xf32>
    %add3A_44 = arith.addf %div3A_34, %add3A_43 : vector<1x128xf32>
    %rsqrt3A = math.rsqrt %add3A_44 : vector<1x128xf32>
    %mul3A_45 = vector.broadcast %rsqrt3A : vector<1x128xf32> to vector<10000x128xf32>
    %mul3A_46 = arith.mulf %mul3A_41, %mul3A_45 : vector<10000x128xf32>
    %get3A_47 = arith.constant 0 : index
    %get3A_48 = arith.constant 0 : index
    %get3A_49 = vector.load %arg6[%get3A_47, %get3A_48] : memref<1x128xf32, #tpu.memory_space<vmem>>, vector<1x128xf32>
    %add3A_50 = vector.broadcast %get3A_49 : vector<1x128xf32> to vector<10000x128xf32>
    %add3A_51 = arith.addf %mul3A_46, %add3A_50 : vector<10000x128xf32>
    %max3A = arith.constant 0.000000e+00 : f32
    %max3A_52 = vector.broadcast %max3A : f32 to vector<10000x128xf32>
    %max3A_53 = arith.maximumf %add3A_51, %max3A_52 : vector<10000x128xf32>
    %get3A_54 = arith.constant 0 : index
    %get3A_55 = arith.constant 0 : index
    %get3A_56 = vector.load %arg7[%get3A_54, %get3A_55] : memref<128x128xf32, #tpu.memory_space<vmem>>, vector<128x128xf32>
    %dot_general3A_57 = arith.constant dense<0.000000e+00> : vector<10000x128xf32>
    %dot_general3A_58 = tpu.matmul %max3A_53, %get3A_56, %dot_general3A_57 {dimension_numbers = #tpu.dot_dimension_numbers<[1], [0], [0], [1], [0, 0, 1, 1], [], []>, transpose_lhs_hint = false} : vector<10000x128xf32>, vector<128x128xf32>, vector<10000x128xf32> -> vector<10000x128xf32>
    %get3A_59 = arith.constant 0 : index
    %get3A_60 = arith.constant 0 : index
    %get3A_61 = vector.load %arg8[%get3A_59, %get3A_60] : memref<1x128xf32, #tpu.memory_space<vmem>>, vector<1x128xf32>
    %add3A_62 = vector.broadcast %get3A_61 : vector<1x128xf32> to vector<10000x128xf32>
    %add3A_63 = arith.addf %dot_general3A_58, %add3A_62 : vector<10000x128xf32>
    %reduce_sum3A_64 = arith.constant dense<0.000000e+00> : vector<128xf32>
    %reduce_sum3A_65 = vector.multi_reduction <add>, %add3A_63, %reduce_sum3A_64 [0] : vector<10000x128xf32> to vector<128xf32>
    %broadcast_in_dim3A_66 = vector.shape_cast %reduce_sum3A_65 : vector<128xf32> to vector<1x128xf32>
    %div3A_67 = arith.constant 1.000000e+04 : f32
    %div3A_68 = vector.broadcast %div3A_67 : f32 to vector<1x128xf32>
    %div3A_69 = arith.divf %broadcast_in_dim3A_66, %div3A_68 : vector<1x128xf32>
    %sub3A_70 = vector.broadcast %div3A_69 : vector<1x128xf32> to vector<10000x128xf32>
    %sub3A_71 = arith.subf %add3A_63, %sub3A_70 : vector<10000x128xf32>
    %integer_pow3A_72 = arith.mulf %sub3A_71, %sub3A_71 : vector<10000x128xf32>
    %reduce_sum3A_73 = arith.constant dense<0.000000e+00> : vector<128xf32>
    %reduce_sum3A_74 = vector.multi_reduction <add>, %integer_pow3A_72, %reduce_sum3A_73 [0] : vector<10000x128xf32> to vector<128xf32>
    %broadcast_in_dim3A_75 = vector.shape_cast %reduce_sum3A_74 : vector<128xf32> to vector<1x128xf32>
    %div3A_76 = arith.constant 1.000000e+04 : f32
    %div3A_77 = vector.broadcast %div3A_76 : f32 to vector<1x128xf32>
    %div3A_78 = arith.divf %broadcast_in_dim3A_75, %div3A_77 : vector<1x128xf32>
    %get3A_79 = arith.constant 0 : index
    %get3A_80 = arith.constant 0 : index
    %get3A_81 = vector.load %arg9[%get3A_79, %get3A_80] : memref<1x128xf32, #tpu.memory_space<vmem>>, vector<1x128xf32>
    %sub3A_82 = vector.broadcast %div3A_69 : vector<1x128xf32> to vector<10000x128xf32>
    %sub3A_83 = arith.subf %add3A_63, %sub3A_82 : vector<10000x128xf32>
    %mul3A_84 = vector.broadcast %get3A_81 : vector<1x128xf32> to vector<10000x128xf32>
    %mul3A_85 = arith.mulf %mul3A_84, %sub3A_83 : vector<10000x128xf32>
    %add3A_86 = arith.constant 9.99999974E-6 : f32
    %add3A_87 = vector.broadcast %add3A_86 : f32 to vector<1x128xf32>
    %add3A_88 = arith.addf %div3A_78, %add3A_87 : vector<1x128xf32>
    %rsqrt3A_89 = math.rsqrt %add3A_88 : vector<1x128xf32>
    %mul3A_90 = vector.broadcast %rsqrt3A_89 : vector<1x128xf32> to vector<10000x128xf32>
    %mul3A_91 = arith.mulf %mul3A_85, %mul3A_90 : vector<10000x128xf32>
    %get3A_92 = arith.constant 0 : index
    %get3A_93 = arith.constant 0 : index
    %get3A_94 = vector.load %arg10[%get3A_92, %get3A_93] : memref<1x128xf32, #tpu.memory_space<vmem>>, vector<1x128xf32>
    %add3A_95 = vector.broadcast %get3A_94 : vector<1x128xf32> to vector<10000x128xf32>
    %add3A_96 = arith.addf %mul3A_91, %add3A_95 : vector<10000x128xf32>
    %max3A_97 = arith.constant 0.000000e+00 : f32
    %max3A_98 = vector.broadcast %max3A_97 : f32 to vector<10000x128xf32>
    %max3A_99 = arith.maximumf %add3A_96, %max3A_98 : vector<10000x128xf32>
    %swap3A = arith.constant 0 : index
    %swap3A_100 = arith.constant 0 : index
    %swap3A_101 = vector.load %arg11[%swap3A, %swap3A_100] : memref<10000x128xf32, #tpu.memory_space<vmem>>, vector<10000x128xf32>
    tpu.vector_store %arg11[%swap3A, %swap3A_100], %max3A_99 {strides = array<i32>} : memref<10000x128xf32, #tpu.memory_space<vmem>>, vector<10000x128xf32>,
    %reduce_sum3A_102 = arith.constant dense<0.000000e+00> : vector<128xf32>
    %reduce_sum3A_103 = vector.multi_reduction <add>, %max3A_99, %reduce_sum3A_102 [0] : vector<10000x128xf32> to vector<128xf32>
    %broadcast_in_dim3A_104 = vector.shape_cast %reduce_sum3A_103 : vector<128xf32> to vector<1x128xf32>
    %swap3A_105 = arith.constant 0 : index
    %swap3A_106 = arith.constant 0 : index
    %swap3A_107 = vector.load %arg12[%swap3A_105, %swap3A_106] : memref<1x128xf32, #tpu.memory_space<vmem>>, vector<1x128xf32>
    tpu.vector_store %arg12[%swap3A_105, %swap3A_106], %broadcast_in_dim3A_104 {strides = array<i32>} : memref<1x128xf32, #tpu.memory_space<vmem>>, vector<1x128xf32>,
    return
  }
}

module attributes {stable_mosaic.version = 14 : i64} {
  func.func @_dense_body(%arg0: memref<1x1xf32, #tpu.memory_space<vmem>>, %arg1: memref<2x10240x128xf32, #tpu.memory_space<vmem>>, %arg2: memref<10000x128xf32, #tpu.memory_space<vmem>>, %arg3: memref<128x128xf32, #tpu.memory_space<vmem>>, %arg4: memref<1x128xf32, #tpu.memory_space<vmem>>, %arg5: memref<1x128xf32, #tpu.memory_space<vmem>>, %arg6: memref<1x128xf32, #tpu.memory_space<vmem>>, %arg7: memref<128x128xf32, #tpu.memory_space<vmem>>, %arg8: memref<1x128xf32, #tpu.memory_space<vmem>>, %arg9: memref<1x128xf32, #tpu.memory_space<vmem>>, %arg10: memref<1x128xf32, #tpu.memory_space<vmem>>, %arg11: memref<10000x128xf32, #tpu.memory_space<vmem>>, %arg12: memref<1x128xf32, #tpu.memory_space<vmem>>) attributes {dimension_semantics = [], scalar_prefetch = 0 : i64, scratch_operands = 0 : i64, tpu.core_type = #tpu.core_type<tc>} {
    %get3A = arith.constant 0 : index
    %get3A_0 = arith.constant 0 : index
    %get3A_1 = vector.load %arg2[%get3A, %get3A_0] : memref<10000x128xf32, #tpu.memory_space<vmem>>, vector<10000x128xf32>
    %get3A_2 = arith.constant 0 : index
    %get3A_3 = arith.constant 0 : index
    %get3A_4 = arith.constant 0 : index
    %get3A_5 = vector.load %arg1[%get3A_2, %get3A_3, %get3A_4] : memref<2x10240x128xf32, #tpu.memory_space<vmem>>, vector<2x10000x128xf32>
    %slice3A = vector.extract_strided_slice %get3A_5 {offsets = [0, 0, 0], sizes = [1, 10000, 128], strides = [1, 1, 1]} : vector<2x10000x128xf32> to vector<1x10000x128xf32>
    %squeeze3A = vector.shape_cast %slice3A : vector<1x10000x128xf32> to vector<10000x128xf32>
    %slice3A_6 = vector.extract_strided_slice %get3A_5 {offsets = [1, 0, 0], sizes = [1, 10000, 128], strides = [1, 1, 1]} : vector<2x10000x128xf32> to vector<1x10000x128xf32>
    %squeeze3A_7 = vector.shape_cast %slice3A_6 : vector<1x10000x128xf32> to vector<10000x128xf32>
    %add3A = arith.addf %squeeze3A, %squeeze3A_7 : vector<10000x128xf32>
    %get3A_8 = arith.constant 0 : index
    %get3A_9 = arith.constant 0 : index
    %get3A_10 = vector.load %arg0[%get3A_8, %get3A_9] : memref<1x1xf32, #tpu.memory_space<vmem>>, vector<1x1xf32>
    %get3A_11 = vector.extract %get3A_10[0, 0] : f32 from vector<1x1xf32>
    %add3A_12 = arith.constant 1.000000e+00 : f32
    %add3A_13 = arith.addf %add3A_12, %get3A_11 : f32
    %mul3A = vector.broadcast %add3A_13 : f32 to vector<10000x128xf32>
    %mul3A_14 = arith.mulf %mul3A, %get3A_1 : vector<10000x128xf32>
    %add3A_15 = arith.addf %add3A, %mul3A_14 : vector<10000x128xf32>
    %get3A_16 = arith.constant 0 : index
    %get3A_17 = arith.constant 0 : index
    %get3A_18 = vector.load %arg3[%get3A_16, %get3A_17] : memref<128x128xf32, #tpu.memory_space<vmem>>, vector<128x128xf32>
    %dot_general3A = arith.constant dense<0.000000e+00> : vector<10000x128xf32>
    %dot_general3A_19 = tpu.matmul %add3A_15, %get3A_18, %dot_general3A {dimension_numbers = #tpu.dot_dimension_numbers<[1], [0], [0], [1], [0, 0, 1, 1], [], []>, transpose_lhs_hint = false} : vector<10000x128xf32>, vector<128x128xf32>, vector<10000x128xf32> -> vector<10000x128xf32>
    %get3A_20 = arith.constant 0 : index
    %get3A_21 = arith.constant 0 : index
    %get3A_22 = vector.load %arg4[%get3A_20, %get3A_21] : memref<1x128xf32, #tpu.memory_space<vmem>>, vector<1x128xf32>
    %add3A_23 = vector.broadcast %get3A_22 : vector<1x128xf32> to vector<10000x128xf32>
    %add3A_24 = arith.addf %dot_general3A_19, %add3A_23 : vector<10000x128xf32>
    %reduce_sum3A = arith.constant dense<0.000000e+00> : vector<128xf32>
    %reduce_sum3A_25 = vector.multi_reduction <add>, %add3A_24, %reduce_sum3A [0] : vector<10000x128xf32> to vector<128xf32>
    %broadcast_in_dim3A = vector.shape_cast %reduce_sum3A_25 : vector<128xf32> to vector<1x128xf32>
    %div3A = arith.constant 1.000000e+04 : f32
    %div3A_26 = vector.broadcast %div3A : f32 to vector<1x128xf32>
    %div3A_27 = arith.divf %broadcast_in_dim3A, %div3A_26 : vector<1x128xf32>
    %sub3A = vector.broadcast %div3A_27 : vector<1x128xf32> to vector<10000x128xf32>
    %sub3A_28 = arith.subf %add3A_24, %sub3A : vector<10000x128xf32>
    %integer_pow3A = arith.mulf %sub3A_28, %sub3A_28 : vector<10000x128xf32>
    %reduce_sum3A_29 = arith.constant dense<0.000000e+00> : vector<128xf32>
    %reduce_sum3A_30 = vector.multi_reduction <add>, %integer_pow3A, %reduce_sum3A_29 [0] : vector<10000x128xf32> to vector<128xf32>
    %broadcast_in_dim3A_31 = vector.shape_cast %reduce_sum3A_30 : vector<128xf32> to vector<1x128xf32>
    %div3A_32 = arith.constant 1.000000e+04 : f32
    %div3A_33 = vector.broadcast %div3A_32 : f32 to vector<1x128xf32>
    %div3A_34 = arith.divf %broadcast_in_dim3A_31, %div3A_33 : vector<1x128xf32>
    %get3A_35 = arith.constant 0 : index
    %get3A_36 = arith.constant 0 : index
    %get3A_37 = vector.load %arg5[%get3A_35, %get3A_36] : memref<1x128xf32, #tpu.memory_space<vmem>>, vector<1x128xf32>
    %sub3A_38 = vector.broadcast %div3A_27 : vector<1x128xf32> to vector<10000x128xf32>
    %sub3A_39 = arith.subf %add3A_24, %sub3A_38 : vector<10000x128xf32>
    %mul3A_40 = vector.broadcast %get3A_37 : vector<1x128xf32> to vector<10000x128xf32>
    %mul3A_41 = arith.mulf %mul3A_40, %sub3A_39 : vector<10000x128xf32>
    %add3A_42 = arith.constant 9.99999974E-6 : f32
    %add3A_43 = vector.broadcast %add3A_42 : f32 to vector<1x128xf32>
    %add3A_44 = arith.addf %div3A_34, %add3A_43 : vector<1x128xf32>
    %rsqrt3A = math.rsqrt %add3A_44 : vector<1x128xf32>
    %mul3A_45 = vector.broadcast %rsqrt3A : vector<1x128xf32> to vector<10000x128xf32>
    %mul3A_46 = arith.mulf %mul3A_41, %mul3A_45 : vector<10000x128xf32>
    %get3A_47 = arith.constant 0 : index
    %get3A_48 = arith.constant 0 : index
    %get3A_49 = vector.load %arg6[%get3A_47, %get3A_48] : memref<1x128xf32, #tpu.memory_space<vmem>>, vector<1x128xf32>
    %add3A_50 = vector.broadcast %get3A_49 : vector<1x128xf32> to vector<10000x128xf32>
    %add3A_51 = arith.addf %mul3A_46, %add3A_50 : vector<10000x128xf32>
    %max3A = arith.constant 0.000000e+00 : f32
    %max3A_52 = vector.broadcast %max3A : f32 to vector<10000x128xf32>
    %max3A_53 = arith.maximumf %add3A_51, %max3A_52 : vector<10000x128xf32>
    %get3A_54 = arith.constant 0 : index
    %get3A_55 = arith.constant 0 : index
    %get3A_56 = vector.load %arg7[%get3A_54, %get3A_55] : memref<128x128xf32, #tpu.memory_space<vmem>>, vector<128x128xf32>
    %dot_general3A_57 = arith.constant dense<0.000000e+00> : vector<10000x128xf32>
    %dot_general3A_58 = tpu.matmul %max3A_53, %get3A_56, %dot_general3A_57 {dimension_numbers = #tpu.dot_dimension_numbers<[1], [0], [0], [1], [0, 0, 1, 1], [], []>, transpose_lhs_hint = false} : vector<10000x128xf32>, vector<128x128xf32>, vector<10000x128xf32> -> vector<10000x128xf32>
    %get3A_59 = arith.constant 0 : index
    %get3A_60 = arith.constant 0 : index
    %get3A_61 = vector.load %arg8[%get3A_59, %get3A_60] : memref<1x128xf32, #tpu.memory_space<vmem>>, vector<1x128xf32>
    %add3A_62 = vector.broadcast %get3A_61 : vector<1x128xf32> to vector<10000x128xf32>
    %add3A_63 = arith.addf %dot_general3A_58, %add3A_62 : vector<10000x128xf32>
    %reduce_sum3A_64 = arith.constant dense<0.000000e+00> : vector<128xf32>
    %reduce_sum3A_65 = vector.multi_reduction <add>, %add3A_63, %reduce_sum3A_64 [0] : vector<10000x128xf32> to vector<128xf32>
    %broadcast_in_dim3A_66 = vector.shape_cast %reduce_sum3A_65 : vector<128xf32> to vector<1x128xf32>
    %div3A_67 = arith.constant 1.000000e+04 : f32
    %div3A_68 = vector.broadcast %div3A_67 : f32 to vector<1x128xf32>
    %div3A_69 = arith.divf %broadcast_in_dim3A_66, %div3A_68 : vector<1x128xf32>
    %sub3A_70 = vector.broadcast %div3A_69 : vector<1x128xf32> to vector<10000x128xf32>
    %sub3A_71 = arith.subf %add3A_63, %sub3A_70 : vector<10000x128xf32>
    %integer_pow3A_72 = arith.mulf %sub3A_71, %sub3A_71 : vector<10000x128xf32>
    %reduce_sum3A_73 = arith.constant dense<0.000000e+00> : vector<128xf32>
    %reduce_sum3A_74 = vector.multi_reduction <add>, %integer_pow3A_72, %reduce_sum3A_73 [0] : vector<10000x128xf32> to vector<128xf32>
    %broadcast_in_dim3A_75 = vector.shape_cast %reduce_sum3A_74 : vector<128xf32> to vector<1x128xf32>
    %div3A_76 = arith.constant 1.000000e+04 : f32
    %div3A_77 = vector.broadcast %div3A_76 : f32 to vector<1x128xf32>
    %div3A_78 = arith.divf %broadcast_in_dim3A_75, %div3A_77 : vector<1x128xf32>
    %get3A_79 = arith.constant 0 : index
    %get3A_80 = arith.constant 0 : index
    %get3A_81 = vector.load %arg9[%get3A_79, %get3A_80] : memref<1x128xf32, #tpu.memory_space<vmem>>, vector<1x128xf32>
    %sub3A_82 = vector.broadcast %div3A_69 : vector<1x128xf32> to vector<10000x128xf32>
    %sub3A_83 = arith.subf %add3A_63, %sub3A_82 : vector<10000x128xf32>
    %mul3A_84 = vector.broadcast %get3A_81 : vector<1x128xf32> to vector<10000x128xf32>
    %mul3A_85 = arith.mulf %mul3A_84, %sub3A_83 : vector<10000x128xf32>
    %add3A_86 = arith.constant 9.99999974E-6 : f32
    %add3A_87 = vector.broadcast %add3A_86 : f32 to vector<1x128xf32>
    %add3A_88 = arith.addf %div3A_78, %add3A_87 : vector<1x128xf32>
    %rsqrt3A_89 = math.rsqrt %add3A_88 : vector<1x128xf32>
    %mul3A_90 = vector.broadcast %rsqrt3A_89 : vector<1x128xf32> to vector<10000x128xf32>
    %mul3A_91 = arith.mulf %mul3A_85, %mul3A_90 : vector<10000x128xf32>
    %get3A_92 = arith.constant 0 : index
    %get3A_93 = arith.constant 0 : index
    %get3A_94 = vector.load %arg10[%get3A_92, %get3A_93] : memref<1x128xf32, #tpu.memory_space<vmem>>, vector<1x128xf32>
    %add3A_95 = vector.broadcast %get3A_94 : vector<1x128xf32> to vector<10000x128xf32>
    %add3A_96 = arith.addf %mul3A_91, %add3A_95 : vector<10000x128xf32>
    %max3A_97 = arith.constant 0.000000e+00 : f32
    %max3A_98 = vector.broadcast %max3A_97 : f32 to vector<10000x128xf32>
    %max3A_99 = arith.maximumf %add3A_96, %max3A_98 : vector<10000x128xf32>
    %swap3A = arith.constant 0 : index
    %swap3A_100 = arith.constant 0 : index
    %swap3A_101 = vector.load %arg11[%swap3A, %swap3A_100] : memref<10000x128xf32, #tpu.memory_space<vmem>>, vector<10000x128xf32>
    tpu.vector_store %arg11[%swap3A, %swap3A_100], %max3A_99 {strides = array<i32>} : memref<10000x128xf32, #tpu.memory_space<vmem>>, vector<10000x128xf32>,
    %reduce_sum3A_102 = arith.constant dense<0.000000e+00> : vector<128xf32>
    %reduce_sum3A_103 = vector.multi_reduction <add>, %max3A_99, %reduce_sum3A_102 [0] : vector<10000x128xf32> to vector<128xf32>
    %broadcast_in_dim3A_104 = vector.shape_cast %reduce_sum3A_103 : vector<128xf32> to vector<1x128xf32>
    %swap3A_105 = arith.constant 0 : index
    %swap3A_106 = arith.constant 0 : index
    %swap3A_107 = vector.load %arg12[%swap3A_105, %swap3A_106] : memref<1x128xf32, #tpu.memory_space<vmem>>, vector<1x128xf32>
    tpu.vector_store %arg12[%swap3A_105, %swap3A_106], %broadcast_in_dim3A_104 {strides = array<i32>} : memref<1x128xf32, #tpu.memory_space<vmem>>, vector<1x128xf32>,
    return
  }
}

module attributes {stable_mosaic.version = 14 : i64} {
  func.func @_heads_body(%arg0: memref<10000x128xf32, #tpu.memory_space<vmem>>, %arg1: memref<4x128xf32, #tpu.memory_space<vmem>>, %arg2: memref<5x128x128xf32, #tpu.memory_space<vmem>>, %arg3: memref<5x1x128xf32, #tpu.memory_space<vmem>>, %arg4: memref<1x128xf32, #tpu.memory_space<vmem>>) attributes {dimension_semantics = [], scalar_prefetch = 0 : i64, scratch_operands = 0 : i64, tpu.core_type = #tpu.core_type<tc>} {
    %get3A = arith.constant 0 : index
    %get3A_0 = arith.constant 0 : index
    %get3A_1 = arith.constant 0 : index
    %get3A_2 = vector.load %arg3[%get3A, %get3A_0, %get3A_1] : memref<5x1x128xf32, #tpu.memory_space<vmem>>, vector<5x1x128xf32>
    %reduce_sum3A = arith.constant dense<0.000000e+00> : vector<1x128xf32>
    %reduce_sum3A_3 = vector.multi_reduction <add>, %get3A_2, %reduce_sum3A [0] : vector<5x1x128xf32> to vector<1x128xf32>
    %get3A_4 = arith.constant 0 : index
    %get3A_5 = arith.constant 0 : index
    %get3A_6 = vector.load %arg0[%get3A_4, %get3A_5] : memref<10000x128xf32, #tpu.memory_space<vmem>>, vector<10000x128xf32>
    %reduce_sum3A_7 = arith.constant dense<0.000000e+00> : vector<128xf32>
    %reduce_sum3A_8 = vector.multi_reduction <add>, %get3A_6, %reduce_sum3A_7 [0] : vector<10000x128xf32> to vector<128xf32>
    %broadcast_in_dim3A = vector.shape_cast %reduce_sum3A_8 : vector<128xf32> to vector<1x128xf32>
    %get3A_9 = arith.constant 0 : index
    %get3A_10 = arith.constant 0 : index
    %get3A_11 = arith.constant 0 : index
    %get3A_12 = vector.load %arg2[%get3A_9, %get3A_10, %get3A_11] : memref<5x128x128xf32, #tpu.memory_space<vmem>>, vector<1x128x128xf32>
    %get3A_13 = vector.shape_cast %get3A_12 : vector<1x128x128xf32> to vector<128x128xf32>
    %dot_general3A = arith.constant dense<0.000000e+00> : vector<1x128xf32>
    %dot_general3A_14 = tpu.matmul %broadcast_in_dim3A, %get3A_13, %dot_general3A {dimension_numbers = #tpu.dot_dimension_numbers<[1], [0], [0], [1], [0, 0, 1, 1], [], []>, transpose_lhs_hint = false} : vector<1x128xf32>, vector<128x128xf32>, vector<1x128xf32> -> vector<1x128xf32>
    %add3A = arith.addf %reduce_sum3A_3, %dot_general3A_14 : vector<1x128xf32>
    %get3A_15 = arith.constant 0 : index
    %get3A_16 = arith.constant 0 : index
    %get3A_17 = vector.load %arg1[%get3A_15, %get3A_16] : memref<4x128xf32, #tpu.memory_space<vmem>>, vector<1x128xf32>
    %get3A_18 = arith.constant 1 : index
    %get3A_19 = arith.constant 0 : index
    %get3A_20 = arith.constant 0 : index
    %get3A_21 = vector.load %arg2[%get3A_18, %get3A_19, %get3A_20] : memref<5x128x128xf32, #tpu.memory_space<vmem>>, vector<1x128x128xf32>
    %get3A_22 = vector.shape_cast %get3A_21 : vector<1x128x128xf32> to vector<128x128xf32>
    %dot_general3A_23 = arith.constant dense<0.000000e+00> : vector<1x128xf32>
    %dot_general3A_24 = tpu.matmul %get3A_17, %get3A_22, %dot_general3A_23 {dimension_numbers = #tpu.dot_dimension_numbers<[1], [0], [0], [1], [0, 0, 1, 1], [], []>, transpose_lhs_hint = false} : vector<1x128xf32>, vector<128x128xf32>, vector<1x128xf32> -> vector<1x128xf32>
    %add3A_25 = arith.addf %add3A, %dot_general3A_24 : vector<1x128xf32>
    %get3A_26 = arith.constant 1 : index
    %get3A_27 = arith.constant 0 : index
    %get3A_28 = vector.load %arg1[%get3A_26, %get3A_27] : memref<4x128xf32, #tpu.memory_space<vmem>>, vector<1x128xf32>
    %get3A_29 = arith.constant 2 : index
    %get3A_30 = arith.constant 0 : index
    %get3A_31 = arith.constant 0 : index
    %get3A_32 = vector.load %arg2[%get3A_29, %get3A_30, %get3A_31] : memref<5x128x128xf32, #tpu.memory_space<vmem>>, vector<1x128x128xf32>
    %get3A_33 = vector.shape_cast %get3A_32 : vector<1x128x128xf32> to vector<128x128xf32>
    %dot_general3A_34 = arith.constant dense<0.000000e+00> : vector<1x128xf32>
    %dot_general3A_35 = tpu.matmul %get3A_28, %get3A_33, %dot_general3A_34 {dimension_numbers = #tpu.dot_dimension_numbers<[1], [0], [0], [1], [0, 0, 1, 1], [], []>, transpose_lhs_hint = false} : vector<1x128xf32>, vector<128x128xf32>, vector<1x128xf32> -> vector<1x128xf32>
    %add3A_36 = arith.addf %add3A_25, %dot_general3A_35 : vector<1x128xf32>
    %get3A_37 = arith.constant 2 : index
    %get3A_38 = arith.constant 0 : index
    %get3A_39 = vector.load %arg1[%get3A_37, %get3A_38] : memref<4x128xf32, #tpu.memory_space<vmem>>, vector<1x128xf32>
    %get3A_40 = arith.constant 3 : index
    %get3A_41 = arith.constant 0 : index
    %get3A_42 = arith.constant 0 : index
    %get3A_43 = vector.load %arg2[%get3A_40, %get3A_41, %get3A_42] : memref<5x128x128xf32, #tpu.memory_space<vmem>>, vector<1x128x128xf32>
    %get3A_44 = vector.shape_cast %get3A_43 : vector<1x128x128xf32> to vector<128x128xf32>
    %dot_general3A_45 = arith.constant dense<0.000000e+00> : vector<1x128xf32>
    %dot_general3A_46 = tpu.matmul %get3A_39, %get3A_44, %dot_general3A_45 {dimension_numbers = #tpu.dot_dimension_numbers<[1], [0], [0], [1], [0, 0, 1, 1], [], []>, transpose_lhs_hint = false} : vector<1x128xf32>, vector<128x128xf32>, vector<1x128xf32> -> vector<1x128xf32>
    %add3A_47 = arith.addf %add3A_36, %dot_general3A_46 : vector<1x128xf32>
    %get3A_48 = arith.constant 3 : index
    %get3A_49 = arith.constant 0 : index
    %get3A_50 = vector.load %arg1[%get3A_48, %get3A_49] : memref<4x128xf32, #tpu.memory_space<vmem>>, vector<1x128xf32>
    %get3A_51 = arith.constant 4 : index
    %get3A_52 = arith.constant 0 : index
    %get3A_53 = arith.constant 0 : index
    %get3A_54 = vector.load %arg2[%get3A_51, %get3A_52, %get3A_53] : memref<5x128x128xf32, #tpu.memory_space<vmem>>, vector<1x128x128xf32>
    %get3A_55 = vector.shape_cast %get3A_54 : vector<1x128x128xf32> to vector<128x128xf32>
    %dot_general3A_56 = arith.constant dense<0.000000e+00> : vector<1x128xf32>
    %dot_general3A_57 = tpu.matmul %get3A_50, %get3A_55, %dot_general3A_56 {dimension_numbers = #tpu.dot_dimension_numbers<[1], [0], [0], [1], [0, 0, 1, 1], [], []>, transpose_lhs_hint = false} : vector<1x128xf32>, vector<128x128xf32>, vector<1x128xf32> -> vector<1x128xf32>
    %add3A_58 = arith.addf %add3A_47, %dot_general3A_57 : vector<1x128xf32>
    %swap3A = arith.constant 0 : index
    %swap3A_59 = arith.constant 0 : index
    %swap3A_60 = vector.load %arg4[%swap3A, %swap3A_59] : memref<1x128xf32, #tpu.memory_space<vmem>>, vector<1x128xf32>
    tpu.vector_store %arg4[%swap3A, %swap3A_59], %add3A_58 {strides = array<i32>} : memref<1x128xf32, #tpu.memory_space<vmem>>, vector<1x128xf32>,
    return
  }
}

</mosaic_0001>

<sc_bundles>
// kernel: kernel.11.cloned.1.call-start
scs
__scs_entry_jumppad:
0x0: {  	(pc) =	sbr.rel $0x88, $3  }
0x1: {  	(tag) =	ssettag $0x0;
	lr =	simm.s32 $0x1  }
0x2: {  	[smem:$0x3F74] =	sst lr;
	_ =	strace $0xD0000000  }
0x3: {  	_ = 	snop  }
0x4: {  	_ = 	snop  }
0x5: {  	_ = 	snop  }
0x6: {  	_ = 	snop  }
0x7: {  	_ = 	snop  }
__scs_overlays_trampoline_lowered:
0x8: {  	[smem:$0x3F83] =	sst s0  }
0x9: {  	[smem:$0x3F84] =	sst s1  }
0xa: {  	[smem:$0x3F85] =	sst s2  }
0xb: {  	[smem:$0x3F86] =	sst s3  }
0xc: {  	[smem:$0x3F87] =	sst s4  }
0xd: {  	[smem:$0x3F88] =	sst s5  }
0xe: {  	[smem:$0x3F89] =	sst s6  }
0xf: {  	[smem:$0x3F8A] =	sst s7  }
0x10: {  	[smem:$0x3F8B] =	sst s8  }
0x11: {  	[smem:$0x3F8C] =	sst s9;
	s0 =	simm.s32 @!p0 $0x0  }
0x12: {  	s1 =	sld [smem:$0x3F72];
	s0 =	simm.s32 @p0 $0x1  }
0x13: {  	[smem:$0x3F8D] =	sst s0;
	s0 =	simm.s32 @!p1 $0x0  }
0x14: {  	s2 =	sld [smem:$0x3F71];
	s0 =	simm.s32 @p1 $0x1  }
0x15: {  	[smem:$0x3F8E] =	sst s0;
	s0 =	simm.s32 @!p2 $0x0  }
0x16: {  	s3 =	sld [smem:$0x3FDB];
	s0 =	simm.s32 @p2 $0x1  }
0x17: {  	s4 =	simm.s32 $0x1BF5;
	[smem:$0x3F90] =	sst s0  }
0x18: {  	s0 =	sld [smem:$0x3F73];
	_ =	swait.ge [sflag:s4], $0x0  }
0x19: {  	s7 =	sld [smem:$0x3F74]  }
0x1a: {  	s8 =	sadd.s32 $0xFFFFE003, lr  }
0x1b: {  	s9 =	sadd.s32 $0xFFFFFEF7, lr;
	s5 =	simm.s32 $0xFFFFFFFF;
	p2 =	slt.u32 s8, $0xFFFFF086  }
0x1c: {  	p1 =	slt.u32 s9, $0xF7A;
	s5 =	simm.s32 @!p2 $0x0  }
0x1d: {  	s5 =	simm.s32 @p1 $0x1;
	p0 =	seq.s32 s7, s2  }
0x1e: {  	s7 =	smul.u32 @!p0 $0xF7A, s2;
	p2 =	seq.s32 @!p0 s5, $0x0  }
0x1f: {  	s9 =	smul.u32 $0xF7A, s1;
	s8 =	simm.s32 @!p0 $0x1BF5;
	p2 =	por !p2, p0  }
0x20: {  	[sflag:s8] =	ssyncset.s32 @!p0 $0xFFFFF086;
	s6 =	sadd.s32 @!p0 s3, s7;
	s7 =	simm.s32 @!p0 $0x108  }
0x21: {  	s3 =	sadd.s32 s3, s9;
	s6 =	sadd.s32 @!p0 $0x88, s6;
	s7 =	simm.s32 @p2 $0x1082  }
0x22: {  	[simem:s7], [sflag:s8] =	dma.local @!p0 [hbm:s6], $0xF7A  }
0x23: {  	s9 =	sor.u32 $0xD0000000, s2;
	s6 =	simm.s32 $0x108;
	_ =	swait.ge @!p0 [sflag:s8], $0x0  }
0x24: {  	s3 =	sadd.s32 $0x88, s3;
	s6 =	simm.s32 @!p1 $0x1082;
	[sflag:s4] =	ssyncset.s32 $0xFFFFF086  }
0x25: {  	[simem:s6], [sflag:s4] =	dma.local [hbm:s3], $0xF7A  }
0x26: {  	[smem:$0x3F74] =	sst s1;
	(tag) =	ssettag s2;
	_ =	strace s9  }
0x27: {  	s1 =	sld [smem:$0x3F84]  }
0x28: {  	s2 =	sld [smem:$0x3F85]  }
0x29: {  	s4 =	sld [smem:$0x3F87]  }
0x2a: {  	p0 =	seq.s32 s5, $0x0;
	s5 =	sld [smem:$0x3F88]  }
0x2b: {  	s6 =	sld [smem:$0x3F89]  }
0x2c: {  	s7 =	sld [smem:$0x3F8A]  }
0x2d: {  	s3 =	simm.s32 $0x108;
	s8 =	sld [smem:$0x3F8B]  }
0x2e: {  	s3 =	simm.s32 @!p0 $0x1082;
	s9 =	sld [smem:$0x3F8C]  }
0x2f: {  	lr =	sadd.s32 s0, s3;
	s0 =	sld [smem:$0x3F83]  }
0x30: {  	s3 =	sld [smem:$0x3F86]  }
0x31: {  	[smem:$0x3F8F] =	sst s10  }
0x32: {  	s10 =	sld [smem:$0x3F8D];
	_ =	sdelay $0x3  }
0x33: {  	p0 =	seq.s32 s10, $0x1;
	s10 =	sld [smem:$0x3F8F];
	_ =	sdelay $0x3  }
0x34: {  	[smem:$0x3F8F] =	sst s10  }
0x35: {  	s10 =	sld [smem:$0x3F8E];
	_ =	sdelay $0x3  }
0x36: {  	p1 =	seq.s32 s10, $0x1;
	s10 =	sld [smem:$0x3F8F];
	_ =	sdelay $0x3  }
0x37: {  	[smem:$0x3F8F] =	sst s10  }
0x38: {  	s10 =	sld [smem:$0x3F90]  }
0x39: {  	_ = 	snop;
	(pc) =	sbr.ind lr, $3  }
0x3a: {  	_ = 	snop  }
0x3b: {  	_ = 	snop  }
0x3c: {  	p2 =	seq.s32 s10, $0x1;
	s10 =	sld [smem:$0x3F8F]  }
0x3d: {  	_ =	shalt  }
0x3e: {  	_ =	shalt  }
0x3f: {  	_ =	shalt  }
0x40: {  	_ =	shalt  }
0x41: {  	_ =	shalt  }
0x42: {  	_ =	shalt  }
0x43: {  	_ =	shalt  }
0x44: {  	_ =	shalt  }
0x45: {  	_ =	shalt  }
0x46: {  	_ =	shalt  }
0x47: {  	_ =	shalt  }
0x48: {  	_ =	shalt  }
0x49: {  	_ =	shalt  }
0x4a: {  	_ =	shalt  }
0x4b: {  	_ =	shalt  }
0x4c: {  	_ =	shalt  }
0x4d: {  	_ =	shalt  }
0x4e: {  	_ =	shalt  }
0x4f: {  	_ =	shalt  }
0x50: {  	_ =	shalt  }
0x51: {  	_ =	shalt  }
0x52: {  	_ =	shalt  }
0x53: {  	_ =	shalt  }
0x54: {  	_ =	shalt  }
0x55: {  	_ =	shalt  }
0x56: {  	_ =	shalt  }
0x57: {  	_ =	shalt  }
0x58: {  	_ =	shalt  }
0x59: {  	_ =	shalt  }
0x5a: {  	_ =	shalt  }
0x5b: {  	_ =	shalt  }
0x5c: {  	_ =	shalt  }
0x5d: {  	_ =	shalt  }
0x5e: {  	_ =	shalt  }
0x5f: {  	_ =	shalt  }
0x60: {  	_ =	shalt  }
0x61: {  	_ =	shalt  }
0x62: {  	_ =	shalt  }
0x63: {  	_ =	shalt  }
0x64: {  	_ =	shalt  }
0x65: {  	_ =	shalt  }
0x66: {  	_ =	shalt  }
0x67: {  	_ =	shalt  }
0x68: {  	_ =	shalt  }
0x69: {  	_ =	shalt  }
0x6a: {  	_ =	shalt  }
0x6b: {  	_ =	shalt  }
0x6c: {  	_ =	shalt  }
0x6d: {  	_ =	shalt  }
0x6e: {  	_ =	shalt  }
0x6f: {  	_ =	shalt  }
0x70: {  	_ =	shalt  }
0x71: {  	_ =	shalt  }
0x72: {  	_ =	shalt  }
0x73: {  	_ =	shalt  }
0x74: {  	_ =	shalt  }
0x75: {  	_ =	shalt  }
0x76: {  	_ =	shalt  }
0x77: {  	_ =	shalt  }
0x78: {  	_ =	shalt  }
0x79: {  	_ =	shalt  }
0x7a: {  	_ =	shalt  }
0x7b: {  	_ =	shalt  }
0x7c: {  	_ =	shalt  }
0x7d: {  	_ =	shalt  }
0x7e: {  	_ =	shalt  }
0x7f: {  	_ =	shalt  }
0x80: {  	_ =	shalt  }
0x81: {  	_ =	shalt  }
0x82: {  	_ =	shalt  }
0x83: {  	_ =	shalt  }
0x84: {  	_ =	shalt  }
0x85: {  	_ =	shalt  }
0x86: {  	_ =	shalt  }
0x87: {  	_ =	shalt  }
.Lfunc_end0:
.L_simem_size_0:
called_computation_lowered:
.L_overlay_start_0:
0x88: {  	s2 =	sld [smem:$0x3FD9]  }
0x89: {  	s3 =	sld [smem:$0x3FFE];
	_ =	sdelay $0x1  }
0x8a: {  	s1 =	srdreg.scid  }
0x8b: {  	s0 =	sand.u32 $0x1, s1  }
0x8c: {  	s17 =	sshll.u32 s0, $0xA;
	s2 =	sadd.s32 s3, s2  }
0x8d: {  	s2 =	sadd.s32 s2, s17  }
0x8e: {  	[smem:$0x3F9B] =	sst s2  }
0x8f: {  	_ = 	snop  }
0x90: {  	s2 =	sld [smem:$0x3FC9];
	(tm) =	ssettm $0x1  }
0x91: {  	s18 =	sld [smem:$0x3FFB];
	_ =	sdelay $0x3  }
0x92: {  	_ =	strace s18  }
0x93: {  	s3 =	sld [smem:$0x3FFC];
	_ =	sdelay $0x3  }
0x94: {  	_ =	strace s3  }
0x95: {  	s3 =	sld [smem:$0x3FFD];
	_ =	sdelay $0x3  }
0x96: {  	_ =	strace s3  }
0x97: {  	_ =	strace $0x8FFFFFFF  }
0x98: {  	s19 =	sld [smem:$0x3FDB];
	_ =	sdelay $0x1  }
0x99: {  	s4 =	simm.s32 $_scs_section_size  }
0x9a: {  	s5 =	simm.s32 $_size__tile_overlayer_lowered;
	s6 =	simm.s32 $_tile_overlayer_lowered  }
0x9b: {  	s22 =	simm.s32 $0x1BFF;
	s21 =	sshll.u32 s6, $0x1;
	s3 =	sadd.s32 s4, s19  }
0x9c: {  	s7 =	simm.s32 $0x0;
	s20 =	sshll.u32 s5, $0x1;
	s5 =	sadd.s32 s21, s3  }
0x9d: {  	[timem:s7], [sflag:s22] =	dma.local [hbm:s5], s20  }
0x9e: {  	_ =	swait.ge [sflag:s22], s20  }
0x9f: {  	s4 =	ssub.s32 $0x0, s20;
	[sflag:s22] =	ssyncset.done $0x0  }
0xa0: {  	[sflag:s22] =	ssyncadd.s32 s4;
	_ =	sdelay $0x1  }
0xa1: {  	s23 =	simm.s32 $0x1B8B  }
0xa2: {  	_ =	swait.ge [sflag:s23], $0x1  }
0xa3: {  	[sflag:s23] =	ssyncset.done $0x0  }
0xa4: {  	s25 =	simm.s32 $0x1B8E;
	s24 =	sld [smem:$0x3FFE];
	[sflag:s23] =	ssyncadd.s32 $0xFFFFFFFF  }
0xa5: {  	s26 =	simm.s32 $execute0_lowered;
	[smem:$0x3FD2] =	sst s25  }
0xa6: {  	s5 =	sshll.u32 s26, $0x1;
	_ =	strace $0x80000046;
	[dreg:$0x1] =	wrdreg $0xFFFFFFFF  }
0xa7: {  	s28 =	simm.s32 $_size_execute0_lowered;
	s3 =	sadd.s32 s3, s5;
	[dreg:$0x0] =	wrdreg $0x0  }
0xa8: {  	s5 =	sshll.u32 s28, $0x1;
	[dreg:$0x2] =	wrdreg s3  }
0xa9: {  	[dreg:$0x3] =	wrdreg s5  }
0xaa: {  	[dreg:$0x4] =	wrdreg $0xC0  }
0xab: {  	_ =	task [dreg:s7], $0x5FFFF  }
0xac: {  	[dreg:$0x1] =	wrdreg $0xFFFFFFFF  }
0xad: {  	[dreg:$0x0] =	wrdreg $0x60  }
0xae: {  	[dreg:$0x2] =	wrdreg s2  }
0xaf: {  	[dreg:$0x3] =	wrdreg s24  }
0xb0: {  	[dreg:$0x4] =	wrdreg $0x58000  }
0xb1: {  	[dreg:$0x5] =	wrdreg $0x9  }
0xb2: {  	_ =	task.clear_ibuf [dreg:s7], $0x6FFFF;
	_ =	strace $0x90000046  }
0xb3: {  	s29 =	simm.s32 $0x9;
	_ =	strace $0x80000048  }
0xb4: {  	_ =	swait.ge [sflag:s29], $0x1  }
0xb5: {  	[sflag:s29] =	ssyncadd.s32 $0xFFFFFFFF  }
0xb6: {  	_ =	strace $0x90000048  }
0xb7: {  	_ =	sfence  }
0xb8: {  	s30 =	sld [smem:$0x0];
	_ =	sdelay $0x2  }
0xb9: {  	s31 =	sshll.u32 s1, $0xD;
	s1 =	sshrl.u32 s1, $0x2  }
0xba: {  	s3 =	sand.u32 $0x4000, s31;
	s1 =	sadd.s32 s1, s30  }
0xbb: {  	s0 =	sor.u32 s3, s0;
	s1 =	sshll.u32 s1, $0x11  }
0xbc: {  	s0 =	sor.u32 s1, s0  }
0xbd: {  	s0 =	sadd.s32 $0x8F2B, s0  }
0xbe: {  	[sflag:s0] =	ssyncadd.remote.s32 $0x1  }
0xbf: {  	_ =	sfence.sel $0xFFFF  }
0xc0: {  	[dreg:$0x0] =	wrdreg $0xFFFFFFFF;
	(pc) =	sbr.abs _section_cstart, $3  }
0xc1: {  	[dreg:$0x1] =	wrdreg $0xFFFFFFFF  }
0xc2: {  	_ =	task.clear_ibuf [dreg:s7], $0x2FFFF;
	_ =	strace $0x9FFFFFFF  }
0xc3: {  	(tm) =	ssettm $0x7FFFFFFF  }
tec
execute0_lowered:
.L_overlay_start_1:
0x0: {  	(tag) =	ssettag $0x1  }
0x1: {  	s1 =	rddreg [dreg:$0x0]  }
0x2: {  	s0 =	rddreg [dreg:$0x1]  }
0x3: {  	s2 =	rddreg [dreg:$0x2]  }
0x4: {  	s3 =	srdreg.scid;
	s4 =	simm.s32 $0x0;
	s9 =	stileid.u32  }
0x5: {  	s28 =	simm.s32 $0x1C00;
	s31 =	simm.s32 $0x9;
	s6 =	smul.u32 $0x14000, s9  }
0x6: {  	s30 =	simm.s32 $0x680;
	s3 =	sand.u32 $0x1, s3;
	s18 =	smul.u32 $0x50000, s9  }
0x7: {  	[smem:$0x7FF] =	sst s4;
	s10 =	sadd.s32 $0x12200, s0;
	s21 =	smul.u32 $0x2710, s9  }
0x8: {  	s11 =	sadd.s32 $0x8400, s0;
	s7 =	sadd.s32 $0x1C000, s0;
	s5 =	smul.u32 $0x140000, s3  }
0x9: {  	_ =	strace $0x80000047;
	[dreg:$0x6] =	wrdreg s7;
	s17 =	sshll.u32 s3, $0x4  }
0xa: {  	s19 =	ssub.s32 $0x2, s3;
	s3 =	smul.u32 $0x27100, s3;
	[dreg:$0x5] =	wrdreg s11  }
0xb: {  	[dreg:$0x4] =	wrdreg s10;
	s8 =	sshrl.u32 s19, $0x1;
	s7 =	sshrl.u32 s18, $0x2  }
0xc: {  	s5 =	sadd.s32 s6, s5;
	s6 =	sor.u32 s9, s17;
	s7 =	sadd.s32 s7, s2  }
0xd: {  	s3 =	sadd.s32 s21, s3;
	s5 =	sshrl.u32 s5, $0x3;
	s6 =	smul.u32 $0x2710, s6  }
0xe: {  	[dreg:$0x7] =	wrdreg s7;
	s25 =	sadd.s32 $0x78, s3;
	s13 =	sadd.s32 $0x190, s3  }
0xf: {  	s17 =	sadd.s32 $0xF0, s3;
	s0 =	sadd.s32 s5, s0;
	s5 =	ssub.s32 s19, s8  }
0x10: {  	s26 =	sshrl.u32 s25, $0x3;
	s8 =	sadd.s32 $0x168, s3;
	s25 =	sshll.u32 s9, $0x6  }
0x11: {  	s15 =	sshrl.u32 s13, $0x3;
	s0 =	sadd.s32 $0x1E800, s0;
	[dreg:$0x1d] =	wrdreg s25  }
0x12: {  	s18 =	sshrl.u32 s17, $0x3;
	s5 =	smax.u32 s5, $0x1;
	[dreg:$0xe] =	wrdreg s0  }
0x13: {  	s19 =	sadd.s32 $0xC8, s3;
	s29 =	sadd.s32 s26, s11;
	[dreg:$0xf] =	wrdreg s5  }
0x14: {  	s20 =	sshrl.u32 s6, $0x3;
	s16 =	sadd.s32 s15, s11;
	[dreg:$0x10] =	wrdreg s29  }
0x15: {  	s13 =	simm.s32 $0x1;
	s12 =	sadd.s32 s10, s20;
	[dreg:$0x16] =	wrdreg s16  }
0x16: {  	s17 =	simm.s32 $0xB;
	s22 =	sadd.s32 s11, s20;
	[dreg:$0x8] =	wrdreg s12  }
0x17: {  	s6 =	sadd.s32 $0x28, s6;
	s0 =	sadd.s32 s26, s10;
	[dreg:$0x9] =	wrdreg s22  }
0x18: {  	s7 =	sadd.s32 $0xA, s20;
	s20 =	sadd.s32 s18, s11;
	[dreg:$0x11] =	wrdreg s0  }
0x19: {  	s6 =	sshrl.u32 s6, $0x3;
	s29 =	sor.u32 $0x1C11, s25;
	[dreg:$0x18] =	wrdreg s20  }
0x1a: {  	s9 =	simm.s32 $0x0;
	s23 =	sadd.s32 s10, s6;
	[smem:$0x7FD] =	sst s29  }
0x1b: {  	s21 =	sshrl.u32 s19, $0x3;
	s6 =	sadd.s32 s11, s6;
	[dreg:$0xa] =	wrdreg s23  }
0x1c: {  	s19 =	simm.s32 $0xD;
	s24 =	sadd.s32 s10, s7;
	[dreg:$0xb] =	wrdreg s6  }
0x1d: {  	s5 =	sshrl.u32 s8, $0x3;
	s7 =	sadd.s32 s11, s7;
	[dreg:$0xc] =	wrdreg s24  }
0x1e: {  	s16 =	simm.s32 $0x2;
	s14 =	sadd.s32 s5, s11;
	[dreg:$0xd] =	wrdreg s7  }
0x1f: {  	s25 =	simm.s32 $0x6;
	s5 =	sadd.s32 s5, s10;
	[dreg:$0x14] =	wrdreg s14  }
0x20: {  	s22 =	sadd.s32 $0x140, s3;
	s20 =	simm.s32 $0x5;
	[dreg:$0x15] =	wrdreg s5  }
0x21: {  	s6 =	sadd.s32 $0x118, s3;
	[dreg:$0x1a] =	wrdreg s22;
	s3 =	sadd.s32 $0xA0, s3  }
0x22: {  	s23 =	sadd.s32 s21, s11;
	s14 =	simm.s32 $0x28;
	s5 =	simm.s32 $0x8  }
0x23: {  	s7 =	sshrl.u32 s6, $0x3;
	[dreg:$0x1b] =	wrdreg s23;
	s24 =	sshrl.u32 s3, $0x3  }
0x24: {  	s23 =	simm.s32 $0xC;
	s6 =	simm.s32 $0x3;
	s12 =	sadd.s32 s7, s11  }
0x25: {  	s0 =	sadd.s32 s7, s10;
	s26 =	sadd.s32 s24, s11;
	[dreg:$0x12] =	wrdreg s12  }
0x26: {  	s7 =	simm.s32 $0xA;
	s11 =	simm.s32 $0x4;
	[dreg:$0x13] =	wrdreg s0  }
.Ltmp0:
0x27: {  	s0 =	sadd.s32 s15, s10;
	[dreg:$0x1e] =	wrdreg s26;
	(pc) =	sbr.rel .LBB2_1-.Ltmp0, $4  }
0x28: {  	s15 =	simm.s32 $0x800;
	[dreg:$0x17] =	wrdreg s0;
	s0 =	sadd.s32 s18, s10  }
0x29: {  	s12 =	simm.s32 $0x4400;
	[dreg:$0x19] =	wrdreg s0;
	s0 =	sadd.s32 s21, s10  }
0x2a: {  	s18 =	simm.s32 $0x3000;
	[dreg:$0x1c] =	wrdreg s0;
	s0 =	sadd.s32 s24, s10  }
0x2b: {  	s24 =	simm.s32 $0xE;
	[dreg:$0x1f] =	wrdreg s0;
	s0 =	simm.s32 $0x7  }
.LBB2_7:
0x2c: {  	_ =	swait.ge [sflag:s19], $0x1400  }
0x2d: {  	[sflag:s19] =	ssyncset.done $0x0  }
0x2e: {  	[sflag:s19] =	ssyncadd.s32 $0xFFFFEC00  }
0x2f: {  	_ =	swait.ge [sflag:s24], $0x1400  }
0x30: {  	[sflag:s24] =	ssyncset.done $0x0  }
0x31: {  	[sflag:s24] =	ssyncadd.s32 $0xFFFFEC00  }
0x32: {  	[bflag:$0x0] =	sbarrier.arrive $0xFFFF  }
0x33: {  	s3 =	sld [smem:$0x7FC]  }
0x34: {  	s8 =	rddreg [dreg:$0x1d]  }
0x35: {  	s22 =	simm.s32 $0x12;
	s9 =	rddreg [dreg:$0xe];
	s8 =	sor.u32 $0x1C12, s8  }
0x36: {  	[hbm:s9], [sflag:s8] =	dma.local [spmem:s3], $0x2800  }
0x37: {  	_ =	swait.ge [sflag:s22], $0x2800  }
0x38: {  	s26 =	sld [smem:$0x7FB];
	_ =	sdelay $0x2  }
0x39: {  	s29 =	rddreg [dreg:$0xf];
	s9 =	sadd.s32 $0x1, s26  }
0x3a: {  	p0 =	sne.s32 s9, s29  }
.Ltmp1:
0x3b: {  	_ = 	snop;
	(pc) =	sbr.rel @!p0 .LBB2_8-.Ltmp1, $3  }
0x3c: {  	_ =	sdelay $0x1  }
0x3d: {  	[sflag:s22] =	ssyncset.done $0x0  }
0x3e: {  	[sflag:s22] =	ssyncadd.s32 $0xFFFFD800  }
.LBB2_1:
0x3f: {  	[smem:$0x7FB] =	sst s9  }
0x40: {  	s8 =	rddreg [dreg:$0x7]  }
0x41: {  	s10 =	sld [smem:$0x7FD]  }
0x42: {  	s9 =	rddreg [dreg:$0x6];
	s3 =	sshrl.u32 s8, $0x3  }
0x43: {  	[smem:$0x7FC] =	sst s3  }
0x44: {  	[spmem:s3], [sflag:s10] =	dma.local [hbm:s9], $0x2800  }
0x45: {  	s8 =	rddreg [dreg:$0x8]  }
0x46: {  	[tilespmem:s4], [sflag:$0x1] =	stream.linear.gather [hbm4b:s8+s4], $0x28, $0x38;
	[tilespmem:$0x19800] =	vst v63  }
0x47: {  	s22 =	simm.s32 $0x400;
	s21 =	rddreg [dreg:$0x9]  }
0x48: {  	[tilespmem:s22], [sflag:$0x1] =	stream.linear.gather [hbm4b:s21+s4], $0x28, $0x38;
	[tilespmem:$0x19800] =	vst v63  }
0x49: {  	s29 =	simm.s32 $0x80;
	s26 =	rddreg [dreg:$0xa]  }
0x4a: {  	[tilespmem:s29], [sflag:$0x2] =	stream.linear.gather [hbm4b:s26+s4], $0x28, $0x38;
	[tilespmem:$0x19800] =	vst v63  }
0x4b: {  	s10 =	simm.s32 $0x480;
	s3 =	rddreg [dreg:$0xb]  }
0x4c: {  	[tilespmem:s10], [sflag:$0x2] =	stream.linear.gather [hbm4b:s3+s4], $0x28, $0x38;
	[tilespmem:$0x19800] =	vst v63  }
0x4d: {  	s21 =	simm.s32 $0x100;
	s10 =	rddreg [dreg:$0xc]  }
0x4e: {  	[tilespmem:s21], [sflag:$0x3] =	stream.linear.gather [hbm4b:s10+s4], $0x28, $0x38;
	[tilespmem:$0x19800] =	vst v63  }
0x4f: {  	s22 =	rddreg [dreg:$0xd];
	s26 =	simm.s32 $0x500  }
0x50: {  	[tilespmem:s26], [sflag:$0x3] =	stream.linear.gather [hbm4b:s22+s4], $0x28, $0x38;
	[tilespmem:$0x19800] =	vst v63  }
0x51: {  	_ =	swait.ge [sflag:s13], $0x28  }
0x52: {  	[sflag:s13] =	ssyncset.done $0x0  }
0x53: {  	[sflag:s13] =	ssyncadd.s32 $0xFFFFFFD8  }
0x54: {  	_ =	swait.ge [sflag:s13], $0x28  }
0x55: {  	[sflag:s13] =	ssyncset.done $0x0  }
0x56: {  	[sflag:s13] =	ssyncadd.s32 $0xFFFFFFD8  }
0x57: {  	[tilespmem:s15], [sflag:$0x9] =	stream.indirect.gather [hbm4b:s1+s14], $0x80, s4, s14, $0xb8;
	[tilespmem:$0x19800] =	vst v63  }
0x58: {  	_ =	swait.ge [sflag:s16], $0x28  }
0x59: {  	[sflag:s16] =	ssyncset.done $0x0  }
0x5a: {  	[sflag:s16] =	ssyncadd.s32 $0xFFFFFFD8  }
0x5b: {  	_ =	swait.ge [sflag:s16], $0x28  }
0x5c: {  	[sflag:s16] =	ssyncset.done $0x0  }
0x5d: {  	[sflag:s16] =	ssyncadd.s32 $0xFFFFFFD8  }
0x5e: {  	[tilespmem:s28], [sflag:$0xA] =	stream.indirect.gather [hbm4b:s1+s14], $0x80, s29, s14, $0xb8;
	[tilespmem:$0x19800] =	vst v63  }
0x5f: {  	s29 =	simm.s32 $0x11  }
.Ltmp2:
0x60: {  	_ =	swait.ge [sflag:s29], $0x2800;
	(pc) =	sbr.rel .LBB2_2-.Ltmp2, $4  }
0x61: {  	[sflag:s29] =	ssyncset.done $0x0  }
0x62: {  	[sflag:s29] =	ssyncadd.s32 $0xFFFFD800  }
0x63: {  	s21 =	simm.s32 $0x7;
	[bflag:$0x0] =	sbarrier.arrive $0xFFFF  }
0x64: {  	s22 =	simm.s32 $0x0;
	s26 =	simm.s32 $0x0;
	s9 =	rddreg [dreg:$0x1a]  }
.LBB2_6:
0x65: {  	s22 =	sadd.s32 $0x28, s22  }
0x66: {  	p0 =	sne.s32 s22, $0x500  }
.Ltmp3:
0x67: {  	_ = 	snop;
	(pc) =	sbr.rel @!p0 .LBB2_7-.Ltmp3, $2  }
0x68: {  	_ =	sdelay $0x2  }
0x69: {  	s26 =	sadd.s32 $0x1, s26;
	s21 =	sadd.s32 $0x8, s21;
	s9 =	sadd.s32 $0x140, s9  }
.LBB2_2:
0x6a: {  	p0 =	seq.s32 s22, $0x0  }
0x6b: {  	_ =	swait.ge [sflag:s31], $0x1400;
	p1 =	seq.s32 @!p0 s22, $0x4D8  }
0x6c: {  	s8 =	simm.s32 $0x400;
	[sflag:s31] =	ssyncset.done $0x0;
	p1 =	por p0, !p1  }
.Ltmp4:
0x6d: {  	s29 =	simm.s32 @!p0 $0xF;
	[sflag:s31] =	ssyncadd.s32 $0xFFFFEC00;
	(pc) =	sbr.rel @!p1 .LBB2_4-.Ltmp4, $4  }
0x6e: {  	[spmem:s2] =	stream.indirect.scatter.add.f32 [tilespmem:s15], [sflag:$0xD], $0x80, s8, s14, $0xb8;
	[tilespmem:$0x19800] =	vst v63  }
0x6f: {  	_ =	swait.ge @!p0 [sflag:s29], $0x1400  }
0x70: {  	[sflag:s29] =	ssyncset.done @!p0 $0x0  }
0x71: {  	[sflag:s29] =	ssyncadd.s32 @!p0 $0xFFFFEC00  }
0x72: {  	_ =	swait.ge [sflag:s6], $0x28  }
0x73: {  	[sflag:s6] =	ssyncset.done $0x0  }
0x74: {  	[sflag:s6] =	ssyncadd.s32 $0xFFFFFFD8  }
0x75: {  	_ =	swait.ge [sflag:s6], $0x28  }
0x76: {  	[sflag:s6] =	ssyncset.done $0x0  }
0x77: {  	s8 =	simm.s32 $0x100;
	s29 =	sadd.s32 $0xFFFFFFFC, s21;
	[sflag:s6] =	ssyncadd.s32 $0xFFFFFFD8  }
0x78: {  	[tilespmem:s18], [sflag:$0xB] =	stream.indirect.gather [hbm4b:s1+s14], $0x80, s8, s14, $0xb8;
	[tilespmem:$0x19800] =	vst v63  }
0x79: {  	p1 =	sgt.u32 s29, $0xF9;
	s8 =	rddreg [dreg:$0x11]  }
0x7a: {  	s10 =	simm.s32 @!p1 $0x180;
	s29 =	sadd.s32 @!p1 s22, s8;
	s8 =	simm.s32 @!p1 $0x0  }
0x7b: {  	[tilespmem:s10], [sflag:$0x4] =	stream.linear.gather @!p1 [hbm4b:s29+s8], $0x28, $0x38;
	[tilespmem:$0x19800] =	vst v63  }
0x7c: {  	s10 =	rddreg [dreg:$0x10]  }
0x7d: {  	s29 =	simm.s32 @!p1 $0x580;
	s10 =	sadd.s32 @!p1 s22, s10  }
0x7e: {  	[tilespmem:s29], [sflag:$0x4] =	stream.linear.gather @!p1 [hbm4b:s10+s8], $0x28, $0x38;
	[tilespmem:$0x19800] =	vst v63  }
.LBB2_4:
0x7f: {  	_ =	swait.ge [sflag:s7], $0x1400  }
0x80: {  	p1 =	sgt.u32 @!p0 s26, $0x1E;
	[sflag:s7] =	ssyncset.done $0x0  }
0x81: {  	s8 =	simm.s32 $0x480;
	p1 =	por p0, !p1;
	[sflag:s7] =	ssyncadd.s32 $0xFFFFEC00  }
0x82: {  	[spmem:s2] =	stream.indirect.scatter.add.f32 [tilespmem:s28], [sflag:$0xE], $0x80, s8, s14, $0xb8;
	[tilespmem:$0x19800] =	vst v63  }
.Ltmp5:
0x83: {  	_ = 	snop;
	(pc) =	sbr.rel @!p1 .LBB2_6-.Ltmp5, $4  }
0x84: {  	s8 =	simm.s32 @!p0 $0x10  }
0x85: {  	_ =	swait.ge @!p0 [sflag:s8], $0x1400  }
0x86: {  	[sflag:s8] =	ssyncset.done @!p0 $0x0  }
0x87: {  	[sflag:s8] =	ssyncadd.s32 @!p0 $0xFFFFEC00  }
0x88: {  	_ =	swait.ge [sflag:s11], $0x28  }
0x89: {  	[sflag:s11] =	ssyncset.done $0x0  }
0x8a: {  	[sflag:s11] =	ssyncadd.s32 $0xFFFFFFD8  }
0x8b: {  	_ =	swait.ge [sflag:s11], $0x28  }
0x8c: {  	[sflag:s11] =	ssyncset.done $0x0  }
0x8d: {  	s8 =	simm.s32 $0x180;
	s10 =	rddreg [dreg:$0x1f];
	[sflag:s11] =	ssyncadd.s32 $0xFFFFFFD8  }
0x8e: {  	[tilespmem:s12], [sflag:$0xC] =	stream.indirect.gather [hbm4b:s1+s14], $0x80, s8, s14, $0xb8;
	[tilespmem:$0x19800] =	vst v63  }
0x8f: {  	s29 =	rddreg [dreg:$0x1e];
	s8 =	sadd.s32 s22, s10;
	s10 =	simm.s32 $0x200  }
0x90: {  	[tilespmem:s10], [sflag:$0x5] =	stream.linear.gather [hbm4b:s8+s4], $0x28, $0x38;
	[tilespmem:$0x19800] =	vst v63  }
0x91: {  	s8 =	sadd.s32 s22, s29;
	s29 =	simm.s32 $0x600  }
0x92: {  	[tilespmem:s29], [sflag:$0x5] =	stream.linear.gather [hbm4b:s8+s4], $0x28, $0x38;
	[tilespmem:$0x19800] =	vst v63  }
0x93: {  	_ =	swait.ge [sflag:s17], $0x1400  }
0x94: {  	[sflag:s17] =	ssyncset.done $0x0  }
0x95: {  	s3 =	simm.s32 $0x500;
	[sflag:s17] =	ssyncadd.s32 $0xFFFFEC00  }
0x96: {  	[spmem:s2] =	stream.indirect.scatter.add.f32 [tilespmem:s18], [sflag:$0xF], $0x80, s3, s14, $0xb8;
	[tilespmem:$0x19800] =	vst v63  }
0x97: {  	_ =	swait.ge [sflag:s19], $0x1400  }
0x98: {  	[sflag:s19] =	ssyncset.done $0x0  }
0x99: {  	[sflag:s19] =	ssyncadd.s32 $0xFFFFEC00  }
0x9a: {  	_ =	swait.ge [sflag:s20], $0x28  }
0x9b: {  	[sflag:s20] =	ssyncset.done $0x0  }
0x9c: {  	[sflag:s20] =	ssyncadd.s32 $0xFFFFFFD8  }
0x9d: {  	_ =	swait.ge [sflag:s20], $0x28  }
0x9e: {  	[sflag:s20] =	ssyncset.done $0x0  }
0x9f: {  	[sflag:s20] =	ssyncadd.s32 $0xFFFFFFD8  }
0xa0: {  	[tilespmem:s15], [sflag:$0x9] =	stream.indirect.gather [hbm4b:s1+s14], $0x80, s10, s14, $0xb8;
	[tilespmem:$0x19800] =	vst v63  }
0xa1: {  	s10 =	rddreg [dreg:$0x1c]  }
0xa2: {  	s3 =	rddreg [dreg:$0x1b];
	s8 =	sadd.s32 s22, s10;
	s10 =	simm.s32 $0x280  }
0xa3: {  	[tilespmem:s10], [sflag:$0x6] =	stream.linear.gather [hbm4b:s8+s4], $0x28, $0x38;
	[tilespmem:$0x19800] =	vst v63  }
0xa4: {  	s8 =	sadd.s32 s22, s3  }
0xa5: {  	[tilespmem:s30], [sflag:$0x6] =	stream.linear.gather [hbm4b:s8+s4], $0x28, $0x38;
	[tilespmem:$0x19800] =	vst v63  }
0xa6: {  	_ =	swait.ge [sflag:s23], $0x1400  }
0xa7: {  	[sflag:s23] =	ssyncset.done $0x0  }
0xa8: {  	s3 =	simm.s32 $0x580;
	[sflag:s23] =	ssyncadd.s32 $0xFFFFEC00  }
0xa9: {  	[spmem:s2] =	stream.indirect.scatter.add.f32 [tilespmem:s12], [sflag:$0x10], $0x80, s3, s14, $0xb8;
	[tilespmem:$0x19800] =	vst v63  }
0xaa: {  	_ =	swait.ge [sflag:s24], $0x1400  }
0xab: {  	[sflag:s24] =	ssyncset.done $0x0  }
0xac: {  	[sflag:s24] =	ssyncadd.s32 $0xFFFFEC00  }
0xad: {  	_ =	swait.ge [sflag:s25], $0x28  }
0xae: {  	[sflag:s25] =	ssyncset.done $0x0  }
0xaf: {  	[sflag:s25] =	ssyncadd.s32 $0xFFFFFFD8  }
0xb0: {  	_ =	swait.ge [sflag:s25], $0x28  }
0xb1: {  	[sflag:s25] =	ssyncset.done $0x0  }
0xb2: {  	[sflag:s25] =	ssyncadd.s32 $0xFFFFFFD8  }
0xb3: {  	[tilespmem:s28], [sflag:$0xA] =	stream.indirect.gather [hbm4b:s1+s14], $0x80, s10, s14, $0xb8;
	[tilespmem:$0x19800] =	vst v63  }
0xb4: {  	s10 =	rddreg [dreg:$0x19]  }
0xb5: {  	s3 =	rddreg [dreg:$0x18];
	s8 =	sadd.s32 s22, s10;
	s10 =	simm.s32 $0x300  }
0xb6: {  	[tilespmem:s10], [sflag:$0x7] =	stream.linear.gather [hbm4b:s8+s4], $0x28, $0x38;
	[tilespmem:$0x19800] =	vst v63  }
0xb7: {  	s8 =	sadd.s32 s22, s3;
	s3 =	simm.s32 $0x700  }
0xb8: {  	[tilespmem:s3], [sflag:$0x7] =	stream.linear.gather [hbm4b:s8+s4], $0x28, $0x38;
	[tilespmem:$0x19800] =	vst v63  }
0xb9: {  	_ =	swait.ge [sflag:s31], $0x1400  }
0xba: {  	[sflag:s31] =	ssyncset.done $0x0  }
0xbb: {  	[sflag:s31] =	ssyncadd.s32 $0xFFFFEC00  }
0xbc: {  	[spmem:s2] =	stream.indirect.scatter.add.f32 [tilespmem:s15], [sflag:$0xD], $0x80, s29, s14, $0xb8;
	[tilespmem:$0x19800] =	vst v63  }
0xbd: {  	s29 =	simm.s32 $0xF  }
0xbe: {  	_ =	swait.ge [sflag:s29], $0x1400  }
0xbf: {  	[sflag:s29] =	ssyncset.done $0x0  }
0xc0: {  	[sflag:s29] =	ssyncadd.s32 $0xFFFFEC00  }
0xc1: {  	_ =	swait.ge [sflag:s0], $0x28  }
0xc2: {  	[sflag:s0] =	ssyncset.done $0x0  }
0xc3: {  	[sflag:s0] =	ssyncadd.s32 $0xFFFFFFD8  }
0xc4: {  	_ =	swait.ge [sflag:s0], $0x28  }
0xc5: {  	[sflag:s0] =	ssyncset.done $0x0  }
0xc6: {  	p0 =	sgt.u32 s21, $0xF9;
	s8 =	rddreg [dreg:$0x13];
	[sflag:s0] =	ssyncadd.s32 $0xFFFFFFD8  }
0xc7: {  	[tilespmem:s18], [sflag:$0xB] =	stream.indirect.gather [hbm4b:s1+s14], $0x80, s10, s14, $0xb8;
	[tilespmem:$0x19800] =	vst v63  }
0xc8: {  	s29 =	simm.s32 @!p0 $0x380;
	s8 =	sadd.s32 @!p0 s22, s8;
	s10 =	simm.s32 @!p0 $0x0  }
0xc9: {  	[tilespmem:s29], [sflag:$0x8] =	stream.linear.gather @!p0 [hbm4b:s8+s10], $0x28, $0x38;
	[tilespmem:$0x19800] =	vst v63  }
0xca: {  	s8 =	rddreg [dreg:$0x12]  }
0xcb: {  	s29 =	simm.s32 @!p0 $0x780;
	s8 =	sadd.s32 @!p0 s22, s8  }
0xcc: {  	[tilespmem:s29], [sflag:$0x8] =	stream.linear.gather @!p0 [hbm4b:s8+s10], $0x28, $0x38;
	[tilespmem:$0x19800] =	vst v63  }
0xcd: {  	_ =	swait.ge [sflag:s7], $0x1400  }
0xce: {  	[sflag:s7] =	ssyncset.done $0x0  }
0xcf: {  	s29 =	simm.s32 $0x10;
	[sflag:s7] =	ssyncadd.s32 $0xFFFFEC00  }
0xd0: {  	[spmem:s2] =	stream.indirect.scatter.add.f32 [tilespmem:s28], [sflag:$0xE], $0x80, s30, s14, $0xb8;
	[tilespmem:$0x19800] =	vst v63  }
0xd1: {  	_ =	swait.ge [sflag:s29], $0x1400  }
0xd2: {  	[sflag:s29] =	ssyncset.done $0x0  }
0xd3: {  	[sflag:s29] =	ssyncadd.s32 $0xFFFFEC00  }
0xd4: {  	_ =	swait.ge [sflag:s5], $0x28  }
0xd5: {  	[sflag:s5] =	ssyncset.done $0x0  }
0xd6: {  	[sflag:s5] =	ssyncadd.s32 $0xFFFFFFD8  }
0xd7: {  	_ =	swait.ge [sflag:s5], $0x28  }
0xd8: {  	s10 =	simm.s32 $0x380;
	[sflag:s5] =	ssyncset.done $0x0  }
0xd9: {  	s8 =	sshrl.u32 s9, $0x3;
	s29 =	rddreg [dreg:$0x4];
	[sflag:s5] =	ssyncadd.s32 $0xFFFFFFD8  }
0xda: {  	[tilespmem:s12], [sflag:$0xC] =	stream.indirect.gather [hbm4b:s1+s14], $0x80, s10, s14, $0xb8;
	[tilespmem:$0x19800] =	vst v63  }
0xdb: {  	s10 =	sadd.s32 s29, s8;
	s29 =	rddreg [dreg:$0x5]  }
0xdc: {  	[tilespmem:s4], [sflag:$0x1] =	stream.linear.gather [hbm4b:s10+s4], $0x28, $0x38;
	[tilespmem:$0x19800] =	vst v63  }
0xdd: {  	s8 =	sadd.s32 s29, s8;
	s29 =	simm.s32 $0x400  }
0xde: {  	[tilespmem:s29], [sflag:$0x1] =	stream.linear.gather [hbm4b:s8+s4], $0x28, $0x38;
	[tilespmem:$0x19800] =	vst v63  }
0xdf: {  	_ =	swait.ge [sflag:s17], $0x1400  }
0xe0: {  	[sflag:s17] =	ssyncset.done $0x0  }
0xe1: {  	[sflag:s17] =	ssyncadd.s32 $0xFFFFEC00  }
0xe2: {  	[spmem:s2] =	stream.indirect.scatter.add.f32 [tilespmem:s18], [sflag:$0xF], $0x80, s3, s14, $0xb8;
	[tilespmem:$0x19800] =	vst v63  }
0xe3: {  	_ =	swait.ge [sflag:s19], $0x1400  }
0xe4: {  	[sflag:s19] =	ssyncset.done $0x0  }
0xe5: {  	[sflag:s19] =	ssyncadd.s32 $0xFFFFEC00  }
0xe6: {  	_ =	swait.ge [sflag:s13], $0x28  }
0xe7: {  	[sflag:s13] =	ssyncset.done $0x0  }
0xe8: {  	[sflag:s13] =	ssyncadd.s32 $0xFFFFFFD8  }
0xe9: {  	_ =	swait.ge [sflag:s13], $0x28  }
0xea: {  	[sflag:s13] =	ssyncset.done $0x0  }
0xeb: {  	s10 =	rddreg [dreg:$0x15];
	[sflag:s13] =	ssyncadd.s32 $0xFFFFFFD8  }
0xec: {  	[tilespmem:s15], [sflag:$0x9] =	stream.indirect.gather [hbm4b:s1+s14], $0x80, s4, s14, $0xb8;
	[tilespmem:$0x19800] =	vst v63  }
0xed: {  	s29 =	rddreg [dreg:$0x14];
	s8 =	sadd.s32 s22, s10;
	s10 =	simm.s32 $0x80  }
0xee: {  	[tilespmem:s10], [sflag:$0x2] =	stream.linear.gather [hbm4b:s8+s4], $0x28, $0x38;
	[tilespmem:$0x19800] =	vst v63  }
0xef: {  	s3 =	simm.s32 $0x480;
	s8 =	sadd.s32 s22, s29  }
0xf0: {  	[tilespmem:s3], [sflag:$0x2] =	stream.linear.gather [hbm4b:s8+s4], $0x28, $0x38;
	[tilespmem:$0x19800] =	vst v63  }
0xf1: {  	_ =	swait.ge [sflag:s23], $0x1400  }
0xf2: {  	[sflag:s23] =	ssyncset.done $0x0  }
0xf3: {  	s29 =	simm.s32 $0x780;
	[sflag:s23] =	ssyncadd.s32 $0xFFFFEC00  }
0xf4: {  	[spmem:s2] =	stream.indirect.scatter.add.f32 [tilespmem:s12], [sflag:$0x10], $0x80, s29, s14, $0xb8;
	[tilespmem:$0x19800] =	vst v63  }
0xf5: {  	_ =	swait.ge [sflag:s24], $0x1400  }
0xf6: {  	[sflag:s24] =	ssyncset.done $0x0  }
0xf7: {  	[sflag:s24] =	ssyncadd.s32 $0xFFFFEC00  }
0xf8: {  	_ =	swait.ge [sflag:s16], $0x28  }
0xf9: {  	[sflag:s16] =	ssyncset.done $0x0  }
0xfa: {  	[sflag:s16] =	ssyncadd.s32 $0xFFFFFFD8  }
0xfb: {  	_ =	swait.ge [sflag:s16], $0x28  }
0xfc: {  	p0 =	seq.s32 s22, $0x4B0;
	[sflag:s16] =	ssyncset.done $0x0  }
0xfd: {  	s29 =	simm.s32 @!p0 $0x100;
	s8 =	rddreg [dreg:$0x17];
	[sflag:s16] =	ssyncadd.s32 $0xFFFFFFD8  }
0xfe: {  	[tilespmem:s28], [sflag:$0xA] =	stream.indirect.gather [hbm4b:s1+s14], $0x80, s10, s14, $0xb8;
	[tilespmem:$0x19800] =	vst v63  }
.Ltmp6:
0xff: {  	s8 =	sadd.s32 @!p0 s22, s8;
	s10 =	simm.s32 @!p0 $0x0;
	(pc) =	sbr.rel .LBB2_6-.Ltmp6, $4  }
0x100: {  	[tilespmem:s29], [sflag:$0x3] =	stream.linear.gather @!p0 [hbm4b:s8+s10], $0x28, $0x38;
	[tilespmem:$0x19800] =	vst v63  }
0x101: {  	s8 =	rddreg [dreg:$0x16]  }
0x102: {  	s29 =	simm.s32 @!p0 $0x500;
	s8 =	sadd.s32 @!p0 s22, s8  }
0x103: {  	[tilespmem:s29], [sflag:$0x3] =	stream.linear.gather @!p0 [hbm4b:s8+s10], $0x28, $0x38;
	[tilespmem:$0x19800] =	vst v63  }
.LBB2_8:
0x104: {  	_ =	sfence.sel $0x180000  }
0x105: {  	[bflag:$0x0] =	sbarrier.arrive $0xFFFF  }
0x106: {  	_ =	strace $0x90000047  }
0x107: {  	s0 =	stileid.u32;
	[bflag:$0x2] =	sbarrier.arrive $0xFFFF  }
0x108: {  	p0 =	sne.s32 s0, $0x0;
	s0 =	rddreg [dreg:$0x3]  }
0x109: {  	s0 =	sadd.s32 @!p0 $0x100000, s0  }
0x10a: {  	[sflag:s0] =	ssyncadd.tile.s32 @!p0 $0x1;
	_ =	shalt  }
.Lfunc_end2:
_tile_overlayer_lowered:
.L_overlay_start_2:
0x10b: {  	(tag) =	ssettag $0x2  }
0x10c: {  	s0 =	rddreg [dreg:$0x0];
	s2 =	stileid.u32  }
0x10d: {  	s1 =	rddreg [dreg:$0x1];
	p0 =	sne.s32 s2, $0x0  }
0x10e: {  	s3 =	rddreg [dreg:$0x2];
	[bflag:$0x3] =	sbarrier.arrive $0xFFFF;
	s2 =	simm.s32 @!p0 $0x1C12  }
0x10f: {  	[timem:s3], [sflag:s2] =	dma.local @!p0 [hbm:s0], s1  }
0x110: {  	s0 =	simm.s32 @!p0 $0x12  }
0x111: {  	_ =	swait.ge @!p0 [sflag:s0], s1  }
0x112: {  	s1 =	ssub.s32 @!p0 $0x0, s1;
	[sflag:s0] =	ssyncset.done @!p0 $0x0  }
0x113: {  	[sflag:s0] =	ssyncadd.s32 @!p0 s1  }
0x114: {  	[bflag:$0x3] =	sbarrier.arrive $0xFFFF  }
0x115: {  	_ =	shalt  }

// kernel: kernel.14.cloned.1.call-start
scs
__scs_entry_jumppad:
0x0: {  	(pc) =	sbr.rel $0x88, $3  }
0x1: {  	(tag) =	ssettag $0x0;
	lr =	simm.s32 $0x1  }
0x2: {  	[smem:$0x3F74] =	sst lr;
	_ =	strace $0xD0000000  }
0x3: {  	_ = 	snop  }
0x4: {  	_ = 	snop  }
0x5: {  	_ = 	snop  }
0x6: {  	_ = 	snop  }
0x7: {  	_ = 	snop  }
__scs_overlays_trampoline_lowered:
0x8: {  	[smem:$0x3F83] =	sst s0  }
0x9: {  	[smem:$0x3F84] =	sst s1  }
0xa: {  	[smem:$0x3F85] =	sst s2  }
0xb: {  	[smem:$0x3F86] =	sst s3  }
0xc: {  	[smem:$0x3F87] =	sst s4  }
0xd: {  	[smem:$0x3F88] =	sst s5  }
0xe: {  	[smem:$0x3F89] =	sst s6  }
0xf: {  	[smem:$0x3F8A] =	sst s7  }
0x10: {  	[smem:$0x3F8B] =	sst s8  }
0x11: {  	[smem:$0x3F8C] =	sst s9;
	s0 =	simm.s32 @!p0 $0x0  }
0x12: {  	s1 =	sld [smem:$0x3F72];
	s0 =	simm.s32 @p0 $0x1  }
0x13: {  	[smem:$0x3F8D] =	sst s0;
	s0 =	simm.s32 @!p1 $0x0  }
0x14: {  	s2 =	sld [smem:$0x3F71];
	s0 =	simm.s32 @p1 $0x1  }
0x15: {  	[smem:$0x3F8E] =	sst s0;
	s0 =	simm.s32 @!p2 $0x0  }
0x16: {  	s3 =	sld [smem:$0x3FDB];
	s0 =	simm.s32 @p2 $0x1  }
0x17: {  	s4 =	simm.s32 $0x1BF5;
	[smem:$0x3F90] =	sst s0  }
0x18: {  	s0 =	sld [smem:$0x3F73];
	_ =	swait.ge [sflag:s4], $0x0  }
0x19: {  	s7 =	sld [smem:$0x3F74]  }
0x1a: {  	s8 =	sadd.s32 $0xFFFFE003, lr  }
0x1b: {  	s9 =	sadd.s32 $0xFFFFFEF7, lr;
	s5 =	simm.s32 $0xFFFFFFFF;
	p2 =	slt.u32 s8, $0xFFFFF086  }
0x1c: {  	p1 =	slt.u32 s9, $0xF7A;
	s5 =	simm.s32 @!p2 $0x0  }
0x1d: {  	s5 =	simm.s32 @p1 $0x1;
	p0 =	seq.s32 s7, s2  }
0x1e: {  	s7 =	smul.u32 @!p0 $0xF7A, s2;
	p2 =	seq.s32 @!p0 s5, $0x0  }
0x1f: {  	s9 =	smul.u32 $0xF7A, s1;
	s8 =	simm.s32 @!p0 $0x1BF5;
	p2 =	por !p2, p0  }
0x20: {  	[sflag:s8] =	ssyncset.s32 @!p0 $0xFFFFF086;
	s6 =	sadd.s32 @!p0 s3, s7;
	s7 =	simm.s32 @!p0 $0x108  }
0x21: {  	s3 =	sadd.s32 s3, s9;
	s6 =	sadd.s32 @!p0 $0x88, s6;
	s7 =	simm.s32 @p2 $0x1082  }
0x22: {  	[simem:s7], [sflag:s8] =	dma.local @!p0 [hbm:s6], $0xF7A  }
0x23: {  	s9 =	sor.u32 $0xD0000000, s2;
	s6 =	simm.s32 $0x108;
	_ =	swait.ge @!p0 [sflag:s8], $0x0  }
0x24: {  	s3 =	sadd.s32 $0x88, s3;
	s6 =	simm.s32 @!p1 $0x1082;
	[sflag:s4] =	ssyncset.s32 $0xFFFFF086  }
0x25: {  	[simem:s6], [sflag:s4] =	dma.local [hbm:s3], $0xF7A  }
0x26: {  	[smem:$0x3F74] =	sst s1;
	(tag) =	ssettag s2;
	_ =	strace s9  }
0x27: {  	s1 =	sld [smem:$0x3F84]  }
0x28: {  	s2 =	sld [smem:$0x3F85]  }
0x29: {  	s4 =	sld [smem:$0x3F87]  }
0x2a: {  	p0 =	seq.s32 s5, $0x0;
	s5 =	sld [smem:$0x3F88]  }
0x2b: {  	s6 =	sld [smem:$0x3F89]  }
0x2c: {  	s7 =	sld [smem:$0x3F8A]  }
0x2d: {  	s3 =	simm.s32 $0x108;
	s8 =	sld [smem:$0x3F8B]  }
0x2e: {  	s3 =	simm.s32 @!p0 $0x1082;
	s9 =	sld [smem:$0x3F8C]  }
0x2f: {  	lr =	sadd.s32 s0, s3;
	s0 =	sld [smem:$0x3F83]  }
0x30: {  	s3 =	sld [smem:$0x3F86]  }
0x31: {  	[smem:$0x3F8F] =	sst s10  }
0x32: {  	s10 =	sld [smem:$0x3F8D];
	_ =	sdelay $0x3  }
0x33: {  	p0 =	seq.s32 s10, $0x1;
	s10 =	sld [smem:$0x3F8F];
	_ =	sdelay $0x3  }
0x34: {  	[smem:$0x3F8F] =	sst s10  }
0x35: {  	s10 =	sld [smem:$0x3F8E];
	_ =	sdelay $0x3  }
0x36: {  	p1 =	seq.s32 s10, $0x1;
	s10 =	sld [smem:$0x3F8F];
	_ =	sdelay $0x3  }
0x37: {  	[smem:$0x3F8F] =	sst s10  }
0x38: {  	s10 =	sld [smem:$0x3F90]  }
0x39: {  	_ = 	snop;
	(pc) =	sbr.ind lr, $3  }
0x3a: {  	_ = 	snop  }
0x3b: {  	_ = 	snop  }
0x3c: {  	p2 =	seq.s32 s10, $0x1;
	s10 =	sld [smem:$0x3F8F]  }
0x3d: {  	_ =	shalt  }
0x3e: {  	_ =	shalt  }
0x3f: {  	_ =	shalt  }
0x40: {  	_ =	shalt  }
0x41: {  	_ =	shalt  }
0x42: {  	_ =	shalt  }
0x43: {  	_ =	shalt  }
0x44: {  	_ =	shalt  }
0x45: {  	_ =	shalt  }
0x46: {  	_ =	shalt  }
0x47: {  	_ =	shalt  }
0x48: {  	_ =	shalt  }
0x49: {  	_ =	shalt  }
0x4a: {  	_ =	shalt  }
0x4b: {  	_ =	shalt  }
0x4c: {  	_ =	shalt  }
0x4d: {  	_ =	shalt  }
0x4e: {  	_ =	shalt  }
0x4f: {  	_ =	shalt  }
0x50: {  	_ =	shalt  }
0x51: {  	_ =	shalt  }
0x52: {  	_ =	shalt  }
0x53: {  	_ =	shalt  }
0x54: {  	_ =	shalt  }
0x55: {  	_ =	shalt  }
0x56: {  	_ =	shalt  }
0x57: {  	_ =	shalt  }
0x58: {  	_ =	shalt  }
0x59: {  	_ =	shalt  }
0x5a: {  	_ =	shalt  }
0x5b: {  	_ =	shalt  }
0x5c: {  	_ =	shalt  }
0x5d: {  	_ =	shalt  }
0x5e: {  	_ =	shalt  }
0x5f: {  	_ =	shalt  }
0x60: {  	_ =	shalt  }
0x61: {  	_ =	shalt  }
0x62: {  	_ =	shalt  }
0x63: {  	_ =	shalt  }
0x64: {  	_ =	shalt  }
0x65: {  	_ =	shalt  }
0x66: {  	_ =	shalt  }
0x67: {  	_ =	shalt  }
0x68: {  	_ =	shalt  }
0x69: {  	_ =	shalt  }
0x6a: {  	_ =	shalt  }
0x6b: {  	_ =	shalt  }
0x6c: {  	_ =	shalt  }
0x6d: {  	_ =	shalt  }
0x6e: {  	_ =	shalt  }
0x6f: {  	_ =	shalt  }
0x70: {  	_ =	shalt  }
0x71: {  	_ =	shalt  }
0x72: {  	_ =	shalt  }
0x73: {  	_ =	shalt  }
0x74: {  	_ =	shalt  }
0x75: {  	_ =	shalt  }
0x76: {  	_ =	shalt  }
0x77: {  	_ =	shalt  }
0x78: {  	_ =	shalt  }
0x79: {  	_ =	shalt  }
0x7a: {  	_ =	shalt  }
0x7b: {  	_ =	shalt  }
0x7c: {  	_ =	shalt  }
0x7d: {  	_ =	shalt  }
0x7e: {  	_ =	shalt  }
0x7f: {  	_ =	shalt  }
0x80: {  	_ =	shalt  }
0x81: {  	_ =	shalt  }
0x82: {  	_ =	shalt  }
0x83: {  	_ =	shalt  }
0x84: {  	_ =	shalt  }
0x85: {  	_ =	shalt  }
0x86: {  	_ =	shalt  }
0x87: {  	_ =	shalt  }
.Lfunc_end0:
.L_simem_size_0:
called_computation.1_lowered:
.L_overlay_start_0:
0x88: {  	s2 =	sld [smem:$0x3FD9]  }
0x89: {  	s3 =	sld [smem:$0x3FFE];
	_ =	sdelay $0x1  }
0x8a: {  	s1 =	srdreg.scid  }
0x8b: {  	s0 =	sand.u32 $0x1, s1  }
0x8c: {  	s16 =	sshll.u32 s0, $0xA;
	s2 =	sadd.s32 s3, s2  }
0x8d: {  	s2 =	sadd.s32 s2, s16  }
0x8e: {  	[smem:$0x3F9B] =	sst s2  }
0x8f: {  	_ = 	snop  }
0x90: {  	(tm) =	ssettm $0x1  }
0x91: {  	s17 =	sld [smem:$0x3FFB];
	_ =	sdelay $0x3  }
0x92: {  	_ =	strace s17  }
0x93: {  	s2 =	sld [smem:$0x3FFC];
	_ =	sdelay $0x3  }
0x94: {  	_ =	strace s2  }
0x95: {  	s2 =	sld [smem:$0x3FFD];
	_ =	sdelay $0x3  }
0x96: {  	_ =	strace s2  }
0x97: {  	_ =	strace $0x8FFFFFFF  }
0x98: {  	s18 =	sld [smem:$0x3FDB];
	_ =	sdelay $0x1  }
0x99: {  	s19 =	simm.s32 $_scs_section_size  }
0x9a: {  	s4 =	simm.s32 $_size__tile_overlayer_lowered;
	s5 =	simm.s32 $_tile_overlayer_lowered  }
0x9b: {  	s22 =	simm.s32 $0x1BFF;
	s21 =	sshll.u32 s5, $0x1;
	s2 =	sadd.s32 s19, s18  }
0x9c: {  	s6 =	simm.s32 $0x0;
	s20 =	sshll.u32 s4, $0x1;
	s4 =	sadd.s32 s21, s2  }
0x9d: {  	[timem:s6], [sflag:s22] =	dma.local [hbm:s4], s20  }
0x9e: {  	_ =	swait.ge [sflag:s22], s20  }
0x9f: {  	s3 =	ssub.s32 $0x0, s20;
	[sflag:s22] =	ssyncset.done $0x0  }
0xa0: {  	[sflag:s22] =	ssyncadd.s32 s3;
	_ =	sdelay $0x1  }
0xa1: {  	s23 =	simm.s32 $0x1B8B  }
0xa2: {  	_ =	swait.ge [sflag:s23], $0x1  }
0xa3: {  	[sflag:s23] =	ssyncset.done $0x0  }
0xa4: {  	s25 =	simm.s32 $0x1B8E;
	s24 =	sld [smem:$0x3FFE];
	[sflag:s23] =	ssyncadd.s32 $0xFFFFFFFF  }
0xa5: {  	s26 =	simm.s32 $execute0_lowered;
	[smem:$0x3FD2] =	sst s25  }
0xa6: {  	s4 =	sshll.u32 s26, $0x1;
	_ =	strace $0x80000049;
	[dreg:$0x1] =	wrdreg $0xFFFFFFFF  }
0xa7: {  	s28 =	simm.s32 $_size_execute0_lowered;
	s2 =	sadd.s32 s2, s4;
	[dreg:$0x0] =	wrdreg $0x0  }
0xa8: {  	s4 =	sshll.u32 s28, $0x1;
	[dreg:$0x2] =	wrdreg s2  }
0xa9: {  	[dreg:$0x3] =	wrdreg s4  }
0xaa: {  	[dreg:$0x4] =	wrdreg $0xC0  }
0xab: {  	_ =	task [dreg:s6], $0x5FFFF  }
0xac: {  	[dreg:$0x1] =	wrdreg $0xFFFFFFFF  }
0xad: {  	[dreg:$0x0] =	wrdreg $0x60  }
0xae: {  	[dreg:$0x2] =	wrdreg s24  }
0xaf: {  	[dreg:$0x3] =	wrdreg $0x58000  }
0xb0: {  	[dreg:$0x4] =	wrdreg $0x9  }
0xb1: {  	_ =	task.clear_ibuf [dreg:s6], $0x5FFFF;
	_ =	strace $0x90000049  }
0xb2: {  	s29 =	simm.s32 $0x9;
	_ =	strace $0x8000004B  }
0xb3: {  	_ =	swait.ge [sflag:s29], $0x1  }
0xb4: {  	[sflag:s29] =	ssyncadd.s32 $0xFFFFFFFF  }
0xb5: {  	_ =	strace $0x9000004B  }
0xb6: {  	_ =	sfence  }
0xb7: {  	s30 =	sld [smem:$0x0];
	_ =	sdelay $0x2  }
0xb8: {  	s31 =	sshll.u32 s1, $0xD;
	s1 =	sshrl.u32 s1, $0x2  }
0xb9: {  	s3 =	sand.u32 $0x4000, s31;
	s1 =	sadd.s32 s1, s30  }
0xba: {  	s0 =	sor.u32 s3, s0;
	s1 =	sshll.u32 s1, $0x11  }
0xbb: {  	s0 =	sor.u32 s1, s0  }
0xbc: {  	s0 =	sadd.s32 $0x8F2B, s0  }
0xbd: {  	[sflag:s0] =	ssyncadd.remote.s32 $0x1  }
0xbe: {  	_ =	sfence.sel $0xFFFF  }
0xbf: {  	[dreg:$0x0] =	wrdreg $0xFFFFFFFF;
	(pc) =	sbr.abs _section_cstart, $3  }
0xc0: {  	[dreg:$0x1] =	wrdreg $0xFFFFFFFF  }
0xc1: {  	_ =	task.clear_ibuf [dreg:s6], $0x2FFFF;
	_ =	strace $0x9FFFFFFF  }
0xc2: {  	(tm) =	ssettm $0x7FFFFFFF  }
0xc3: {  	_ =	shalt  }
tec
execute0_lowered:
.L_overlay_start_1:
0x0: {  	(tag) =	ssettag $0x1  }
0x1: {  	s0 =	rddreg [dreg:$0x0]  }
0x2: {  	s1 =	rddreg [dreg:$0x1];
	s2 =	srdreg.scid  }
0x3: {  	s3 =	simm.s32 $0x0;
	s9 =	stileid.u32;
	s28 =	simm.s32 $0x1C00  }
0x4: {  	s31 =	simm.s32 $0x9;
	s30 =	simm.s32 $0x680;
	s6 =	smul.u32 $0x14000, s9  }
0x5: {  	s2 =	sand.u32 $0x1, s2;
	[smem:$0x7FF] =	sst s3;
	s18 =	smul.u32 $0x50000, s9  }
0x6: {  	s4 =	sadd.s32 $0x1E800, s0;
	s10 =	sadd.s32 $0x12200, s0;
	s21 =	smul.u32 $0x2710, s9  }
0x7: {  	s11 =	sadd.s32 $0x8400, s0;
	s7 =	sadd.s32 $0x1C000, s0;
	s5 =	smul.u32 $0x140000, s2  }
0x8: {  	_ =	strace $0x8000004A;
	[dreg:$0x5] =	wrdreg s7;
	s17 =	sshll.u32 s2, $0x4  }
0x9: {  	s19 =	ssub.s32 $0x2, s2;
	s2 =	smul.u32 $0x27100, s2;
	[dreg:$0x4] =	wrdreg s11  }
0xa: {  	[dreg:$0x3] =	wrdreg s10;
	s8 =	sshrl.u32 s19, $0x1;
	s7 =	sshrl.u32 s18, $0x2  }
0xb: {  	s5 =	sadd.s32 s6, s5;
	s6 =	sor.u32 s9, s17;
	s7 =	sadd.s32 s7, s1  }
0xc: {  	s2 =	sadd.s32 s21, s2;
	s5 =	sshrl.u32 s5, $0x3;
	s6 =	smul.u32 $0x2710, s6  }
0xd: {  	[dreg:$0x6] =	wrdreg s7;
	s25 =	sadd.s32 $0x78, s2;
	s13 =	sadd.s32 $0x190, s2  }
0xe: {  	s17 =	sadd.s32 $0xF0, s2;
	s0 =	sadd.s32 s5, s0;
	s5 =	ssub.s32 s19, s8  }
0xf: {  	s26 =	sshrl.u32 s25, $0x3;
	s8 =	sadd.s32 $0x168, s2;
	s25 =	sshll.u32 s9, $0x6  }
0x10: {  	s15 =	sshrl.u32 s13, $0x3;
	s0 =	sadd.s32 $0x6EE00, s0;
	[dreg:$0x1c] =	wrdreg s25  }
0x11: {  	s18 =	sshrl.u32 s17, $0x3;
	s5 =	smax.u32 s5, $0x1;
	[dreg:$0xd] =	wrdreg s0  }
0x12: {  	s19 =	sadd.s32 $0xC8, s2;
	s29 =	sadd.s32 s26, s11;
	[dreg:$0xe] =	wrdreg s5  }
0x13: {  	s20 =	sshrl.u32 s6, $0x3;
	s16 =	sadd.s32 s15, s11;
	[dreg:$0xf] =	wrdreg s29  }
0x14: {  	s13 =	simm.s32 $0x1;
	s12 =	sadd.s32 s10, s20;
	[dreg:$0x15] =	wrdreg s16  }
0x15: {  	s17 =	simm.s32 $0xB;
	s22 =	sadd.s32 s11, s20;
	[dreg:$0x7] =	wrdreg s12  }
0x16: {  	s6 =	sadd.s32 $0x28, s6;
	s0 =	sadd.s32 s26, s10;
	[dreg:$0x8] =	wrdreg s22  }
0x17: {  	s7 =	sadd.s32 $0xA, s20;
	s20 =	sadd.s32 s18, s11;
	[dreg:$0x10] =	wrdreg s0  }
0x18: {  	s6 =	sshrl.u32 s6, $0x3;
	s29 =	sor.u32 $0x1C11, s25;
	[dreg:$0x17] =	wrdreg s20  }
0x19: {  	s9 =	simm.s32 $0x0;
	s23 =	sadd.s32 s10, s6;
	[dreg:$0x1f] =	wrdreg s29  }
0x1a: {  	s21 =	sshrl.u32 s19, $0x3;
	s6 =	sadd.s32 s11, s6;
	[dreg:$0x9] =	wrdreg s23  }
0x1b: {  	s19 =	simm.s32 $0xD;
	s24 =	sadd.s32 s10, s7;
	[dreg:$0xa] =	wrdreg s6  }
0x1c: {  	s5 =	sshrl.u32 s8, $0x3;
	s7 =	sadd.s32 s11, s7;
	[dreg:$0xb] =	wrdreg s24  }
0x1d: {  	s16 =	simm.s32 $0x2;
	s14 =	sadd.s32 s5, s11;
	[dreg:$0xc] =	wrdreg s7  }
0x1e: {  	s25 =	simm.s32 $0x6;
	s5 =	sadd.s32 s5, s10;
	[dreg:$0x13] =	wrdreg s14  }
0x1f: {  	s22 =	sadd.s32 $0x140, s2;
	s20 =	simm.s32 $0x5;
	[dreg:$0x14] =	wrdreg s5  }
0x20: {  	s6 =	sadd.s32 $0x118, s2;
	[dreg:$0x19] =	wrdreg s22;
	s2 =	sadd.s32 $0xA0, s2  }
0x21: {  	s23 =	sadd.s32 s21, s11;
	s14 =	simm.s32 $0x28;
	s5 =	simm.s32 $0x8  }
0x22: {  	s7 =	sshrl.u32 s6, $0x3;
	[dreg:$0x1a] =	wrdreg s23;
	s24 =	sshrl.u32 s2, $0x3  }
0x23: {  	s23 =	simm.s32 $0xC;
	s6 =	simm.s32 $0x3;
	s12 =	sadd.s32 s7, s11  }
0x24: {  	s0 =	sadd.s32 s7, s10;
	s26 =	sadd.s32 s24, s11;
	[dreg:$0x11] =	wrdreg s12  }
0x25: {  	s7 =	simm.s32 $0xA;
	s11 =	simm.s32 $0x4;
	[dreg:$0x12] =	wrdreg s0  }
.Ltmp0:
0x26: {  	s0 =	sadd.s32 s15, s10;
	[dreg:$0x1d] =	wrdreg s26;
	(pc) =	sbr.rel .LBB2_1-.Ltmp0, $4  }
0x27: {  	s15 =	simm.s32 $0x800;
	[dreg:$0x16] =	wrdreg s0;
	s0 =	sadd.s32 s18, s10  }
0x28: {  	s12 =	simm.s32 $0x4400;
	[dreg:$0x18] =	wrdreg s0;
	s0 =	sadd.s32 s21, s10  }
0x29: {  	s18 =	simm.s32 $0x3000;
	[dreg:$0x1b] =	wrdreg s0;
	s0 =	sadd.s32 s24, s10  }
0x2a: {  	s24 =	simm.s32 $0xE;
	[dreg:$0x1e] =	wrdreg s0;
	s0 =	simm.s32 $0x7  }
.LBB2_7:
0x2b: {  	_ =	swait.ge [sflag:s19], $0x1400  }
0x2c: {  	[sflag:s19] =	ssyncset.done $0x0  }
0x2d: {  	[sflag:s19] =	ssyncadd.s32 $0xFFFFEC00  }
0x2e: {  	_ =	swait.ge [sflag:s24], $0x1400  }
0x2f: {  	[sflag:s24] =	ssyncset.done $0x0  }
0x30: {  	[sflag:s24] =	ssyncadd.s32 $0xFFFFEC00  }
0x31: {  	[bflag:$0x0] =	sbarrier.arrive $0xFFFF  }
0x32: {  	s2 =	sld [smem:$0x7FD]  }
0x33: {  	s8 =	rddreg [dreg:$0x1c]  }
0x34: {  	s22 =	simm.s32 $0x12;
	s9 =	rddreg [dreg:$0xd];
	s8 =	sor.u32 $0x1C12, s8  }
0x35: {  	[hbm:s9], [sflag:s8] =	dma.local [spmem:s2], $0x2800  }
0x36: {  	_ =	swait.ge [sflag:s22], $0x2800  }
0x37: {  	s26 =	sld [smem:$0x7FC];
	_ =	sdelay $0x2  }
0x38: {  	s29 =	rddreg [dreg:$0xe];
	s9 =	sadd.s32 $0x1, s26  }
0x39: {  	p0 =	sne.s32 s9, s29  }
.Ltmp1:
0x3a: {  	_ = 	snop;
	(pc) =	sbr.rel @!p0 .LBB2_8-.Ltmp1, $3  }
0x3b: {  	_ =	sdelay $0x1  }
0x3c: {  	[sflag:s22] =	ssyncset.done $0x0  }
0x3d: {  	[sflag:s22] =	ssyncadd.s32 $0xFFFFD800  }
.LBB2_1:
0x3e: {  	[smem:$0x7FC] =	sst s9  }
0x3f: {  	s8 =	rddreg [dreg:$0x6]  }
0x40: {  	s9 =	rddreg [dreg:$0x5]  }
0x41: {  	s10 =	rddreg [dreg:$0x1f];
	s2 =	sshrl.u32 s8, $0x3  }
0x42: {  	[smem:$0x7FD] =	sst s2  }
0x43: {  	[spmem:s2], [sflag:s10] =	dma.local [hbm:s9], $0x2800  }
0x44: {  	s8 =	rddreg [dreg:$0x7]  }
0x45: {  	[tilespmem:s3], [sflag:$0x1] =	stream.linear.gather [hbm4b:s8+s3], $0x28, $0x38;
	[tilespmem:$0x19800] =	vst v63  }
0x46: {  	s22 =	simm.s32 $0x400;
	s21 =	rddreg [dreg:$0x8]  }
0x47: {  	[tilespmem:s22], [sflag:$0x1] =	stream.linear.gather [hbm4b:s21+s3], $0x28, $0x38;
	[tilespmem:$0x19800] =	vst v63  }
0x48: {  	s29 =	simm.s32 $0x80;
	s26 =	rddreg [dreg:$0x9]  }
0x49: {  	[tilespmem:s29], [sflag:$0x2] =	stream.linear.gather [hbm4b:s26+s3], $0x28, $0x38;
	[tilespmem:$0x19800] =	vst v63  }
0x4a: {  	s10 =	simm.s32 $0x480;
	s2 =	rddreg [dreg:$0xa]  }
0x4b: {  	[tilespmem:s10], [sflag:$0x2] =	stream.linear.gather [hbm4b:s2+s3], $0x28, $0x38;
	[tilespmem:$0x19800] =	vst v63  }
0x4c: {  	s21 =	simm.s32 $0x100;
	s10 =	rddreg [dreg:$0xb]  }
0x4d: {  	[tilespmem:s21], [sflag:$0x3] =	stream.linear.gather [hbm4b:s10+s3], $0x28, $0x38;
	[tilespmem:$0x19800] =	vst v63  }
0x4e: {  	s22 =	rddreg [dreg:$0xc];
	s26 =	simm.s32 $0x500  }
0x4f: {  	[tilespmem:s26], [sflag:$0x3] =	stream.linear.gather [hbm4b:s22+s3], $0x28, $0x38;
	[tilespmem:$0x19800] =	vst v63  }
0x50: {  	_ =	swait.ge [sflag:s13], $0x28  }
0x51: {  	[sflag:s13] =	ssyncset.done $0x0  }
0x52: {  	[sflag:s13] =	ssyncadd.s32 $0xFFFFFFD8  }
0x53: {  	_ =	swait.ge [sflag:s13], $0x28  }
0x54: {  	[sflag:s13] =	ssyncset.done $0x0  }
0x55: {  	[sflag:s13] =	ssyncadd.s32 $0xFFFFFFD8  }
0x56: {  	[tilespmem:s15], [sflag:$0x9] =	stream.indirect.gather [hbm4b:s4+s14], $0x80, s3, s14, $0xb8;
	[tilespmem:$0x19800] =	vst v63  }
0x57: {  	_ =	swait.ge [sflag:s16], $0x28  }
0x58: {  	[sflag:s16] =	ssyncset.done $0x0  }
0x59: {  	[sflag:s16] =	ssyncadd.s32 $0xFFFFFFD8  }
0x5a: {  	_ =	swait.ge [sflag:s16], $0x28  }
0x5b: {  	[sflag:s16] =	ssyncset.done $0x0  }
0x5c: {  	[sflag:s16] =	ssyncadd.s32 $0xFFFFFFD8  }
0x5d: {  	[tilespmem:s28], [sflag:$0xA] =	stream.indirect.gather [hbm4b:s4+s14], $0x80, s29, s14, $0xb8;
	[tilespmem:$0x19800] =	vst v63  }
0x5e: {  	s29 =	simm.s32 $0x11  }
.Ltmp2:
0x5f: {  	_ =	swait.ge [sflag:s29], $0x2800;
	(pc) =	sbr.rel .LBB2_2-.Ltmp2, $4  }
0x60: {  	[sflag:s29] =	ssyncset.done $0x0  }
0x61: {  	[sflag:s29] =	ssyncadd.s32 $0xFFFFD800  }
0x62: {  	s21 =	simm.s32 $0x7;
	[bflag:$0x0] =	sbarrier.arrive $0xFFFF  }
0x63: {  	s22 =	simm.s32 $0x0;
	s26 =	simm.s32 $0x0;
	s9 =	rddreg [dreg:$0x19]  }
.LBB2_6:
0x64: {  	s22 =	sadd.s32 $0x28, s22  }
0x65: {  	p0 =	sne.s32 s22, $0x500  }
.Ltmp3:
0x66: {  	_ = 	snop;
	(pc) =	sbr.rel @!p0 .LBB2_7-.Ltmp3, $2  }
0x67: {  	_ =	sdelay $0x2  }
0x68: {  	s26 =	sadd.s32 $0x1, s26;
	s21 =	sadd.s32 $0x8, s21;
	s9 =	sadd.s32 $0x140, s9  }
.LBB2_2:
0x69: {  	p0 =	seq.s32 s22, $0x0  }
0x6a: {  	_ =	swait.ge [sflag:s31], $0x1400;
	p1 =	seq.s32 @!p0 s22, $0x4D8  }
0x6b: {  	s8 =	simm.s32 $0x400;
	[sflag:s31] =	ssyncset.done $0x0;
	p1 =	por p0, !p1  }
.Ltmp4:
0x6c: {  	s29 =	simm.s32 @!p0 $0xF;
	[sflag:s31] =	ssyncadd.s32 $0xFFFFEC00;
	(pc) =	sbr.rel @!p1 .LBB2_4-.Ltmp4, $4  }
0x6d: {  	[spmem:s1] =	stream.indirect.scatter.add.f32 [tilespmem:s15], [sflag:$0xD], $0x80, s8, s14, $0xb8;
	[tilespmem:$0x19800] =	vst v63  }
0x6e: {  	_ =	swait.ge @!p0 [sflag:s29], $0x1400  }
0x6f: {  	[sflag:s29] =	ssyncset.done @!p0 $0x0  }
0x70: {  	[sflag:s29] =	ssyncadd.s32 @!p0 $0xFFFFEC00  }
0x71: {  	_ =	swait.ge [sflag:s6], $0x28  }
0x72: {  	[sflag:s6] =	ssyncset.done $0x0  }
0x73: {  	[sflag:s6] =	ssyncadd.s32 $0xFFFFFFD8  }
0x74: {  	_ =	swait.ge [sflag:s6], $0x28  }
0x75: {  	[sflag:s6] =	ssyncset.done $0x0  }
0x76: {  	s8 =	simm.s32 $0x100;
	s29 =	sadd.s32 $0xFFFFFFFC, s21;
	[sflag:s6] =	ssyncadd.s32 $0xFFFFFFD8  }
0x77: {  	[tilespmem:s18], [sflag:$0xB] =	stream.indirect.gather [hbm4b:s4+s14], $0x80, s8, s14, $0xb8;
	[tilespmem:$0x19800] =	vst v63  }
0x78: {  	p1 =	sgt.u32 s29, $0xF9;
	s8 =	rddreg [dreg:$0x10]  }
0x79: {  	s10 =	simm.s32 @!p1 $0x180;
	s29 =	sadd.s32 @!p1 s22, s8;
	s8 =	simm.s32 @!p1 $0x0  }
0x7a: {  	[tilespmem:s10], [sflag:$0x4] =	stream.linear.gather @!p1 [hbm4b:s29+s8], $0x28, $0x38;
	[tilespmem:$0x19800] =	vst v63  }
0x7b: {  	s10 =	rddreg [dreg:$0xf]  }
0x7c: {  	s29 =	simm.s32 @!p1 $0x580;
	s10 =	sadd.s32 @!p1 s22, s10  }
0x7d: {  	[tilespmem:s29], [sflag:$0x4] =	stream.linear.gather @!p1 [hbm4b:s10+s8], $0x28, $0x38;
	[tilespmem:$0x19800] =	vst v63  }
.LBB2_4:
0x7e: {  	_ =	swait.ge [sflag:s7], $0x1400  }
0x7f: {  	p1 =	sgt.u32 @!p0 s26, $0x1E;
	[sflag:s7] =	ssyncset.done $0x0  }
0x80: {  	s8 =	simm.s32 $0x480;
	p1 =	por p0, !p1;
	[sflag:s7] =	ssyncadd.s32 $0xFFFFEC00  }
0x81: {  	[spmem:s1] =	stream.indirect.scatter.add.f32 [tilespmem:s28], [sflag:$0xE], $0x80, s8, s14, $0xb8;
	[tilespmem:$0x19800] =	vst v63  }
.Ltmp5:
0x82: {  	_ = 	snop;
	(pc) =	sbr.rel @!p1 .LBB2_6-.Ltmp5, $4  }
0x83: {  	s8 =	simm.s32 @!p0 $0x10  }
0x84: {  	_ =	swait.ge @!p0 [sflag:s8], $0x1400  }
0x85: {  	[sflag:s8] =	ssyncset.done @!p0 $0x0  }
0x86: {  	[sflag:s8] =	ssyncadd.s32 @!p0 $0xFFFFEC00  }
0x87: {  	_ =	swait.ge [sflag:s11], $0x28  }
0x88: {  	[sflag:s11] =	ssyncset.done $0x0  }
0x89: {  	[sflag:s11] =	ssyncadd.s32 $0xFFFFFFD8  }
0x8a: {  	_ =	swait.ge [sflag:s11], $0x28  }
0x8b: {  	[sflag:s11] =	ssyncset.done $0x0  }
0x8c: {  	s8 =	simm.s32 $0x180;
	s10 =	rddreg [dreg:$0x1e];
	[sflag:s11] =	ssyncadd.s32 $0xFFFFFFD8  }
0x8d: {  	[tilespmem:s12], [sflag:$0xC] =	stream.indirect.gather [hbm4b:s4+s14], $0x80, s8, s14, $0xb8;
	[tilespmem:$0x19800] =	vst v63  }
0x8e: {  	s29 =	rddreg [dreg:$0x1d];
	s8 =	sadd.s32 s22, s10;
	s10 =	simm.s32 $0x200  }
0x8f: {  	[tilespmem:s10], [sflag:$0x5] =	stream.linear.gather [hbm4b:s8+s3], $0x28, $0x38;
	[tilespmem:$0x19800] =	vst v63  }
0x90: {  	s8 =	sadd.s32 s22, s29;
	s29 =	simm.s32 $0x600  }
0x91: {  	[tilespmem:s29], [sflag:$0x5] =	stream.linear.gather [hbm4b:s8+s3], $0x28, $0x38;
	[tilespmem:$0x19800] =	vst v63  }
0x92: {  	_ =	swait.ge [sflag:s17], $0x1400  }
0x93: {  	[sflag:s17] =	ssyncset.done $0x0  }
0x94: {  	s2 =	simm.s32 $0x500;
	[sflag:s17] =	ssyncadd.s32 $0xFFFFEC00  }
0x95: {  	[spmem:s1] =	stream.indirect.scatter.add.f32 [tilespmem:s18], [sflag:$0xF], $0x80, s2, s14, $0xb8;
	[tilespmem:$0x19800] =	vst v63  }
0x96: {  	_ =	swait.ge [sflag:s19], $0x1400  }
0x97: {  	[sflag:s19] =	ssyncset.done $0x0  }
0x98: {  	[sflag:s19] =	ssyncadd.s32 $0xFFFFEC00  }
0x99: {  	_ =	swait.ge [sflag:s20], $0x28  }
0x9a: {  	[sflag:s20] =	ssyncset.done $0x0  }
0x9b: {  	[sflag:s20] =	ssyncadd.s32 $0xFFFFFFD8  }
0x9c: {  	_ =	swait.ge [sflag:s20], $0x28  }
0x9d: {  	[sflag:s20] =	ssyncset.done $0x0  }
0x9e: {  	[sflag:s20] =	ssyncadd.s32 $0xFFFFFFD8  }
0x9f: {  	[tilespmem:s15], [sflag:$0x9] =	stream.indirect.gather [hbm4b:s4+s14], $0x80, s10, s14, $0xb8;
	[tilespmem:$0x19800] =	vst v63  }
0xa0: {  	s10 =	rddreg [dreg:$0x1b]  }
0xa1: {  	s2 =	rddreg [dreg:$0x1a];
	s8 =	sadd.s32 s22, s10;
	s10 =	simm.s32 $0x280  }
0xa2: {  	[tilespmem:s10], [sflag:$0x6] =	stream.linear.gather [hbm4b:s8+s3], $0x28, $0x38;
	[tilespmem:$0x19800] =	vst v63  }
0xa3: {  	s8 =	sadd.s32 s22, s2  }
0xa4: {  	[tilespmem:s30], [sflag:$0x6] =	stream.linear.gather [hbm4b:s8+s3], $0x28, $0x38;
	[tilespmem:$0x19800] =	vst v63  }
0xa5: {  	_ =	swait.ge [sflag:s23], $0x1400  }
0xa6: {  	[sflag:s23] =	ssyncset.done $0x0  }
0xa7: {  	s2 =	simm.s32 $0x580;
	[sflag:s23] =	ssyncadd.s32 $0xFFFFEC00  }
0xa8: {  	[spmem:s1] =	stream.indirect.scatter.add.f32 [tilespmem:s12], [sflag:$0x10], $0x80, s2, s14, $0xb8;
	[tilespmem:$0x19800] =	vst v63  }
0xa9: {  	_ =	swait.ge [sflag:s24], $0x1400  }
0xaa: {  	[sflag:s24] =	ssyncset.done $0x0  }
0xab: {  	[sflag:s24] =	ssyncadd.s32 $0xFFFFEC00  }
0xac: {  	_ =	swait.ge [sflag:s25], $0x28  }
0xad: {  	[sflag:s25] =	ssyncset.done $0x0  }
0xae: {  	[sflag:s25] =	ssyncadd.s32 $0xFFFFFFD8  }
0xaf: {  	_ =	swait.ge [sflag:s25], $0x28  }
0xb0: {  	[sflag:s25] =	ssyncset.done $0x0  }
0xb1: {  	[sflag:s25] =	ssyncadd.s32 $0xFFFFFFD8  }
0xb2: {  	[tilespmem:s28], [sflag:$0xA] =	stream.indirect.gather [hbm4b:s4+s14], $0x80, s10, s14, $0xb8;
	[tilespmem:$0x19800] =	vst v63  }
0xb3: {  	s10 =	rddreg [dreg:$0x18]  }
0xb4: {  	s2 =	rddreg [dreg:$0x17];
	s8 =	sadd.s32 s22, s10;
	s10 =	simm.s32 $0x300  }
0xb5: {  	[tilespmem:s10], [sflag:$0x7] =	stream.linear.gather [hbm4b:s8+s3], $0x28, $0x38;
	[tilespmem:$0x19800] =	vst v63  }
0xb6: {  	s8 =	sadd.s32 s22, s2;
	s2 =	simm.s32 $0x700  }
0xb7: {  	[tilespmem:s2], [sflag:$0x7] =	stream.linear.gather [hbm4b:s8+s3], $0x28, $0x38;
	[tilespmem:$0x19800] =	vst v63  }
0xb8: {  	_ =	swait.ge [sflag:s31], $0x1400  }
0xb9: {  	[sflag:s31] =	ssyncset.done $0x0  }
0xba: {  	[sflag:s31] =	ssyncadd.s32 $0xFFFFEC00  }
0xbb: {  	[spmem:s1] =	stream.indirect.scatter.add.f32 [tilespmem:s15], [sflag:$0xD], $0x80, s29, s14, $0xb8;
	[tilespmem:$0x19800] =	vst v63  }
0xbc: {  	s29 =	simm.s32 $0xF  }
0xbd: {  	_ =	swait.ge [sflag:s29], $0x1400  }
0xbe: {  	[sflag:s29] =	ssyncset.done $0x0  }
0xbf: {  	[sflag:s29] =	ssyncadd.s32 $0xFFFFEC00  }
0xc0: {  	_ =	swait.ge [sflag:s0], $0x28  }
0xc1: {  	[sflag:s0] =	ssyncset.done $0x0  }
0xc2: {  	[sflag:s0] =	ssyncadd.s32 $0xFFFFFFD8  }
0xc3: {  	_ =	swait.ge [sflag:s0], $0x28  }
0xc4: {  	[sflag:s0] =	ssyncset.done $0x0  }
0xc5: {  	p0 =	sgt.u32 s21, $0xF9;
	s8 =	rddreg [dreg:$0x12];
	[sflag:s0] =	ssyncadd.s32 $0xFFFFFFD8  }
0xc6: {  	[tilespmem:s18], [sflag:$0xB] =	stream.indirect.gather [hbm4b:s4+s14], $0x80, s10, s14, $0xb8;
	[tilespmem:$0x19800] =	vst v63  }
0xc7: {  	s29 =	simm.s32 @!p0 $0x380;
	s8 =	sadd.s32 @!p0 s22, s8;
	s10 =	simm.s32 @!p0 $0x0  }
0xc8: {  	[tilespmem:s29], [sflag:$0x8] =	stream.linear.gather @!p0 [hbm4b:s8+s10], $0x28, $0x38;
	[tilespmem:$0x19800] =	vst v63  }
0xc9: {  	s8 =	rddreg [dreg:$0x11]  }
0xca: {  	s29 =	simm.s32 @!p0 $0x780;
	s8 =	sadd.s32 @!p0 s22, s8  }
0xcb: {  	[tilespmem:s29], [sflag:$0x8] =	stream.linear.gather @!p0 [hbm4b:s8+s10], $0x28, $0x38;
	[tilespmem:$0x19800] =	vst v63  }
0xcc: {  	_ =	swait.ge [sflag:s7], $0x1400  }
0xcd: {  	[sflag:s7] =	ssyncset.done $0x0  }
0xce: {  	s29 =	simm.s32 $0x10;
	[sflag:s7] =	ssyncadd.s32 $0xFFFFEC00  }
0xcf: {  	[spmem:s1] =	stream.indirect.scatter.add.f32 [tilespmem:s28], [sflag:$0xE], $0x80, s30, s14, $0xb8;
	[tilespmem:$0x19800] =	vst v63  }
0xd0: {  	_ =	swait.ge [sflag:s29], $0x1400  }
0xd1: {  	[sflag:s29] =	ssyncset.done $0x0  }
0xd2: {  	[sflag:s29] =	ssyncadd.s32 $0xFFFFEC00  }
0xd3: {  	_ =	swait.ge [sflag:s5], $0x28  }
0xd4: {  	[sflag:s5] =	ssyncset.done $0x0  }
0xd5: {  	[sflag:s5] =	ssyncadd.s32 $0xFFFFFFD8  }
0xd6: {  	_ =	swait.ge [sflag:s5], $0x28  }
0xd7: {  	s10 =	simm.s32 $0x380;
	[sflag:s5] =	ssyncset.done $0x0  }
0xd8: {  	s8 =	sshrl.u32 s9, $0x3;
	s29 =	rddreg [dreg:$0x3];
	[sflag:s5] =	ssyncadd.s32 $0xFFFFFFD8  }
0xd9: {  	[tilespmem:s12], [sflag:$0xC] =	stream.indirect.gather [hbm4b:s4+s14], $0x80, s10, s14, $0xb8;
	[tilespmem:$0x19800] =	vst v63  }
0xda: {  	s10 =	sadd.s32 s29, s8;
	s29 =	rddreg [dreg:$0x4]  }
0xdb: {  	[tilespmem:s3], [sflag:$0x1] =	stream.linear.gather [hbm4b:s10+s3], $0x28, $0x38;
	[tilespmem:$0x19800] =	vst v63  }
0xdc: {  	s8 =	sadd.s32 s29, s8;
	s29 =	simm.s32 $0x400  }
0xdd: {  	[tilespmem:s29], [sflag:$0x1] =	stream.linear.gather [hbm4b:s8+s3], $0x28, $0x38;
	[tilespmem:$0x19800] =	vst v63  }
0xde: {  	_ =	swait.ge [sflag:s17], $0x1400  }
0xdf: {  	[sflag:s17] =	ssyncset.done $0x0  }
0xe0: {  	[sflag:s17] =	ssyncadd.s32 $0xFFFFEC00  }
0xe1: {  	[spmem:s1] =	stream.indirect.scatter.add.f32 [tilespmem:s18], [sflag:$0xF], $0x80, s2, s14, $0xb8;
	[tilespmem:$0x19800] =	vst v63  }
0xe2: {  	_ =	swait.ge [sflag:s19], $0x1400  }
0xe3: {  	[sflag:s19] =	ssyncset.done $0x0  }
0xe4: {  	[sflag:s19] =	ssyncadd.s32 $0xFFFFEC00  }
0xe5: {  	_ =	swait.ge [sflag:s13], $0x28  }
0xe6: {  	[sflag:s13] =	ssyncset.done $0x0  }
0xe7: {  	[sflag:s13] =	ssyncadd.s32 $0xFFFFFFD8  }
0xe8: {  	_ =	swait.ge [sflag:s13], $0x28  }
0xe9: {  	[sflag:s13] =	ssyncset.done $0x0  }
0xea: {  	s10 =	rddreg [dreg:$0x14];
	[sflag:s13] =	ssyncadd.s32 $0xFFFFFFD8  }
0xeb: {  	[tilespmem:s15], [sflag:$0x9] =	stream.indirect.gather [hbm4b:s4+s14], $0x80, s3, s14, $0xb8;
	[tilespmem:$0x19800] =	vst v63  }
0xec: {  	s29 =	rddreg [dreg:$0x13];
	s8 =	sadd.s32 s22, s10;
	s10 =	simm.s32 $0x80  }
0xed: {  	[tilespmem:s10], [sflag:$0x2] =	stream.linear.gather [hbm4b:s8+s3], $0x28, $0x38;
	[tilespmem:$0x19800] =	vst v63  }
0xee: {  	s2 =	simm.s32 $0x480;
	s8 =	sadd.s32 s22, s29  }
0xef: {  	[tilespmem:s2], [sflag:$0x2] =	stream.linear.gather [hbm4b:s8+s3], $0x28, $0x38;
	[tilespmem:$0x19800] =	vst v63  }
0xf0: {  	_ =	swait.ge [sflag:s23], $0x1400  }
0xf1: {  	[sflag:s23] =	ssyncset.done $0x0  }
0xf2: {  	s29 =	simm.s32 $0x780;
	[sflag:s23] =	ssyncadd.s32 $0xFFFFEC00  }
0xf3: {  	[spmem:s1] =	stream.indirect.scatter.add.f32 [tilespmem:s12], [sflag:$0x10], $0x80, s29, s14, $0xb8;
	[tilespmem:$0x19800] =	vst v63  }
0xf4: {  	_ =	swait.ge [sflag:s24], $0x1400  }
0xf5: {  	[sflag:s24] =	ssyncset.done $0x0  }
0xf6: {  	[sflag:s24] =	ssyncadd.s32 $0xFFFFEC00  }
0xf7: {  	_ =	swait.ge [sflag:s16], $0x28  }
0xf8: {  	[sflag:s16] =	ssyncset.done $0x0  }
0xf9: {  	[sflag:s16] =	ssyncadd.s32 $0xFFFFFFD8  }
0xfa: {  	_ =	swait.ge [sflag:s16], $0x28  }
0xfb: {  	p0 =	seq.s32 s22, $0x4B0;
	[sflag:s16] =	ssyncset.done $0x0  }
0xfc: {  	s29 =	simm.s32 @!p0 $0x100;
	s8 =	rddreg [dreg:$0x16];
	[sflag:s16] =	ssyncadd.s32 $0xFFFFFFD8  }
0xfd: {  	[tilespmem:s28], [sflag:$0xA] =	stream.indirect.gather [hbm4b:s4+s14], $0x80, s10, s14, $0xb8;
	[tilespmem:$0x19800] =	vst v63  }
.Ltmp6:
0xfe: {  	s8 =	sadd.s32 @!p0 s22, s8;
	s10 =	simm.s32 @!p0 $0x0;
	(pc) =	sbr.rel .LBB2_6-.Ltmp6, $4  }
0xff: {  	[tilespmem:s29], [sflag:$0x3] =	stream.linear.gather @!p0 [hbm4b:s8+s10], $0x28, $0x38;
	[tilespmem:$0x19800] =	vst v63  }
0x100: {  	s8 =	rddreg [dreg:$0x15]  }
0x101: {  	s29 =	simm.s32 @!p0 $0x500;
	s8 =	sadd.s32 @!p0 s22, s8  }
0x102: {  	[tilespmem:s29], [sflag:$0x3] =	stream.linear.gather @!p0 [hbm4b:s8+s10], $0x28, $0x38;
	[tilespmem:$0x19800] =	vst v63  }
.LBB2_8:
0x103: {  	_ =	sfence.sel $0x180000  }
0x104: {  	[bflag:$0x0] =	sbarrier.arrive $0xFFFF  }
0x105: {  	_ =	strace $0x9000004A  }
0x106: {  	s0 =	stileid.u32;
	[bflag:$0x2] =	sbarrier.arrive $0xFFFF  }
0x107: {  	p0 =	sne.s32 s0, $0x0;
	s0 =	rddreg [dreg:$0x2]  }
0x108: {  	s0 =	sadd.s32 @!p0 $0x100000, s0  }
0x109: {  	[sflag:s0] =	ssyncadd.tile.s32 @!p0 $0x1;
	_ =	shalt  }
.Lfunc_end2:
_tile_overlayer_lowered:
.L_overlay_start_2:
0x10a: {  	(tag) =	ssettag $0x2  }
0x10b: {  	s0 =	rddreg [dreg:$0x0];
	s2 =	stileid.u32  }
0x10c: {  	s1 =	rddreg [dreg:$0x1];
	p0 =	sne.s32 s2, $0x0  }
0x10d: {  	s3 =	rddreg [dreg:$0x2];
	[bflag:$0x3] =	sbarrier.arrive $0xFFFF;
	s2 =	simm.s32 @!p0 $0x1C12  }
0x10e: {  	[timem:s3], [sflag:s2] =	dma.local @!p0 [hbm:s0], s1  }
0x10f: {  	s0 =	simm.s32 @!p0 $0x12  }
0x110: {  	_ =	swait.ge @!p0 [sflag:s0], s1  }
0x111: {  	s1 =	ssub.s32 @!p0 $0x0, s1;
	[sflag:s0] =	ssyncset.done @!p0 $0x0  }
0x112: {  	[sflag:s0] =	ssyncadd.s32 @!p0 s1  }
0x113: {  	[bflag:$0x3] =	sbarrier.arrive $0xFFFF  }
0x114: {  	_ =	shalt  }

// kernel: kernel.17.cloned.1.call-start
scs
__scs_entry_jumppad:
0x0: {  	(pc) =	sbr.rel $0x88, $3  }
0x1: {  	(tag) =	ssettag $0x0;
	lr =	simm.s32 $0x1  }
0x2: {  	[smem:$0x3F74] =	sst lr;
	_ =	strace $0xD0000000  }
0x3: {  	_ = 	snop  }
0x4: {  	_ = 	snop  }
0x5: {  	_ = 	snop  }
0x6: {  	_ = 	snop  }
0x7: {  	_ = 	snop  }
__scs_overlays_trampoline_lowered:
0x8: {  	[smem:$0x3F83] =	sst s0  }
0x9: {  	[smem:$0x3F84] =	sst s1  }
0xa: {  	[smem:$0x3F85] =	sst s2  }
0xb: {  	[smem:$0x3F86] =	sst s3  }
0xc: {  	[smem:$0x3F87] =	sst s4  }
0xd: {  	[smem:$0x3F88] =	sst s5  }
0xe: {  	[smem:$0x3F89] =	sst s6  }
0xf: {  	[smem:$0x3F8A] =	sst s7  }
0x10: {  	[smem:$0x3F8B] =	sst s8  }
0x11: {  	[smem:$0x3F8C] =	sst s9;
	s0 =	simm.s32 @!p0 $0x0  }
0x12: {  	s1 =	sld [smem:$0x3F72];
	s0 =	simm.s32 @p0 $0x1  }
0x13: {  	[smem:$0x3F8D] =	sst s0;
	s0 =	simm.s32 @!p1 $0x0  }
0x14: {  	s2 =	sld [smem:$0x3F71];
	s0 =	simm.s32 @p1 $0x1  }
0x15: {  	[smem:$0x3F8E] =	sst s0;
	s0 =	simm.s32 @!p2 $0x0  }
0x16: {  	s3 =	sld [smem:$0x3FDB];
	s0 =	simm.s32 @p2 $0x1  }
0x17: {  	s4 =	simm.s32 $0x1BF5;
	[smem:$0x3F90] =	sst s0  }
0x18: {  	s0 =	sld [smem:$0x3F73];
	_ =	swait.ge [sflag:s4], $0x0  }
0x19: {  	s7 =	sld [smem:$0x3F74]  }
0x1a: {  	s8 =	sadd.s32 $0xFFFFE003, lr  }
0x1b: {  	s9 =	sadd.s32 $0xFFFFFEF7, lr;
	s5 =	simm.s32 $0xFFFFFFFF;
	p2 =	slt.u32 s8, $0xFFFFF086  }
0x1c: {  	p1 =	slt.u32 s9, $0xF7A;
	s5 =	simm.s32 @!p2 $0x0  }
0x1d: {  	s5 =	simm.s32 @p1 $0x1;
	p0 =	seq.s32 s7, s2  }
0x1e: {  	s7 =	smul.u32 @!p0 $0xF7A, s2;
	p2 =	seq.s32 @!p0 s5, $0x0  }
0x1f: {  	s9 =	smul.u32 $0xF7A, s1;
	s8 =	simm.s32 @!p0 $0x1BF5;
	p2 =	por !p2, p0  }
0x20: {  	[sflag:s8] =	ssyncset.s32 @!p0 $0xFFFFF086;
	s6 =	sadd.s32 @!p0 s3, s7;
	s7 =	simm.s32 @!p0 $0x108  }
0x21: {  	s3 =	sadd.s32 s3, s9;
	s6 =	sadd.s32 @!p0 $0x88, s6;
	s7 =	simm.s32 @p2 $0x1082  }
0x22: {  	[simem:s7], [sflag:s8] =	dma.local @!p0 [hbm:s6], $0xF7A  }
0x23: {  	s9 =	sor.u32 $0xD0000000, s2;
	s6 =	simm.s32 $0x108;
	_ =	swait.ge @!p0 [sflag:s8], $0x0  }
0x24: {  	s3 =	sadd.s32 $0x88, s3;
	s6 =	simm.s32 @!p1 $0x1082;
	[sflag:s4] =	ssyncset.s32 $0xFFFFF086  }
0x25: {  	[simem:s6], [sflag:s4] =	dma.local [hbm:s3], $0xF7A  }
0x26: {  	[smem:$0x3F74] =	sst s1;
	(tag) =	ssettag s2;
	_ =	strace s9  }
0x27: {  	s1 =	sld [smem:$0x3F84]  }
0x28: {  	s2 =	sld [smem:$0x3F85]  }
0x29: {  	s4 =	sld [smem:$0x3F87]  }
0x2a: {  	p0 =	seq.s32 s5, $0x0;
	s5 =	sld [smem:$0x3F88]  }
0x2b: {  	s6 =	sld [smem:$0x3F89]  }
0x2c: {  	s7 =	sld [smem:$0x3F8A]  }
0x2d: {  	s3 =	simm.s32 $0x108;
	s8 =	sld [smem:$0x3F8B]  }
0x2e: {  	s3 =	simm.s32 @!p0 $0x1082;
	s9 =	sld [smem:$0x3F8C]  }
0x2f: {  	lr =	sadd.s32 s0, s3;
	s0 =	sld [smem:$0x3F83]  }
0x30: {  	s3 =	sld [smem:$0x3F86]  }
0x31: {  	[smem:$0x3F8F] =	sst s10  }
0x32: {  	s10 =	sld [smem:$0x3F8D];
	_ =	sdelay $0x3  }
0x33: {  	p0 =	seq.s32 s10, $0x1;
	s10 =	sld [smem:$0x3F8F];
	_ =	sdelay $0x3  }
0x34: {  	[smem:$0x3F8F] =	sst s10  }
0x35: {  	s10 =	sld [smem:$0x3F8E];
	_ =	sdelay $0x3  }
0x36: {  	p1 =	seq.s32 s10, $0x1;
	s10 =	sld [smem:$0x3F8F];
	_ =	sdelay $0x3  }
0x37: {  	[smem:$0x3F8F] =	sst s10  }
0x38: {  	s10 =	sld [smem:$0x3F90]  }
0x39: {  	_ = 	snop;
	(pc) =	sbr.ind lr, $3  }
0x3a: {  	_ = 	snop  }
0x3b: {  	_ = 	snop  }
0x3c: {  	p2 =	seq.s32 s10, $0x1;
	s10 =	sld [smem:$0x3F8F]  }
0x3d: {  	_ =	shalt  }
0x3e: {  	_ =	shalt  }
0x3f: {  	_ =	shalt  }
0x40: {  	_ =	shalt  }
0x41: {  	_ =	shalt  }
0x42: {  	_ =	shalt  }
0x43: {  	_ =	shalt  }
0x44: {  	_ =	shalt  }
0x45: {  	_ =	shalt  }
0x46: {  	_ =	shalt  }
0x47: {  	_ =	shalt  }
0x48: {  	_ =	shalt  }
0x49: {  	_ =	shalt  }
0x4a: {  	_ =	shalt  }
0x4b: {  	_ =	shalt  }
0x4c: {  	_ =	shalt  }
0x4d: {  	_ =	shalt  }
0x4e: {  	_ =	shalt  }
0x4f: {  	_ =	shalt  }
0x50: {  	_ =	shalt  }
0x51: {  	_ =	shalt  }
0x52: {  	_ =	shalt  }
0x53: {  	_ =	shalt  }
0x54: {  	_ =	shalt  }
0x55: {  	_ =	shalt  }
0x56: {  	_ =	shalt  }
0x57: {  	_ =	shalt  }
0x58: {  	_ =	shalt  }
0x59: {  	_ =	shalt  }
0x5a: {  	_ =	shalt  }
0x5b: {  	_ =	shalt  }
0x5c: {  	_ =	shalt  }
0x5d: {  	_ =	shalt  }
0x5e: {  	_ =	shalt  }
0x5f: {  	_ =	shalt  }
0x60: {  	_ =	shalt  }
0x61: {  	_ =	shalt  }
0x62: {  	_ =	shalt  }
0x63: {  	_ =	shalt  }
0x64: {  	_ =	shalt  }
0x65: {  	_ =	shalt  }
0x66: {  	_ =	shalt  }
0x67: {  	_ =	shalt  }
0x68: {  	_ =	shalt  }
0x69: {  	_ =	shalt  }
0x6a: {  	_ =	shalt  }
0x6b: {  	_ =	shalt  }
0x6c: {  	_ =	shalt  }
0x6d: {  	_ =	shalt  }
0x6e: {  	_ =	shalt  }
0x6f: {  	_ =	shalt  }
0x70: {  	_ =	shalt  }
0x71: {  	_ =	shalt  }
0x72: {  	_ =	shalt  }
0x73: {  	_ =	shalt  }
0x74: {  	_ =	shalt  }
0x75: {  	_ =	shalt  }
0x76: {  	_ =	shalt  }
0x77: {  	_ =	shalt  }
0x78: {  	_ =	shalt  }
0x79: {  	_ =	shalt  }
0x7a: {  	_ =	shalt  }
0x7b: {  	_ =	shalt  }
0x7c: {  	_ =	shalt  }
0x7d: {  	_ =	shalt  }
0x7e: {  	_ =	shalt  }
0x7f: {  	_ =	shalt  }
0x80: {  	_ =	shalt  }
0x81: {  	_ =	shalt  }
0x82: {  	_ =	shalt  }
0x83: {  	_ =	shalt  }
0x84: {  	_ =	shalt  }
0x85: {  	_ =	shalt  }
0x86: {  	_ =	shalt  }
0x87: {  	_ =	shalt  }
.Lfunc_end0:
.L_simem_size_0:
called_computation.2_lowered:
.L_overlay_start_0:
0x88: {  	s2 =	sld [smem:$0x3FD9]  }
0x89: {  	s3 =	sld [smem:$0x3FFE];
	_ =	sdelay $0x1  }
0x8a: {  	s1 =	srdreg.scid  }
0x8b: {  	s0 =	sand.u32 $0x1, s1  }
0x8c: {  	s16 =	sshll.u32 s0, $0xA;
	s2 =	sadd.s32 s3, s2  }
0x8d: {  	s2 =	sadd.s32 s2, s16  }
0x8e: {  	[smem:$0x3F9B] =	sst s2  }
0x8f: {  	_ = 	snop  }
0x90: {  	(tm) =	ssettm $0x1  }
0x91: {  	s17 =	sld [smem:$0x3FFB];
	_ =	sdelay $0x3  }
0x92: {  	_ =	strace s17  }
0x93: {  	s2 =	sld [smem:$0x3FFC];
	_ =	sdelay $0x3  }
0x94: {  	_ =	strace s2  }
0x95: {  	s2 =	sld [smem:$0x3FFD];
	_ =	sdelay $0x3  }
0x96: {  	_ =	strace s2  }
0x97: {  	_ =	strace $0x8FFFFFFF  }
0x98: {  	s18 =	sld [smem:$0x3FDB];
	_ =	sdelay $0x1  }
0x99: {  	s19 =	simm.s32 $_scs_section_size  }
0x9a: {  	s4 =	simm.s32 $_size__tile_overlayer_lowered;
	s5 =	simm.s32 $_tile_overlayer_lowered  }
0x9b: {  	s22 =	simm.s32 $0x1BFF;
	s21 =	sshll.u32 s5, $0x1;
	s2 =	sadd.s32 s19, s18  }
0x9c: {  	s6 =	simm.s32 $0x0;
	s20 =	sshll.u32 s4, $0x1;
	s4 =	sadd.s32 s21, s2  }
0x9d: {  	[timem:s6], [sflag:s22] =	dma.local [hbm:s4], s20  }
0x9e: {  	_ =	swait.ge [sflag:s22], s20  }
0x9f: {  	s3 =	ssub.s32 $0x0, s20;
	[sflag:s22] =	ssyncset.done $0x0  }
0xa0: {  	[sflag:s22] =	ssyncadd.s32 s3;
	_ =	sdelay $0x1  }
0xa1: {  	s23 =	simm.s32 $0x1B8B  }
0xa2: {  	_ =	swait.ge [sflag:s23], $0x1  }
0xa3: {  	[sflag:s23] =	ssyncset.done $0x0  }
0xa4: {  	s25 =	simm.s32 $0x1B8E;
	s24 =	sld [smem:$0x3FFE];
	[sflag:s23] =	ssyncadd.s32 $0xFFFFFFFF  }
0xa5: {  	s26 =	simm.s32 $execute0_lowered;
	[smem:$0x3FD2] =	sst s25  }
0xa6: {  	s4 =	sshll.u32 s26, $0x1;
	_ =	strace $0x8000004C;
	[dreg:$0x1] =	wrdreg $0xFFFFFFFF  }
0xa7: {  	s28 =	simm.s32 $_size_execute0_lowered;
	s2 =	sadd.s32 s2, s4;
	[dreg:$0x0] =	wrdreg $0x0  }
0xa8: {  	s4 =	sshll.u32 s28, $0x1;
	[dreg:$0x2] =	wrdreg s2  }
0xa9: {  	[dreg:$0x3] =	wrdreg s4  }
0xaa: {  	[dreg:$0x4] =	wrdreg $0xC0  }
0xab: {  	_ =	task [dreg:s6], $0x5FFFF  }
0xac: {  	[dreg:$0x1] =	wrdreg $0xFFFFFFFF  }
0xad: {  	[dreg:$0x0] =	wrdreg $0x60  }
0xae: {  	[dreg:$0x2] =	wrdreg s24  }
0xaf: {  	[dreg:$0x3] =	wrdreg $0x58000  }
0xb0: {  	[dreg:$0x4] =	wrdreg $0x9  }
0xb1: {  	_ =	task.clear_ibuf [dreg:s6], $0x5FFFF;
	_ =	strace $0x9000004C  }
0xb2: {  	s29 =	simm.s32 $0x9;
	_ =	strace $0x8000004E  }
0xb3: {  	_ =	swait.ge [sflag:s29], $0x1  }
0xb4: {  	[sflag:s29] =	ssyncadd.s32 $0xFFFFFFFF  }
0xb5: {  	_ =	strace $0x9000004E  }
0xb6: {  	_ =	sfence  }
0xb7: {  	s30 =	sld [smem:$0x0];
	_ =	sdelay $0x2  }
0xb8: {  	s31 =	sshll.u32 s1, $0xD;
	s1 =	sshrl.u32 s1, $0x2  }
0xb9: {  	s3 =	sand.u32 $0x4000, s31;
	s1 =	sadd.s32 s1, s30  }
0xba: {  	s0 =	sor.u32 s3, s0;
	s1 =	sshll.u32 s1, $0x11  }
0xbb: {  	s0 =	sor.u32 s1, s0  }
0xbc: {  	s0 =	sadd.s32 $0x8F2B, s0  }
0xbd: {  	[sflag:s0] =	ssyncadd.remote.s32 $0x1  }
0xbe: {  	_ =	sfence.sel $0xFFFF  }
0xbf: {  	[dreg:$0x0] =	wrdreg $0xFFFFFFFF;
	(pc) =	sbr.abs _section_cstart, $3  }
0xc0: {  	[dreg:$0x1] =	wrdreg $0xFFFFFFFF  }
0xc1: {  	_ =	task.clear_ibuf [dreg:s6], $0x2FFFF;
	_ =	strace $0x9FFFFFFF  }
0xc2: {  	(tm) =	ssettm $0x7FFFFFFF  }
0xc3: {  	_ =	shalt  }
tec
execute0_lowered:
.L_overlay_start_1:
0x0: {  	(tag) =	ssettag $0x1  }
0x1: {  	s0 =	rddreg [dreg:$0x0]  }
0x2: {  	s1 =	rddreg [dreg:$0x1];
	s2 =	srdreg.scid  }
0x3: {  	s3 =	simm.s32 $0x0;
	s9 =	stileid.u32;
	s28 =	simm.s32 $0x1C00  }
0x4: {  	s31 =	simm.s32 $0x9;
	s30 =	simm.s32 $0x680;
	s6 =	smul.u32 $0x14000, s9  }
0x5: {  	s2 =	sand.u32 $0x1, s2;
	[smem:$0x7FF] =	sst s3;
	s18 =	smul.u32 $0x50000, s9  }
0x6: {  	s4 =	sadd.s32 $0x1E800, s0;
	s10 =	sadd.s32 $0x12200, s0;
	s21 =	smul.u32 $0x2710, s9  }
0x7: {  	s11 =	sadd.s32 $0x8400, s0;
	s7 =	sadd.s32 $0x1C000, s0;
	s5 =	smul.u32 $0x140000, s2  }
0x8: {  	_ =	strace $0x8000004D;
	[dreg:$0x5] =	wrdreg s7;
	s17 =	sshll.u32 s2, $0x4  }
0x9: {  	s19 =	ssub.s32 $0x2, s2;
	s2 =	smul.u32 $0x27100, s2;
	[dreg:$0x4] =	wrdreg s11  }
0xa: {  	[dreg:$0x3] =	wrdreg s10;
	s8 =	sshrl.u32 s19, $0x1;
	s7 =	sshrl.u32 s18, $0x2  }
0xb: {  	s5 =	sadd.s32 s6, s5;
	s6 =	sor.u32 s9, s17;
	s7 =	sadd.s32 s7, s1  }
0xc: {  	s2 =	sadd.s32 s21, s2;
	s5 =	sshrl.u32 s5, $0x3;
	s6 =	smul.u32 $0x2710, s6  }
0xd: {  	[dreg:$0x6] =	wrdreg s7;
	s25 =	sadd.s32 $0x78, s2;
	s13 =	sadd.s32 $0x190, s2  }
0xe: {  	s17 =	sadd.s32 $0xF0, s2;
	s0 =	sadd.s32 s5, s0;
	s5 =	ssub.s32 s19, s8  }
0xf: {  	s26 =	sshrl.u32 s25, $0x3;
	s8 =	sadd.s32 $0x168, s2;
	s25 =	sshll.u32 s9, $0x6  }
0x10: {  	s15 =	sshrl.u32 s13, $0x3;
	s0 =	sadd.s32 $0x6EE00, s0;
	[dreg:$0x1c] =	wrdreg s25  }
0x11: {  	s18 =	sshrl.u32 s17, $0x3;
	s5 =	smax.u32 s5, $0x1;
	[dreg:$0xd] =	wrdreg s0  }
0x12: {  	s19 =	sadd.s32 $0xC8, s2;
	s29 =	sadd.s32 s26, s11;
	[dreg:$0xe] =	wrdreg s5  }
0x13: {  	s20 =	sshrl.u32 s6, $0x3;
	s16 =	sadd.s32 s15, s11;
	[dreg:$0xf] =	wrdreg s29  }
0x14: {  	s13 =	simm.s32 $0x1;
	s12 =	sadd.s32 s10, s20;
	[dreg:$0x15] =	wrdreg s16  }
0x15: {  	s17 =	simm.s32 $0xB;
	s22 =	sadd.s32 s11, s20;
	[dreg:$0x7] =	wrdreg s12  }
0x16: {  	s6 =	sadd.s32 $0x28, s6;
	s0 =	sadd.s32 s26, s10;
	[dreg:$0x8] =	wrdreg s22  }
0x17: {  	s7 =	sadd.s32 $0xA, s20;
	s20 =	sadd.s32 s18, s11;
	[dreg:$0x10] =	wrdreg s0  }
0x18: {  	s6 =	sshrl.u32 s6, $0x3;
	s29 =	sor.u32 $0x1C11, s25;
	[dreg:$0x17] =	wrdreg s20  }
0x19: {  	s9 =	simm.s32 $0x0;
	s23 =	sadd.s32 s10, s6;
	[dreg:$0x1f] =	wrdreg s29  }
0x1a: {  	s21 =	sshrl.u32 s19, $0x3;
	s6 =	sadd.s32 s11, s6;
	[dreg:$0x9] =	wrdreg s23  }
0x1b: {  	s19 =	simm.s32 $0xD;
	s24 =	sadd.s32 s10, s7;
	[dreg:$0xa] =	wrdreg s6  }
0x1c: {  	s5 =	sshrl.u32 s8, $0x3;
	s7 =	sadd.s32 s11, s7;
	[dreg:$0xb] =	wrdreg s24  }
0x1d: {  	s16 =	simm.s32 $0x2;
	s14 =	sadd.s32 s5, s11;
	[dreg:$0xc] =	wrdreg s7  }
0x1e: {  	s25 =	simm.s32 $0x6;
	s5 =	sadd.s32 s5, s10;
	[dreg:$0x13] =	wrdreg s14  }
0x1f: {  	s22 =	sadd.s32 $0x140, s2;
	s20 =	simm.s32 $0x5;
	[dreg:$0x14] =	wrdreg s5  }
0x20: {  	s6 =	sadd.s32 $0x118, s2;
	[dreg:$0x19] =	wrdreg s22;
	s2 =	sadd.s32 $0xA0, s2  }
0x21: {  	s23 =	sadd.s32 s21, s11;
	s14 =	simm.s32 $0x28;
	s5 =	simm.s32 $0x8  }
0x22: {  	s7 =	sshrl.u32 s6, $0x3;
	[dreg:$0x1a] =	wrdreg s23;
	s24 =	sshrl.u32 s2, $0x3  }
0x23: {  	s23 =	simm.s32 $0xC;
	s6 =	simm.s32 $0x3;
	s12 =	sadd.s32 s7, s11  }
0x24: {  	s0 =	sadd.s32 s7, s10;
	s26 =	sadd.s32 s24, s11;
	[dreg:$0x11] =	wrdreg s12  }
0x25: {  	s7 =	simm.s32 $0xA;
	s11 =	simm.s32 $0x4;
	[dreg:$0x12] =	wrdreg s0  }
.Ltmp0:
0x26: {  	s0 =	sadd.s32 s15, s10;
	[dreg:$0x1d] =	wrdreg s26;
	(pc) =	sbr.rel .LBB2_1-.Ltmp0, $4  }
0x27: {  	s15 =	simm.s32 $0x800;
	[dreg:$0x16] =	wrdreg s0;
	s0 =	sadd.s32 s18, s10  }
0x28: {  	s12 =	simm.s32 $0x4400;
	[dreg:$0x18] =	wrdreg s0;
	s0 =	sadd.s32 s21, s10  }
0x29: {  	s18 =	simm.s32 $0x3000;
	[dreg:$0x1b] =	wrdreg s0;
	s0 =	sadd.s32 s24, s10  }
0x2a: {  	s24 =	simm.s32 $0xE;
	[dreg:$0x1e] =	wrdreg s0;
	s0 =	simm.s32 $0x7  }
.LBB2_7:
0x2b: {  	_ =	swait.ge [sflag:s19], $0x1400  }
0x2c: {  	[sflag:s19] =	ssyncset.done $0x0  }
0x2d: {  	[sflag:s19] =	ssyncadd.s32 $0xFFFFEC00  }
0x2e: {  	_ =	swait.ge [sflag:s24], $0x1400  }
0x2f: {  	[sflag:s24] =	ssyncset.done $0x0  }
0x30: {  	[sflag:s24] =	ssyncadd.s32 $0xFFFFEC00  }
0x31: {  	[bflag:$0x0] =	sbarrier.arrive $0xFFFF  }
0x32: {  	s2 =	sld [smem:$0x7FD]  }
0x33: {  	s8 =	rddreg [dreg:$0x1c]  }
0x34: {  	s22 =	simm.s32 $0x12;
	s9 =	rddreg [dreg:$0xd];
	s8 =	sor.u32 $0x1C12, s8  }
0x35: {  	[hbm:s9], [sflag:s8] =	dma.local [spmem:s2], $0x2800  }
0x36: {  	_ =	swait.ge [sflag:s22], $0x2800  }
0x37: {  	s26 =	sld [smem:$0x7FC];
	_ =	sdelay $0x2  }
0x38: {  	s29 =	rddreg [dreg:$0xe];
	s9 =	sadd.s32 $0x1, s26  }
0x39: {  	p0 =	sne.s32 s9, s29  }
.Ltmp1:
0x3a: {  	_ = 	snop;
	(pc) =	sbr.rel @!p0 .LBB2_8-.Ltmp1, $3  }
0x3b: {  	_ =	sdelay $0x1  }
0x3c: {  	[sflag:s22] =	ssyncset.done $0x0  }
0x3d: {  	[sflag:s22] =	ssyncadd.s32 $0xFFFFD800  }
.LBB2_1:
0x3e: {  	[smem:$0x7FC] =	sst s9  }
0x3f: {  	s8 =	rddreg [dreg:$0x6]  }
0x40: {  	s9 =	rddreg [dreg:$0x5]  }
0x41: {  	s10 =	rddreg [dreg:$0x1f];
	s2 =	sshrl.u32 s8, $0x3  }
0x42: {  	[smem:$0x7FD] =	sst s2  }
0x43: {  	[spmem:s2], [sflag:s10] =	dma.local [hbm:s9], $0x2800  }
0x44: {  	s8 =	rddreg [dreg:$0x7]  }
0x45: {  	[tilespmem:s3], [sflag:$0x1] =	stream.linear.gather [hbm4b:s8+s3], $0x28, $0x38;
	[tilespmem:$0x19800] =	vst v63  }
0x46: {  	s22 =	simm.s32 $0x400;
	s21 =	rddreg [dreg:$0x8]  }
0x47: {  	[tilespmem:s22], [sflag:$0x1] =	stream.linear.gather [hbm4b:s21+s3], $0x28, $0x38;
	[tilespmem:$0x19800] =	vst v63  }
0x48: {  	s29 =	simm.s32 $0x80;
	s26 =	rddreg [dreg:$0x9]  }
0x49: {  	[tilespmem:s29], [sflag:$0x2] =	stream.linear.gather [hbm4b:s26+s3], $0x28, $0x38;
	[tilespmem:$0x19800] =	vst v63  }
0x4a: {  	s10 =	simm.s32 $0x480;
	s2 =	rddreg [dreg:$0xa]  }
0x4b: {  	[tilespmem:s10], [sflag:$0x2] =	stream.linear.gather [hbm4b:s2+s3], $0x28, $0x38;
	[tilespmem:$0x19800] =	vst v63  }
0x4c: {  	s21 =	simm.s32 $0x100;
	s10 =	rddreg [dreg:$0xb]  }
0x4d: {  	[tilespmem:s21], [sflag:$0x3] =	stream.linear.gather [hbm4b:s10+s3], $0x28, $0x38;
	[tilespmem:$0x19800] =	vst v63  }
0x4e: {  	s22 =	rddreg [dreg:$0xc];
	s26 =	simm.s32 $0x500  }
0x4f: {  	[tilespmem:s26], [sflag:$0x3] =	stream.linear.gather [hbm4b:s22+s3], $0x28, $0x38;
	[tilespmem:$0x19800] =	vst v63  }
0x50: {  	_ =	swait.ge [sflag:s13], $0x28  }
0x51: {  	[sflag:s13] =	ssyncset.done $0x0  }
0x52: {  	[sflag:s13] =	ssyncadd.s32 $0xFFFFFFD8  }
0x53: {  	_ =	swait.ge [sflag:s13], $0x28  }
0x54: {  	[sflag:s13] =	ssyncset.done $0x0  }
0x55: {  	[sflag:s13] =	ssyncadd.s32 $0xFFFFFFD8  }
0x56: {  	[tilespmem:s15], [sflag:$0x9] =	stream.indirect.gather [hbm4b:s4+s14], $0x80, s3, s14, $0xb8;
	[tilespmem:$0x19800] =	vst v63  }
0x57: {  	_ =	swait.ge [sflag:s16], $0x28  }
0x58: {  	[sflag:s16] =	ssyncset.done $0x0  }
0x59: {  	[sflag:s16] =	ssyncadd.s32 $0xFFFFFFD8  }
0x5a: {  	_ =	swait.ge [sflag:s16], $0x28  }
0x5b: {  	[sflag:s16] =	ssyncset.done $0x0  }
0x5c: {  	[sflag:s16] =	ssyncadd.s32 $0xFFFFFFD8  }
0x5d: {  	[tilespmem:s28], [sflag:$0xA] =	stream.indirect.gather [hbm4b:s4+s14], $0x80, s29, s14, $0xb8;
	[tilespmem:$0x19800] =	vst v63  }
0x5e: {  	s29 =	simm.s32 $0x11  }
.Ltmp2:
0x5f: {  	_ =	swait.ge [sflag:s29], $0x2800;
	(pc) =	sbr.rel .LBB2_2-.Ltmp2, $4  }
0x60: {  	[sflag:s29] =	ssyncset.done $0x0  }
0x61: {  	[sflag:s29] =	ssyncadd.s32 $0xFFFFD800  }
0x62: {  	s21 =	simm.s32 $0x7;
	[bflag:$0x0] =	sbarrier.arrive $0xFFFF  }
0x63: {  	s22 =	simm.s32 $0x0;
	s26 =	simm.s32 $0x0;
	s9 =	rddreg [dreg:$0x19]  }
.LBB2_6:
0x64: {  	s22 =	sadd.s32 $0x28, s22  }
0x65: {  	p0 =	sne.s32 s22, $0x500  }
.Ltmp3:
0x66: {  	_ = 	snop;
	(pc) =	sbr.rel @!p0 .LBB2_7-.Ltmp3, $2  }
0x67: {  	_ =	sdelay $0x2  }
0x68: {  	s26 =	sadd.s32 $0x1, s26;
	s21 =	sadd.s32 $0x8, s21;
	s9 =	sadd.s32 $0x140, s9  }
.LBB2_2:
0x69: {  	p0 =	seq.s32 s22, $0x0  }
0x6a: {  	_ =	swait.ge [sflag:s31], $0x1400;
	p1 =	seq.s32 @!p0 s22, $0x4D8  }
0x6b: {  	s8 =	simm.s32 $0x400;
	[sflag:s31] =	ssyncset.done $0x0;
	p1 =	por p0, !p1  }
.Ltmp4:
0x6c: {  	s29 =	simm.s32 @!p0 $0xF;
	[sflag:s31] =	ssyncadd.s32 $0xFFFFEC00;
	(pc) =	sbr.rel @!p1 .LBB2_4-.Ltmp4, $4  }
0x6d: {  	[spmem:s1] =	stream.indirect.scatter.add.f32 [tilespmem:s15], [sflag:$0xD], $0x80, s8, s14, $0xb8;
	[tilespmem:$0x19800] =	vst v63  }
0x6e: {  	_ =	swait.ge @!p0 [sflag:s29], $0x1400  }
0x6f: {  	[sflag:s29] =	ssyncset.done @!p0 $0x0  }
0x70: {  	[sflag:s29] =	ssyncadd.s32 @!p0 $0xFFFFEC00  }
0x71: {  	_ =	swait.ge [sflag:s6], $0x28  }
0x72: {  	[sflag:s6] =	ssyncset.done $0x0  }
0x73: {  	[sflag:s6] =	ssyncadd.s32 $0xFFFFFFD8  }
0x74: {  	_ =	swait.ge [sflag:s6], $0x28  }
0x75: {  	[sflag:s6] =	ssyncset.done $0x0  }
0x76: {  	s8 =	simm.s32 $0x100;
	s29 =	sadd.s32 $0xFFFFFFFC, s21;
	[sflag:s6] =	ssyncadd.s32 $0xFFFFFFD8  }
0x77: {  	[tilespmem:s18], [sflag:$0xB] =	stream.indirect.gather [hbm4b:s4+s14], $0x80, s8, s14, $0xb8;
	[tilespmem:$0x19800] =	vst v63  }
0x78: {  	p1 =	sgt.u32 s29, $0xF9;
	s8 =	rddreg [dreg:$0x10]  }
0x79: {  	s10 =	simm.s32 @!p1 $0x180;
	s29 =	sadd.s32 @!p1 s22, s8;
	s8 =	simm.s32 @!p1 $0x0  }
0x7a: {  	[tilespmem:s10], [sflag:$0x4] =	stream.linear.gather @!p1 [hbm4b:s29+s8], $0x28, $0x38;
	[tilespmem:$0x19800] =	vst v63  }
0x7b: {  	s10 =	rddreg [dreg:$0xf]  }
0x7c: {  	s29 =	simm.s32 @!p1 $0x580;
	s10 =	sadd.s32 @!p1 s22, s10  }
0x7d: {  	[tilespmem:s29], [sflag:$0x4] =	stream.linear.gather @!p1 [hbm4b:s10+s8], $0x28, $0x38;
	[tilespmem:$0x19800] =	vst v63  }
.LBB2_4:
0x7e: {  	_ =	swait.ge [sflag:s7], $0x1400  }
0x7f: {  	p1 =	sgt.u32 @!p0 s26, $0x1E;
	[sflag:s7] =	ssyncset.done $0x0  }
0x80: {  	s8 =	simm.s32 $0x480;
	p1 =	por p0, !p1;
	[sflag:s7] =	ssyncadd.s32 $0xFFFFEC00  }
0x81: {  	[spmem:s1] =	stream.indirect.scatter.add.f32 [tilespmem:s28], [sflag:$0xE], $0x80, s8, s14, $0xb8;
	[tilespmem:$0x19800] =	vst v63  }
.Ltmp5:
0x82: {  	_ = 	snop;
	(pc) =	sbr.rel @!p1 .LBB2_6-.Ltmp5, $4  }
0x83: {  	s8 =	simm.s32 @!p0 $0x10  }
0x84: {  	_ =	swait.ge @!p0 [sflag:s8], $0x1400  }
0x85: {  	[sflag:s8] =	ssyncset.done @!p0 $0x0  }
0x86: {  	[sflag:s8] =	ssyncadd.s32 @!p0 $0xFFFFEC00  }
0x87: {  	_ =	swait.ge [sflag:s11], $0x28  }
0x88: {  	[sflag:s11] =	ssyncset.done $0x0  }
0x89: {  	[sflag:s11] =	ssyncadd.s32 $0xFFFFFFD8  }
0x8a: {  	_ =	swait.ge [sflag:s11], $0x28  }
0x8b: {  	[sflag:s11] =	ssyncset.done $0x0  }
0x8c: {  	s8 =	simm.s32 $0x180;
	s10 =	rddreg [dreg:$0x1e];
	[sflag:s11] =	ssyncadd.s32 $0xFFFFFFD8  }
0x8d: {  	[tilespmem:s12], [sflag:$0xC] =	stream.indirect.gather [hbm4b:s4+s14], $0x80, s8, s14, $0xb8;
	[tilespmem:$0x19800] =	vst v63  }
0x8e: {  	s29 =	rddreg [dreg:$0x1d];
	s8 =	sadd.s32 s22, s10;
	s10 =	simm.s32 $0x200  }
0x8f: {  	[tilespmem:s10], [sflag:$0x5] =	stream.linear.gather [hbm4b:s8+s3], $0x28, $0x38;
	[tilespmem:$0x19800] =	vst v63  }
0x90: {  	s8 =	sadd.s32 s22, s29;
	s29 =	simm.s32 $0x600  }
0x91: {  	[tilespmem:s29], [sflag:$0x5] =	stream.linear.gather [hbm4b:s8+s3], $0x28, $0x38;
	[tilespmem:$0x19800] =	vst v63  }
0x92: {  	_ =	swait.ge [sflag:s17], $0x1400  }
0x93: {  	[sflag:s17] =	ssyncset.done $0x0  }
0x94: {  	s2 =	simm.s32 $0x500;
	[sflag:s17] =	ssyncadd.s32 $0xFFFFEC00  }
0x95: {  	[spmem:s1] =	stream.indirect.scatter.add.f32 [tilespmem:s18], [sflag:$0xF], $0x80, s2, s14, $0xb8;
	[tilespmem:$0x19800] =	vst v63  }
0x96: {  	_ =	swait.ge [sflag:s19], $0x1400  }
0x97: {  	[sflag:s19] =	ssyncset.done $0x0  }
0x98: {  	[sflag:s19] =	ssyncadd.s32 $0xFFFFEC00  }
0x99: {  	_ =	swait.ge [sflag:s20], $0x28  }
0x9a: {  	[sflag:s20] =	ssyncset.done $0x0  }
0x9b: {  	[sflag:s20] =	ssyncadd.s32 $0xFFFFFFD8  }
0x9c: {  	_ =	swait.ge [sflag:s20], $0x28  }
0x9d: {  	[sflag:s20] =	ssyncset.done $0x0  }
0x9e: {  	[sflag:s20] =	ssyncadd.s32 $0xFFFFFFD8  }
0x9f: {  	[tilespmem:s15], [sflag:$0x9] =	stream.indirect.gather [hbm4b:s4+s14], $0x80, s10, s14, $0xb8;
	[tilespmem:$0x19800] =	vst v63  }
0xa0: {  	s10 =	rddreg [dreg:$0x1b]  }
0xa1: {  	s2 =	rddreg [dreg:$0x1a];
	s8 =	sadd.s32 s22, s10;
	s10 =	simm.s32 $0x280  }
0xa2: {  	[tilespmem:s10], [sflag:$0x6] =	stream.linear.gather [hbm4b:s8+s3], $0x28, $0x38;
	[tilespmem:$0x19800] =	vst v63  }
0xa3: {  	s8 =	sadd.s32 s22, s2  }
0xa4: {  	[tilespmem:s30], [sflag:$0x6] =	stream.linear.gather [hbm4b:s8+s3], $0x28, $0x38;
	[tilespmem:$0x19800] =	vst v63  }
0xa5: {  	_ =	swait.ge [sflag:s23], $0x1400  }
0xa6: {  	[sflag:s23] =	ssyncset.done $0x0  }
0xa7: {  	s2 =	simm.s32 $0x580;
	[sflag:s23] =	ssyncadd.s32 $0xFFFFEC00  }
0xa8: {  	[spmem:s1] =	stream.indirect.scatter.add.f32 [tilespmem:s12], [sflag:$0x10], $0x80, s2, s14, $0xb8;
	[tilespmem:$0x19800] =	vst v63  }
0xa9: {  	_ =	swait.ge [sflag:s24], $0x1400  }
0xaa: {  	[sflag:s24] =	ssyncset.done $0x0  }
0xab: {  	[sflag:s24] =	ssyncadd.s32 $0xFFFFEC00  }
0xac: {  	_ =	swait.ge [sflag:s25], $0x28  }
0xad: {  	[sflag:s25] =	ssyncset.done $0x0  }
0xae: {  	[sflag:s25] =	ssyncadd.s32 $0xFFFFFFD8  }
0xaf: {  	_ =	swait.ge [sflag:s25], $0x28  }
0xb0: {  	[sflag:s25] =	ssyncset.done $0x0  }
0xb1: {  	[sflag:s25] =	ssyncadd.s32 $0xFFFFFFD8  }
0xb2: {  	[tilespmem:s28], [sflag:$0xA] =	stream.indirect.gather [hbm4b:s4+s14], $0x80, s10, s14, $0xb8;
	[tilespmem:$0x19800] =	vst v63  }
0xb3: {  	s10 =	rddreg [dreg:$0x18]  }
0xb4: {  	s2 =	rddreg [dreg:$0x17];
	s8 =	sadd.s32 s22, s10;
	s10 =	simm.s32 $0x300  }
0xb5: {  	[tilespmem:s10], [sflag:$0x7] =	stream.linear.gather [hbm4b:s8+s3], $0x28, $0x38;
	[tilespmem:$0x19800] =	vst v63  }
0xb6: {  	s8 =	sadd.s32 s22, s2;
	s2 =	simm.s32 $0x700  }
0xb7: {  	[tilespmem:s2], [sflag:$0x7] =	stream.linear.gather [hbm4b:s8+s3], $0x28, $0x38;
	[tilespmem:$0x19800] =	vst v63  }
0xb8: {  	_ =	swait.ge [sflag:s31], $0x1400  }
0xb9: {  	[sflag:s31] =	ssyncset.done $0x0  }
0xba: {  	[sflag:s31] =	ssyncadd.s32 $0xFFFFEC00  }
0xbb: {  	[spmem:s1] =	stream.indirect.scatter.add.f32 [tilespmem:s15], [sflag:$0xD], $0x80, s29, s14, $0xb8;
	[tilespmem:$0x19800] =	vst v63  }
0xbc: {  	s29 =	simm.s32 $0xF  }
0xbd: {  	_ =	swait.ge [sflag:s29], $0x1400  }
0xbe: {  	[sflag:s29] =	ssyncset.done $0x0  }
0xbf: {  	[sflag:s29] =	ssyncadd.s32 $0xFFFFEC00  }
0xc0: {  	_ =	swait.ge [sflag:s0], $0x28  }
0xc1: {  	[sflag:s0] =	ssyncset.done $0x0  }
0xc2: {  	[sflag:s0] =	ssyncadd.s32 $0xFFFFFFD8  }
0xc3: {  	_ =	swait.ge [sflag:s0], $0x28  }
0xc4: {  	[sflag:s0] =	ssyncset.done $0x0  }
0xc5: {  	p0 =	sgt.u32 s21, $0xF9;
	s8 =	rddreg [dreg:$0x12];
	[sflag:s0] =	ssyncadd.s32 $0xFFFFFFD8  }
0xc6: {  	[tilespmem:s18], [sflag:$0xB] =	stream.indirect.gather [hbm4b:s4+s14], $0x80, s10, s14, $0xb8;
	[tilespmem:$0x19800] =	vst v63  }
0xc7: {  	s29 =	simm.s32 @!p0 $0x380;
	s8 =	sadd.s32 @!p0 s22, s8;
	s10 =	simm.s32 @!p0 $0x0  }
0xc8: {  	[tilespmem:s29], [sflag:$0x8] =	stream.linear.gather @!p0 [hbm4b:s8+s10], $0x28, $0x38;
	[tilespmem:$0x19800] =	vst v63  }
0xc9: {  	s8 =	rddreg [dreg:$0x11]  }
0xca: {  	s29 =	simm.s32 @!p0 $0x780;
	s8 =	sadd.s32 @!p0 s22, s8  }
0xcb: {  	[tilespmem:s29], [sflag:$0x8] =	stream.linear.gather @!p0 [hbm4b:s8+s10], $0x28, $0x38;
	[tilespmem:$0x19800] =	vst v63  }
0xcc: {  	_ =	swait.ge [sflag:s7], $0x1400  }
0xcd: {  	[sflag:s7] =	ssyncset.done $0x0  }
0xce: {  	s29 =	simm.s32 $0x10;
	[sflag:s7] =	ssyncadd.s32 $0xFFFFEC00  }
0xcf: {  	[spmem:s1] =	stream.indirect.scatter.add.f32 [tilespmem:s28], [sflag:$0xE], $0x80, s30, s14, $0xb8;
	[tilespmem:$0x19800] =	vst v63  }
0xd0: {  	_ =	swait.ge [sflag:s29], $0x1400  }
0xd1: {  	[sflag:s29] =	ssyncset.done $0x0  }
0xd2: {  	[sflag:s29] =	ssyncadd.s32 $0xFFFFEC00  }
0xd3: {  	_ =	swait.ge [sflag:s5], $0x28  }
0xd4: {  	[sflag:s5] =	ssyncset.done $0x0  }
0xd5: {  	[sflag:s5] =	ssyncadd.s32 $0xFFFFFFD8  }
0xd6: {  	_ =	swait.ge [sflag:s5], $0x28  }
0xd7: {  	s10 =	simm.s32 $0x380;
	[sflag:s5] =	ssyncset.done $0x0  }
0xd8: {  	s8 =	sshrl.u32 s9, $0x3;
	s29 =	rddreg [dreg:$0x3];
	[sflag:s5] =	ssyncadd.s32 $0xFFFFFFD8  }
0xd9: {  	[tilespmem:s12], [sflag:$0xC] =	stream.indirect.gather [hbm4b:s4+s14], $0x80, s10, s14, $0xb8;
	[tilespmem:$0x19800] =	vst v63  }
0xda: {  	s10 =	sadd.s32 s29, s8;
	s29 =	rddreg [dreg:$0x4]  }
0xdb: {  	[tilespmem:s3], [sflag:$0x1] =	stream.linear.gather [hbm4b:s10+s3], $0x28, $0x38;
	[tilespmem:$0x19800] =	vst v63  }
0xdc: {  	s8 =	sadd.s32 s29, s8;
	s29 =	simm.s32 $0x400  }
0xdd: {  	[tilespmem:s29], [sflag:$0x1] =	stream.linear.gather [hbm4b:s8+s3], $0x28, $0x38;
	[tilespmem:$0x19800] =	vst v63  }
0xde: {  	_ =	swait.ge [sflag:s17], $0x1400  }
0xdf: {  	[sflag:s17] =	ssyncset.done $0x0  }
0xe0: {  	[sflag:s17] =	ssyncadd.s32 $0xFFFFEC00  }
0xe1: {  	[spmem:s1] =	stream.indirect.scatter.add.f32 [tilespmem:s18], [sflag:$0xF], $0x80, s2, s14, $0xb8;
	[tilespmem:$0x19800] =	vst v63  }
0xe2: {  	_ =	swait.ge [sflag:s19], $0x1400  }
0xe3: {  	[sflag:s19] =	ssyncset.done $0x0  }
0xe4: {  	[sflag:s19] =	ssyncadd.s32 $0xFFFFEC00  }
0xe5: {  	_ =	swait.ge [sflag:s13], $0x28  }
0xe6: {  	[sflag:s13] =	ssyncset.done $0x0  }
0xe7: {  	[sflag:s13] =	ssyncadd.s32 $0xFFFFFFD8  }
0xe8: {  	_ =	swait.ge [sflag:s13], $0x28  }
0xe9: {  	[sflag:s13] =	ssyncset.done $0x0  }
0xea: {  	s10 =	rddreg [dreg:$0x14];
	[sflag:s13] =	ssyncadd.s32 $0xFFFFFFD8  }
0xeb: {  	[tilespmem:s15], [sflag:$0x9] =	stream.indirect.gather [hbm4b:s4+s14], $0x80, s3, s14, $0xb8;
	[tilespmem:$0x19800] =	vst v63  }
0xec: {  	s29 =	rddreg [dreg:$0x13];
	s8 =	sadd.s32 s22, s10;
	s10 =	simm.s32 $0x80  }
0xed: {  	[tilespmem:s10], [sflag:$0x2] =	stream.linear.gather [hbm4b:s8+s3], $0x28, $0x38;
	[tilespmem:$0x19800] =	vst v63  }
0xee: {  	s2 =	simm.s32 $0x480;
	s8 =	sadd.s32 s22, s29  }
0xef: {  	[tilespmem:s2], [sflag:$0x2] =	stream.linear.gather [hbm4b:s8+s3], $0x28, $0x38;
	[tilespmem:$0x19800] =	vst v63  }
0xf0: {  	_ =	swait.ge [sflag:s23], $0x1400  }
0xf1: {  	[sflag:s23] =	ssyncset.done $0x0  }
0xf2: {  	s29 =	simm.s32 $0x780;
	[sflag:s23] =	ssyncadd.s32 $0xFFFFEC00  }
0xf3: {  	[spmem:s1] =	stream.indirect.scatter.add.f32 [tilespmem:s12], [sflag:$0x10], $0x80, s29, s14, $0xb8;
	[tilespmem:$0x19800] =	vst v63  }
0xf4: {  	_ =	swait.ge [sflag:s24], $0x1400  }
0xf5: {  	[sflag:s24] =	ssyncset.done $0x0  }
0xf6: {  	[sflag:s24] =	ssyncadd.s32 $0xFFFFEC00  }
0xf7: {  	_ =	swait.ge [sflag:s16], $0x28  }
0xf8: {  	[sflag:s16] =	ssyncset.done $0x0  }
0xf9: {  	[sflag:s16] =	ssyncadd.s32 $0xFFFFFFD8  }
0xfa: {  	_ =	swait.ge [sflag:s16], $0x28  }
0xfb: {  	p0 =	seq.s32 s22, $0x4B0;
	[sflag:s16] =	ssyncset.done $0x0  }
0xfc: {  	s29 =	simm.s32 @!p0 $0x100;
	s8 =	rddreg [dreg:$0x16];
	[sflag:s16] =	ssyncadd.s32 $0xFFFFFFD8  }
0xfd: {  	[tilespmem:s28], [sflag:$0xA] =	stream.indirect.gather [hbm4b:s4+s14], $0x80, s10, s14, $0xb8;
	[tilespmem:$0x19800] =	vst v63  }
.Ltmp6:
0xfe: {  	s8 =	sadd.s32 @!p0 s22, s8;
	s10 =	simm.s32 @!p0 $0x0;
	(pc) =	sbr.rel .LBB2_6-.Ltmp6, $4  }
0xff: {  	[tilespmem:s29], [sflag:$0x3] =	stream.linear.gather @!p0 [hbm4b:s8+s10], $0x28, $0x38;
	[tilespmem:$0x19800] =	vst v63  }
0x100: {  	s8 =	rddreg [dreg:$0x15]  }
0x101: {  	s29 =	simm.s32 @!p0 $0x500;
	s8 =	sadd.s32 @!p0 s22, s8  }
0x102: {  	[tilespmem:s29], [sflag:$0x3] =	stream.linear.gather @!p0 [hbm4b:s8+s10], $0x28, $0x38;
	[tilespmem:$0x19800] =	vst v63  }
.LBB2_8:
0x103: {  	_ =	sfence.sel $0x180000  }
0x104: {  	[bflag:$0x0] =	sbarrier.arrive $0xFFFF  }
0x105: {  	_ =	strace $0x9000004D  }
0x106: {  	s0 =	stileid.u32;
	[bflag:$0x2] =	sbarrier.arrive $0xFFFF  }
0x107: {  	p0 =	sne.s32 s0, $0x0;
	s0 =	rddreg [dreg:$0x2]  }
0x108: {  	s0 =	sadd.s32 @!p0 $0x100000, s0  }
0x109: {  	[sflag:s0] =	ssyncadd.tile.s32 @!p0 $0x1;
	_ =	shalt  }
.Lfunc_end2:
_tile_overlayer_lowered:
.L_overlay_start_2:
0x10a: {  	(tag) =	ssettag $0x2  }
0x10b: {  	s0 =	rddreg [dreg:$0x0];
	s2 =	stileid.u32  }
0x10c: {  	s1 =	rddreg [dreg:$0x1];
	p0 =	sne.s32 s2, $0x0  }
0x10d: {  	s3 =	rddreg [dreg:$0x2];
	[bflag:$0x3] =	sbarrier.arrive $0xFFFF;
	s2 =	simm.s32 @!p0 $0x1C12  }
0x10e: {  	[timem:s3], [sflag:s2] =	dma.local @!p0 [hbm:s0], s1  }
0x10f: {  	s0 =	simm.s32 @!p0 $0x12  }
0x110: {  	_ =	swait.ge @!p0 [sflag:s0], s1  }
0x111: {  	s1 =	ssub.s32 @!p0 $0x0, s1;
	[sflag:s0] =	ssyncset.done @!p0 $0x0  }
0x112: {  	[sflag:s0] =	ssyncadd.s32 @!p0 s1  }
0x113: {  	[bflag:$0x3] =	sbarrier.arrive $0xFFFF  }
0x114: {  	_ =	shalt  }

// kernel: kernel.20.cloned.1.call-start
scs
__scs_entry_jumppad:
0x0: {  	(pc) =	sbr.rel $0x88, $3  }
0x1: {  	(tag) =	ssettag $0x0;
	lr =	simm.s32 $0x1  }
0x2: {  	[smem:$0x3F74] =	sst lr;
	_ =	strace $0xD0000000  }
0x3: {  	_ = 	snop  }
0x4: {  	_ = 	snop  }
0x5: {  	_ = 	snop  }
0x6: {  	_ = 	snop  }
0x7: {  	_ = 	snop  }
__scs_overlays_trampoline_lowered:
0x8: {  	[smem:$0x3F83] =	sst s0  }
0x9: {  	[smem:$0x3F84] =	sst s1  }
0xa: {  	[smem:$0x3F85] =	sst s2  }
0xb: {  	[smem:$0x3F86] =	sst s3  }
0xc: {  	[smem:$0x3F87] =	sst s4  }
0xd: {  	[smem:$0x3F88] =	sst s5  }
0xe: {  	[smem:$0x3F89] =	sst s6  }
0xf: {  	[smem:$0x3F8A] =	sst s7  }
0x10: {  	[smem:$0x3F8B] =	sst s8  }
0x11: {  	[smem:$0x3F8C] =	sst s9;
	s0 =	simm.s32 @!p0 $0x0  }
0x12: {  	s1 =	sld [smem:$0x3F72];
	s0 =	simm.s32 @p0 $0x1  }
0x13: {  	[smem:$0x3F8D] =	sst s0;
	s0 =	simm.s32 @!p1 $0x0  }
0x14: {  	s2 =	sld [smem:$0x3F71];
	s0 =	simm.s32 @p1 $0x1  }
0x15: {  	[smem:$0x3F8E] =	sst s0;
	s0 =	simm.s32 @!p2 $0x0  }
0x16: {  	s3 =	sld [smem:$0x3FDB];
	s0 =	simm.s32 @p2 $0x1  }
0x17: {  	s4 =	simm.s32 $0x1BF5;
	[smem:$0x3F90] =	sst s0  }
0x18: {  	s0 =	sld [smem:$0x3F73];
	_ =	swait.ge [sflag:s4], $0x0  }
0x19: {  	s7 =	sld [smem:$0x3F74]  }
0x1a: {  	s8 =	sadd.s32 $0xFFFFE003, lr  }
0x1b: {  	s9 =	sadd.s32 $0xFFFFFEF7, lr;
	s5 =	simm.s32 $0xFFFFFFFF;
	p2 =	slt.u32 s8, $0xFFFFF086  }
0x1c: {  	p1 =	slt.u32 s9, $0xF7A;
	s5 =	simm.s32 @!p2 $0x0  }
0x1d: {  	s5 =	simm.s32 @p1 $0x1;
	p0 =	seq.s32 s7, s2  }
0x1e: {  	s7 =	smul.u32 @!p0 $0xF7A, s2;
	p2 =	seq.s32 @!p0 s5, $0x0  }
0x1f: {  	s9 =	smul.u32 $0xF7A, s1;
	s8 =	simm.s32 @!p0 $0x1BF5;
	p2 =	por !p2, p0  }
0x20: {  	[sflag:s8] =	ssyncset.s32 @!p0 $0xFFFFF086;
	s6 =	sadd.s32 @!p0 s3, s7;
	s7 =	simm.s32 @!p0 $0x108  }
0x21: {  	s3 =	sadd.s32 s3, s9;
	s6 =	sadd.s32 @!p0 $0x88, s6;
	s7 =	simm.s32 @p2 $0x1082  }
0x22: {  	[simem:s7], [sflag:s8] =	dma.local @!p0 [hbm:s6], $0xF7A  }
0x23: {  	s9 =	sor.u32 $0xD0000000, s2;
	s6 =	simm.s32 $0x108;
	_ =	swait.ge @!p0 [sflag:s8], $0x0  }
0x24: {  	s3 =	sadd.s32 $0x88, s3;
	s6 =	simm.s32 @!p1 $0x1082;
	[sflag:s4] =	ssyncset.s32 $0xFFFFF086  }
0x25: {  	[simem:s6], [sflag:s4] =	dma.local [hbm:s3], $0xF7A  }
0x26: {  	[smem:$0x3F74] =	sst s1;
	(tag) =	ssettag s2;
	_ =	strace s9  }
0x27: {  	s1 =	sld [smem:$0x3F84]  }
0x28: {  	s2 =	sld [smem:$0x3F85]  }
0x29: {  	s4 =	sld [smem:$0x3F87]  }
0x2a: {  	p0 =	seq.s32 s5, $0x0;
	s5 =	sld [smem:$0x3F88]  }
0x2b: {  	s6 =	sld [smem:$0x3F89]  }
0x2c: {  	s7 =	sld [smem:$0x3F8A]  }
0x2d: {  	s3 =	simm.s32 $0x108;
	s8 =	sld [smem:$0x3F8B]  }
0x2e: {  	s3 =	simm.s32 @!p0 $0x1082;
	s9 =	sld [smem:$0x3F8C]  }
0x2f: {  	lr =	sadd.s32 s0, s3;
	s0 =	sld [smem:$0x3F83]  }
0x30: {  	s3 =	sld [smem:$0x3F86]  }
0x31: {  	[smem:$0x3F8F] =	sst s10  }
0x32: {  	s10 =	sld [smem:$0x3F8D];
	_ =	sdelay $0x3  }
0x33: {  	p0 =	seq.s32 s10, $0x1;
	s10 =	sld [smem:$0x3F8F];
	_ =	sdelay $0x3  }
0x34: {  	[smem:$0x3F8F] =	sst s10  }
0x35: {  	s10 =	sld [smem:$0x3F8E];
	_ =	sdelay $0x3  }
0x36: {  	p1 =	seq.s32 s10, $0x1;
	s10 =	sld [smem:$0x3F8F];
	_ =	sdelay $0x3  }
0x37: {  	[smem:$0x3F8F] =	sst s10  }
0x38: {  	s10 =	sld [smem:$0x3F90]  }
0x39: {  	_ = 	snop;
	(pc) =	sbr.ind lr, $3  }
0x3a: {  	_ = 	snop  }
0x3b: {  	_ = 	snop  }
0x3c: {  	p2 =	seq.s32 s10, $0x1;
	s10 =	sld [smem:$0x3F8F]  }
0x3d: {  	_ =	shalt  }
0x3e: {  	_ =	shalt  }
0x3f: {  	_ =	shalt  }
0x40: {  	_ =	shalt  }
0x41: {  	_ =	shalt  }
0x42: {  	_ =	shalt  }
0x43: {  	_ =	shalt  }
0x44: {  	_ =	shalt  }
0x45: {  	_ =	shalt  }
0x46: {  	_ =	shalt  }
0x47: {  	_ =	shalt  }
0x48: {  	_ =	shalt  }
0x49: {  	_ =	shalt  }
0x4a: {  	_ =	shalt  }
0x4b: {  	_ =	shalt  }
0x4c: {  	_ =	shalt  }
0x4d: {  	_ =	shalt  }
0x4e: {  	_ =	shalt  }
0x4f: {  	_ =	shalt  }
0x50: {  	_ =	shalt  }
0x51: {  	_ =	shalt  }
0x52: {  	_ =	shalt  }
0x53: {  	_ =	shalt  }
0x54: {  	_ =	shalt  }
0x55: {  	_ =	shalt  }
0x56: {  	_ =	shalt  }
0x57: {  	_ =	shalt  }
0x58: {  	_ =	shalt  }
0x59: {  	_ =	shalt  }
0x5a: {  	_ =	shalt  }
0x5b: {  	_ =	shalt  }
0x5c: {  	_ =	shalt  }
0x5d: {  	_ =	shalt  }
0x5e: {  	_ =	shalt  }
0x5f: {  	_ =	shalt  }
0x60: {  	_ =	shalt  }
0x61: {  	_ =	shalt  }
0x62: {  	_ =	shalt  }
0x63: {  	_ =	shalt  }
0x64: {  	_ =	shalt  }
0x65: {  	_ =	shalt  }
0x66: {  	_ =	shalt  }
0x67: {  	_ =	shalt  }
0x68: {  	_ =	shalt  }
0x69: {  	_ =	shalt  }
0x6a: {  	_ =	shalt  }
0x6b: {  	_ =	shalt  }
0x6c: {  	_ =	shalt  }
0x6d: {  	_ =	shalt  }
0x6e: {  	_ =	shalt  }
0x6f: {  	_ =	shalt  }
0x70: {  	_ =	shalt  }
0x71: {  	_ =	shalt  }
0x72: {  	_ =	shalt  }
0x73: {  	_ =	shalt  }
0x74: {  	_ =	shalt  }
0x75: {  	_ =	shalt  }
0x76: {  	_ =	shalt  }
0x77: {  	_ =	shalt  }
0x78: {  	_ =	shalt  }
0x79: {  	_ =	shalt  }
0x7a: {  	_ =	shalt  }
0x7b: {  	_ =	shalt  }
0x7c: {  	_ =	shalt  }
0x7d: {  	_ =	shalt  }
0x7e: {  	_ =	shalt  }
0x7f: {  	_ =	shalt  }
0x80: {  	_ =	shalt  }
0x81: {  	_ =	shalt  }
0x82: {  	_ =	shalt  }
0x83: {  	_ =	shalt  }
0x84: {  	_ =	shalt  }
0x85: {  	_ =	shalt  }
0x86: {  	_ =	shalt  }
0x87: {  	_ =	shalt  }
.Lfunc_end0:
.L_simem_size_0:
called_computation.3_lowered:
.L_overlay_start_0:
0x88: {  	s2 =	sld [smem:$0x3FD9]  }
0x89: {  	s3 =	sld [smem:$0x3FFE];
	_ =	sdelay $0x1  }
0x8a: {  	s1 =	srdreg.scid  }
0x8b: {  	s0 =	sand.u32 $0x1, s1  }
0x8c: {  	s16 =	sshll.u32 s0, $0xA;
	s2 =	sadd.s32 s3, s2  }
0x8d: {  	s2 =	sadd.s32 s2, s16  }
0x8e: {  	[smem:$0x3F9B] =	sst s2  }
0x8f: {  	_ = 	snop  }
0x90: {  	(tm) =	ssettm $0x1  }
0x91: {  	s17 =	sld [smem:$0x3FFB];
	_ =	sdelay $0x3  }
0x92: {  	_ =	strace s17  }
0x93: {  	s2 =	sld [smem:$0x3FFC];
	_ =	sdelay $0x3  }
0x94: {  	_ =	strace s2  }
0x95: {  	s2 =	sld [smem:$0x3FFD];
	_ =	sdelay $0x3  }
0x96: {  	_ =	strace s2  }
0x97: {  	_ =	strace $0x8FFFFFFF  }
0x98: {  	s18 =	sld [smem:$0x3FDB];
	_ =	sdelay $0x1  }
0x99: {  	s19 =	simm.s32 $_scs_section_size  }
0x9a: {  	s4 =	simm.s32 $_size__tile_overlayer_lowered;
	s5 =	simm.s32 $_tile_overlayer_lowered  }
0x9b: {  	s22 =	simm.s32 $0x1BFF;
	s21 =	sshll.u32 s5, $0x1;
	s2 =	sadd.s32 s19, s18  }
0x9c: {  	s6 =	simm.s32 $0x0;
	s20 =	sshll.u32 s4, $0x1;
	s4 =	sadd.s32 s21, s2  }
0x9d: {  	[timem:s6], [sflag:s22] =	dma.local [hbm:s4], s20  }
0x9e: {  	_ =	swait.ge [sflag:s22], s20  }
0x9f: {  	s3 =	ssub.s32 $0x0, s20;
	[sflag:s22] =	ssyncset.done $0x0  }
0xa0: {  	[sflag:s22] =	ssyncadd.s32 s3;
	_ =	sdelay $0x1  }
0xa1: {  	s23 =	simm.s32 $0x1B8B  }
0xa2: {  	_ =	swait.ge [sflag:s23], $0x1  }
0xa3: {  	[sflag:s23] =	ssyncset.done $0x0  }
0xa4: {  	s25 =	simm.s32 $0x1B8E;
	s24 =	sld [smem:$0x3FFE];
	[sflag:s23] =	ssyncadd.s32 $0xFFFFFFFF  }
0xa5: {  	s26 =	simm.s32 $execute0_lowered;
	[smem:$0x3FD2] =	sst s25  }
0xa6: {  	s4 =	sshll.u32 s26, $0x1;
	_ =	strace $0x8000004F;
	[dreg:$0x1] =	wrdreg $0xFFFFFFFF  }
0xa7: {  	s28 =	simm.s32 $_size_execute0_lowered;
	s2 =	sadd.s32 s2, s4;
	[dreg:$0x0] =	wrdreg $0x0  }
0xa8: {  	s4 =	sshll.u32 s28, $0x1;
	[dreg:$0x2] =	wrdreg s2  }
0xa9: {  	[dreg:$0x3] =	wrdreg s4  }
0xaa: {  	[dreg:$0x4] =	wrdreg $0xC0  }
0xab: {  	_ =	task [dreg:s6], $0x5FFFF  }
0xac: {  	[dreg:$0x1] =	wrdreg $0xFFFFFFFF  }
0xad: {  	[dreg:$0x0] =	wrdreg $0x60  }
0xae: {  	[dreg:$0x2] =	wrdreg s24  }
0xaf: {  	[dreg:$0x3] =	wrdreg $0x58000  }
0xb0: {  	[dreg:$0x4] =	wrdreg $0x9  }
0xb1: {  	_ =	task.clear_ibuf [dreg:s6], $0x5FFFF;
	_ =	strace $0x9000004F  }
0xb2: {  	s29 =	simm.s32 $0x9;
	_ =	strace $0x80000051  }
0xb3: {  	_ =	swait.ge [sflag:s29], $0x1  }
0xb4: {  	[sflag:s29] =	ssyncadd.s32 $0xFFFFFFFF  }
0xb5: {  	_ =	strace $0x90000051  }
0xb6: {  	_ =	sfence  }
0xb7: {  	s30 =	sld [smem:$0x0];
	_ =	sdelay $0x2  }
0xb8: {  	s31 =	sshll.u32 s1, $0xD;
	s1 =	sshrl.u32 s1, $0x2  }
0xb9: {  	s3 =	sand.u32 $0x4000, s31;
	s1 =	sadd.s32 s1, s30  }
0xba: {  	s0 =	sor.u32 s3, s0;
	s1 =	sshll.u32 s1, $0x11  }
0xbb: {  	s0 =	sor.u32 s1, s0  }
0xbc: {  	s0 =	sadd.s32 $0x8F2B, s0  }
0xbd: {  	[sflag:s0] =	ssyncadd.remote.s32 $0x1  }
0xbe: {  	_ =	sfence.sel $0xFFFF  }
0xbf: {  	[dreg:$0x0] =	wrdreg $0xFFFFFFFF;
	(pc) =	sbr.abs _section_cstart, $3  }
0xc0: {  	[dreg:$0x1] =	wrdreg $0xFFFFFFFF  }
0xc1: {  	_ =	task.clear_ibuf [dreg:s6], $0x2FFFF;
	_ =	strace $0x9FFFFFFF  }
0xc2: {  	(tm) =	ssettm $0x7FFFFFFF  }
0xc3: {  	_ =	shalt  }
tec
execute0_lowered:
.L_overlay_start_1:
0x0: {  	(tag) =	ssettag $0x1  }
0x1: {  	s0 =	rddreg [dreg:$0x0]  }
0x2: {  	s1 =	rddreg [dreg:$0x1];
	s2 =	srdreg.scid  }
0x3: {  	s3 =	simm.s32 $0x0;
	s9 =	stileid.u32;
	s28 =	simm.s32 $0x1C00  }
0x4: {  	s31 =	simm.s32 $0x9;
	s30 =	simm.s32 $0x680;
	s6 =	smul.u32 $0x14000, s9  }
0x5: {  	s2 =	sand.u32 $0x1, s2;
	[smem:$0x7FF] =	sst s3;
	s18 =	smul.u32 $0x50000, s9  }
0x6: {  	s4 =	sadd.s32 $0x1E800, s0;
	s10 =	sadd.s32 $0x12200, s0;
	s21 =	smul.u32 $0x2710, s9  }
0x7: {  	s11 =	sadd.s32 $0x8400, s0;
	s7 =	sadd.s32 $0x1C000, s0;
	s5 =	smul.u32 $0x140000, s2  }
0x8: {  	_ =	strace $0x80000050;
	[dreg:$0x5] =	wrdreg s7;
	s17 =	sshll.u32 s2, $0x4  }
0x9: {  	s19 =	ssub.s32 $0x2, s2;
	s2 =	smul.u32 $0x27100, s2;
	[dreg:$0x4] =	wrdreg s11  }
0xa: {  	[dreg:$0x3] =	wrdreg s10;
	s8 =	sshrl.u32 s19, $0x1;
	s7 =	sshrl.u32 s18, $0x2  }
0xb: {  	s5 =	sadd.s32 s6, s5;
	s6 =	sor.u32 s9, s17;
	s7 =	sadd.s32 s7, s1  }
0xc: {  	s2 =	sadd.s32 s21, s2;
	s5 =	sshrl.u32 s5, $0x3;
	s6 =	smul.u32 $0x2710, s6  }
0xd: {  	[dreg:$0x6] =	wrdreg s7;
	s25 =	sadd.s32 $0x78, s2;
	s13 =	sadd.s32 $0x190, s2  }
0xe: {  	s17 =	sadd.s32 $0xF0, s2;
	s0 =	sadd.s32 s5, s0;
	s5 =	ssub.s32 s19, s8  }
0xf: {  	s26 =	sshrl.u32 s25, $0x3;
	s8 =	sadd.s32 $0x168, s2;
	s25 =	sshll.u32 s9, $0x6  }
0x10: {  	s15 =	sshrl.u32 s13, $0x3;
	s0 =	sadd.s32 $0x6EE00, s0;
	[dreg:$0x1c] =	wrdreg s25  }
0x11: {  	s18 =	sshrl.u32 s17, $0x3;
	s5 =	smax.u32 s5, $0x1;
	[dreg:$0xd] =	wrdreg s0  }
0x12: {  	s19 =	sadd.s32 $0xC8, s2;
	s29 =	sadd.s32 s26, s11;
	[dreg:$0xe] =	wrdreg s5  }
0x13: {  	s20 =	sshrl.u32 s6, $0x3;
	s16 =	sadd.s32 s15, s11;
	[dreg:$0xf] =	wrdreg s29  }
0x14: {  	s13 =	simm.s32 $0x1;
	s12 =	sadd.s32 s10, s20;
	[dreg:$0x15] =	wrdreg s16  }
0x15: {  	s17 =	simm.s32 $0xB;
	s22 =	sadd.s32 s11, s20;
	[dreg:$0x7] =	wrdreg s12  }
0x16: {  	s6 =	sadd.s32 $0x28, s6;
	s0 =	sadd.s32 s26, s10;
	[dreg:$0x8] =	wrdreg s22  }
0x17: {  	s7 =	sadd.s32 $0xA, s20;
	s20 =	sadd.s32 s18, s11;
	[dreg:$0x10] =	wrdreg s0  }
0x18: {  	s6 =	sshrl.u32 s6, $0x3;
	s29 =	sor.u32 $0x1C11, s25;
	[dreg:$0x17] =	wrdreg s20  }
0x19: {  	s9 =	simm.s32 $0x0;
	s23 =	sadd.s32 s10, s6;
	[dreg:$0x1f] =	wrdreg s29  }
0x1a: {  	s21 =	sshrl.u32 s19, $0x3;
	s6 =	sadd.s32 s11, s6;
	[dreg:$0x9] =	wrdreg s23  }
0x1b: {  	s19 =	simm.s32 $0xD;
	s24 =	sadd.s32 s10, s7;
	[dreg:$0xa] =	wrdreg s6  }
0x1c: {  	s5 =	sshrl.u32 s8, $0x3;
	s7 =	sadd.s32 s11, s7;
	[dreg:$0xb] =	wrdreg s24  }
0x1d: {  	s16 =	simm.s32 $0x2;
	s14 =	sadd.s32 s5, s11;
	[dreg:$0xc] =	wrdreg s7  }
0x1e: {  	s25 =	simm.s32 $0x6;
	s5 =	sadd.s32 s5, s10;
	[dreg:$0x13] =	wrdreg s14  }
0x1f: {  	s22 =	sadd.s32 $0x140, s2;
	s20 =	simm.s32 $0x5;
	[dreg:$0x14] =	wrdreg s5  }
0x20: {  	s6 =	sadd.s32 $0x118, s2;
	[dreg:$0x19] =	wrdreg s22;
	s2 =	sadd.s32 $0xA0, s2  }
0x21: {  	s23 =	sadd.s32 s21, s11;
	s14 =	simm.s32 $0x28;
	s5 =	simm.s32 $0x8  }
0x22: {  	s7 =	sshrl.u32 s6, $0x3;
	[dreg:$0x1a] =	wrdreg s23;
	s24 =	sshrl.u32 s2, $0x3  }
0x23: {  	s23 =	simm.s32 $0xC;
	s6 =	simm.s32 $0x3;
	s12 =	sadd.s32 s7, s11  }
0x24: {  	s0 =	sadd.s32 s7, s10;
	s26 =	sadd.s32 s24, s11;
	[dreg:$0x11] =	wrdreg s12  }
0x25: {  	s7 =	simm.s32 $0xA;
	s11 =	simm.s32 $0x4;
	[dreg:$0x12] =	wrdreg s0  }
.Ltmp0:
0x26: {  	s0 =	sadd.s32 s15, s10;
	[dreg:$0x1d] =	wrdreg s26;
	(pc) =	sbr.rel .LBB2_1-.Ltmp0, $4  }
0x27: {  	s15 =	simm.s32 $0x800;
	[dreg:$0x16] =	wrdreg s0;
	s0 =	sadd.s32 s18, s10  }
0x28: {  	s12 =	simm.s32 $0x4400;
	[dreg:$0x18] =	wrdreg s0;
	s0 =	sadd.s32 s21, s10  }
0x29: {  	s18 =	simm.s32 $0x3000;
	[dreg:$0x1b] =	wrdreg s0;
	s0 =	sadd.s32 s24, s10  }
0x2a: {  	s24 =	simm.s32 $0xE;
	[dreg:$0x1e] =	wrdreg s0;
	s0 =	simm.s32 $0x7  }
.LBB2_7:
0x2b: {  	_ =	swait.ge [sflag:s19], $0x1400  }
0x2c: {  	[sflag:s19] =	ssyncset.done $0x0  }
0x2d: {  	[sflag:s19] =	ssyncadd.s32 $0xFFFFEC00  }
0x2e: {  	_ =	swait.ge [sflag:s24], $0x1400  }
0x2f: {  	[sflag:s24] =	ssyncset.done $0x0  }
0x30: {  	[sflag:s24] =	ssyncadd.s32 $0xFFFFEC00  }
0x31: {  	[bflag:$0x0] =	sbarrier.arrive $0xFFFF  }
0x32: {  	s2 =	sld [smem:$0x7FD]  }
0x33: {  	s8 =	rddreg [dreg:$0x1c]  }
0x34: {  	s22 =	simm.s32 $0x12;
	s9 =	rddreg [dreg:$0xd];
	s8 =	sor.u32 $0x1C12, s8  }
0x35: {  	[hbm:s9], [sflag:s8] =	dma.local [spmem:s2], $0x2800  }
0x36: {  	_ =	swait.ge [sflag:s22], $0x2800  }
0x37: {  	s26 =	sld [smem:$0x7FC];
	_ =	sdelay $0x2  }
0x38: {  	s29 =	rddreg [dreg:$0xe];
	s9 =	sadd.s32 $0x1, s26  }
0x39: {  	p0 =	sne.s32 s9, s29  }
.Ltmp1:
0x3a: {  	_ = 	snop;
	(pc) =	sbr.rel @!p0 .LBB2_8-.Ltmp1, $3  }
0x3b: {  	_ =	sdelay $0x1  }
0x3c: {  	[sflag:s22] =	ssyncset.done $0x0  }
0x3d: {  	[sflag:s22] =	ssyncadd.s32 $0xFFFFD800  }
.LBB2_1:
0x3e: {  	[smem:$0x7FC] =	sst s9  }
0x3f: {  	s8 =	rddreg [dreg:$0x6]  }
0x40: {  	s9 =	rddreg [dreg:$0x5]  }
0x41: {  	s10 =	rddreg [dreg:$0x1f];
	s2 =	sshrl.u32 s8, $0x3  }
0x42: {  	[smem:$0x7FD] =	sst s2  }
0x43: {  	[spmem:s2], [sflag:s10] =	dma.local [hbm:s9], $0x2800  }
0x44: {  	s8 =	rddreg [dreg:$0x7]  }
0x45: {  	[tilespmem:s3], [sflag:$0x1] =	stream.linear.gather [hbm4b:s8+s3], $0x28, $0x38;
	[tilespmem:$0x19800] =	vst v63  }
0x46: {  	s22 =	simm.s32 $0x400;
	s21 =	rddreg [dreg:$0x8]  }
0x47: {  	[tilespmem:s22], [sflag:$0x1] =	stream.linear.gather [hbm4b:s21+s3], $0x28, $0x38;
	[tilespmem:$0x19800] =	vst v63  }
0x48: {  	s29 =	simm.s32 $0x80;
	s26 =	rddreg [dreg:$0x9]  }
0x49: {  	[tilespmem:s29], [sflag:$0x2] =	stream.linear.gather [hbm4b:s26+s3], $0x28, $0x38;
	[tilespmem:$0x19800] =	vst v63  }
0x4a: {  	s10 =	simm.s32 $0x480;
	s2 =	rddreg [dreg:$0xa]  }
0x4b: {  	[tilespmem:s10], [sflag:$0x2] =	stream.linear.gather [hbm4b:s2+s3], $0x28, $0x38;
	[tilespmem:$0x19800] =	vst v63  }
0x4c: {  	s21 =	simm.s32 $0x100;
	s10 =	rddreg [dreg:$0xb]  }
0x4d: {  	[tilespmem:s21], [sflag:$0x3] =	stream.linear.gather [hbm4b:s10+s3], $0x28, $0x38;
	[tilespmem:$0x19800] =	vst v63  }
0x4e: {  	s22 =	rddreg [dreg:$0xc];
	s26 =	simm.s32 $0x500  }
0x4f: {  	[tilespmem:s26], [sflag:$0x3] =	stream.linear.gather [hbm4b:s22+s3], $0x28, $0x38;
	[tilespmem:$0x19800] =	vst v63  }
0x50: {  	_ =	swait.ge [sflag:s13], $0x28  }
0x51: {  	[sflag:s13] =	ssyncset.done $0x0  }
0x52: {  	[sflag:s13] =	ssyncadd.s32 $0xFFFFFFD8  }
0x53: {  	_ =	swait.ge [sflag:s13], $0x28  }
0x54: {  	[sflag:s13] =	ssyncset.done $0x0  }
0x55: {  	[sflag:s13] =	ssyncadd.s32 $0xFFFFFFD8  }
0x56: {  	[tilespmem:s15], [sflag:$0x9] =	stream.indirect.gather [hbm4b:s4+s14], $0x80, s3, s14, $0xb8;
	[tilespmem:$0x19800] =	vst v63  }
0x57: {  	_ =	swait.ge [sflag:s16], $0x28  }
0x58: {  	[sflag:s16] =	ssyncset.done $0x0  }
0x59: {  	[sflag:s16] =	ssyncadd.s32 $0xFFFFFFD8  }
0x5a: {  	_ =	swait.ge [sflag:s16], $0x28  }
0x5b: {  	[sflag:s16] =	ssyncset.done $0x0  }
0x5c: {  	[sflag:s16] =	ssyncadd.s32 $0xFFFFFFD8  }
0x5d: {  	[tilespmem:s28], [sflag:$0xA] =	stream.indirect.gather [hbm4b:s4+s14], $0x80, s29, s14, $0xb8;
	[tilespmem:$0x19800] =	vst v63  }
0x5e: {  	s29 =	simm.s32 $0x11  }
.Ltmp2:
0x5f: {  	_ =	swait.ge [sflag:s29], $0x2800;
	(pc) =	sbr.rel .LBB2_2-.Ltmp2, $4  }
0x60: {  	[sflag:s29] =	ssyncset.done $0x0  }
0x61: {  	[sflag:s29] =	ssyncadd.s32 $0xFFFFD800  }
0x62: {  	s21 =	simm.s32 $0x7;
	[bflag:$0x0] =	sbarrier.arrive $0xFFFF  }
0x63: {  	s22 =	simm.s32 $0x0;
	s26 =	simm.s32 $0x0;
	s9 =	rddreg [dreg:$0x19]  }
.LBB2_6:
0x64: {  	s22 =	sadd.s32 $0x28, s22  }
0x65: {  	p0 =	sne.s32 s22, $0x500  }
.Ltmp3:
0x66: {  	_ = 	snop;
	(pc) =	sbr.rel @!p0 .LBB2_7-.Ltmp3, $2  }
0x67: {  	_ =	sdelay $0x2  }
0x68: {  	s26 =	sadd.s32 $0x1, s26;
	s21 =	sadd.s32 $0x8, s21;
	s9 =	sadd.s32 $0x140, s9  }
.LBB2_2:
0x69: {  	p0 =	seq.s32 s22, $0x0  }
0x6a: {  	_ =	swait.ge [sflag:s31], $0x1400;
	p1 =	seq.s32 @!p0 s22, $0x4D8  }
0x6b: {  	s8 =	simm.s32 $0x400;
	[sflag:s31] =	ssyncset.done $0x0;
	p1 =	por p0, !p1  }
.Ltmp4:
0x6c: {  	s29 =	simm.s32 @!p0 $0xF;
	[sflag:s31] =	ssyncadd.s32 $0xFFFFEC00;
	(pc) =	sbr.rel @!p1 .LBB2_4-.Ltmp4, $4  }
0x6d: {  	[spmem:s1] =	stream.indirect.scatter.add.f32 [tilespmem:s15], [sflag:$0xD], $0x80, s8, s14, $0xb8;
	[tilespmem:$0x19800] =	vst v63  }
0x6e: {  	_ =	swait.ge @!p0 [sflag:s29], $0x1400  }
0x6f: {  	[sflag:s29] =	ssyncset.done @!p0 $0x0  }
0x70: {  	[sflag:s29] =	ssyncadd.s32 @!p0 $0xFFFFEC00  }
0x71: {  	_ =	swait.ge [sflag:s6], $0x28  }
0x72: {  	[sflag:s6] =	ssyncset.done $0x0  }
0x73: {  	[sflag:s6] =	ssyncadd.s32 $0xFFFFFFD8  }
0x74: {  	_ =	swait.ge [sflag:s6], $0x28  }
0x75: {  	[sflag:s6] =	ssyncset.done $0x0  }
0x76: {  	s8 =	simm.s32 $0x100;
	s29 =	sadd.s32 $0xFFFFFFFC, s21;
	[sflag:s6] =	ssyncadd.s32 $0xFFFFFFD8  }
0x77: {  	[tilespmem:s18], [sflag:$0xB] =	stream.indirect.gather [hbm4b:s4+s14], $0x80, s8, s14, $0xb8;
	[tilespmem:$0x19800] =	vst v63  }
0x78: {  	p1 =	sgt.u32 s29, $0xF9;
	s8 =	rddreg [dreg:$0x10]  }
0x79: {  	s10 =	simm.s32 @!p1 $0x180;
	s29 =	sadd.s32 @!p1 s22, s8;
	s8 =	simm.s32 @!p1 $0x0  }
0x7a: {  	[tilespmem:s10], [sflag:$0x4] =	stream.linear.gather @!p1 [hbm4b:s29+s8], $0x28, $0x38;
	[tilespmem:$0x19800] =	vst v63  }
0x7b: {  	s10 =	rddreg [dreg:$0xf]  }
0x7c: {  	s29 =	simm.s32 @!p1 $0x580;
	s10 =	sadd.s32 @!p1 s22, s10  }
0x7d: {  	[tilespmem:s29], [sflag:$0x4] =	stream.linear.gather @!p1 [hbm4b:s10+s8], $0x28, $0x38;
	[tilespmem:$0x19800] =	vst v63  }
.LBB2_4:
0x7e: {  	_ =	swait.ge [sflag:s7], $0x1400  }
0x7f: {  	p1 =	sgt.u32 @!p0 s26, $0x1E;
	[sflag:s7] =	ssyncset.done $0x0  }
0x80: {  	s8 =	simm.s32 $0x480;
	p1 =	por p0, !p1;
	[sflag:s7] =	ssyncadd.s32 $0xFFFFEC00  }
0x81: {  	[spmem:s1] =	stream.indirect.scatter.add.f32 [tilespmem:s28], [sflag:$0xE], $0x80, s8, s14, $0xb8;
	[tilespmem:$0x19800] =	vst v63  }
.Ltmp5:
0x82: {  	_ = 	snop;
	(pc) =	sbr.rel @!p1 .LBB2_6-.Ltmp5, $4  }
0x83: {  	s8 =	simm.s32 @!p0 $0x10  }
0x84: {  	_ =	swait.ge @!p0 [sflag:s8], $0x1400  }
0x85: {  	[sflag:s8] =	ssyncset.done @!p0 $0x0  }
0x86: {  	[sflag:s8] =	ssyncadd.s32 @!p0 $0xFFFFEC00  }
0x87: {  	_ =	swait.ge [sflag:s11], $0x28  }
0x88: {  	[sflag:s11] =	ssyncset.done $0x0  }
0x89: {  	[sflag:s11] =	ssyncadd.s32 $0xFFFFFFD8  }
0x8a: {  	_ =	swait.ge [sflag:s11], $0x28  }
0x8b: {  	[sflag:s11] =	ssyncset.done $0x0  }
0x8c: {  	s8 =	simm.s32 $0x180;
	s10 =	rddreg [dreg:$0x1e];
	[sflag:s11] =	ssyncadd.s32 $0xFFFFFFD8  }
0x8d: {  	[tilespmem:s12], [sflag:$0xC] =	stream.indirect.gather [hbm4b:s4+s14], $0x80, s8, s14, $0xb8;
	[tilespmem:$0x19800] =	vst v63  }
0x8e: {  	s29 =	rddreg [dreg:$0x1d];
	s8 =	sadd.s32 s22, s10;
	s10 =	simm.s32 $0x200  }
0x8f: {  	[tilespmem:s10], [sflag:$0x5] =	stream.linear.gather [hbm4b:s8+s3], $0x28, $0x38;
	[tilespmem:$0x19800] =	vst v63  }
0x90: {  	s8 =	sadd.s32 s22, s29;
	s29 =	simm.s32 $0x600  }
0x91: {  	[tilespmem:s29], [sflag:$0x5] =	stream.linear.gather [hbm4b:s8+s3], $0x28, $0x38;
	[tilespmem:$0x19800] =	vst v63  }
0x92: {  	_ =	swait.ge [sflag:s17], $0x1400  }
0x93: {  	[sflag:s17] =	ssyncset.done $0x0  }
0x94: {  	s2 =	simm.s32 $0x500;
	[sflag:s17] =	ssyncadd.s32 $0xFFFFEC00  }
0x95: {  	[spmem:s1] =	stream.indirect.scatter.add.f32 [tilespmem:s18], [sflag:$0xF], $0x80, s2, s14, $0xb8;
	[tilespmem:$0x19800] =	vst v63  }
0x96: {  	_ =	swait.ge [sflag:s19], $0x1400  }
0x97: {  	[sflag:s19] =	ssyncset.done $0x0  }
0x98: {  	[sflag:s19] =	ssyncadd.s32 $0xFFFFEC00  }
0x99: {  	_ =	swait.ge [sflag:s20], $0x28  }
0x9a: {  	[sflag:s20] =	ssyncset.done $0x0  }
0x9b: {  	[sflag:s20] =	ssyncadd.s32 $0xFFFFFFD8  }
0x9c: {  	_ =	swait.ge [sflag:s20], $0x28  }
0x9d: {  	[sflag:s20] =	ssyncset.done $0x0  }
0x9e: {  	[sflag:s20] =	ssyncadd.s32 $0xFFFFFFD8  }
0x9f: {  	[tilespmem:s15], [sflag:$0x9] =	stream.indirect.gather [hbm4b:s4+s14], $0x80, s10, s14, $0xb8;
	[tilespmem:$0x19800] =	vst v63  }
0xa0: {  	s10 =	rddreg [dreg:$0x1b]  }
0xa1: {  	s2 =	rddreg [dreg:$0x1a];
	s8 =	sadd.s32 s22, s10;
	s10 =	simm.s32 $0x280  }
0xa2: {  	[tilespmem:s10], [sflag:$0x6] =	stream.linear.gather [hbm4b:s8+s3], $0x28, $0x38;
	[tilespmem:$0x19800] =	vst v63  }
0xa3: {  	s8 =	sadd.s32 s22, s2  }
0xa4: {  	[tilespmem:s30], [sflag:$0x6] =	stream.linear.gather [hbm4b:s8+s3], $0x28, $0x38;
	[tilespmem:$0x19800] =	vst v63  }
0xa5: {  	_ =	swait.ge [sflag:s23], $0x1400  }
0xa6: {  	[sflag:s23] =	ssyncset.done $0x0  }
0xa7: {  	s2 =	simm.s32 $0x580;
	[sflag:s23] =	ssyncadd.s32 $0xFFFFEC00  }
0xa8: {  	[spmem:s1] =	stream.indirect.scatter.add.f32 [tilespmem:s12], [sflag:$0x10], $0x80, s2, s14, $0xb8;
	[tilespmem:$0x19800] =	vst v63  }
0xa9: {  	_ =	swait.ge [sflag:s24], $0x1400  }
0xaa: {  	[sflag:s24] =	ssyncset.done $0x0  }
0xab: {  	[sflag:s24] =	ssyncadd.s32 $0xFFFFEC00  }
0xac: {  	_ =	swait.ge [sflag:s25], $0x28  }
0xad: {  	[sflag:s25] =	ssyncset.done $0x0  }
0xae: {  	[sflag:s25] =	ssyncadd.s32 $0xFFFFFFD8  }
0xaf: {  	_ =	swait.ge [sflag:s25], $0x28  }
0xb0: {  	[sflag:s25] =	ssyncset.done $0x0  }
0xb1: {  	[sflag:s25] =	ssyncadd.s32 $0xFFFFFFD8  }
0xb2: {  	[tilespmem:s28], [sflag:$0xA] =	stream.indirect.gather [hbm4b:s4+s14], $0x80, s10, s14, $0xb8;
	[tilespmem:$0x19800] =	vst v63  }
0xb3: {  	s10 =	rddreg [dreg:$0x18]  }
0xb4: {  	s2 =	rddreg [dreg:$0x17];
	s8 =	sadd.s32 s22, s10;
	s10 =	simm.s32 $0x300  }
0xb5: {  	[tilespmem:s10], [sflag:$0x7] =	stream.linear.gather [hbm4b:s8+s3], $0x28, $0x38;
	[tilespmem:$0x19800] =	vst v63  }
0xb6: {  	s8 =	sadd.s32 s22, s2;
	s2 =	simm.s32 $0x700  }
0xb7: {  	[tilespmem:s2], [sflag:$0x7] =	stream.linear.gather [hbm4b:s8+s3], $0x28, $0x38;
	[tilespmem:$0x19800] =	vst v63  }
0xb8: {  	_ =	swait.ge [sflag:s31], $0x1400  }
0xb9: {  	[sflag:s31] =	ssyncset.done $0x0  }
0xba: {  	[sflag:s31] =	ssyncadd.s32 $0xFFFFEC00  }
0xbb: {  	[spmem:s1] =	stream.indirect.scatter.add.f32 [tilespmem:s15], [sflag:$0xD], $0x80, s29, s14, $0xb8;
	[tilespmem:$0x19800] =	vst v63  }
0xbc: {  	s29 =	simm.s32 $0xF  }
0xbd: {  	_ =	swait.ge [sflag:s29], $0x1400  }
0xbe: {  	[sflag:s29] =	ssyncset.done $0x0  }
0xbf: {  	[sflag:s29] =	ssyncadd.s32 $0xFFFFEC00  }
0xc0: {  	_ =	swait.ge [sflag:s0], $0x28  }
0xc1: {  	[sflag:s0] =	ssyncset.done $0x0  }
0xc2: {  	[sflag:s0] =	ssyncadd.s32 $0xFFFFFFD8  }
0xc3: {  	_ =	swait.ge [sflag:s0], $0x28  }
0xc4: {  	[sflag:s0] =	ssyncset.done $0x0  }
0xc5: {  	p0 =	sgt.u32 s21, $0xF9;
	s8 =	rddreg [dreg:$0x12];
	[sflag:s0] =	ssyncadd.s32 $0xFFFFFFD8  }
0xc6: {  	[tilespmem:s18], [sflag:$0xB] =	stream.indirect.gather [hbm4b:s4+s14], $0x80, s10, s14, $0xb8;
	[tilespmem:$0x19800] =	vst v63  }
0xc7: {  	s29 =	simm.s32 @!p0 $0x380;
	s8 =	sadd.s32 @!p0 s22, s8;
	s10 =	simm.s32 @!p0 $0x0  }
0xc8: {  	[tilespmem:s29], [sflag:$0x8] =	stream.linear.gather @!p0 [hbm4b:s8+s10], $0x28, $0x38;
	[tilespmem:$0x19800] =	vst v63  }
0xc9: {  	s8 =	rddreg [dreg:$0x11]  }
0xca: {  	s29 =	simm.s32 @!p0 $0x780;
	s8 =	sadd.s32 @!p0 s22, s8  }
0xcb: {  	[tilespmem:s29], [sflag:$0x8] =	stream.linear.gather @!p0 [hbm4b:s8+s10], $0x28, $0x38;
	[tilespmem:$0x19800] =	vst v63  }
0xcc: {  	_ =	swait.ge [sflag:s7], $0x1400  }
0xcd: {  	[sflag:s7] =	ssyncset.done $0x0  }
0xce: {  	s29 =	simm.s32 $0x10;
	[sflag:s7] =	ssyncadd.s32 $0xFFFFEC00  }
0xcf: {  	[spmem:s1] =	stream.indirect.scatter.add.f32 [tilespmem:s28], [sflag:$0xE], $0x80, s30, s14, $0xb8;
	[tilespmem:$0x19800] =	vst v63  }
0xd0: {  	_ =	swait.ge [sflag:s29], $0x1400  }
0xd1: {  	[sflag:s29] =	ssyncset.done $0x0  }
0xd2: {  	[sflag:s29] =	ssyncadd.s32 $0xFFFFEC00  }
0xd3: {  	_ =	swait.ge [sflag:s5], $0x28  }
0xd4: {  	[sflag:s5] =	ssyncset.done $0x0  }
0xd5: {  	[sflag:s5] =	ssyncadd.s32 $0xFFFFFFD8  }
0xd6: {  	_ =	swait.ge [sflag:s5], $0x28  }
0xd7: {  	s10 =	simm.s32 $0x380;
	[sflag:s5] =	ssyncset.done $0x0  }
0xd8: {  	s8 =	sshrl.u32 s9, $0x3;
	s29 =	rddreg [dreg:$0x3];
	[sflag:s5] =	ssyncadd.s32 $0xFFFFFFD8  }
0xd9: {  	[tilespmem:s12], [sflag:$0xC] =	stream.indirect.gather [hbm4b:s4+s14], $0x80, s10, s14, $0xb8;
	[tilespmem:$0x19800] =	vst v63  }
0xda: {  	s10 =	sadd.s32 s29, s8;
	s29 =	rddreg [dreg:$0x4]  }
0xdb: {  	[tilespmem:s3], [sflag:$0x1] =	stream.linear.gather [hbm4b:s10+s3], $0x28, $0x38;
	[tilespmem:$0x19800] =	vst v63  }
0xdc: {  	s8 =	sadd.s32 s29, s8;
	s29 =	simm.s32 $0x400  }
0xdd: {  	[tilespmem:s29], [sflag:$0x1] =	stream.linear.gather [hbm4b:s8+s3], $0x28, $0x38;
	[tilespmem:$0x19800] =	vst v63  }
0xde: {  	_ =	swait.ge [sflag:s17], $0x1400  }
0xdf: {  	[sflag:s17] =	ssyncset.done $0x0  }
0xe0: {  	[sflag:s17] =	ssyncadd.s32 $0xFFFFEC00  }
0xe1: {  	[spmem:s1] =	stream.indirect.scatter.add.f32 [tilespmem:s18], [sflag:$0xF], $0x80, s2, s14, $0xb8;
	[tilespmem:$0x19800] =	vst v63  }
0xe2: {  	_ =	swait.ge [sflag:s19], $0x1400  }
0xe3: {  	[sflag:s19] =	ssyncset.done $0x0  }
0xe4: {  	[sflag:s19] =	ssyncadd.s32 $0xFFFFEC00  }
0xe5: {  	_ =	swait.ge [sflag:s13], $0x28  }
0xe6: {  	[sflag:s13] =	ssyncset.done $0x0  }
0xe7: {  	[sflag:s13] =	ssyncadd.s32 $0xFFFFFFD8  }
0xe8: {  	_ =	swait.ge [sflag:s13], $0x28  }
0xe9: {  	[sflag:s13] =	ssyncset.done $0x0  }
0xea: {  	s10 =	rddreg [dreg:$0x14];
	[sflag:s13] =	ssyncadd.s32 $0xFFFFFFD8  }
0xeb: {  	[tilespmem:s15], [sflag:$0x9] =	stream.indirect.gather [hbm4b:s4+s14], $0x80, s3, s14, $0xb8;
	[tilespmem:$0x19800] =	vst v63  }
0xec: {  	s29 =	rddreg [dreg:$0x13];
	s8 =	sadd.s32 s22, s10;
	s10 =	simm.s32 $0x80  }
0xed: {  	[tilespmem:s10], [sflag:$0x2] =	stream.linear.gather [hbm4b:s8+s3], $0x28, $0x38;
	[tilespmem:$0x19800] =	vst v63  }
0xee: {  	s2 =	simm.s32 $0x480;
	s8 =	sadd.s32 s22, s29  }
0xef: {  	[tilespmem:s2], [sflag:$0x2] =	stream.linear.gather [hbm4b:s8+s3], $0x28, $0x38;
	[tilespmem:$0x19800] =	vst v63  }
0xf0: {  	_ =	swait.ge [sflag:s23], $0x1400  }
0xf1: {  	[sflag:s23] =	ssyncset.done $0x0  }
0xf2: {  	s29 =	simm.s32 $0x780;
	[sflag:s23] =	ssyncadd.s32 $0xFFFFEC00  }
0xf3: {  	[spmem:s1] =	stream.indirect.scatter.add.f32 [tilespmem:s12], [sflag:$0x10], $0x80, s29, s14, $0xb8;
	[tilespmem:$0x19800] =	vst v63  }
0xf4: {  	_ =	swait.ge [sflag:s24], $0x1400  }
0xf5: {  	[sflag:s24] =	ssyncset.done $0x0  }
0xf6: {  	[sflag:s24] =	ssyncadd.s32 $0xFFFFEC00  }
0xf7: {  	_ =	swait.ge [sflag:s16], $0x28  }
0xf8: {  	[sflag:s16] =	ssyncset.done $0x0  }
0xf9: {  	[sflag:s16] =	ssyncadd.s32 $0xFFFFFFD8  }
0xfa: {  	_ =	swait.ge [sflag:s16], $0x28  }
0xfb: {  	p0 =	seq.s32 s22, $0x4B0;
	[sflag:s16] =	ssyncset.done $0x0  }
0xfc: {  	s29 =	simm.s32 @!p0 $0x100;
	s8 =	rddreg [dreg:$0x16];
	[sflag:s16] =	ssyncadd.s32 $0xFFFFFFD8  }
0xfd: {  	[tilespmem:s28], [sflag:$0xA] =	stream.indirect.gather [hbm4b:s4+s14], $0x80, s10, s14, $0xb8;
	[tilespmem:$0x19800] =	vst v63  }
.Ltmp6:
0xfe: {  	s8 =	sadd.s32 @!p0 s22, s8;
	s10 =	simm.s32 @!p0 $0x0;
	(pc) =	sbr.rel .LBB2_6-.Ltmp6, $4  }
0xff: {  	[tilespmem:s29], [sflag:$0x3] =	stream.linear.gather @!p0 [hbm4b:s8+s10], $0x28, $0x38;
	[tilespmem:$0x19800] =	vst v63  }
0x100: {  	s8 =	rddreg [dreg:$0x15]  }
0x101: {  	s29 =	simm.s32 @!p0 $0x500;
	s8 =	sadd.s32 @!p0 s22, s8  }
0x102: {  	[tilespmem:s29], [sflag:$0x3] =	stream.linear.gather @!p0 [hbm4b:s8+s10], $0x28, $0x38;
	[tilespmem:$0x19800] =	vst v63  }
.LBB2_8:
0x103: {  	_ =	sfence.sel $0x180000  }
0x104: {  	[bflag:$0x0] =	sbarrier.arrive $0xFFFF  }
0x105: {  	_ =	strace $0x90000050  }
0x106: {  	s0 =	stileid.u32;
	[bflag:$0x2] =	sbarrier.arrive $0xFFFF  }
0x107: {  	p0 =	sne.s32 s0, $0x0;
	s0 =	rddreg [dreg:$0x2]  }
0x108: {  	s0 =	sadd.s32 @!p0 $0x100000, s0  }
0x109: {  	[sflag:s0] =	ssyncadd.tile.s32 @!p0 $0x1;
	_ =	shalt  }
.Lfunc_end2:
_tile_overlayer_lowered:
.L_overlay_start_2:
0x10a: {  	(tag) =	ssettag $0x2  }
0x10b: {  	s0 =	rddreg [dreg:$0x0];
	s2 =	stileid.u32  }
0x10c: {  	s1 =	rddreg [dreg:$0x1];
	p0 =	sne.s32 s2, $0x0  }
0x10d: {  	s3 =	rddreg [dreg:$0x2];
	[bflag:$0x3] =	sbarrier.arrive $0xFFFF;
	s2 =	simm.s32 @!p0 $0x1C12  }
0x10e: {  	[timem:s3], [sflag:s2] =	dma.local @!p0 [hbm:s0], s1  }
0x10f: {  	s0 =	simm.s32 @!p0 $0x12  }
0x110: {  	_ =	swait.ge @!p0 [sflag:s0], s1  }
0x111: {  	s1 =	ssub.s32 @!p0 $0x0, s1;
	[sflag:s0] =	ssyncset.done @!p0 $0x0  }
0x112: {  	[sflag:s0] =	ssyncadd.s32 @!p0 s1  }
0x113: {  	[bflag:$0x3] =	sbarrier.arrive $0xFFFF  }
0x114: {  	_ =	shalt  }

</sc_bundles>
